<compile_context>
chip_gen: v7x
topology: tpu7x:2x2x1
jax: 0.10.2.dev20260603
libtpu: 0.0.44.dev20260713+nightly
codegen_flags: <defaults>
</compile_context>

<pallas_src>
import functools
import jax
import jax.numpy as jnp
from jax import lax
from jax.experimental import pallas as pl
from jax.experimental.pallas import tpu as pltpu
from jax.experimental.pallas import tpu_sc as plsc

B, NU, NE, D = 64, 2048, 16, 256
G = 4
NC, NS = 2, 16
BPW = B // (NC * NS)
CHUNKS = NU // 16


def _tc_kernel(user_h_ref, ego_h_ref, user_mask_ref, ego_mask_ref,
               hgs_ref):
    for g in range(G):
        mu = (user_mask_ref[g] > 0).astype(jnp.bfloat16)
        uh = user_h_ref[g].astype(jnp.bfloat16)
        num_u = jnp.dot(mu, uh, preferred_element_type=jnp.float32)
        cnt_u = jnp.maximum(
            jnp.sum(mu.astype(jnp.float32), axis=1, keepdims=True), 1.0)

        me = (ego_mask_ref[g] > 0).astype(jnp.float32)
        eh = ego_h_ref[g]
        num_e = jnp.dot(me, eh, preferred_element_type=jnp.float32)
        cnt_e = jnp.maximum(jnp.sum(me, axis=1, keepdims=True), 1.0)

        hgs_ref[g * NE:(g + 1) * NE, :] = num_u / cnt_u + num_e / cnt_e


def _sc_adj_kernel(neigh_hbm, adj_hbm, nv, adjv):
    wid = lax.axis_index("s") * NC + lax.axis_index("c")
    lane = lax.iota(jnp.int32, 16)
    for i in range(BPW):
        b = wid * BPW + i
        pltpu.sync_copy(neigh_hbm.at[b], nv)

        def chunk_body(c, rows):
            bm = jnp.zeros((16,), jnp.int32)
            for j in range(NE):
                a = nv[j, pl.ds(c * 16, 16)]
                bm = bm | jnp.where(a > 0, jnp.int32(1 << j), jnp.int32(0))
            new_rows = []
            for j in range(NE):
                hit = ((bm >> j) & 1) != 0
                new_rows.append(rows[j] | jnp.where(hit, bm, jnp.int32(0)))
            return tuple(new_rows)

        rows = lax.fori_loop(
            0, CHUNKS, chunk_body,
            tuple(jnp.zeros((16,), jnp.int32) for _ in range(NE)))

        for j in range(NE):
            r = rows[j]
            for s in (8, 4, 2, 1):
                r = r | r.at[lane ^ s].get(mode="promise_in_bounds")
            adj_row = (r >> lane) & 1
            adjv[j, :] = jnp.where(lane == j, jnp.int32(0), adj_row)
        pltpu.sync_copy(adjv, adj_hbm.at[b])


@functools.partial(
    pl.kernel,
    out_type=jax.ShapeDtypeStruct((B, NE, NE), jnp.int32),
    mesh=plsc.VectorSubcoreMesh(core_axis_name="c", subcore_axis_name="s"),
    scratch_types=[
        pltpu.VMEM((NE, NU), jnp.int32),
        pltpu.VMEM((NE, NE), jnp.int32),
    ],
)
def _sc_adj(neigh_hbm, adj_hbm, nv, adjv):
    _sc_adj_kernel(neigh_hbm, adj_hbm, nv, adjv)


def kernel(user_h, ego_h, user_mask, ego_mask, neigh):
    adj_i = _sc_adj(neigh)
    hgs = pl.pallas_call(
        _tc_kernel,
        grid=(B // G,),
        in_specs=[
            pl.BlockSpec((G, NU, D), lambda b: (b, 0, 0)),
            pl.BlockSpec((G, NE, D), lambda b: (b, 0, 0)),
            pl.BlockSpec((G, NE, NU), lambda b: (b, 0, 0)),
            pl.BlockSpec((G, NE, NE), lambda b: (b, 0, 0)),
        ],
        out_specs=pl.BlockSpec((G * NE, D), lambda b: (b, 0)),
        out_shape=jax.ShapeDtypeStruct((B * NE, D), jnp.float32),
    )(user_h, ego_h, user_mask, ego_mask)
    return hgs, adj_i.astype(bool)

# --- scband reference (transcript-rebuilt; emitter-appended) ---
"""Pipeline reference for scband-inter-gat-54417235640953 (READ-ONLY COPY).

The authoritative reference and input builder live on the scoring server;
editing this copy changes nothing except your own understanding.
"""

import jax, jax.numpy as jnp
import numpy as np

B, NU, NE, D = 64, 2048, 16, 256

def setup_inputs(seed: int = 0):
    key = jax.random.key(seed)
    k1, k2, k3, k4, k5 = jax.random.split(key, 5)
    return {
        "user_h": jax.random.normal(k1, (B, NU, D), dtype=jnp.float32),
        "ego_h": jax.random.normal(k2, (B, NE, D), dtype=jnp.float32),
        "user_mask": jax.random.randint(k3, (B, NE, NU), 0, 2, dtype=jnp.int32),
        "ego_mask": jax.random.randint(k4, (B, NE, NE), 0, 2, dtype=jnp.int32),
        "neigh": jax.random.randint(k5, (B, NE, NU), 0, 2, dtype=jnp.int32),
    }

def reference(user_h, ego_h, user_mask, ego_mask, neigh):
    # build_subgraph: per-ego membership masks select user/ego nodes of each subgraph
    mu = (user_mask > 0).astype(jnp.float32)  # [B, NE, NU]
    me = (ego_mask > 0).astype(jnp.float32)   # [B, NE, NE]
    # dgl.readout_nodes(op='mean') per subgraph = masked mean over member nodes
    num_u = jnp.einsum('beu,bud->bed', mu, user_h)
    cnt_u = jnp.maximum(jnp.sum(mu, axis=-1, keepdims=True), 1.0)
    hg_user = num_u / cnt_u
    num_e = jnp.einsum('bek,bkd->bed', me, ego_h)
    cnt_e = jnp.maximum(jnp.sum(me, axis=-1, keepdims=True), 1.0)
    hg_ego = num_e / cnt_e
    hg = hg_user + hg_ego                      # [B, NE, D]
    # torch.stack over egos -> [NE,B,D]; transpose(0,1) -> [B,NE,D]; reshape(-1, hidden)
    hgs = hg.reshape(-1, D)                    # [B*NE, D]
    # connect_supernode: edge j<->k iff neighbor sets of ego j and ego k overlap
    nf = (neigh > 0).astype(jnp.float32)       # [B, NE, NU]
    overlap = jnp.einsum('bjn,bkn->bjk', nf, nf)
    adj = (overlap > 0) & (~jnp.eye(NE, dtype=bool)[None, :, :])
    return hgs, adj

if __name__ == "__main__":
    import jax
    _d = setup_inputs()
    print(jax.jit(kernel)(*tuple(_d.values())))

</pallas_src>

<mosaic_0001>
#map = affine_map<(d0, d1) -> (0, 0, 0)>
module attributes {stable_mosaic.version = 14 : i64} {
  func.func @_sc_adj(%arg0: i32, %arg1: i32, %arg2: memref<64x16x2048xi32, #tpu.memory_space<hbm>>, %arg3: memref<64x16x16xi32, #tpu.memory_space<hbm>>, %arg4: memref<16x2048xi32, #tpu.memory_space<vmem>>, %arg5: memref<16x16xi32, #tpu.memory_space<vmem>>) attributes {dimension_semantics = [#tpu.dimension_semantics<core_parallel>, #tpu.dimension_semantics<subcore_parallel>], iteration_bounds = array<i64: 2, 16>, scalar_prefetch = 0 : i64, scratch_operands = 2 : i64, tpu.core_type = #tpu.core_type<sc_vector_subcore>, window_params = [{transform_indices = #map}, {transform_indices = #map}]} {
    %mul3A = arith.constant 2 : i32
    %mul3A_0 = arith.muli %arg1, %mul3A : i32
    %add3A = arith.addi %mul3A_0, %arg0 : i32
    %iota3A = tpu.iota {dimensions = array<i32: 0>} : vector<16xi32>
    %mul3A_1 = arith.constant 2 : i32
    %mul3A_2 = arith.muli %add3A, %mul3A_1 : i32
    %add3A_3 = arith.constant 0 : i32
    %add3A_4 = arith.addi %mul3A_2, %add3A_3 : i32
    "tpu.region"() ({
      %run_scoped3A = tpu.sem_alloc : memref<!tpu.dma_semaphore, #tpu.memory_space<semaphore_mem>>
      %dma_start3A = arith.constant 0 : i32
      %dma_start3A_2377 = arith.constant 0 : i32
      %dma_start3A_2378 = tpu.memref_slice %arg2[%add3A_4, %dma_start3A, %dma_start3A_2377] : memref<64x16x2048xi32, #tpu.memory_space<hbm>> -> memref<1x16x2048xi32, #tpu.memory_space<hbm>>
      %dma_start3A_2379 = tpu.memref_squeeze %dma_start3A_2378 : memref<1x16x2048xi32, #tpu.memory_space<hbm>> -> memref<16x2048xi32, #tpu.memory_space<hbm>>
      %dma_start3A_2380 = arith.constant 0 : i32
      %dma_start3A_2381 = arith.constant 0 : i32
      %dma_start3A_2382 = tpu.memref_slice %arg2[%add3A_4, %dma_start3A_2380, %dma_start3A_2381] : memref<64x16x2048xi32, #tpu.memory_space<hbm>> -> memref<1x16x2048xi32, #tpu.memory_space<hbm>>
      %dma_start3A_2383 = tpu.memref_squeeze %dma_start3A_2382 : memref<1x16x2048xi32, #tpu.memory_space<hbm>> -> memref<16x2048xi32, #tpu.memory_space<hbm>>
      tpu.enqueue_dma source(%dma_start3A_2383 : memref<16x2048xi32, #tpu.memory_space<hbm>>) target(%arg4 : memref<16x2048xi32, #tpu.memory_space<vmem>>) target_semaphore(%run_scoped3A : memref<!tpu.dma_semaphore, #tpu.memory_space<semaphore_mem>>)
      %dma_wait3A = arith.constant 0 : i32
      %dma_wait3A_2384 = arith.constant 0 : i32
      %dma_wait3A_2385 = tpu.memref_slice %arg2[%add3A_4, %dma_wait3A, %dma_wait3A_2384] : memref<64x16x2048xi32, #tpu.memory_space<hbm>> -> memref<1x16x2048xi32, #tpu.memory_space<hbm>>
      %dma_wait3A_2386 = tpu.memref_squeeze %dma_wait3A_2385 : memref<1x16x2048xi32, #tpu.memory_space<hbm>> -> memref<16x2048xi32, #tpu.memory_space<hbm>>
      %dma_wait3A_2387 = arith.constant 0 : i32
      %dma_wait3A_2388 = arith.constant 0 : i32
      %dma_wait3A_2389 = tpu.memref_slice %arg2[%add3A_4, %dma_wait3A_2387, %dma_wait3A_2388] : memref<64x16x2048xi32, #tpu.memory_space<hbm>> -> memref<1x16x2048xi32, #tpu.memory_space<hbm>>
      %dma_wait3A_2390 = tpu.memref_squeeze %dma_wait3A_2389 : memref<1x16x2048xi32, #tpu.memory_space<hbm>> -> memref<16x2048xi32, #tpu.memory_space<hbm>>
      tpu.wait_dma2 semaphore(%run_scoped3A : memref<!tpu.dma_semaphore, #tpu.memory_space<semaphore_mem>>) src(%dma_wait3A_2390 : memref<16x2048xi32, #tpu.memory_space<hbm>>) dst(%arg4 : memref<16x2048xi32, #tpu.memory_space<vmem>>)
      tpu.yield
    }) : () -> ()
    %broadcast_in_dim3A = arith.constant 0 : i32
    %broadcast_in_dim3A_5 = vector.broadcast %broadcast_in_dim3A : i32 to vector<16xi32>
    %broadcast_in_dim3A_6 = arith.constant 0 : i32
    %broadcast_in_dim3A_7 = vector.broadcast %broadcast_in_dim3A_6 : i32 to vector<16xi32>
    %broadcast_in_dim3A_8 = arith.constant 0 : i32
    %broadcast_in_dim3A_9 = vector.broadcast %broadcast_in_dim3A_8 : i32 to vector<16xi32>
    %broadcast_in_dim3A_10 = arith.constant 0 : i32
    %broadcast_in_dim3A_11 = vector.broadcast %broadcast_in_dim3A_10 : i32 to vector<16xi32>
    %broadcast_in_dim3A_12 = arith.constant 0 : i32
    %broadcast_in_dim3A_13 = vector.broadcast %broadcast_in_dim3A_12 : i32 to vector<16xi32>
    %broadcast_in_dim3A_14 = arith.constant 0 : i32
    %broadcast_in_dim3A_15 = vector.broadcast %broadcast_in_dim3A_14 : i32 to vector<16xi32>
    %broadcast_in_dim3A_16 = arith.constant 0 : i32
    %broadcast_in_dim3A_17 = vector.broadcast %broadcast_in_dim3A_16 : i32 to vector<16xi32>
    %broadcast_in_dim3A_18 = arith.constant 0 : i32
    %broadcast_in_dim3A_19 = vector.broadcast %broadcast_in_dim3A_18 : i32 to vector<16xi32>
    %broadcast_in_dim3A_20 = arith.constant 0 : i32
    %broadcast_in_dim3A_21 = vector.broadcast %broadcast_in_dim3A_20 : i32 to vector<16xi32>
    %broadcast_in_dim3A_22 = arith.constant 0 : i32
    %broadcast_in_dim3A_23 = vector.broadcast %broadcast_in_dim3A_22 : i32 to vector<16xi32>
    %broadcast_in_dim3A_24 = arith.constant 0 : i32
    %broadcast_in_dim3A_25 = vector.broadcast %broadcast_in_dim3A_24 : i32 to vector<16xi32>
    %broadcast_in_dim3A_26 = arith.constant 0 : i32
    %broadcast_in_dim3A_27 = vector.broadcast %broadcast_in_dim3A_26 : i32 to vector<16xi32>
    %broadcast_in_dim3A_28 = arith.constant 0 : i32
    %broadcast_in_dim3A_29 = vector.broadcast %broadcast_in_dim3A_28 : i32 to vector<16xi32>
    %broadcast_in_dim3A_30 = arith.constant 0 : i32
    %broadcast_in_dim3A_31 = vector.broadcast %broadcast_in_dim3A_30 : i32 to vector<16xi32>
    %broadcast_in_dim3A_32 = arith.constant 0 : i32
    %broadcast_in_dim3A_33 = vector.broadcast %broadcast_in_dim3A_32 : i32 to vector<16xi32>
    %broadcast_in_dim3A_34 = arith.constant 0 : i32
    %broadcast_in_dim3A_35 = vector.broadcast %broadcast_in_dim3A_34 : i32 to vector<16xi32>
    %scan3A = arith.constant 0 : i32
    %scan3A_36 = arith.constant 128 : i32
    %scan3A_37 = arith.addi %scan3A, %scan3A_36 : i32
    %scan3A_38 = arith.constant 1 : i32
    %scan3A_39:16 = scf.for %scan3A_2377 = %scan3A to %scan3A_37 step %scan3A_38 iter_args(%scan3A_2378 = %broadcast_in_dim3A_5, %scan3A_2379 = %broadcast_in_dim3A_7, %scan3A_2380 = %broadcast_in_dim3A_9, %scan3A_2381 = %broadcast_in_dim3A_11, %scan3A_2382 = %broadcast_in_dim3A_13, %scan3A_2383 = %broadcast_in_dim3A_15, %scan3A_2384 = %broadcast_in_dim3A_17, %scan3A_2385 = %broadcast_in_dim3A_19, %scan3A_2386 = %broadcast_in_dim3A_21, %scan3A_2387 = %broadcast_in_dim3A_23, %scan3A_2388 = %broadcast_in_dim3A_25, %scan3A_2389 = %broadcast_in_dim3A_27, %scan3A_2390 = %broadcast_in_dim3A_29, %scan3A_2391 = %broadcast_in_dim3A_31, %scan3A_2392 = %broadcast_in_dim3A_33, %scan3A_2393 = %broadcast_in_dim3A_35) -> (vector<16xi32>, vector<16xi32>, vector<16xi32>, vector<16xi32>, vector<16xi32>, vector<16xi32>, vector<16xi32>, vector<16xi32>, vector<16xi32>, vector<16xi32>, vector<16xi32>, vector<16xi32>, vector<16xi32>, vector<16xi32>, vector<16xi32>, vector<16xi32>)  : i32 {
      %broadcast_in_dim3A_2394 = arith.constant 0 : i32
      %broadcast_in_dim3A_2395 = vector.broadcast %broadcast_in_dim3A_2394 : i32 to vector<16xi32>
      %mul3A_2396 = arith.constant 16 : i32
      %mul3A_2397 = arith.muli %scan3A_2377, %mul3A_2396 : i32
      %get3A = arith.constant 0 : i32
      %get3A_2398 = arith.index_cast %get3A : i32 to index
      %get3A_2399 = arith.index_cast %mul3A_2397 : i32 to index
      %get3A_2400 = tpu.vector_load %arg4[%get3A_2398, %get3A_2399] {strides = array<i32>} : memref<16x2048xi32, #tpu.memory_space<vmem>>, vector<1x16xi32>,
      %get3A_2401 = vector.shape_cast %get3A_2400 : vector<1x16xi32> to vector<16xi32>
      %gt3A = arith.constant 0 : i32
      %gt3A_2402 = vector.broadcast %gt3A : i32 to vector<16xi32>
      %gt3A_2403 = arith.cmpi sgt, %get3A_2401, %gt3A_2402 : vector<16xi32>
      %jit3A_2404 = arith.constant 1 : i32
      %jit3A_2405 = arith.constant 0 : i32
      %broadcast_in_dim3A_2406 = vector.broadcast %jit3A_2404 : i32 to vector<16xi32>
      %broadcast_in_dim3A_2407 = vector.broadcast %jit3A_2405 : i32 to vector<16xi32>
      %select_n3A_2408 = arith.select %gt3A_2403, %broadcast_in_dim3A_2406, %broadcast_in_dim3A_2407 : vector<16xi1>, vector<16xi32>
      %or3A_2409 = arith.ori %broadcast_in_dim3A_2395, %select_n3A_2408 : vector<16xi32>
      %mul3A_2410 = arith.constant 16 : i32
      %mul3A_2411 = arith.muli %scan3A_2377, %mul3A_2410 : i32
      %get3A_2412 = arith.constant 1 : i32
      %get3A_2413 = arith.index_cast %get3A_2412 : i32 to index
      %get3A_2414 = arith.index_cast %mul3A_2411 : i32 to index
      %get3A_2415 = tpu.vector_load %arg4[%get3A_2413, %get3A_2414] {strides = array<i32>} : memref<16x2048xi32, #tpu.memory_space<vmem>>, vector<1x16xi32>,
      %get3A_2416 = vector.shape_cast %get3A_2415 : vector<1x16xi32> to vector<16xi32>
      %gt3A_2417 = arith.constant 0 : i32
      %gt3A_2418 = vector.broadcast %gt3A_2417 : i32 to vector<16xi32>
      %gt3A_2419 = arith.cmpi sgt, %get3A_2416, %gt3A_2418 : vector<16xi32>
      %jit3A_2420 = arith.constant 2 : i32
      %jit3A_2421 = arith.constant 0 : i32
      %broadcast_in_dim3A_2422 = vector.broadcast %jit3A_2420 : i32 to vector<16xi32>
      %broadcast_in_dim3A_2423 = vector.broadcast %jit3A_2421 : i32 to vector<16xi32>
      %select_n3A_2424 = arith.select %gt3A_2419, %broadcast_in_dim3A_2422, %broadcast_in_dim3A_2423 : vector<16xi1>, vector<16xi32>
      %or3A_2425 = arith.ori %or3A_2409, %select_n3A_2424 : vector<16xi32>
      %mul3A_2426 = arith.constant 16 : i32
      %mul3A_2427 = arith.muli %scan3A_2377, %mul3A_2426 : i32
      %get3A_2428 = arith.constant 2 : i32
      %get3A_2429 = arith.index_cast %get3A_2428 : i32 to index
      %get3A_2430 = arith.index_cast %mul3A_2427 : i32 to index
      %get3A_2431 = tpu.vector_load %arg4[%get3A_2429, %get3A_2430] {strides = array<i32>} : memref<16x2048xi32, #tpu.memory_space<vmem>>, vector<1x16xi32>,
      %get3A_2432 = vector.shape_cast %get3A_2431 : vector<1x16xi32> to vector<16xi32>
      %gt3A_2433 = arith.constant 0 : i32
      %gt3A_2434 = vector.broadcast %gt3A_2433 : i32 to vector<16xi32>
      %gt3A_2435 = arith.cmpi sgt, %get3A_2432, %gt3A_2434 : vector<16xi32>
      %jit3A_2436 = arith.constant 4 : i32
      %jit3A_2437 = arith.constant 0 : i32
      %broadcast_in_dim3A_2438 = vector.broadcast %jit3A_2436 : i32 to vector<16xi32>
      %broadcast_in_dim3A_2439 = vector.broadcast %jit3A_2437 : i32 to vector<16xi32>
      %select_n3A_2440 = arith.select %gt3A_2435, %broadcast_in_dim3A_2438, %broadcast_in_dim3A_2439 : vector<16xi1>, vector<16xi32>
      %or3A_2441 = arith.ori %or3A_2425, %select_n3A_2440 : vector<16xi32>
      %mul3A_2442 = arith.constant 16 : i32
      %mul3A_2443 = arith.muli %scan3A_2377, %mul3A_2442 : i32
      %get3A_2444 = arith.constant 3 : i32
      %get3A_2445 = arith.index_cast %get3A_2444 : i32 to index
      %get3A_2446 = arith.index_cast %mul3A_2443 : i32 to index
      %get3A_2447 = tpu.vector_load %arg4[%get3A_2445, %get3A_2446] {strides = array<i32>} : memref<16x2048xi32, #tpu.memory_space<vmem>>, vector<1x16xi32>,
      %get3A_2448 = vector.shape_cast %get3A_2447 : vector<1x16xi32> to vector<16xi32>
      %gt3A_2449 = arith.constant 0 : i32
      %gt3A_2450 = vector.broadcast %gt3A_2449 : i32 to vector<16xi32>
      %gt3A_2451 = arith.cmpi sgt, %get3A_2448, %gt3A_2450 : vector<16xi32>
      %jit3A_2452 = arith.constant 8 : i32
      %jit3A_2453 = arith.constant 0 : i32
      %broadcast_in_dim3A_2454 = vector.broadcast %jit3A_2452 : i32 to vector<16xi32>
      %broadcast_in_dim3A_2455 = vector.broadcast %jit3A_2453 : i32 to vector<16xi32>
      %select_n3A_2456 = arith.select %gt3A_2451, %broadcast_in_dim3A_2454, %broadcast_in_dim3A_2455 : vector<16xi1>, vector<16xi32>
      %or3A_2457 = arith.ori %or3A_2441, %select_n3A_2456 : vector<16xi32>
      %mul3A_2458 = arith.constant 16 : i32
      %mul3A_2459 = arith.muli %scan3A_2377, %mul3A_2458 : i32
      %get3A_2460 = arith.constant 4 : i32
      %get3A_2461 = arith.index_cast %get3A_2460 : i32 to index
      %get3A_2462 = arith.index_cast %mul3A_2459 : i32 to index
      %get3A_2463 = tpu.vector_load %arg4[%get3A_2461, %get3A_2462] {strides = array<i32>} : memref<16x2048xi32, #tpu.memory_space<vmem>>, vector<1x16xi32>,
      %get3A_2464 = vector.shape_cast %get3A_2463 : vector<1x16xi32> to vector<16xi32>
      %gt3A_2465 = arith.constant 0 : i32
      %gt3A_2466 = vector.broadcast %gt3A_2465 : i32 to vector<16xi32>
      %gt3A_2467 = arith.cmpi sgt, %get3A_2464, %gt3A_2466 : vector<16xi32>
      %jit3A_2468 = arith.constant 16 : i32
      %jit3A_2469 = arith.constant 0 : i32
      %broadcast_in_dim3A_2470 = vector.broadcast %jit3A_2468 : i32 to vector<16xi32>
      %broadcast_in_dim3A_2471 = vector.broadcast %jit3A_2469 : i32 to vector<16xi32>
      %select_n3A_2472 = arith.select %gt3A_2467, %broadcast_in_dim3A_2470, %broadcast_in_dim3A_2471 : vector<16xi1>, vector<16xi32>
      %or3A_2473 = arith.ori %or3A_2457, %select_n3A_2472 : vector<16xi32>
      %mul3A_2474 = arith.constant 16 : i32
      %mul3A_2475 = arith.muli %scan3A_2377, %mul3A_2474 : i32
      %get3A_2476 = arith.constant 5 : i32
      %get3A_2477 = arith.index_cast %get3A_2476 : i32 to index
      %get3A_2478 = arith.index_cast %mul3A_2475 : i32 to index
      %get3A_2479 = tpu.vector_load %arg4[%get3A_2477, %get3A_2478] {strides = array<i32>} : memref<16x2048xi32, #tpu.memory_space<vmem>>, vector<1x16xi32>,
      %get3A_2480 = vector.shape_cast %get3A_2479 : vector<1x16xi32> to vector<16xi32>
      %gt3A_2481 = arith.constant 0 : i32
      %gt3A_2482 = vector.broadcast %gt3A_2481 : i32 to vector<16xi32>
      %gt3A_2483 = arith.cmpi sgt, %get3A_2480, %gt3A_2482 : vector<16xi32>
      %jit3A_2484 = arith.constant 32 : i32
      %jit3A_2485 = arith.constant 0 : i32
      %broadcast_in_dim3A_2486 = vector.broadcast %jit3A_2484 : i32 to vector<16xi32>
      %broadcast_in_dim3A_2487 = vector.broadcast %jit3A_2485 : i32 to vector<16xi32>
      %select_n3A_2488 = arith.select %gt3A_2483, %broadcast_in_dim3A_2486, %broadcast_in_dim3A_2487 : vector<16xi1>, vector<16xi32>
      %or3A_2489 = arith.ori %or3A_2473, %select_n3A_2488 : vector<16xi32>
      %mul3A_2490 = arith.constant 16 : i32
      %mul3A_2491 = arith.muli %scan3A_2377, %mul3A_2490 : i32
      %get3A_2492 = arith.constant 6 : i32
      %get3A_2493 = arith.index_cast %get3A_2492 : i32 to index
      %get3A_2494 = arith.index_cast %mul3A_2491 : i32 to index
      %get3A_2495 = tpu.vector_load %arg4[%get3A_2493, %get3A_2494] {strides = array<i32>} : memref<16x2048xi32, #tpu.memory_space<vmem>>, vector<1x16xi32>,
      %get3A_2496 = vector.shape_cast %get3A_2495 : vector<1x16xi32> to vector<16xi32>
      %gt3A_2497 = arith.constant 0 : i32
      %gt3A_2498 = vector.broadcast %gt3A_2497 : i32 to vector<16xi32>
      %gt3A_2499 = arith.cmpi sgt, %get3A_2496, %gt3A_2498 : vector<16xi32>
      %jit3A_2500 = arith.constant 64 : i32
      %jit3A_2501 = arith.constant 0 : i32
      %broadcast_in_dim3A_2502 = vector.broadcast %jit3A_2500 : i32 to vector<16xi32>
      %broadcast_in_dim3A_2503 = vector.broadcast %jit3A_2501 : i32 to vector<16xi32>
      %select_n3A_2504 = arith.select %gt3A_2499, %broadcast_in_dim3A_2502, %broadcast_in_dim3A_2503 : vector<16xi1>, vector<16xi32>
      %or3A_2505 = arith.ori %or3A_2489, %select_n3A_2504 : vector<16xi32>
      %mul3A_2506 = arith.constant 16 : i32
      %mul3A_2507 = arith.muli %scan3A_2377, %mul3A_2506 : i32
      %get3A_2508 = arith.constant 7 : i32
      %get3A_2509 = arith.index_cast %get3A_2508 : i32 to index
      %get3A_2510 = arith.index_cast %mul3A_2507 : i32 to index
      %get3A_2511 = tpu.vector_load %arg4[%get3A_2509, %get3A_2510] {strides = array<i32>} : memref<16x2048xi32, #tpu.memory_space<vmem>>, vector<1x16xi32>,
      %get3A_2512 = vector.shape_cast %get3A_2511 : vector<1x16xi32> to vector<16xi32>
      %gt3A_2513 = arith.constant 0 : i32
      %gt3A_2514 = vector.broadcast %gt3A_2513 : i32 to vector<16xi32>
      %gt3A_2515 = arith.cmpi sgt, %get3A_2512, %gt3A_2514 : vector<16xi32>
      %jit3A_2516 = arith.constant 128 : i32
      %jit3A_2517 = arith.constant 0 : i32
      %broadcast_in_dim3A_2518 = vector.broadcast %jit3A_2516 : i32 to vector<16xi32>
      %broadcast_in_dim3A_2519 = vector.broadcast %jit3A_2517 : i32 to vector<16xi32>
      %select_n3A_2520 = arith.select %gt3A_2515, %broadcast_in_dim3A_2518, %broadcast_in_dim3A_2519 : vector<16xi1>, vector<16xi32>
      %or3A_2521 = arith.ori %or3A_2505, %select_n3A_2520 : vector<16xi32>
      %mul3A_2522 = arith.constant 16 : i32
      %mul3A_2523 = arith.muli %scan3A_2377, %mul3A_2522 : i32
      %get3A_2524 = arith.constant 8 : i32
      %get3A_2525 = arith.index_cast %get3A_2524 : i32 to index
      %get3A_2526 = arith.index_cast %mul3A_2523 : i32 to index
      %get3A_2527 = tpu.vector_load %arg4[%get3A_2525, %get3A_2526] {strides = array<i32>} : memref<16x2048xi32, #tpu.memory_space<vmem>>, vector<1x16xi32>,
      %get3A_2528 = vector.shape_cast %get3A_2527 : vector<1x16xi32> to vector<16xi32>
      %gt3A_2529 = arith.constant 0 : i32
      %gt3A_2530 = vector.broadcast %gt3A_2529 : i32 to vector<16xi32>
      %gt3A_2531 = arith.cmpi sgt, %get3A_2528, %gt3A_2530 : vector<16xi32>
      %jit3A_2532 = arith.constant 256 : i32
      %jit3A_2533 = arith.constant 0 : i32
      %broadcast_in_dim3A_2534 = vector.broadcast %jit3A_2532 : i32 to vector<16xi32>
      %broadcast_in_dim3A_2535 = vector.broadcast %jit3A_2533 : i32 to vector<16xi32>
      %select_n3A_2536 = arith.select %gt3A_2531, %broadcast_in_dim3A_2534, %broadcast_in_dim3A_2535 : vector<16xi1>, vector<16xi32>
      %or3A_2537 = arith.ori %or3A_2521, %select_n3A_2536 : vector<16xi32>
      %mul3A_2538 = arith.constant 16 : i32
      %mul3A_2539 = arith.muli %scan3A_2377, %mul3A_2538 : i32
      %get3A_2540 = arith.constant 9 : i32
      %get3A_2541 = arith.index_cast %get3A_2540 : i32 to index
      %get3A_2542 = arith.index_cast %mul3A_2539 : i32 to index
      %get3A_2543 = tpu.vector_load %arg4[%get3A_2541, %get3A_2542] {strides = array<i32>} : memref<16x2048xi32, #tpu.memory_space<vmem>>, vector<1x16xi32>,
      %get3A_2544 = vector.shape_cast %get3A_2543 : vector<1x16xi32> to vector<16xi32>
      %gt3A_2545 = arith.constant 0 : i32
      %gt3A_2546 = vector.broadcast %gt3A_2545 : i32 to vector<16xi32>
      %gt3A_2547 = arith.cmpi sgt, %get3A_2544, %gt3A_2546 : vector<16xi32>
      %jit3A_2548 = arith.constant 512 : i32
      %jit3A_2549 = arith.constant 0 : i32
      %broadcast_in_dim3A_2550 = vector.broadcast %jit3A_2548 : i32 to vector<16xi32>
      %broadcast_in_dim3A_2551 = vector.broadcast %jit3A_2549 : i32 to vector<16xi32>
      %select_n3A_2552 = arith.select %gt3A_2547, %broadcast_in_dim3A_2550, %broadcast_in_dim3A_2551 : vector<16xi1>, vector<16xi32>
      %or3A_2553 = arith.ori %or3A_2537, %select_n3A_2552 : vector<16xi32>
      %mul3A_2554 = arith.constant 16 : i32
      %mul3A_2555 = arith.muli %scan3A_2377, %mul3A_2554 : i32
      %get3A_2556 = arith.constant 10 : i32
      %get3A_2557 = arith.index_cast %get3A_2556 : i32 to index
      %get3A_2558 = arith.index_cast %mul3A_2555 : i32 to index
      %get3A_2559 = tpu.vector_load %arg4[%get3A_2557, %get3A_2558] {strides = array<i32>} : memref<16x2048xi32, #tpu.memory_space<vmem>>, vector<1x16xi32>,
      %get3A_2560 = vector.shape_cast %get3A_2559 : vector<1x16xi32> to vector<16xi32>
      %gt3A_2561 = arith.constant 0 : i32
      %gt3A_2562 = vector.broadcast %gt3A_2561 : i32 to vector<16xi32>
      %gt3A_2563 = arith.cmpi sgt, %get3A_2560, %gt3A_2562 : vector<16xi32>
      %jit3A_2564 = arith.constant 1024 : i32
      %jit3A_2565 = arith.constant 0 : i32
      %broadcast_in_dim3A_2566 = vector.broadcast %jit3A_2564 : i32 to vector<16xi32>
      %broadcast_in_dim3A_2567 = vector.broadcast %jit3A_2565 : i32 to vector<16xi32>
      %select_n3A_2568 = arith.select %gt3A_2563, %broadcast_in_dim3A_2566, %broadcast_in_dim3A_2567 : vector<16xi1>, vector<16xi32>
      %or3A_2569 = arith.ori %or3A_2553, %select_n3A_2568 : vector<16xi32>
      %mul3A_2570 = arith.constant 16 : i32
      %mul3A_2571 = arith.muli %scan3A_2377, %mul3A_2570 : i32
      %get3A_2572 = arith.constant 11 : i32
      %get3A_2573 = arith.index_cast %get3A_2572 : i32 to index
      %get3A_2574 = arith.index_cast %mul3A_2571 : i32 to index
      %get3A_2575 = tpu.vector_load %arg4[%get3A_2573, %get3A_2574] {strides = array<i32>} : memref<16x2048xi32, #tpu.memory_space<vmem>>, vector<1x16xi32>,
      %get3A_2576 = vector.shape_cast %get3A_2575 : vector<1x16xi32> to vector<16xi32>
      %gt3A_2577 = arith.constant 0 : i32
      %gt3A_2578 = vector.broadcast %gt3A_2577 : i32 to vector<16xi32>
      %gt3A_2579 = arith.cmpi sgt, %get3A_2576, %gt3A_2578 : vector<16xi32>
      %jit3A_2580 = arith.constant 2048 : i32
      %jit3A_2581 = arith.constant 0 : i32
      %broadcast_in_dim3A_2582 = vector.broadcast %jit3A_2580 : i32 to vector<16xi32>
      %broadcast_in_dim3A_2583 = vector.broadcast %jit3A_2581 : i32 to vector<16xi32>
      %select_n3A_2584 = arith.select %gt3A_2579, %broadcast_in_dim3A_2582, %broadcast_in_dim3A_2583 : vector<16xi1>, vector<16xi32>
      %or3A_2585 = arith.ori %or3A_2569, %select_n3A_2584 : vector<16xi32>
      %mul3A_2586 = arith.constant 16 : i32
      %mul3A_2587 = arith.muli %scan3A_2377, %mul3A_2586 : i32
      %get3A_2588 = arith.constant 12 : i32
      %get3A_2589 = arith.index_cast %get3A_2588 : i32 to index
      %get3A_2590 = arith.index_cast %mul3A_2587 : i32 to index
      %get3A_2591 = tpu.vector_load %arg4[%get3A_2589, %get3A_2590] {strides = array<i32>} : memref<16x2048xi32, #tpu.memory_space<vmem>>, vector<1x16xi32>,
      %get3A_2592 = vector.shape_cast %get3A_2591 : vector<1x16xi32> to vector<16xi32>
      %gt3A_2593 = arith.constant 0 : i32
      %gt3A_2594 = vector.broadcast %gt3A_2593 : i32 to vector<16xi32>
      %gt3A_2595 = arith.cmpi sgt, %get3A_2592, %gt3A_2594 : vector<16xi32>
      %jit3A_2596 = arith.constant 4096 : i32
      %jit3A_2597 = arith.constant 0 : i32
      %broadcast_in_dim3A_2598 = vector.broadcast %jit3A_2596 : i32 to vector<16xi32>
      %broadcast_in_dim3A_2599 = vector.broadcast %jit3A_2597 : i32 to vector<16xi32>
      %select_n3A_2600 = arith.select %gt3A_2595, %broadcast_in_dim3A_2598, %broadcast_in_dim3A_2599 : vector<16xi1>, vector<16xi32>
      %or3A_2601 = arith.ori %or3A_2585, %select_n3A_2600 : vector<16xi32>
      %mul3A_2602 = arith.constant 16 : i32
      %mul3A_2603 = arith.muli %scan3A_2377, %mul3A_2602 : i32
      %get3A_2604 = arith.constant 13 : i32
      %get3A_2605 = arith.index_cast %get3A_2604 : i32 to index
      %get3A_2606 = arith.index_cast %mul3A_2603 : i32 to index
      %get3A_2607 = tpu.vector_load %arg4[%get3A_2605, %get3A_2606] {strides = array<i32>} : memref<16x2048xi32, #tpu.memory_space<vmem>>, vector<1x16xi32>,
      %get3A_2608 = vector.shape_cast %get3A_2607 : vector<1x16xi32> to vector<16xi32>
      %gt3A_2609 = arith.constant 0 : i32
      %gt3A_2610 = vector.broadcast %gt3A_2609 : i32 to vector<16xi32>
      %gt3A_2611 = arith.cmpi sgt, %get3A_2608, %gt3A_2610 : vector<16xi32>
      %jit3A_2612 = arith.constant 8192 : i32
      %jit3A_2613 = arith.constant 0 : i32
      %broadcast_in_dim3A_2614 = vector.broadcast %jit3A_2612 : i32 to vector<16xi32>
      %broadcast_in_dim3A_2615 = vector.broadcast %jit3A_2613 : i32 to vector<16xi32>
      %select_n3A_2616 = arith.select %gt3A_2611, %broadcast_in_dim3A_2614, %broadcast_in_dim3A_2615 : vector<16xi1>, vector<16xi32>
      %or3A_2617 = arith.ori %or3A_2601, %select_n3A_2616 : vector<16xi32>
      %mul3A_2618 = arith.constant 16 : i32
      %mul3A_2619 = arith.muli %scan3A_2377, %mul3A_2618 : i32
      %get3A_2620 = arith.constant 14 : i32
      %get3A_2621 = arith.index_cast %get3A_2620 : i32 to index
      %get3A_2622 = arith.index_cast %mul3A_2619 : i32 to index
      %get3A_2623 = tpu.vector_load %arg4[%get3A_2621, %get3A_2622] {strides = array<i32>} : memref<16x2048xi32, #tpu.memory_space<vmem>>, vector<1x16xi32>,
      %get3A_2624 = vector.shape_cast %get3A_2623 : vector<1x16xi32> to vector<16xi32>
      %gt3A_2625 = arith.constant 0 : i32
      %gt3A_2626 = vector.broadcast %gt3A_2625 : i32 to vector<16xi32>
      %gt3A_2627 = arith.cmpi sgt, %get3A_2624, %gt3A_2626 : vector<16xi32>
      %jit3A_2628 = arith.constant 16384 : i32
      %jit3A_2629 = arith.constant 0 : i32
      %broadcast_in_dim3A_2630 = vector.broadcast %jit3A_2628 : i32 to vector<16xi32>
      %broadcast_in_dim3A_2631 = vector.broadcast %jit3A_2629 : i32 to vector<16xi32>
      %select_n3A_2632 = arith.select %gt3A_2627, %broadcast_in_dim3A_2630, %broadcast_in_dim3A_2631 : vector<16xi1>, vector<16xi32>
      %or3A_2633 = arith.ori %or3A_2617, %select_n3A_2632 : vector<16xi32>
      %mul3A_2634 = arith.constant 16 : i32
      %mul3A_2635 = arith.muli %scan3A_2377, %mul3A_2634 : i32
      %get3A_2636 = arith.constant 15 : i32
      %get3A_2637 = arith.index_cast %get3A_2636 : i32 to index
      %get3A_2638 = arith.index_cast %mul3A_2635 : i32 to index
      %get3A_2639 = tpu.vector_load %arg4[%get3A_2637, %get3A_2638] {strides = array<i32>} : memref<16x2048xi32, #tpu.memory_space<vmem>>, vector<1x16xi32>,
      %get3A_2640 = vector.shape_cast %get3A_2639 : vector<1x16xi32> to vector<16xi32>
      %gt3A_2641 = arith.constant 0 : i32
      %gt3A_2642 = vector.broadcast %gt3A_2641 : i32 to vector<16xi32>
      %gt3A_2643 = arith.cmpi sgt, %get3A_2640, %gt3A_2642 : vector<16xi32>
      %jit3A_2644 = arith.constant 32768 : i32
      %jit3A_2645 = arith.constant 0 : i32
      %broadcast_in_dim3A_2646 = vector.broadcast %jit3A_2644 : i32 to vector<16xi32>
      %broadcast_in_dim3A_2647 = vector.broadcast %jit3A_2645 : i32 to vector<16xi32>
      %select_n3A_2648 = arith.select %gt3A_2643, %broadcast_in_dim3A_2646, %broadcast_in_dim3A_2647 : vector<16xi1>, vector<16xi32>
      %or3A_2649 = arith.ori %or3A_2633, %select_n3A_2648 : vector<16xi32>
      %shift_right_arithmetic3A_2650 = arith.constant 0 : i32
      %shift_right_arithmetic3A_2651 = vector.broadcast %shift_right_arithmetic3A_2650 : i32 to vector<16xi32>
      %shift_right_arithmetic3A_2652 = arith.shrsi %or3A_2649, %shift_right_arithmetic3A_2651 : vector<16xi32>
      %and3A_2653 = arith.constant 1 : i32
      %and3A_2654 = vector.broadcast %and3A_2653 : i32 to vector<16xi32>
      %and3A_2655 = arith.andi %shift_right_arithmetic3A_2652, %and3A_2654 : vector<16xi32>
      %ne3A = arith.constant 0 : i32
      %ne3A_2656 = vector.broadcast %ne3A : i32 to vector<16xi32>
      %ne3A_2657 = arith.cmpi ne, %and3A_2655, %ne3A_2656 : vector<16xi32>
      %jit3A_2658 = arith.constant 0 : i32
      %broadcast_in_dim3A_2659 = vector.broadcast %jit3A_2658 : i32 to vector<16xi32>
      %select_n3A_2660 = arith.select %ne3A_2657, %or3A_2649, %broadcast_in_dim3A_2659 : vector<16xi1>, vector<16xi32>
      %or3A_2661 = arith.ori %scan3A_2378, %select_n3A_2660 : vector<16xi32>
      %shift_right_arithmetic3A_2662 = arith.constant 1 : i32
      %shift_right_arithmetic3A_2663 = vector.broadcast %shift_right_arithmetic3A_2662 : i32 to vector<16xi32>
      %shift_right_arithmetic3A_2664 = arith.shrsi %or3A_2649, %shift_right_arithmetic3A_2663 : vector<16xi32>
      %and3A_2665 = arith.constant 1 : i32
      %and3A_2666 = vector.broadcast %and3A_2665 : i32 to vector<16xi32>
      %and3A_2667 = arith.andi %shift_right_arithmetic3A_2664, %and3A_2666 : vector<16xi32>
      %ne3A_2668 = arith.constant 0 : i32
      %ne3A_2669 = vector.broadcast %ne3A_2668 : i32 to vector<16xi32>
      %ne3A_2670 = arith.cmpi ne, %and3A_2667, %ne3A_2669 : vector<16xi32>
      %jit3A_2671 = arith.constant 0 : i32
      %broadcast_in_dim3A_2672 = vector.broadcast %jit3A_2671 : i32 to vector<16xi32>
      %select_n3A_2673 = arith.select %ne3A_2670, %or3A_2649, %broadcast_in_dim3A_2672 : vector<16xi1>, vector<16xi32>
      %or3A_2674 = arith.ori %scan3A_2379, %select_n3A_2673 : vector<16xi32>
      %shift_right_arithmetic3A_2675 = arith.constant 2 : i32
      %shift_right_arithmetic3A_2676 = vector.broadcast %shift_right_arithmetic3A_2675 : i32 to vector<16xi32>
      %shift_right_arithmetic3A_2677 = arith.shrsi %or3A_2649, %shift_right_arithmetic3A_2676 : vector<16xi32>
      %and3A_2678 = arith.constant 1 : i32
      %and3A_2679 = vector.broadcast %and3A_2678 : i32 to vector<16xi32>
      %and3A_2680 = arith.andi %shift_right_arithmetic3A_2677, %and3A_2679 : vector<16xi32>
      %ne3A_2681 = arith.constant 0 : i32
      %ne3A_2682 = vector.broadcast %ne3A_2681 : i32 to vector<16xi32>
      %ne3A_2683 = arith.cmpi ne, %and3A_2680, %ne3A_2682 : vector<16xi32>
      %jit3A_2684 = arith.constant 0 : i32
      %broadcast_in_dim3A_2685 = vector.broadcast %jit3A_2684 : i32 to vector<16xi32>
      %select_n3A_2686 = arith.select %ne3A_2683, %or3A_2649, %broadcast_in_dim3A_2685 : vector<16xi1>, vector<16xi32>
      %or3A_2687 = arith.ori %scan3A_2380, %select_n3A_2686 : vector<16xi32>
      %shift_right_arithmetic3A_2688 = arith.constant 3 : i32
      %shift_right_arithmetic3A_2689 = vector.broadcast %shift_right_arithmetic3A_2688 : i32 to vector<16xi32>
      %shift_right_arithmetic3A_2690 = arith.shrsi %or3A_2649, %shift_right_arithmetic3A_2689 : vector<16xi32>
      %and3A_2691 = arith.constant 1 : i32
      %and3A_2692 = vector.broadcast %and3A_2691 : i32 to vector<16xi32>
      %and3A_2693 = arith.andi %shift_right_arithmetic3A_2690, %and3A_2692 : vector<16xi32>
      %ne3A_2694 = arith.constant 0 : i32
      %ne3A_2695 = vector.broadcast %ne3A_2694 : i32 to vector<16xi32>
      %ne3A_2696 = arith.cmpi ne, %and3A_2693, %ne3A_2695 : vector<16xi32>
      %jit3A_2697 = arith.constant 0 : i32
      %broadcast_in_dim3A_2698 = vector.broadcast %jit3A_2697 : i32 to vector<16xi32>
      %select_n3A_2699 = arith.select %ne3A_2696, %or3A_2649, %broadcast_in_dim3A_2698 : vector<16xi1>, vector<16xi32>
      %or3A_2700 = arith.ori %scan3A_2381, %select_n3A_2699 : vector<16xi32>
      %shift_right_arithmetic3A_2701 = arith.constant 4 : i32
      %shift_right_arithmetic3A_2702 = vector.broadcast %shift_right_arithmetic3A_2701 : i32 to vector<16xi32>
      %shift_right_arithmetic3A_2703 = arith.shrsi %or3A_2649, %shift_right_arithmetic3A_2702 : vector<16xi32>
      %and3A_2704 = arith.constant 1 : i32
      %and3A_2705 = vector.broadcast %and3A_2704 : i32 to vector<16xi32>
      %and3A_2706 = arith.andi %shift_right_arithmetic3A_2703, %and3A_2705 : vector<16xi32>
      %ne3A_2707 = arith.constant 0 : i32
      %ne3A_2708 = vector.broadcast %ne3A_2707 : i32 to vector<16xi32>
      %ne3A_2709 = arith.cmpi ne, %and3A_2706, %ne3A_2708 : vector<16xi32>
      %jit3A_2710 = arith.constant 0 : i32
      %broadcast_in_dim3A_2711 = vector.broadcast %jit3A_2710 : i32 to vector<16xi32>
      %select_n3A_2712 = arith.select %ne3A_2709, %or3A_2649, %broadcast_in_dim3A_2711 : vector<16xi1>, vector<16xi32>
      %or3A_2713 = arith.ori %scan3A_2382, %select_n3A_2712 : vector<16xi32>
      %shift_right_arithmetic3A_2714 = arith.constant 5 : i32
      %shift_right_arithmetic3A_2715 = vector.broadcast %shift_right_arithmetic3A_2714 : i32 to vector<16xi32>
      %shift_right_arithmetic3A_2716 = arith.shrsi %or3A_2649, %shift_right_arithmetic3A_2715 : vector<16xi32>
      %and3A_2717 = arith.constant 1 : i32
      %and3A_2718 = vector.broadcast %and3A_2717 : i32 to vector<16xi32>
      %and3A_2719 = arith.andi %shift_right_arithmetic3A_2716, %and3A_2718 : vector<16xi32>
      %ne3A_2720 = arith.constant 0 : i32
      %ne3A_2721 = vector.broadcast %ne3A_2720 : i32 to vector<16xi32>
      %ne3A_2722 = arith.cmpi ne, %and3A_2719, %ne3A_2721 : vector<16xi32>
      %jit3A_2723 = arith.constant 0 : i32
      %broadcast_in_dim3A_2724 = vector.broadcast %jit3A_2723 : i32 to vector<16xi32>
      %select_n3A_2725 = arith.select %ne3A_2722, %or3A_2649, %broadcast_in_dim3A_2724 : vector<16xi1>, vector<16xi32>
      %or3A_2726 = arith.ori %scan3A_2383, %select_n3A_2725 : vector<16xi32>
      %shift_right_arithmetic3A_2727 = arith.constant 6 : i32
      %shift_right_arithmetic3A_2728 = vector.broadcast %shift_right_arithmetic3A_2727 : i32 to vector<16xi32>
      %shift_right_arithmetic3A_2729 = arith.shrsi %or3A_2649, %shift_right_arithmetic3A_2728 : vector<16xi32>
      %and3A_2730 = arith.constant 1 : i32
      %and3A_2731 = vector.broadcast %and3A_2730 : i32 to vector<16xi32>
      %and3A_2732 = arith.andi %shift_right_arithmetic3A_2729, %and3A_2731 : vector<16xi32>
      %ne3A_2733 = arith.constant 0 : i32
      %ne3A_2734 = vector.broadcast %ne3A_2733 : i32 to vector<16xi32>
      %ne3A_2735 = arith.cmpi ne, %and3A_2732, %ne3A_2734 : vector<16xi32>
      %jit3A_2736 = arith.constant 0 : i32
      %broadcast_in_dim3A_2737 = vector.broadcast %jit3A_2736 : i32 to vector<16xi32>
      %select_n3A_2738 = arith.select %ne3A_2735, %or3A_2649, %broadcast_in_dim3A_2737 : vector<16xi1>, vector<16xi32>
      %or3A_2739 = arith.ori %scan3A_2384, %select_n3A_2738 : vector<16xi32>
      %shift_right_arithmetic3A_2740 = arith.constant 7 : i32
      %shift_right_arithmetic3A_2741 = vector.broadcast %shift_right_arithmetic3A_2740 : i32 to vector<16xi32>
      %shift_right_arithmetic3A_2742 = arith.shrsi %or3A_2649, %shift_right_arithmetic3A_2741 : vector<16xi32>
      %and3A_2743 = arith.constant 1 : i32
      %and3A_2744 = vector.broadcast %and3A_2743 : i32 to vector<16xi32>
      %and3A_2745 = arith.andi %shift_right_arithmetic3A_2742, %and3A_2744 : vector<16xi32>
      %ne3A_2746 = arith.constant 0 : i32
      %ne3A_2747 = vector.broadcast %ne3A_2746 : i32 to vector<16xi32>
      %ne3A_2748 = arith.cmpi ne, %and3A_2745, %ne3A_2747 : vector<16xi32>
      %jit3A_2749 = arith.constant 0 : i32
      %broadcast_in_dim3A_2750 = vector.broadcast %jit3A_2749 : i32 to vector<16xi32>
      %select_n3A_2751 = arith.select %ne3A_2748, %or3A_2649, %broadcast_in_dim3A_2750 : vector<16xi1>, vector<16xi32>
      %or3A_2752 = arith.ori %scan3A_2385, %select_n3A_2751 : vector<16xi32>
      %shift_right_arithmetic3A_2753 = arith.constant 8 : i32
      %shift_right_arithmetic3A_2754 = vector.broadcast %shift_right_arithmetic3A_2753 : i32 to vector<16xi32>
      %shift_right_arithmetic3A_2755 = arith.shrsi %or3A_2649, %shift_right_arithmetic3A_2754 : vector<16xi32>
      %and3A_2756 = arith.constant 1 : i32
      %and3A_2757 = vector.broadcast %and3A_2756 : i32 to vector<16xi32>
      %and3A_2758 = arith.andi %shift_right_arithmetic3A_2755, %and3A_2757 : vector<16xi32>
      %ne3A_2759 = arith.constant 0 : i32
      %ne3A_2760 = vector.broadcast %ne3A_2759 : i32 to vector<16xi32>
      %ne3A_2761 = arith.cmpi ne, %and3A_2758, %ne3A_2760 : vector<16xi32>
      %jit3A_2762 = arith.constant 0 : i32
      %broadcast_in_dim3A_2763 = vector.broadcast %jit3A_2762 : i32 to vector<16xi32>
      %select_n3A_2764 = arith.select %ne3A_2761, %or3A_2649, %broadcast_in_dim3A_2763 : vector<16xi1>, vector<16xi32>
      %or3A_2765 = arith.ori %scan3A_2386, %select_n3A_2764 : vector<16xi32>
      %shift_right_arithmetic3A_2766 = arith.constant 9 : i32
      %shift_right_arithmetic3A_2767 = vector.broadcast %shift_right_arithmetic3A_2766 : i32 to vector<16xi32>
      %shift_right_arithmetic3A_2768 = arith.shrsi %or3A_2649, %shift_right_arithmetic3A_2767 : vector<16xi32>
      %and3A_2769 = arith.constant 1 : i32
      %and3A_2770 = vector.broadcast %and3A_2769 : i32 to vector<16xi32>
      %and3A_2771 = arith.andi %shift_right_arithmetic3A_2768, %and3A_2770 : vector<16xi32>
      %ne3A_2772 = arith.constant 0 : i32
      %ne3A_2773 = vector.broadcast %ne3A_2772 : i32 to vector<16xi32>
      %ne3A_2774 = arith.cmpi ne, %and3A_2771, %ne3A_2773 : vector<16xi32>
      %jit3A_2775 = arith.constant 0 : i32
      %broadcast_in_dim3A_2776 = vector.broadcast %jit3A_2775 : i32 to vector<16xi32>
      %select_n3A_2777 = arith.select %ne3A_2774, %or3A_2649, %broadcast_in_dim3A_2776 : vector<16xi1>, vector<16xi32>
      %or3A_2778 = arith.ori %scan3A_2387, %select_n3A_2777 : vector<16xi32>
      %shift_right_arithmetic3A_2779 = arith.constant 10 : i32
      %shift_right_arithmetic3A_2780 = vector.broadcast %shift_right_arithmetic3A_2779 : i32 to vector<16xi32>
      %shift_right_arithmetic3A_2781 = arith.shrsi %or3A_2649, %shift_right_arithmetic3A_2780 : vector<16xi32>
      %and3A_2782 = arith.constant 1 : i32
      %and3A_2783 = vector.broadcast %and3A_2782 : i32 to vector<16xi32>
      %and3A_2784 = arith.andi %shift_right_arithmetic3A_2781, %and3A_2783 : vector<16xi32>
      %ne3A_2785 = arith.constant 0 : i32
      %ne3A_2786 = vector.broadcast %ne3A_2785 : i32 to vector<16xi32>
      %ne3A_2787 = arith.cmpi ne, %and3A_2784, %ne3A_2786 : vector<16xi32>
      %jit3A_2788 = arith.constant 0 : i32
      %broadcast_in_dim3A_2789 = vector.broadcast %jit3A_2788 : i32 to vector<16xi32>
      %select_n3A_2790 = arith.select %ne3A_2787, %or3A_2649, %broadcast_in_dim3A_2789 : vector<16xi1>, vector<16xi32>
      %or3A_2791 = arith.ori %scan3A_2388, %select_n3A_2790 : vector<16xi32>
      %shift_right_arithmetic3A_2792 = arith.constant 11 : i32
      %shift_right_arithmetic3A_2793 = vector.broadcast %shift_right_arithmetic3A_2792 : i32 to vector<16xi32>
      %shift_right_arithmetic3A_2794 = arith.shrsi %or3A_2649, %shift_right_arithmetic3A_2793 : vector<16xi32>
      %and3A_2795 = arith.constant 1 : i32
      %and3A_2796 = vector.broadcast %and3A_2795 : i32 to vector<16xi32>
      %and3A_2797 = arith.andi %shift_right_arithmetic3A_2794, %and3A_2796 : vector<16xi32>
      %ne3A_2798 = arith.constant 0 : i32
      %ne3A_2799 = vector.broadcast %ne3A_2798 : i32 to vector<16xi32>
      %ne3A_2800 = arith.cmpi ne, %and3A_2797, %ne3A_2799 : vector<16xi32>
      %jit3A_2801 = arith.constant 0 : i32
      %broadcast_in_dim3A_2802 = vector.broadcast %jit3A_2801 : i32 to vector<16xi32>
      %select_n3A_2803 = arith.select %ne3A_2800, %or3A_2649, %broadcast_in_dim3A_2802 : vector<16xi1>, vector<16xi32>
      %or3A_2804 = arith.ori %scan3A_2389, %select_n3A_2803 : vector<16xi32>
      %shift_right_arithmetic3A_2805 = arith.constant 12 : i32
      %shift_right_arithmetic3A_2806 = vector.broadcast %shift_right_arithmetic3A_2805 : i32 to vector<16xi32>
      %shift_right_arithmetic3A_2807 = arith.shrsi %or3A_2649, %shift_right_arithmetic3A_2806 : vector<16xi32>
      %and3A_2808 = arith.constant 1 : i32
      %and3A_2809 = vector.broadcast %and3A_2808 : i32 to vector<16xi32>
      %and3A_2810 = arith.andi %shift_right_arithmetic3A_2807, %and3A_2809 : vector<16xi32>
      %ne3A_2811 = arith.constant 0 : i32
      %ne3A_2812 = vector.broadcast %ne3A_2811 : i32 to vector<16xi32>
      %ne3A_2813 = arith.cmpi ne, %and3A_2810, %ne3A_2812 : vector<16xi32>
      %jit3A_2814 = arith.constant 0 : i32
      %broadcast_in_dim3A_2815 = vector.broadcast %jit3A_2814 : i32 to vector<16xi32>
      %select_n3A_2816 = arith.select %ne3A_2813, %or3A_2649, %broadcast_in_dim3A_2815 : vector<16xi1>, vector<16xi32>
      %or3A_2817 = arith.ori %scan3A_2390, %select_n3A_2816 : vector<16xi32>
      %shift_right_arithmetic3A_2818 = arith.constant 13 : i32
      %shift_right_arithmetic3A_2819 = vector.broadcast %shift_right_arithmetic3A_2818 : i32 to vector<16xi32>
      %shift_right_arithmetic3A_2820 = arith.shrsi %or3A_2649, %shift_right_arithmetic3A_2819 : vector<16xi32>
      %and3A_2821 = arith.constant 1 : i32
      %and3A_2822 = vector.broadcast %and3A_2821 : i32 to vector<16xi32>
      %and3A_2823 = arith.andi %shift_right_arithmetic3A_2820, %and3A_2822 : vector<16xi32>
      %ne3A_2824 = arith.constant 0 : i32
      %ne3A_2825 = vector.broadcast %ne3A_2824 : i32 to vector<16xi32>
      %ne3A_2826 = arith.cmpi ne, %and3A_2823, %ne3A_2825 : vector<16xi32>
      %jit3A_2827 = arith.constant 0 : i32
      %broadcast_in_dim3A_2828 = vector.broadcast %jit3A_2827 : i32 to vector<16xi32>
      %select_n3A_2829 = arith.select %ne3A_2826, %or3A_2649, %broadcast_in_dim3A_2828 : vector<16xi1>, vector<16xi32>
      %or3A_2830 = arith.ori %scan3A_2391, %select_n3A_2829 : vector<16xi32>
      %shift_right_arithmetic3A_2831 = arith.constant 14 : i32
      %shift_right_arithmetic3A_2832 = vector.broadcast %shift_right_arithmetic3A_2831 : i32 to vector<16xi32>
      %shift_right_arithmetic3A_2833 = arith.shrsi %or3A_2649, %shift_right_arithmetic3A_2832 : vector<16xi32>
      %and3A_2834 = arith.constant 1 : i32
      %and3A_2835 = vector.broadcast %and3A_2834 : i32 to vector<16xi32>
      %and3A_2836 = arith.andi %shift_right_arithmetic3A_2833, %and3A_2835 : vector<16xi32>
      %ne3A_2837 = arith.constant 0 : i32
      %ne3A_2838 = vector.broadcast %ne3A_2837 : i32 to vector<16xi32>
      %ne3A_2839 = arith.cmpi ne, %and3A_2836, %ne3A_2838 : vector<16xi32>
      %jit3A_2840 = arith.constant 0 : i32
      %broadcast_in_dim3A_2841 = vector.broadcast %jit3A_2840 : i32 to vector<16xi32>
      %select_n3A_2842 = arith.select %ne3A_2839, %or3A_2649, %broadcast_in_dim3A_2841 : vector<16xi1>, vector<16xi32>
      %or3A_2843 = arith.ori %scan3A_2392, %select_n3A_2842 : vector<16xi32>
      %shift_right_arithmetic3A_2844 = arith.constant 15 : i32
      %shift_right_arithmetic3A_2845 = vector.broadcast %shift_right_arithmetic3A_2844 : i32 to vector<16xi32>
      %shift_right_arithmetic3A_2846 = arith.shrsi %or3A_2649, %shift_right_arithmetic3A_2845 : vector<16xi32>
      %and3A_2847 = arith.constant 1 : i32
      %and3A_2848 = vector.broadcast %and3A_2847 : i32 to vector<16xi32>
      %and3A_2849 = arith.andi %shift_right_arithmetic3A_2846, %and3A_2848 : vector<16xi32>
      %ne3A_2850 = arith.constant 0 : i32
      %ne3A_2851 = vector.broadcast %ne3A_2850 : i32 to vector<16xi32>
      %ne3A_2852 = arith.cmpi ne, %and3A_2849, %ne3A_2851 : vector<16xi32>
      %jit3A_2853 = arith.constant 0 : i32
      %broadcast_in_dim3A_2854 = vector.broadcast %jit3A_2853 : i32 to vector<16xi32>
      %select_n3A_2855 = arith.select %ne3A_2852, %or3A_2649, %broadcast_in_dim3A_2854 : vector<16xi1>, vector<16xi32>
      %or3A_2856 = arith.ori %scan3A_2393, %select_n3A_2855 : vector<16xi32>
      scf.yield %or3A_2661, %or3A_2674, %or3A_2687, %or3A_2700, %or3A_2713, %or3A_2726, %or3A_2739, %or3A_2752, %or3A_2765, %or3A_2778, %or3A_2791, %or3A_2804, %or3A_2817, %or3A_2830, %or3A_2843, %or3A_2856 : vector<16xi32>, vector<16xi32>, vector<16xi32>, vector<16xi32>, vector<16xi32>, vector<16xi32>, vector<16xi32>, vector<16xi32>, vector<16xi32>, vector<16xi32>, vector<16xi32>, vector<16xi32>, vector<16xi32>, vector<16xi32>, vector<16xi32>, vector<16xi32>
    }
    %scan3A_40 = arith.constant 128 : i32
    %xor3A = arith.constant 8 : i32
    %xor3A_41 = vector.broadcast %xor3A : i32 to vector<16xi32>
    %xor3A_42 = arith.xori %iota3A, %xor3A_41 : vector<16xi32>
    %lt3A = arith.constant 0 : i32
    %lt3A_43 = vector.broadcast %lt3A : i32 to vector<16xi32>
    %lt3A_44 = arith.cmpi slt, %xor3A_42, %lt3A_43 : vector<16xi32>
    %add3A_45 = arith.constant 16 : i32
    %add3A_46 = vector.broadcast %add3A_45 : i32 to vector<16xi32>
    %add3A_47 = arith.addi %xor3A_42, %add3A_46 : vector<16xi32>
    %select_n3A = arith.select %lt3A_44, %add3A_47, %xor3A_42 : vector<16xi1>, vector<16xi32>
    %broadcast_in_dim3A_48 = vector.shape_cast %select_n3A : vector<16xi32> to vector<16x1xi32>
    %gather3A = vector.shape_cast %broadcast_in_dim3A_48 : vector<16x1xi32> to vector<16xi32>
    %gather3A_49 = tpu.dynamic_gather %scan3A_39#0[%gather3A] in [0] : vector<16xi32>, vector<16xi32> -> vector<16xi32>
    %or3A = arith.ori %scan3A_39#0, %gather3A_49 : vector<16xi32>
    %xor3A_50 = arith.constant 4 : i32
    %xor3A_51 = vector.broadcast %xor3A_50 : i32 to vector<16xi32>
    %xor3A_52 = arith.xori %iota3A, %xor3A_51 : vector<16xi32>
    %lt3A_53 = arith.constant 0 : i32
    %lt3A_54 = vector.broadcast %lt3A_53 : i32 to vector<16xi32>
    %lt3A_55 = arith.cmpi slt, %xor3A_52, %lt3A_54 : vector<16xi32>
    %add3A_56 = arith.constant 16 : i32
    %add3A_57 = vector.broadcast %add3A_56 : i32 to vector<16xi32>
    %add3A_58 = arith.addi %xor3A_52, %add3A_57 : vector<16xi32>
    %select_n3A_59 = arith.select %lt3A_55, %add3A_58, %xor3A_52 : vector<16xi1>, vector<16xi32>
    %broadcast_in_dim3A_60 = vector.shape_cast %select_n3A_59 : vector<16xi32> to vector<16x1xi32>
    %gather3A_61 = vector.shape_cast %broadcast_in_dim3A_60 : vector<16x1xi32> to vector<16xi32>
    %gather3A_62 = tpu.dynamic_gather %or3A[%gather3A_61] in [0] : vector<16xi32>, vector<16xi32> -> vector<16xi32>
    %or3A_63 = arith.ori %or3A, %gather3A_62 : vector<16xi32>
    %xor3A_64 = arith.constant 2 : i32
    %xor3A_65 = vector.broadcast %xor3A_64 : i32 to vector<16xi32>
    %xor3A_66 = arith.xori %iota3A, %xor3A_65 : vector<16xi32>
    %lt3A_67 = arith.constant 0 : i32
    %lt3A_68 = vector.broadcast %lt3A_67 : i32 to vector<16xi32>
    %lt3A_69 = arith.cmpi slt, %xor3A_66, %lt3A_68 : vector<16xi32>
    %add3A_70 = arith.constant 16 : i32
    %add3A_71 = vector.broadcast %add3A_70 : i32 to vector<16xi32>
    %add3A_72 = arith.addi %xor3A_66, %add3A_71 : vector<16xi32>
    %select_n3A_73 = arith.select %lt3A_69, %add3A_72, %xor3A_66 : vector<16xi1>, vector<16xi32>
    %broadcast_in_dim3A_74 = vector.shape_cast %select_n3A_73 : vector<16xi32> to vector<16x1xi32>
    %gather3A_75 = vector.shape_cast %broadcast_in_dim3A_74 : vector<16x1xi32> to vector<16xi32>
    %gather3A_76 = tpu.dynamic_gather %or3A_63[%gather3A_75] in [0] : vector<16xi32>, vector<16xi32> -> vector<16xi32>
    %or3A_77 = arith.ori %or3A_63, %gather3A_76 : vector<16xi32>
    %xor3A_78 = arith.constant 1 : i32
    %xor3A_79 = vector.broadcast %xor3A_78 : i32 to vector<16xi32>
    %xor3A_80 = arith.xori %iota3A, %xor3A_79 : vector<16xi32>
    %lt3A_81 = arith.constant 0 : i32
    %lt3A_82 = vector.broadcast %lt3A_81 : i32 to vector<16xi32>
    %lt3A_83 = arith.cmpi slt, %xor3A_80, %lt3A_82 : vector<16xi32>
    %add3A_84 = arith.constant 16 : i32
    %add3A_85 = vector.broadcast %add3A_84 : i32 to vector<16xi32>
    %add3A_86 = arith.addi %xor3A_80, %add3A_85 : vector<16xi32>
    %select_n3A_87 = arith.select %lt3A_83, %add3A_86, %xor3A_80 : vector<16xi1>, vector<16xi32>
    %broadcast_in_dim3A_88 = vector.shape_cast %select_n3A_87 : vector<16xi32> to vector<16x1xi32>
    %gather3A_89 = vector.shape_cast %broadcast_in_dim3A_88 : vector<16x1xi32> to vector<16xi32>
    %gather3A_90 = tpu.dynamic_gather %or3A_77[%gather3A_89] in [0] : vector<16xi32>, vector<16xi32> -> vector<16xi32>
    %or3A_91 = arith.ori %or3A_77, %gather3A_90 : vector<16xi32>
    %shift_right_arithmetic3A = arith.shrsi %or3A_91, %iota3A : vector<16xi32>
    %and3A = arith.constant 1 : i32
    %and3A_92 = vector.broadcast %and3A : i32 to vector<16xi32>
    %and3A_93 = arith.andi %shift_right_arithmetic3A, %and3A_92 : vector<16xi32>
    %eq3A = arith.constant 0 : i32
    %eq3A_94 = vector.broadcast %eq3A : i32 to vector<16xi32>
    %eq3A_95 = arith.cmpi eq, %iota3A, %eq3A_94 : vector<16xi32>
    %jit3A = arith.constant 0 : i32
    %broadcast_in_dim3A_96 = vector.broadcast %jit3A : i32 to vector<16xi32>
    %select_n3A_97 = arith.select %eq3A_95, %broadcast_in_dim3A_96, %and3A_93 : vector<16xi1>, vector<16xi32>
    %swap3A = arith.constant 0 : i32
    %swap3A_98 = arith.index_cast %swap3A : i32 to index
    %swap3A_99 = arith.constant 0 : index
    %swap3A_100 = tpu.vector_load %arg5[%swap3A_98, %swap3A_99] {strides = array<i32>} : memref<16x16xi32, #tpu.memory_space<vmem>>, vector<1x16xi32>,
    %swap3A_101 = vector.shape_cast %swap3A_100 : vector<1x16xi32> to vector<16xi32>
    %swap3A_102 = vector.shape_cast %select_n3A_97 : vector<16xi32> to vector<1x16xi32>
    tpu.vector_store %arg5[%swap3A_98, %swap3A_99], %swap3A_102 {strides = array<i32>} : memref<16x16xi32, #tpu.memory_space<vmem>>, vector<1x16xi32>,
    %xor3A_103 = arith.constant 8 : i32
    %xor3A_104 = vector.broadcast %xor3A_103 : i32 to vector<16xi32>
    %xor3A_105 = arith.xori %iota3A, %xor3A_104 : vector<16xi32>
    %lt3A_106 = arith.constant 0 : i32
    %lt3A_107 = vector.broadcast %lt3A_106 : i32 to vector<16xi32>
    %lt3A_108 = arith.cmpi slt, %xor3A_105, %lt3A_107 : vector<16xi32>
    %add3A_109 = arith.constant 16 : i32
    %add3A_110 = vector.broadcast %add3A_109 : i32 to vector<16xi32>
    %add3A_111 = arith.addi %xor3A_105, %add3A_110 : vector<16xi32>
    %select_n3A_112 = arith.select %lt3A_108, %add3A_111, %xor3A_105 : vector<16xi1>, vector<16xi32>
    %broadcast_in_dim3A_113 = vector.shape_cast %select_n3A_112 : vector<16xi32> to vector<16x1xi32>
    %gather3A_114 = vector.shape_cast %broadcast_in_dim3A_113 : vector<16x1xi32> to vector<16xi32>
    %gather3A_115 = tpu.dynamic_gather %scan3A_39#1[%gather3A_114] in [0] : vector<16xi32>, vector<16xi32> -> vector<16xi32>
    %or3A_116 = arith.ori %scan3A_39#1, %gather3A_115 : vector<16xi32>
    %xor3A_117 = arith.constant 4 : i32
    %xor3A_118 = vector.broadcast %xor3A_117 : i32 to vector<16xi32>
    %xor3A_119 = arith.xori %iota3A, %xor3A_118 : vector<16xi32>
    %lt3A_120 = arith.constant 0 : i32
    %lt3A_121 = vector.broadcast %lt3A_120 : i32 to vector<16xi32>
    %lt3A_122 = arith.cmpi slt, %xor3A_119, %lt3A_121 : vector<16xi32>
    %add3A_123 = arith.constant 16 : i32
    %add3A_124 = vector.broadcast %add3A_123 : i32 to vector<16xi32>
    %add3A_125 = arith.addi %xor3A_119, %add3A_124 : vector<16xi32>
    %select_n3A_126 = arith.select %lt3A_122, %add3A_125, %xor3A_119 : vector<16xi1>, vector<16xi32>
    %broadcast_in_dim3A_127 = vector.shape_cast %select_n3A_126 : vector<16xi32> to vector<16x1xi32>
    %gather3A_128 = vector.shape_cast %broadcast_in_dim3A_127 : vector<16x1xi32> to vector<16xi32>
    %gather3A_129 = tpu.dynamic_gather %or3A_116[%gather3A_128] in [0] : vector<16xi32>, vector<16xi32> -> vector<16xi32>
    %or3A_130 = arith.ori %or3A_116, %gather3A_129 : vector<16xi32>
    %xor3A_131 = arith.constant 2 : i32
    %xor3A_132 = vector.broadcast %xor3A_131 : i32 to vector<16xi32>
    %xor3A_133 = arith.xori %iota3A, %xor3A_132 : vector<16xi32>
    %lt3A_134 = arith.constant 0 : i32
    %lt3A_135 = vector.broadcast %lt3A_134 : i32 to vector<16xi32>
    %lt3A_136 = arith.cmpi slt, %xor3A_133, %lt3A_135 : vector<16xi32>
    %add3A_137 = arith.constant 16 : i32
    %add3A_138 = vector.broadcast %add3A_137 : i32 to vector<16xi32>
    %add3A_139 = arith.addi %xor3A_133, %add3A_138 : vector<16xi32>
    %select_n3A_140 = arith.select %lt3A_136, %add3A_139, %xor3A_133 : vector<16xi1>, vector<16xi32>
    %broadcast_in_dim3A_141 = vector.shape_cast %select_n3A_140 : vector<16xi32> to vector<16x1xi32>
    %gather3A_142 = vector.shape_cast %broadcast_in_dim3A_141 : vector<16x1xi32> to vector<16xi32>
    %gather3A_143 = tpu.dynamic_gather %or3A_130[%gather3A_142] in [0] : vector<16xi32>, vector<16xi32> -> vector<16xi32>
    %or3A_144 = arith.ori %or3A_130, %gather3A_143 : vector<16xi32>
    %xor3A_145 = arith.constant 1 : i32
    %xor3A_146 = vector.broadcast %xor3A_145 : i32 to vector<16xi32>
    %xor3A_147 = arith.xori %iota3A, %xor3A_146 : vector<16xi32>
    %lt3A_148 = arith.constant 0 : i32
    %lt3A_149 = vector.broadcast %lt3A_148 : i32 to vector<16xi32>
    %lt3A_150 = arith.cmpi slt, %xor3A_147, %lt3A_149 : vector<16xi32>
    %add3A_151 = arith.constant 16 : i32
    %add3A_152 = vector.broadcast %add3A_151 : i32 to vector<16xi32>
    %add3A_153 = arith.addi %xor3A_147, %add3A_152 : vector<16xi32>
    %select_n3A_154 = arith.select %lt3A_150, %add3A_153, %xor3A_147 : vector<16xi1>, vector<16xi32>
    %broadcast_in_dim3A_155 = vector.shape_cast %select_n3A_154 : vector<16xi32> to vector<16x1xi32>
    %gather3A_156 = vector.shape_cast %broadcast_in_dim3A_155 : vector<16x1xi32> to vector<16xi32>
    %gather3A_157 = tpu.dynamic_gather %or3A_144[%gather3A_156] in [0] : vector<16xi32>, vector<16xi32> -> vector<16xi32>
    %or3A_158 = arith.ori %or3A_144, %gather3A_157 : vector<16xi32>
    %shift_right_arithmetic3A_159 = arith.shrsi %or3A_158, %iota3A : vector<16xi32>
    %and3A_160 = arith.constant 1 : i32
    %and3A_161 = vector.broadcast %and3A_160 : i32 to vector<16xi32>
    %and3A_162 = arith.andi %shift_right_arithmetic3A_159, %and3A_161 : vector<16xi32>
    %eq3A_163 = arith.constant 1 : i32
    %eq3A_164 = vector.broadcast %eq3A_163 : i32 to vector<16xi32>
    %eq3A_165 = arith.cmpi eq, %iota3A, %eq3A_164 : vector<16xi32>
    %jit3A_166 = arith.constant 0 : i32
    %broadcast_in_dim3A_167 = vector.broadcast %jit3A_166 : i32 to vector<16xi32>
    %select_n3A_168 = arith.select %eq3A_165, %broadcast_in_dim3A_167, %and3A_162 : vector<16xi1>, vector<16xi32>
    %swap3A_169 = arith.constant 1 : i32
    %swap3A_170 = arith.index_cast %swap3A_169 : i32 to index
    %swap3A_171 = arith.constant 0 : index
    %swap3A_172 = tpu.vector_load %arg5[%swap3A_170, %swap3A_171] {strides = array<i32>} : memref<16x16xi32, #tpu.memory_space<vmem>>, vector<1x16xi32>,
    %swap3A_173 = vector.shape_cast %swap3A_172 : vector<1x16xi32> to vector<16xi32>
    %swap3A_174 = vector.shape_cast %select_n3A_168 : vector<16xi32> to vector<1x16xi32>
    tpu.vector_store %arg5[%swap3A_170, %swap3A_171], %swap3A_174 {strides = array<i32>} : memref<16x16xi32, #tpu.memory_space<vmem>>, vector<1x16xi32>,
    %xor3A_175 = arith.constant 8 : i32
    %xor3A_176 = vector.broadcast %xor3A_175 : i32 to vector<16xi32>
    %xor3A_177 = arith.xori %iota3A, %xor3A_176 : vector<16xi32>
    %lt3A_178 = arith.constant 0 : i32
    %lt3A_179 = vector.broadcast %lt3A_178 : i32 to vector<16xi32>
    %lt3A_180 = arith.cmpi slt, %xor3A_177, %lt3A_179 : vector<16xi32>
    %add3A_181 = arith.constant 16 : i32
    %add3A_182 = vector.broadcast %add3A_181 : i32 to vector<16xi32>
    %add3A_183 = arith.addi %xor3A_177, %add3A_182 : vector<16xi32>
    %select_n3A_184 = arith.select %lt3A_180, %add3A_183, %xor3A_177 : vector<16xi1>, vector<16xi32>
    %broadcast_in_dim3A_185 = vector.shape_cast %select_n3A_184 : vector<16xi32> to vector<16x1xi32>
    %gather3A_186 = vector.shape_cast %broadcast_in_dim3A_185 : vector<16x1xi32> to vector<16xi32>
    %gather3A_187 = tpu.dynamic_gather %scan3A_39#2[%gather3A_186] in [0] : vector<16xi32>, vector<16xi32> -> vector<16xi32>
    %or3A_188 = arith.ori %scan3A_39#2, %gather3A_187 : vector<16xi32>
    %xor3A_189 = arith.constant 4 : i32
    %xor3A_190 = vector.broadcast %xor3A_189 : i32 to vector<16xi32>
    %xor3A_191 = arith.xori %iota3A, %xor3A_190 : vector<16xi32>
    %lt3A_192 = arith.constant 0 : i32
    %lt3A_193 = vector.broadcast %lt3A_192 : i32 to vector<16xi32>
    %lt3A_194 = arith.cmpi slt, %xor3A_191, %lt3A_193 : vector<16xi32>
    %add3A_195 = arith.constant 16 : i32
    %add3A_196 = vector.broadcast %add3A_195 : i32 to vector<16xi32>
    %add3A_197 = arith.addi %xor3A_191, %add3A_196 : vector<16xi32>
    %select_n3A_198 = arith.select %lt3A_194, %add3A_197, %xor3A_191 : vector<16xi1>, vector<16xi32>
    %broadcast_in_dim3A_199 = vector.shape_cast %select_n3A_198 : vector<16xi32> to vector<16x1xi32>
    %gather3A_200 = vector.shape_cast %broadcast_in_dim3A_199 : vector<16x1xi32> to vector<16xi32>
    %gather3A_201 = tpu.dynamic_gather %or3A_188[%gather3A_200] in [0] : vector<16xi32>, vector<16xi32> -> vector<16xi32>
    %or3A_202 = arith.ori %or3A_188, %gather3A_201 : vector<16xi32>
    %xor3A_203 = arith.constant 2 : i32
    %xor3A_204 = vector.broadcast %xor3A_203 : i32 to vector<16xi32>
    %xor3A_205 = arith.xori %iota3A, %xor3A_204 : vector<16xi32>
    %lt3A_206 = arith.constant 0 : i32
    %lt3A_207 = vector.broadcast %lt3A_206 : i32 to vector<16xi32>
    %lt3A_208 = arith.cmpi slt, %xor3A_205, %lt3A_207 : vector<16xi32>
    %add3A_209 = arith.constant 16 : i32
    %add3A_210 = vector.broadcast %add3A_209 : i32 to vector<16xi32>
    %add3A_211 = arith.addi %xor3A_205, %add3A_210 : vector<16xi32>
    %select_n3A_212 = arith.select %lt3A_208, %add3A_211, %xor3A_205 : vector<16xi1>, vector<16xi32>
    %broadcast_in_dim3A_213 = vector.shape_cast %select_n3A_212 : vector<16xi32> to vector<16x1xi32>
    %gather3A_214 = vector.shape_cast %broadcast_in_dim3A_213 : vector<16x1xi32> to vector<16xi32>
    %gather3A_215 = tpu.dynamic_gather %or3A_202[%gather3A_214] in [0] : vector<16xi32>, vector<16xi32> -> vector<16xi32>
    %or3A_216 = arith.ori %or3A_202, %gather3A_215 : vector<16xi32>
    %xor3A_217 = arith.constant 1 : i32
    %xor3A_218 = vector.broadcast %xor3A_217 : i32 to vector<16xi32>
    %xor3A_219 = arith.xori %iota3A, %xor3A_218 : vector<16xi32>
    %lt3A_220 = arith.constant 0 : i32
    %lt3A_221 = vector.broadcast %lt3A_220 : i32 to vector<16xi32>
    %lt3A_222 = arith.cmpi slt, %xor3A_219, %lt3A_221 : vector<16xi32>
    %add3A_223 = arith.constant 16 : i32
    %add3A_224 = vector.broadcast %add3A_223 : i32 to vector<16xi32>
    %add3A_225 = arith.addi %xor3A_219, %add3A_224 : vector<16xi32>
    %select_n3A_226 = arith.select %lt3A_222, %add3A_225, %xor3A_219 : vector<16xi1>, vector<16xi32>
    %broadcast_in_dim3A_227 = vector.shape_cast %select_n3A_226 : vector<16xi32> to vector<16x1xi32>
    %gather3A_228 = vector.shape_cast %broadcast_in_dim3A_227 : vector<16x1xi32> to vector<16xi32>
    %gather3A_229 = tpu.dynamic_gather %or3A_216[%gather3A_228] in [0] : vector<16xi32>, vector<16xi32> -> vector<16xi32>
    %or3A_230 = arith.ori %or3A_216, %gather3A_229 : vector<16xi32>
    %shift_right_arithmetic3A_231 = arith.shrsi %or3A_230, %iota3A : vector<16xi32>
    %and3A_232 = arith.constant 1 : i32
    %and3A_233 = vector.broadcast %and3A_232 : i32 to vector<16xi32>
    %and3A_234 = arith.andi %shift_right_arithmetic3A_231, %and3A_233 : vector<16xi32>
    %eq3A_235 = arith.constant 2 : i32
    %eq3A_236 = vector.broadcast %eq3A_235 : i32 to vector<16xi32>
    %eq3A_237 = arith.cmpi eq, %iota3A, %eq3A_236 : vector<16xi32>
    %jit3A_238 = arith.constant 0 : i32
    %broadcast_in_dim3A_239 = vector.broadcast %jit3A_238 : i32 to vector<16xi32>
    %select_n3A_240 = arith.select %eq3A_237, %broadcast_in_dim3A_239, %and3A_234 : vector<16xi1>, vector<16xi32>
    %swap3A_241 = arith.constant 2 : i32
    %swap3A_242 = arith.index_cast %swap3A_241 : i32 to index
    %swap3A_243 = arith.constant 0 : index
    %swap3A_244 = tpu.vector_load %arg5[%swap3A_242, %swap3A_243] {strides = array<i32>} : memref<16x16xi32, #tpu.memory_space<vmem>>, vector<1x16xi32>,
    %swap3A_245 = vector.shape_cast %swap3A_244 : vector<1x16xi32> to vector<16xi32>
    %swap3A_246 = vector.shape_cast %select_n3A_240 : vector<16xi32> to vector<1x16xi32>
    tpu.vector_store %arg5[%swap3A_242, %swap3A_243], %swap3A_246 {strides = array<i32>} : memref<16x16xi32, #tpu.memory_space<vmem>>, vector<1x16xi32>,
    %xor3A_247 = arith.constant 8 : i32
    %xor3A_248 = vector.broadcast %xor3A_247 : i32 to vector<16xi32>
    %xor3A_249 = arith.xori %iota3A, %xor3A_248 : vector<16xi32>
    %lt3A_250 = arith.constant 0 : i32
    %lt3A_251 = vector.broadcast %lt3A_250 : i32 to vector<16xi32>
    %lt3A_252 = arith.cmpi slt, %xor3A_249, %lt3A_251 : vector<16xi32>
    %add3A_253 = arith.constant 16 : i32
    %add3A_254 = vector.broadcast %add3A_253 : i32 to vector<16xi32>
    %add3A_255 = arith.addi %xor3A_249, %add3A_254 : vector<16xi32>
    %select_n3A_256 = arith.select %lt3A_252, %add3A_255, %xor3A_249 : vector<16xi1>, vector<16xi32>
    %broadcast_in_dim3A_257 = vector.shape_cast %select_n3A_256 : vector<16xi32> to vector<16x1xi32>
    %gather3A_258 = vector.shape_cast %broadcast_in_dim3A_257 : vector<16x1xi32> to vector<16xi32>
    %gather3A_259 = tpu.dynamic_gather %scan3A_39#3[%gather3A_258] in [0] : vector<16xi32>, vector<16xi32> -> vector<16xi32>
    %or3A_260 = arith.ori %scan3A_39#3, %gather3A_259 : vector<16xi32>
    %xor3A_261 = arith.constant 4 : i32
    %xor3A_262 = vector.broadcast %xor3A_261 : i32 to vector<16xi32>
    %xor3A_263 = arith.xori %iota3A, %xor3A_262 : vector<16xi32>
    %lt3A_264 = arith.constant 0 : i32
    %lt3A_265 = vector.broadcast %lt3A_264 : i32 to vector<16xi32>
    %lt3A_266 = arith.cmpi slt, %xor3A_263, %lt3A_265 : vector<16xi32>
    %add3A_267 = arith.constant 16 : i32
    %add3A_268 = vector.broadcast %add3A_267 : i32 to vector<16xi32>
    %add3A_269 = arith.addi %xor3A_263, %add3A_268 : vector<16xi32>
    %select_n3A_270 = arith.select %lt3A_266, %add3A_269, %xor3A_263 : vector<16xi1>, vector<16xi32>
    %broadcast_in_dim3A_271 = vector.shape_cast %select_n3A_270 : vector<16xi32> to vector<16x1xi32>
    %gather3A_272 = vector.shape_cast %broadcast_in_dim3A_271 : vector<16x1xi32> to vector<16xi32>
    %gather3A_273 = tpu.dynamic_gather %or3A_260[%gather3A_272] in [0] : vector<16xi32>, vector<16xi32> -> vector<16xi32>
    %or3A_274 = arith.ori %or3A_260, %gather3A_273 : vector<16xi32>
    %xor3A_275 = arith.constant 2 : i32
    %xor3A_276 = vector.broadcast %xor3A_275 : i32 to vector<16xi32>
    %xor3A_277 = arith.xori %iota3A, %xor3A_276 : vector<16xi32>
    %lt3A_278 = arith.constant 0 : i32
    %lt3A_279 = vector.broadcast %lt3A_278 : i32 to vector<16xi32>
    %lt3A_280 = arith.cmpi slt, %xor3A_277, %lt3A_279 : vector<16xi32>
    %add3A_281 = arith.constant 16 : i32
    %add3A_282 = vector.broadcast %add3A_281 : i32 to vector<16xi32>
    %add3A_283 = arith.addi %xor3A_277, %add3A_282 : vector<16xi32>
    %select_n3A_284 = arith.select %lt3A_280, %add3A_283, %xor3A_277 : vector<16xi1>, vector<16xi32>
    %broadcast_in_dim3A_285 = vector.shape_cast %select_n3A_284 : vector<16xi32> to vector<16x1xi32>
    %gather3A_286 = vector.shape_cast %broadcast_in_dim3A_285 : vector<16x1xi32> to vector<16xi32>
    %gather3A_287 = tpu.dynamic_gather %or3A_274[%gather3A_286] in [0] : vector<16xi32>, vector<16xi32> -> vector<16xi32>
    %or3A_288 = arith.ori %or3A_274, %gather3A_287 : vector<16xi32>
    %xor3A_289 = arith.constant 1 : i32
    %xor3A_290 = vector.broadcast %xor3A_289 : i32 to vector<16xi32>
    %xor3A_291 = arith.xori %iota3A, %xor3A_290 : vector<16xi32>
    %lt3A_292 = arith.constant 0 : i32
    %lt3A_293 = vector.broadcast %lt3A_292 : i32 to vector<16xi32>
    %lt3A_294 = arith.cmpi slt, %xor3A_291, %lt3A_293 : vector<16xi32>
    %add3A_295 = arith.constant 16 : i32
    %add3A_296 = vector.broadcast %add3A_295 : i32 to vector<16xi32>
    %add3A_297 = arith.addi %xor3A_291, %add3A_296 : vector<16xi32>
    %select_n3A_298 = arith.select %lt3A_294, %add3A_297, %xor3A_291 : vector<16xi1>, vector<16xi32>
    %broadcast_in_dim3A_299 = vector.shape_cast %select_n3A_298 : vector<16xi32> to vector<16x1xi32>
    %gather3A_300 = vector.shape_cast %broadcast_in_dim3A_299 : vector<16x1xi32> to vector<16xi32>
    %gather3A_301 = tpu.dynamic_gather %or3A_288[%gather3A_300] in [0] : vector<16xi32>, vector<16xi32> -> vector<16xi32>
    %or3A_302 = arith.ori %or3A_288, %gather3A_301 : vector<16xi32>
    %shift_right_arithmetic3A_303 = arith.shrsi %or3A_302, %iota3A : vector<16xi32>
    %and3A_304 = arith.constant 1 : i32
    %and3A_305 = vector.broadcast %and3A_304 : i32 to vector<16xi32>
    %and3A_306 = arith.andi %shift_right_arithmetic3A_303, %and3A_305 : vector<16xi32>
    %eq3A_307 = arith.constant 3 : i32
    %eq3A_308 = vector.broadcast %eq3A_307 : i32 to vector<16xi32>
    %eq3A_309 = arith.cmpi eq, %iota3A, %eq3A_308 : vector<16xi32>
    %jit3A_310 = arith.constant 0 : i32
    %broadcast_in_dim3A_311 = vector.broadcast %jit3A_310 : i32 to vector<16xi32>
    %select_n3A_312 = arith.select %eq3A_309, %broadcast_in_dim3A_311, %and3A_306 : vector<16xi1>, vector<16xi32>
    %swap3A_313 = arith.constant 3 : i32
    %swap3A_314 = arith.index_cast %swap3A_313 : i32 to index
    %swap3A_315 = arith.constant 0 : index
    %swap3A_316 = tpu.vector_load %arg5[%swap3A_314, %swap3A_315] {strides = array<i32>} : memref<16x16xi32, #tpu.memory_space<vmem>>, vector<1x16xi32>,
    %swap3A_317 = vector.shape_cast %swap3A_316 : vector<1x16xi32> to vector<16xi32>
    %swap3A_318 = vector.shape_cast %select_n3A_312 : vector<16xi32> to vector<1x16xi32>
    tpu.vector_store %arg5[%swap3A_314, %swap3A_315], %swap3A_318 {strides = array<i32>} : memref<16x16xi32, #tpu.memory_space<vmem>>, vector<1x16xi32>,
    %xor3A_319 = arith.constant 8 : i32
    %xor3A_320 = vector.broadcast %xor3A_319 : i32 to vector<16xi32>
    %xor3A_321 = arith.xori %iota3A, %xor3A_320 : vector<16xi32>
    %lt3A_322 = arith.constant 0 : i32
    %lt3A_323 = vector.broadcast %lt3A_322 : i32 to vector<16xi32>
    %lt3A_324 = arith.cmpi slt, %xor3A_321, %lt3A_323 : vector<16xi32>
    %add3A_325 = arith.constant 16 : i32
    %add3A_326 = vector.broadcast %add3A_325 : i32 to vector<16xi32>
    %add3A_327 = arith.addi %xor3A_321, %add3A_326 : vector<16xi32>
    %select_n3A_328 = arith.select %lt3A_324, %add3A_327, %xor3A_321 : vector<16xi1>, vector<16xi32>
    %broadcast_in_dim3A_329 = vector.shape_cast %select_n3A_328 : vector<16xi32> to vector<16x1xi32>
    %gather3A_330 = vector.shape_cast %broadcast_in_dim3A_329 : vector<16x1xi32> to vector<16xi32>
    %gather3A_331 = tpu.dynamic_gather %scan3A_39#4[%gather3A_330] in [0] : vector<16xi32>, vector<16xi32> -> vector<16xi32>
    %or3A_332 = arith.ori %scan3A_39#4, %gather3A_331 : vector<16xi32>
    %xor3A_333 = arith.constant 4 : i32
    %xor3A_334 = vector.broadcast %xor3A_333 : i32 to vector<16xi32>
    %xor3A_335 = arith.xori %iota3A, %xor3A_334 : vector<16xi32>
    %lt3A_336 = arith.constant 0 : i32
    %lt3A_337 = vector.broadcast %lt3A_336 : i32 to vector<16xi32>
    %lt3A_338 = arith.cmpi slt, %xor3A_335, %lt3A_337 : vector<16xi32>
    %add3A_339 = arith.constant 16 : i32
    %add3A_340 = vector.broadcast %add3A_339 : i32 to vector<16xi32>
    %add3A_341 = arith.addi %xor3A_335, %add3A_340 : vector<16xi32>
    %select_n3A_342 = arith.select %lt3A_338, %add3A_341, %xor3A_335 : vector<16xi1>, vector<16xi32>
    %broadcast_in_dim3A_343 = vector.shape_cast %select_n3A_342 : vector<16xi32> to vector<16x1xi32>
    %gather3A_344 = vector.shape_cast %broadcast_in_dim3A_343 : vector<16x1xi32> to vector<16xi32>
    %gather3A_345 = tpu.dynamic_gather %or3A_332[%gather3A_344] in [0] : vector<16xi32>, vector<16xi32> -> vector<16xi32>
    %or3A_346 = arith.ori %or3A_332, %gather3A_345 : vector<16xi32>
    %xor3A_347 = arith.constant 2 : i32
    %xor3A_348 = vector.broadcast %xor3A_347 : i32 to vector<16xi32>
    %xor3A_349 = arith.xori %iota3A, %xor3A_348 : vector<16xi32>
    %lt3A_350 = arith.constant 0 : i32
    %lt3A_351 = vector.broadcast %lt3A_350 : i32 to vector<16xi32>
    %lt3A_352 = arith.cmpi slt, %xor3A_349, %lt3A_351 : vector<16xi32>
    %add3A_353 = arith.constant 16 : i32
    %add3A_354 = vector.broadcast %add3A_353 : i32 to vector<16xi32>
    %add3A_355 = arith.addi %xor3A_349, %add3A_354 : vector<16xi32>
    %select_n3A_356 = arith.select %lt3A_352, %add3A_355, %xor3A_349 : vector<16xi1>, vector<16xi32>
    %broadcast_in_dim3A_357 = vector.shape_cast %select_n3A_356 : vector<16xi32> to vector<16x1xi32>
    %gather3A_358 = vector.shape_cast %broadcast_in_dim3A_357 : vector<16x1xi32> to vector<16xi32>
    %gather3A_359 = tpu.dynamic_gather %or3A_346[%gather3A_358] in [0] : vector<16xi32>, vector<16xi32> -> vector<16xi32>
    %or3A_360 = arith.ori %or3A_346, %gather3A_359 : vector<16xi32>
    %xor3A_361 = arith.constant 1 : i32
    %xor3A_362 = vector.broadcast %xor3A_361 : i32 to vector<16xi32>
    %xor3A_363 = arith.xori %iota3A, %xor3A_362 : vector<16xi32>
    %lt3A_364 = arith.constant 0 : i32
    %lt3A_365 = vector.broadcast %lt3A_364 : i32 to vector<16xi32>
    %lt3A_366 = arith.cmpi slt, %xor3A_363, %lt3A_365 : vector<16xi32>
    %add3A_367 = arith.constant 16 : i32
    %add3A_368 = vector.broadcast %add3A_367 : i32 to vector<16xi32>
    %add3A_369 = arith.addi %xor3A_363, %add3A_368 : vector<16xi32>
    %select_n3A_370 = arith.select %lt3A_366, %add3A_369, %xor3A_363 : vector<16xi1>, vector<16xi32>
    %broadcast_in_dim3A_371 = vector.shape_cast %select_n3A_370 : vector<16xi32> to vector<16x1xi32>
    %gather3A_372 = vector.shape_cast %broadcast_in_dim3A_371 : vector<16x1xi32> to vector<16xi32>
    %gather3A_373 = tpu.dynamic_gather %or3A_360[%gather3A_372] in [0] : vector<16xi32>, vector<16xi32> -> vector<16xi32>
    %or3A_374 = arith.ori %or3A_360, %gather3A_373 : vector<16xi32>
    %shift_right_arithmetic3A_375 = arith.shrsi %or3A_374, %iota3A : vector<16xi32>
    %and3A_376 = arith.constant 1 : i32
    %and3A_377 = vector.broadcast %and3A_376 : i32 to vector<16xi32>
    %and3A_378 = arith.andi %shift_right_arithmetic3A_375, %and3A_377 : vector<16xi32>
    %eq3A_379 = arith.constant 4 : i32
    %eq3A_380 = vector.broadcast %eq3A_379 : i32 to vector<16xi32>
    %eq3A_381 = arith.cmpi eq, %iota3A, %eq3A_380 : vector<16xi32>
    %jit3A_382 = arith.constant 0 : i32
    %broadcast_in_dim3A_383 = vector.broadcast %jit3A_382 : i32 to vector<16xi32>
    %select_n3A_384 = arith.select %eq3A_381, %broadcast_in_dim3A_383, %and3A_378 : vector<16xi1>, vector<16xi32>
    %swap3A_385 = arith.constant 4 : i32
    %swap3A_386 = arith.index_cast %swap3A_385 : i32 to index
    %swap3A_387 = arith.constant 0 : index
    %swap3A_388 = tpu.vector_load %arg5[%swap3A_386, %swap3A_387] {strides = array<i32>} : memref<16x16xi32, #tpu.memory_space<vmem>>, vector<1x16xi32>,
    %swap3A_389 = vector.shape_cast %swap3A_388 : vector<1x16xi32> to vector<16xi32>
    %swap3A_390 = vector.shape_cast %select_n3A_384 : vector<16xi32> to vector<1x16xi32>
    tpu.vector_store %arg5[%swap3A_386, %swap3A_387], %swap3A_390 {strides = array<i32>} : memref<16x16xi32, #tpu.memory_space<vmem>>, vector<1x16xi32>,
    %xor3A_391 = arith.constant 8 : i32
    %xor3A_392 = vector.broadcast %xor3A_391 : i32 to vector<16xi32>
    %xor3A_393 = arith.xori %iota3A, %xor3A_392 : vector<16xi32>
    %lt3A_394 = arith.constant 0 : i32
    %lt3A_395 = vector.broadcast %lt3A_394 : i32 to vector<16xi32>
    %lt3A_396 = arith.cmpi slt, %xor3A_393, %lt3A_395 : vector<16xi32>
    %add3A_397 = arith.constant 16 : i32
    %add3A_398 = vector.broadcast %add3A_397 : i32 to vector<16xi32>
    %add3A_399 = arith.addi %xor3A_393, %add3A_398 : vector<16xi32>
    %select_n3A_400 = arith.select %lt3A_396, %add3A_399, %xor3A_393 : vector<16xi1>, vector<16xi32>
    %broadcast_in_dim3A_401 = vector.shape_cast %select_n3A_400 : vector<16xi32> to vector<16x1xi32>
    %gather3A_402 = vector.shape_cast %broadcast_in_dim3A_401 : vector<16x1xi32> to vector<16xi32>
    %gather3A_403 = tpu.dynamic_gather %scan3A_39#5[%gather3A_402] in [0] : vector<16xi32>, vector<16xi32> -> vector<16xi32>
    %or3A_404 = arith.ori %scan3A_39#5, %gather3A_403 : vector<16xi32>
    %xor3A_405 = arith.constant 4 : i32
    %xor3A_406 = vector.broadcast %xor3A_405 : i32 to vector<16xi32>
    %xor3A_407 = arith.xori %iota3A, %xor3A_406 : vector<16xi32>
    %lt3A_408 = arith.constant 0 : i32
    %lt3A_409 = vector.broadcast %lt3A_408 : i32 to vector<16xi32>
    %lt3A_410 = arith.cmpi slt, %xor3A_407, %lt3A_409 : vector<16xi32>
    %add3A_411 = arith.constant 16 : i32
    %add3A_412 = vector.broadcast %add3A_411 : i32 to vector<16xi32>
    %add3A_413 = arith.addi %xor3A_407, %add3A_412 : vector<16xi32>
    %select_n3A_414 = arith.select %lt3A_410, %add3A_413, %xor3A_407 : vector<16xi1>, vector<16xi32>
    %broadcast_in_dim3A_415 = vector.shape_cast %select_n3A_414 : vector<16xi32> to vector<16x1xi32>
    %gather3A_416 = vector.shape_cast %broadcast_in_dim3A_415 : vector<16x1xi32> to vector<16xi32>
    %gather3A_417 = tpu.dynamic_gather %or3A_404[%gather3A_416] in [0] : vector<16xi32>, vector<16xi32> -> vector<16xi32>
    %or3A_418 = arith.ori %or3A_404, %gather3A_417 : vector<16xi32>
    %xor3A_419 = arith.constant 2 : i32
    %xor3A_420 = vector.broadcast %xor3A_419 : i32 to vector<16xi32>
    %xor3A_421 = arith.xori %iota3A, %xor3A_420 : vector<16xi32>
    %lt3A_422 = arith.constant 0 : i32
    %lt3A_423 = vector.broadcast %lt3A_422 : i32 to vector<16xi32>
    %lt3A_424 = arith.cmpi slt, %xor3A_421, %lt3A_423 : vector<16xi32>
    %add3A_425 = arith.constant 16 : i32
    %add3A_426 = vector.broadcast %add3A_425 : i32 to vector<16xi32>
    %add3A_427 = arith.addi %xor3A_421, %add3A_426 : vector<16xi32>
    %select_n3A_428 = arith.select %lt3A_424, %add3A_427, %xor3A_421 : vector<16xi1>, vector<16xi32>
    %broadcast_in_dim3A_429 = vector.shape_cast %select_n3A_428 : vector<16xi32> to vector<16x1xi32>
    %gather3A_430 = vector.shape_cast %broadcast_in_dim3A_429 : vector<16x1xi32> to vector<16xi32>
    %gather3A_431 = tpu.dynamic_gather %or3A_418[%gather3A_430] in [0] : vector<16xi32>, vector<16xi32> -> vector<16xi32>
    %or3A_432 = arith.ori %or3A_418, %gather3A_431 : vector<16xi32>
    %xor3A_433 = arith.constant 1 : i32
    %xor3A_434 = vector.broadcast %xor3A_433 : i32 to vector<16xi32>
    %xor3A_435 = arith.xori %iota3A, %xor3A_434 : vector<16xi32>
    %lt3A_436 = arith.constant 0 : i32
    %lt3A_437 = vector.broadcast %lt3A_436 : i32 to vector<16xi32>
    %lt3A_438 = arith.cmpi slt, %xor3A_435, %lt3A_437 : vector<16xi32>
    %add3A_439 = arith.constant 16 : i32
    %add3A_440 = vector.broadcast %add3A_439 : i32 to vector<16xi32>
    %add3A_441 = arith.addi %xor3A_435, %add3A_440 : vector<16xi32>
    %select_n3A_442 = arith.select %lt3A_438, %add3A_441, %xor3A_435 : vector<16xi1>, vector<16xi32>
    %broadcast_in_dim3A_443 = vector.shape_cast %select_n3A_442 : vector<16xi32> to vector<16x1xi32>
    %gather3A_444 = vector.shape_cast %broadcast_in_dim3A_443 : vector<16x1xi32> to vector<16xi32>
    %gather3A_445 = tpu.dynamic_gather %or3A_432[%gather3A_444] in [0] : vector<16xi32>, vector<16xi32> -> vector<16xi32>
    %or3A_446 = arith.ori %or3A_432, %gather3A_445 : vector<16xi32>
    %shift_right_arithmetic3A_447 = arith.shrsi %or3A_446, %iota3A : vector<16xi32>
    %and3A_448 = arith.constant 1 : i32
    %and3A_449 = vector.broadcast %and3A_448 : i32 to vector<16xi32>
    %and3A_450 = arith.andi %shift_right_arithmetic3A_447, %and3A_449 : vector<16xi32>
    %eq3A_451 = arith.constant 5 : i32
    %eq3A_452 = vector.broadcast %eq3A_451 : i32 to vector<16xi32>
    %eq3A_453 = arith.cmpi eq, %iota3A, %eq3A_452 : vector<16xi32>
    %jit3A_454 = arith.constant 0 : i32
    %broadcast_in_dim3A_455 = vector.broadcast %jit3A_454 : i32 to vector<16xi32>
    %select_n3A_456 = arith.select %eq3A_453, %broadcast_in_dim3A_455, %and3A_450 : vector<16xi1>, vector<16xi32>
    %swap3A_457 = arith.constant 5 : i32
    %swap3A_458 = arith.index_cast %swap3A_457 : i32 to index
    %swap3A_459 = arith.constant 0 : index
    %swap3A_460 = tpu.vector_load %arg5[%swap3A_458, %swap3A_459] {strides = array<i32>} : memref<16x16xi32, #tpu.memory_space<vmem>>, vector<1x16xi32>,
    %swap3A_461 = vector.shape_cast %swap3A_460 : vector<1x16xi32> to vector<16xi32>
    %swap3A_462 = vector.shape_cast %select_n3A_456 : vector<16xi32> to vector<1x16xi32>
    tpu.vector_store %arg5[%swap3A_458, %swap3A_459], %swap3A_462 {strides = array<i32>} : memref<16x16xi32, #tpu.memory_space<vmem>>, vector<1x16xi32>,
    %xor3A_463 = arith.constant 8 : i32
    %xor3A_464 = vector.broadcast %xor3A_463 : i32 to vector<16xi32>
    %xor3A_465 = arith.xori %iota3A, %xor3A_464 : vector<16xi32>
    %lt3A_466 = arith.constant 0 : i32
    %lt3A_467 = vector.broadcast %lt3A_466 : i32 to vector<16xi32>
    %lt3A_468 = arith.cmpi slt, %xor3A_465, %lt3A_467 : vector<16xi32>
    %add3A_469 = arith.constant 16 : i32
    %add3A_470 = vector.broadcast %add3A_469 : i32 to vector<16xi32>
    %add3A_471 = arith.addi %xor3A_465, %add3A_470 : vector<16xi32>
    %select_n3A_472 = arith.select %lt3A_468, %add3A_471, %xor3A_465 : vector<16xi1>, vector<16xi32>
    %broadcast_in_dim3A_473 = vector.shape_cast %select_n3A_472 : vector<16xi32> to vector<16x1xi32>
    %gather3A_474 = vector.shape_cast %broadcast_in_dim3A_473 : vector<16x1xi32> to vector<16xi32>
    %gather3A_475 = tpu.dynamic_gather %scan3A_39#6[%gather3A_474] in [0] : vector<16xi32>, vector<16xi32> -> vector<16xi32>
    %or3A_476 = arith.ori %scan3A_39#6, %gather3A_475 : vector<16xi32>
    %xor3A_477 = arith.constant 4 : i32
    %xor3A_478 = vector.broadcast %xor3A_477 : i32 to vector<16xi32>
    %xor3A_479 = arith.xori %iota3A, %xor3A_478 : vector<16xi32>
    %lt3A_480 = arith.constant 0 : i32
    %lt3A_481 = vector.broadcast %lt3A_480 : i32 to vector<16xi32>
    %lt3A_482 = arith.cmpi slt, %xor3A_479, %lt3A_481 : vector<16xi32>
    %add3A_483 = arith.constant 16 : i32
    %add3A_484 = vector.broadcast %add3A_483 : i32 to vector<16xi32>
    %add3A_485 = arith.addi %xor3A_479, %add3A_484 : vector<16xi32>
    %select_n3A_486 = arith.select %lt3A_482, %add3A_485, %xor3A_479 : vector<16xi1>, vector<16xi32>
    %broadcast_in_dim3A_487 = vector.shape_cast %select_n3A_486 : vector<16xi32> to vector<16x1xi32>
    %gather3A_488 = vector.shape_cast %broadcast_in_dim3A_487 : vector<16x1xi32> to vector<16xi32>
    %gather3A_489 = tpu.dynamic_gather %or3A_476[%gather3A_488] in [0] : vector<16xi32>, vector<16xi32> -> vector<16xi32>
    %or3A_490 = arith.ori %or3A_476, %gather3A_489 : vector<16xi32>
    %xor3A_491 = arith.constant 2 : i32
    %xor3A_492 = vector.broadcast %xor3A_491 : i32 to vector<16xi32>
    %xor3A_493 = arith.xori %iota3A, %xor3A_492 : vector<16xi32>
    %lt3A_494 = arith.constant 0 : i32
    %lt3A_495 = vector.broadcast %lt3A_494 : i32 to vector<16xi32>
    %lt3A_496 = arith.cmpi slt, %xor3A_493, %lt3A_495 : vector<16xi32>
    %add3A_497 = arith.constant 16 : i32
    %add3A_498 = vector.broadcast %add3A_497 : i32 to vector<16xi32>
    %add3A_499 = arith.addi %xor3A_493, %add3A_498 : vector<16xi32>
    %select_n3A_500 = arith.select %lt3A_496, %add3A_499, %xor3A_493 : vector<16xi1>, vector<16xi32>
    %broadcast_in_dim3A_501 = vector.shape_cast %select_n3A_500 : vector<16xi32> to vector<16x1xi32>
    %gather3A_502 = vector.shape_cast %broadcast_in_dim3A_501 : vector<16x1xi32> to vector<16xi32>
    %gather3A_503 = tpu.dynamic_gather %or3A_490[%gather3A_502] in [0] : vector<16xi32>, vector<16xi32> -> vector<16xi32>
    %or3A_504 = arith.ori %or3A_490, %gather3A_503 : vector<16xi32>
    %xor3A_505 = arith.constant 1 : i32
    %xor3A_506 = vector.broadcast %xor3A_505 : i32 to vector<16xi32>
    %xor3A_507 = arith.xori %iota3A, %xor3A_506 : vector<16xi32>
    %lt3A_508 = arith.constant 0 : i32
    %lt3A_509 = vector.broadcast %lt3A_508 : i32 to vector<16xi32>
    %lt3A_510 = arith.cmpi slt, %xor3A_507, %lt3A_509 : vector<16xi32>
    %add3A_511 = arith.constant 16 : i32
    %add3A_512 = vector.broadcast %add3A_511 : i32 to vector<16xi32>
    %add3A_513 = arith.addi %xor3A_507, %add3A_512 : vector<16xi32>
    %select_n3A_514 = arith.select %lt3A_510, %add3A_513, %xor3A_507 : vector<16xi1>, vector<16xi32>
    %broadcast_in_dim3A_515 = vector.shape_cast %select_n3A_514 : vector<16xi32> to vector<16x1xi32>
    %gather3A_516 = vector.shape_cast %broadcast_in_dim3A_515 : vector<16x1xi32> to vector<16xi32>
    %gather3A_517 = tpu.dynamic_gather %or3A_504[%gather3A_516] in [0] : vector<16xi32>, vector<16xi32> -> vector<16xi32>
    %or3A_518 = arith.ori %or3A_504, %gather3A_517 : vector<16xi32>
    %shift_right_arithmetic3A_519 = arith.shrsi %or3A_518, %iota3A : vector<16xi32>
    %and3A_520 = arith.constant 1 : i32
    %and3A_521 = vector.broadcast %and3A_520 : i32 to vector<16xi32>
    %and3A_522 = arith.andi %shift_right_arithmetic3A_519, %and3A_521 : vector<16xi32>
    %eq3A_523 = arith.constant 6 : i32
    %eq3A_524 = vector.broadcast %eq3A_523 : i32 to vector<16xi32>
    %eq3A_525 = arith.cmpi eq, %iota3A, %eq3A_524 : vector<16xi32>
    %jit3A_526 = arith.constant 0 : i32
    %broadcast_in_dim3A_527 = vector.broadcast %jit3A_526 : i32 to vector<16xi32>
    %select_n3A_528 = arith.select %eq3A_525, %broadcast_in_dim3A_527, %and3A_522 : vector<16xi1>, vector<16xi32>
    %swap3A_529 = arith.constant 6 : i32
    %swap3A_530 = arith.index_cast %swap3A_529 : i32 to index
    %swap3A_531 = arith.constant 0 : index
    %swap3A_532 = tpu.vector_load %arg5[%swap3A_530, %swap3A_531] {strides = array<i32>} : memref<16x16xi32, #tpu.memory_space<vmem>>, vector<1x16xi32>,
    %swap3A_533 = vector.shape_cast %swap3A_532 : vector<1x16xi32> to vector<16xi32>
    %swap3A_534 = vector.shape_cast %select_n3A_528 : vector<16xi32> to vector<1x16xi32>
    tpu.vector_store %arg5[%swap3A_530, %swap3A_531], %swap3A_534 {strides = array<i32>} : memref<16x16xi32, #tpu.memory_space<vmem>>, vector<1x16xi32>,
    %xor3A_535 = arith.constant 8 : i32
    %xor3A_536 = vector.broadcast %xor3A_535 : i32 to vector<16xi32>
    %xor3A_537 = arith.xori %iota3A, %xor3A_536 : vector<16xi32>
    %lt3A_538 = arith.constant 0 : i32
    %lt3A_539 = vector.broadcast %lt3A_538 : i32 to vector<16xi32>
    %lt3A_540 = arith.cmpi slt, %xor3A_537, %lt3A_539 : vector<16xi32>
    %add3A_541 = arith.constant 16 : i32
    %add3A_542 = vector.broadcast %add3A_541 : i32 to vector<16xi32>
    %add3A_543 = arith.addi %xor3A_537, %add3A_542 : vector<16xi32>
    %select_n3A_544 = arith.select %lt3A_540, %add3A_543, %xor3A_537 : vector<16xi1>, vector<16xi32>
    %broadcast_in_dim3A_545 = vector.shape_cast %select_n3A_544 : vector<16xi32> to vector<16x1xi32>
    %gather3A_546 = vector.shape_cast %broadcast_in_dim3A_545 : vector<16x1xi32> to vector<16xi32>
    %gather3A_547 = tpu.dynamic_gather %scan3A_39#7[%gather3A_546] in [0] : vector<16xi32>, vector<16xi32> -> vector<16xi32>
    %or3A_548 = arith.ori %scan3A_39#7, %gather3A_547 : vector<16xi32>
    %xor3A_549 = arith.constant 4 : i32
    %xor3A_550 = vector.broadcast %xor3A_549 : i32 to vector<16xi32>
    %xor3A_551 = arith.xori %iota3A, %xor3A_550 : vector<16xi32>
    %lt3A_552 = arith.constant 0 : i32
    %lt3A_553 = vector.broadcast %lt3A_552 : i32 to vector<16xi32>
    %lt3A_554 = arith.cmpi slt, %xor3A_551, %lt3A_553 : vector<16xi32>
    %add3A_555 = arith.constant 16 : i32
    %add3A_556 = vector.broadcast %add3A_555 : i32 to vector<16xi32>
    %add3A_557 = arith.addi %xor3A_551, %add3A_556 : vector<16xi32>
    %select_n3A_558 = arith.select %lt3A_554, %add3A_557, %xor3A_551 : vector<16xi1>, vector<16xi32>
    %broadcast_in_dim3A_559 = vector.shape_cast %select_n3A_558 : vector<16xi32> to vector<16x1xi32>
    %gather3A_560 = vector.shape_cast %broadcast_in_dim3A_559 : vector<16x1xi32> to vector<16xi32>
    %gather3A_561 = tpu.dynamic_gather %or3A_548[%gather3A_560] in [0] : vector<16xi32>, vector<16xi32> -> vector<16xi32>
    %or3A_562 = arith.ori %or3A_548, %gather3A_561 : vector<16xi32>
    %xor3A_563 = arith.constant 2 : i32
    %xor3A_564 = vector.broadcast %xor3A_563 : i32 to vector<16xi32>
    %xor3A_565 = arith.xori %iota3A, %xor3A_564 : vector<16xi32>
    %lt3A_566 = arith.constant 0 : i32
    %lt3A_567 = vector.broadcast %lt3A_566 : i32 to vector<16xi32>
    %lt3A_568 = arith.cmpi slt, %xor3A_565, %lt3A_567 : vector<16xi32>
    %add3A_569 = arith.constant 16 : i32
    %add3A_570 = vector.broadcast %add3A_569 : i32 to vector<16xi32>
    %add3A_571 = arith.addi %xor3A_565, %add3A_570 : vector<16xi32>
    %select_n3A_572 = arith.select %lt3A_568, %add3A_571, %xor3A_565 : vector<16xi1>, vector<16xi32>
    %broadcast_in_dim3A_573 = vector.shape_cast %select_n3A_572 : vector<16xi32> to vector<16x1xi32>
    %gather3A_574 = vector.shape_cast %broadcast_in_dim3A_573 : vector<16x1xi32> to vector<16xi32>
    %gather3A_575 = tpu.dynamic_gather %or3A_562[%gather3A_574] in [0] : vector<16xi32>, vector<16xi32> -> vector<16xi32>
    %or3A_576 = arith.ori %or3A_562, %gather3A_575 : vector<16xi32>
    %xor3A_577 = arith.constant 1 : i32
    %xor3A_578 = vector.broadcast %xor3A_577 : i32 to vector<16xi32>
    %xor3A_579 = arith.xori %iota3A, %xor3A_578 : vector<16xi32>
    %lt3A_580 = arith.constant 0 : i32
    %lt3A_581 = vector.broadcast %lt3A_580 : i32 to vector<16xi32>
    %lt3A_582 = arith.cmpi slt, %xor3A_579, %lt3A_581 : vector<16xi32>
    %add3A_583 = arith.constant 16 : i32
    %add3A_584 = vector.broadcast %add3A_583 : i32 to vector<16xi32>
    %add3A_585 = arith.addi %xor3A_579, %add3A_584 : vector<16xi32>
    %select_n3A_586 = arith.select %lt3A_582, %add3A_585, %xor3A_579 : vector<16xi1>, vector<16xi32>
    %broadcast_in_dim3A_587 = vector.shape_cast %select_n3A_586 : vector<16xi32> to vector<16x1xi32>
    %gather3A_588 = vector.shape_cast %broadcast_in_dim3A_587 : vector<16x1xi32> to vector<16xi32>
    %gather3A_589 = tpu.dynamic_gather %or3A_576[%gather3A_588] in [0] : vector<16xi32>, vector<16xi32> -> vector<16xi32>
    %or3A_590 = arith.ori %or3A_576, %gather3A_589 : vector<16xi32>
    %shift_right_arithmetic3A_591 = arith.shrsi %or3A_590, %iota3A : vector<16xi32>
    %and3A_592 = arith.constant 1 : i32
    %and3A_593 = vector.broadcast %and3A_592 : i32 to vector<16xi32>
    %and3A_594 = arith.andi %shift_right_arithmetic3A_591, %and3A_593 : vector<16xi32>
    %eq3A_595 = arith.constant 7 : i32
    %eq3A_596 = vector.broadcast %eq3A_595 : i32 to vector<16xi32>
    %eq3A_597 = arith.cmpi eq, %iota3A, %eq3A_596 : vector<16xi32>
    %jit3A_598 = arith.constant 0 : i32
    %broadcast_in_dim3A_599 = vector.broadcast %jit3A_598 : i32 to vector<16xi32>
    %select_n3A_600 = arith.select %eq3A_597, %broadcast_in_dim3A_599, %and3A_594 : vector<16xi1>, vector<16xi32>
    %swap3A_601 = arith.constant 7 : i32
    %swap3A_602 = arith.index_cast %swap3A_601 : i32 to index
    %swap3A_603 = arith.constant 0 : index
    %swap3A_604 = tpu.vector_load %arg5[%swap3A_602, %swap3A_603] {strides = array<i32>} : memref<16x16xi32, #tpu.memory_space<vmem>>, vector<1x16xi32>,
    %swap3A_605 = vector.shape_cast %swap3A_604 : vector<1x16xi32> to vector<16xi32>
    %swap3A_606 = vector.shape_cast %select_n3A_600 : vector<16xi32> to vector<1x16xi32>
    tpu.vector_store %arg5[%swap3A_602, %swap3A_603], %swap3A_606 {strides = array<i32>} : memref<16x16xi32, #tpu.memory_space<vmem>>, vector<1x16xi32>,
    %xor3A_607 = arith.constant 8 : i32
    %xor3A_608 = vector.broadcast %xor3A_607 : i32 to vector<16xi32>
    %xor3A_609 = arith.xori %iota3A, %xor3A_608 : vector<16xi32>
    %lt3A_610 = arith.constant 0 : i32
    %lt3A_611 = vector.broadcast %lt3A_610 : i32 to vector<16xi32>
    %lt3A_612 = arith.cmpi slt, %xor3A_609, %lt3A_611 : vector<16xi32>
    %add3A_613 = arith.constant 16 : i32
    %add3A_614 = vector.broadcast %add3A_613 : i32 to vector<16xi32>
    %add3A_615 = arith.addi %xor3A_609, %add3A_614 : vector<16xi32>
    %select_n3A_616 = arith.select %lt3A_612, %add3A_615, %xor3A_609 : vector<16xi1>, vector<16xi32>
    %broadcast_in_dim3A_617 = vector.shape_cast %select_n3A_616 : vector<16xi32> to vector<16x1xi32>
    %gather3A_618 = vector.shape_cast %broadcast_in_dim3A_617 : vector<16x1xi32> to vector<16xi32>
    %gather3A_619 = tpu.dynamic_gather %scan3A_39#8[%gather3A_618] in [0] : vector<16xi32>, vector<16xi32> -> vector<16xi32>
    %or3A_620 = arith.ori %scan3A_39#8, %gather3A_619 : vector<16xi32>
    %xor3A_621 = arith.constant 4 : i32
    %xor3A_622 = vector.broadcast %xor3A_621 : i32 to vector<16xi32>
    %xor3A_623 = arith.xori %iota3A, %xor3A_622 : vector<16xi32>
    %lt3A_624 = arith.constant 0 : i32
    %lt3A_625 = vector.broadcast %lt3A_624 : i32 to vector<16xi32>
    %lt3A_626 = arith.cmpi slt, %xor3A_623, %lt3A_625 : vector<16xi32>
    %add3A_627 = arith.constant 16 : i32
    %add3A_628 = vector.broadcast %add3A_627 : i32 to vector<16xi32>
    %add3A_629 = arith.addi %xor3A_623, %add3A_628 : vector<16xi32>
    %select_n3A_630 = arith.select %lt3A_626, %add3A_629, %xor3A_623 : vector<16xi1>, vector<16xi32>
    %broadcast_in_dim3A_631 = vector.shape_cast %select_n3A_630 : vector<16xi32> to vector<16x1xi32>
    %gather3A_632 = vector.shape_cast %broadcast_in_dim3A_631 : vector<16x1xi32> to vector<16xi32>
    %gather3A_633 = tpu.dynamic_gather %or3A_620[%gather3A_632] in [0] : vector<16xi32>, vector<16xi32> -> vector<16xi32>
    %or3A_634 = arith.ori %or3A_620, %gather3A_633 : vector<16xi32>
    %xor3A_635 = arith.constant 2 : i32
    %xor3A_636 = vector.broadcast %xor3A_635 : i32 to vector<16xi32>
    %xor3A_637 = arith.xori %iota3A, %xor3A_636 : vector<16xi32>
    %lt3A_638 = arith.constant 0 : i32
    %lt3A_639 = vector.broadcast %lt3A_638 : i32 to vector<16xi32>
    %lt3A_640 = arith.cmpi slt, %xor3A_637, %lt3A_639 : vector<16xi32>
    %add3A_641 = arith.constant 16 : i32
    %add3A_642 = vector.broadcast %add3A_641 : i32 to vector<16xi32>
    %add3A_643 = arith.addi %xor3A_637, %add3A_642 : vector<16xi32>
    %select_n3A_644 = arith.select %lt3A_640, %add3A_643, %xor3A_637 : vector<16xi1>, vector<16xi32>
    %broadcast_in_dim3A_645 = vector.shape_cast %select_n3A_644 : vector<16xi32> to vector<16x1xi32>
    %gather3A_646 = vector.shape_cast %broadcast_in_dim3A_645 : vector<16x1xi32> to vector<16xi32>
    %gather3A_647 = tpu.dynamic_gather %or3A_634[%gather3A_646] in [0] : vector<16xi32>, vector<16xi32> -> vector<16xi32>
    %or3A_648 = arith.ori %or3A_634, %gather3A_647 : vector<16xi32>
    %xor3A_649 = arith.constant 1 : i32
    %xor3A_650 = vector.broadcast %xor3A_649 : i32 to vector<16xi32>
    %xor3A_651 = arith.xori %iota3A, %xor3A_650 : vector<16xi32>
    %lt3A_652 = arith.constant 0 : i32
    %lt3A_653 = vector.broadcast %lt3A_652 : i32 to vector<16xi32>
    %lt3A_654 = arith.cmpi slt, %xor3A_651, %lt3A_653 : vector<16xi32>
    %add3A_655 = arith.constant 16 : i32
    %add3A_656 = vector.broadcast %add3A_655 : i32 to vector<16xi32>
    %add3A_657 = arith.addi %xor3A_651, %add3A_656 : vector<16xi32>
    %select_n3A_658 = arith.select %lt3A_654, %add3A_657, %xor3A_651 : vector<16xi1>, vector<16xi32>
    %broadcast_in_dim3A_659 = vector.shape_cast %select_n3A_658 : vector<16xi32> to vector<16x1xi32>
    %gather3A_660 = vector.shape_cast %broadcast_in_dim3A_659 : vector<16x1xi32> to vector<16xi32>
    %gather3A_661 = tpu.dynamic_gather %or3A_648[%gather3A_660] in [0] : vector<16xi32>, vector<16xi32> -> vector<16xi32>
    %or3A_662 = arith.ori %or3A_648, %gather3A_661 : vector<16xi32>
    %shift_right_arithmetic3A_663 = arith.shrsi %or3A_662, %iota3A : vector<16xi32>
    %and3A_664 = arith.constant 1 : i32
    %and3A_665 = vector.broadcast %and3A_664 : i32 to vector<16xi32>
    %and3A_666 = arith.andi %shift_right_arithmetic3A_663, %and3A_665 : vector<16xi32>
    %eq3A_667 = arith.constant 8 : i32
    %eq3A_668 = vector.broadcast %eq3A_667 : i32 to vector<16xi32>
    %eq3A_669 = arith.cmpi eq, %iota3A, %eq3A_668 : vector<16xi32>
    %jit3A_670 = arith.constant 0 : i32
    %broadcast_in_dim3A_671 = vector.broadcast %jit3A_670 : i32 to vector<16xi32>
    %select_n3A_672 = arith.select %eq3A_669, %broadcast_in_dim3A_671, %and3A_666 : vector<16xi1>, vector<16xi32>
    %swap3A_673 = arith.constant 8 : i32
    %swap3A_674 = arith.index_cast %swap3A_673 : i32 to index
    %swap3A_675 = arith.constant 0 : index
    %swap3A_676 = tpu.vector_load %arg5[%swap3A_674, %swap3A_675] {strides = array<i32>} : memref<16x16xi32, #tpu.memory_space<vmem>>, vector<1x16xi32>,
    %swap3A_677 = vector.shape_cast %swap3A_676 : vector<1x16xi32> to vector<16xi32>
    %swap3A_678 = vector.shape_cast %select_n3A_672 : vector<16xi32> to vector<1x16xi32>
    tpu.vector_store %arg5[%swap3A_674, %swap3A_675], %swap3A_678 {strides = array<i32>} : memref<16x16xi32, #tpu.memory_space<vmem>>, vector<1x16xi32>,
    %xor3A_679 = arith.constant 8 : i32
    %xor3A_680 = vector.broadcast %xor3A_679 : i32 to vector<16xi32>
    %xor3A_681 = arith.xori %iota3A, %xor3A_680 : vector<16xi32>
    %lt3A_682 = arith.constant 0 : i32
    %lt3A_683 = vector.broadcast %lt3A_682 : i32 to vector<16xi32>
    %lt3A_684 = arith.cmpi slt, %xor3A_681, %lt3A_683 : vector<16xi32>
    %add3A_685 = arith.constant 16 : i32
    %add3A_686 = vector.broadcast %add3A_685 : i32 to vector<16xi32>
    %add3A_687 = arith.addi %xor3A_681, %add3A_686 : vector<16xi32>
    %select_n3A_688 = arith.select %lt3A_684, %add3A_687, %xor3A_681 : vector<16xi1>, vector<16xi32>
    %broadcast_in_dim3A_689 = vector.shape_cast %select_n3A_688 : vector<16xi32> to vector<16x1xi32>
    %gather3A_690 = vector.shape_cast %broadcast_in_dim3A_689 : vector<16x1xi32> to vector<16xi32>
    %gather3A_691 = tpu.dynamic_gather %scan3A_39#9[%gather3A_690] in [0] : vector<16xi32>, vector<16xi32> -> vector<16xi32>
    %or3A_692 = arith.ori %scan3A_39#9, %gather3A_691 : vector<16xi32>
    %xor3A_693 = arith.constant 4 : i32
    %xor3A_694 = vector.broadcast %xor3A_693 : i32 to vector<16xi32>
    %xor3A_695 = arith.xori %iota3A, %xor3A_694 : vector<16xi32>
    %lt3A_696 = arith.constant 0 : i32
    %lt3A_697 = vector.broadcast %lt3A_696 : i32 to vector<16xi32>
    %lt3A_698 = arith.cmpi slt, %xor3A_695, %lt3A_697 : vector<16xi32>
    %add3A_699 = arith.constant 16 : i32
    %add3A_700 = vector.broadcast %add3A_699 : i32 to vector<16xi32>
    %add3A_701 = arith.addi %xor3A_695, %add3A_700 : vector<16xi32>
    %select_n3A_702 = arith.select %lt3A_698, %add3A_701, %xor3A_695 : vector<16xi1>, vector<16xi32>
    %broadcast_in_dim3A_703 = vector.shape_cast %select_n3A_702 : vector<16xi32> to vector<16x1xi32>
    %gather3A_704 = vector.shape_cast %broadcast_in_dim3A_703 : vector<16x1xi32> to vector<16xi32>
    %gather3A_705 = tpu.dynamic_gather %or3A_692[%gather3A_704] in [0] : vector<16xi32>, vector<16xi32> -> vector<16xi32>
    %or3A_706 = arith.ori %or3A_692, %gather3A_705 : vector<16xi32>
    %xor3A_707 = arith.constant 2 : i32
    %xor3A_708 = vector.broadcast %xor3A_707 : i32 to vector<16xi32>
    %xor3A_709 = arith.xori %iota3A, %xor3A_708 : vector<16xi32>
    %lt3A_710 = arith.constant 0 : i32
    %lt3A_711 = vector.broadcast %lt3A_710 : i32 to vector<16xi32>
    %lt3A_712 = arith.cmpi slt, %xor3A_709, %lt3A_711 : vector<16xi32>
    %add3A_713 = arith.constant 16 : i32
    %add3A_714 = vector.broadcast %add3A_713 : i32 to vector<16xi32>
    %add3A_715 = arith.addi %xor3A_709, %add3A_714 : vector<16xi32>
    %select_n3A_716 = arith.select %lt3A_712, %add3A_715, %xor3A_709 : vector<16xi1>, vector<16xi32>
    %broadcast_in_dim3A_717 = vector.shape_cast %select_n3A_716 : vector<16xi32> to vector<16x1xi32>
    %gather3A_718 = vector.shape_cast %broadcast_in_dim3A_717 : vector<16x1xi32> to vector<16xi32>
    %gather3A_719 = tpu.dynamic_gather %or3A_706[%gather3A_718] in [0] : vector<16xi32>, vector<16xi32> -> vector<16xi32>
    %or3A_720 = arith.ori %or3A_706, %gather3A_719 : vector<16xi32>
    %xor3A_721 = arith.constant 1 : i32
    %xor3A_722 = vector.broadcast %xor3A_721 : i32 to vector<16xi32>
    %xor3A_723 = arith.xori %iota3A, %xor3A_722 : vector<16xi32>
    %lt3A_724 = arith.constant 0 : i32
    %lt3A_725 = vector.broadcast %lt3A_724 : i32 to vector<16xi32>
    %lt3A_726 = arith.cmpi slt, %xor3A_723, %lt3A_725 : vector<16xi32>
    %add3A_727 = arith.constant 16 : i32
    %add3A_728 = vector.broadcast %add3A_727 : i32 to vector<16xi32>
    %add3A_729 = arith.addi %xor3A_723, %add3A_728 : vector<16xi32>
    %select_n3A_730 = arith.select %lt3A_726, %add3A_729, %xor3A_723 : vector<16xi1>, vector<16xi32>
    %broadcast_in_dim3A_731 = vector.shape_cast %select_n3A_730 : vector<16xi32> to vector<16x1xi32>
    %gather3A_732 = vector.shape_cast %broadcast_in_dim3A_731 : vector<16x1xi32> to vector<16xi32>
    %gather3A_733 = tpu.dynamic_gather %or3A_720[%gather3A_732] in [0] : vector<16xi32>, vector<16xi32> -> vector<16xi32>
    %or3A_734 = arith.ori %or3A_720, %gather3A_733 : vector<16xi32>
    %shift_right_arithmetic3A_735 = arith.shrsi %or3A_734, %iota3A : vector<16xi32>
    %and3A_736 = arith.constant 1 : i32
    %and3A_737 = vector.broadcast %and3A_736 : i32 to vector<16xi32>
    %and3A_738 = arith.andi %shift_right_arithmetic3A_735, %and3A_737 : vector<16xi32>
    %eq3A_739 = arith.constant 9 : i32
    %eq3A_740 = vector.broadcast %eq3A_739 : i32 to vector<16xi32>
    %eq3A_741 = arith.cmpi eq, %iota3A, %eq3A_740 : vector<16xi32>
    %jit3A_742 = arith.constant 0 : i32
    %broadcast_in_dim3A_743 = vector.broadcast %jit3A_742 : i32 to vector<16xi32>
    %select_n3A_744 = arith.select %eq3A_741, %broadcast_in_dim3A_743, %and3A_738 : vector<16xi1>, vector<16xi32>
    %swap3A_745 = arith.constant 9 : i32
    %swap3A_746 = arith.index_cast %swap3A_745 : i32 to index
    %swap3A_747 = arith.constant 0 : index
    %swap3A_748 = tpu.vector_load %arg5[%swap3A_746, %swap3A_747] {strides = array<i32>} : memref<16x16xi32, #tpu.memory_space<vmem>>, vector<1x16xi32>,
    %swap3A_749 = vector.shape_cast %swap3A_748 : vector<1x16xi32> to vector<16xi32>
    %swap3A_750 = vector.shape_cast %select_n3A_744 : vector<16xi32> to vector<1x16xi32>
    tpu.vector_store %arg5[%swap3A_746, %swap3A_747], %swap3A_750 {strides = array<i32>} : memref<16x16xi32, #tpu.memory_space<vmem>>, vector<1x16xi32>,
    %xor3A_751 = arith.constant 8 : i32
    %xor3A_752 = vector.broadcast %xor3A_751 : i32 to vector<16xi32>
    %xor3A_753 = arith.xori %iota3A, %xor3A_752 : vector<16xi32>
    %lt3A_754 = arith.constant 0 : i32
    %lt3A_755 = vector.broadcast %lt3A_754 : i32 to vector<16xi32>
    %lt3A_756 = arith.cmpi slt, %xor3A_753, %lt3A_755 : vector<16xi32>
    %add3A_757 = arith.constant 16 : i32
    %add3A_758 = vector.broadcast %add3A_757 : i32 to vector<16xi32>
    %add3A_759 = arith.addi %xor3A_753, %add3A_758 : vector<16xi32>
    %select_n3A_760 = arith.select %lt3A_756, %add3A_759, %xor3A_753 : vector<16xi1>, vector<16xi32>
    %broadcast_in_dim3A_761 = vector.shape_cast %select_n3A_760 : vector<16xi32> to vector<16x1xi32>
    %gather3A_762 = vector.shape_cast %broadcast_in_dim3A_761 : vector<16x1xi32> to vector<16xi32>
    %gather3A_763 = tpu.dynamic_gather %scan3A_39#10[%gather3A_762] in [0] : vector<16xi32>, vector<16xi32> -> vector<16xi32>
    %or3A_764 = arith.ori %scan3A_39#10, %gather3A_763 : vector<16xi32>
    %xor3A_765 = arith.constant 4 : i32
    %xor3A_766 = vector.broadcast %xor3A_765 : i32 to vector<16xi32>
    %xor3A_767 = arith.xori %iota3A, %xor3A_766 : vector<16xi32>
    %lt3A_768 = arith.constant 0 : i32
    %lt3A_769 = vector.broadcast %lt3A_768 : i32 to vector<16xi32>
    %lt3A_770 = arith.cmpi slt, %xor3A_767, %lt3A_769 : vector<16xi32>
    %add3A_771 = arith.constant 16 : i32
    %add3A_772 = vector.broadcast %add3A_771 : i32 to vector<16xi32>
    %add3A_773 = arith.addi %xor3A_767, %add3A_772 : vector<16xi32>
    %select_n3A_774 = arith.select %lt3A_770, %add3A_773, %xor3A_767 : vector<16xi1>, vector<16xi32>
    %broadcast_in_dim3A_775 = vector.shape_cast %select_n3A_774 : vector<16xi32> to vector<16x1xi32>
    %gather3A_776 = vector.shape_cast %broadcast_in_dim3A_775 : vector<16x1xi32> to vector<16xi32>
    %gather3A_777 = tpu.dynamic_gather %or3A_764[%gather3A_776] in [0] : vector<16xi32>, vector<16xi32> -> vector<16xi32>
    %or3A_778 = arith.ori %or3A_764, %gather3A_777 : vector<16xi32>
    %xor3A_779 = arith.constant 2 : i32
    %xor3A_780 = vector.broadcast %xor3A_779 : i32 to vector<16xi32>
    %xor3A_781 = arith.xori %iota3A, %xor3A_780 : vector<16xi32>
    %lt3A_782 = arith.constant 0 : i32
    %lt3A_783 = vector.broadcast %lt3A_782 : i32 to vector<16xi32>
    %lt3A_784 = arith.cmpi slt, %xor3A_781, %lt3A_783 : vector<16xi32>
    %add3A_785 = arith.constant 16 : i32
    %add3A_786 = vector.broadcast %add3A_785 : i32 to vector<16xi32>
    %add3A_787 = arith.addi %xor3A_781, %add3A_786 : vector<16xi32>
    %select_n3A_788 = arith.select %lt3A_784, %add3A_787, %xor3A_781 : vector<16xi1>, vector<16xi32>
    %broadcast_in_dim3A_789 = vector.shape_cast %select_n3A_788 : vector<16xi32> to vector<16x1xi32>
    %gather3A_790 = vector.shape_cast %broadcast_in_dim3A_789 : vector<16x1xi32> to vector<16xi32>
    %gather3A_791 = tpu.dynamic_gather %or3A_778[%gather3A_790] in [0] : vector<16xi32>, vector<16xi32> -> vector<16xi32>
    %or3A_792 = arith.ori %or3A_778, %gather3A_791 : vector<16xi32>
    %xor3A_793 = arith.constant 1 : i32
    %xor3A_794 = vector.broadcast %xor3A_793 : i32 to vector<16xi32>
    %xor3A_795 = arith.xori %iota3A, %xor3A_794 : vector<16xi32>
    %lt3A_796 = arith.constant 0 : i32
    %lt3A_797 = vector.broadcast %lt3A_796 : i32 to vector<16xi32>
    %lt3A_798 = arith.cmpi slt, %xor3A_795, %lt3A_797 : vector<16xi32>
    %add3A_799 = arith.constant 16 : i32
    %add3A_800 = vector.broadcast %add3A_799 : i32 to vector<16xi32>
    %add3A_801 = arith.addi %xor3A_795, %add3A_800 : vector<16xi32>
    %select_n3A_802 = arith.select %lt3A_798, %add3A_801, %xor3A_795 : vector<16xi1>, vector<16xi32>
    %broadcast_in_dim3A_803 = vector.shape_cast %select_n3A_802 : vector<16xi32> to vector<16x1xi32>
    %gather3A_804 = vector.shape_cast %broadcast_in_dim3A_803 : vector<16x1xi32> to vector<16xi32>
    %gather3A_805 = tpu.dynamic_gather %or3A_792[%gather3A_804] in [0] : vector<16xi32>, vector<16xi32> -> vector<16xi32>
    %or3A_806 = arith.ori %or3A_792, %gather3A_805 : vector<16xi32>
    %shift_right_arithmetic3A_807 = arith.shrsi %or3A_806, %iota3A : vector<16xi32>
    %and3A_808 = arith.constant 1 : i32
    %and3A_809 = vector.broadcast %and3A_808 : i32 to vector<16xi32>
    %and3A_810 = arith.andi %shift_right_arithmetic3A_807, %and3A_809 : vector<16xi32>
    %eq3A_811 = arith.constant 10 : i32
    %eq3A_812 = vector.broadcast %eq3A_811 : i32 to vector<16xi32>
    %eq3A_813 = arith.cmpi eq, %iota3A, %eq3A_812 : vector<16xi32>
    %jit3A_814 = arith.constant 0 : i32
    %broadcast_in_dim3A_815 = vector.broadcast %jit3A_814 : i32 to vector<16xi32>
    %select_n3A_816 = arith.select %eq3A_813, %broadcast_in_dim3A_815, %and3A_810 : vector<16xi1>, vector<16xi32>
    %swap3A_817 = arith.constant 10 : i32
    %swap3A_818 = arith.index_cast %swap3A_817 : i32 to index
    %swap3A_819 = arith.constant 0 : index
    %swap3A_820 = tpu.vector_load %arg5[%swap3A_818, %swap3A_819] {strides = array<i32>} : memref<16x16xi32, #tpu.memory_space<vmem>>, vector<1x16xi32>,
    %swap3A_821 = vector.shape_cast %swap3A_820 : vector<1x16xi32> to vector<16xi32>
    %swap3A_822 = vector.shape_cast %select_n3A_816 : vector<16xi32> to vector<1x16xi32>
    tpu.vector_store %arg5[%swap3A_818, %swap3A_819], %swap3A_822 {strides = array<i32>} : memref<16x16xi32, #tpu.memory_space<vmem>>, vector<1x16xi32>,
    %xor3A_823 = arith.constant 8 : i32
    %xor3A_824 = vector.broadcast %xor3A_823 : i32 to vector<16xi32>
    %xor3A_825 = arith.xori %iota3A, %xor3A_824 : vector<16xi32>
    %lt3A_826 = arith.constant 0 : i32
    %lt3A_827 = vector.broadcast %lt3A_826 : i32 to vector<16xi32>
    %lt3A_828 = arith.cmpi slt, %xor3A_825, %lt3A_827 : vector<16xi32>
    %add3A_829 = arith.constant 16 : i32
    %add3A_830 = vector.broadcast %add3A_829 : i32 to vector<16xi32>
    %add3A_831 = arith.addi %xor3A_825, %add3A_830 : vector<16xi32>
    %select_n3A_832 = arith.select %lt3A_828, %add3A_831, %xor3A_825 : vector<16xi1>, vector<16xi32>
    %broadcast_in_dim3A_833 = vector.shape_cast %select_n3A_832 : vector<16xi32> to vector<16x1xi32>
    %gather3A_834 = vector.shape_cast %broadcast_in_dim3A_833 : vector<16x1xi32> to vector<16xi32>
    %gather3A_835 = tpu.dynamic_gather %scan3A_39#11[%gather3A_834] in [0] : vector<16xi32>, vector<16xi32> -> vector<16xi32>
    %or3A_836 = arith.ori %scan3A_39#11, %gather3A_835 : vector<16xi32>
    %xor3A_837 = arith.constant 4 : i32
    %xor3A_838 = vector.broadcast %xor3A_837 : i32 to vector<16xi32>
    %xor3A_839 = arith.xori %iota3A, %xor3A_838 : vector<16xi32>
    %lt3A_840 = arith.constant 0 : i32
    %lt3A_841 = vector.broadcast %lt3A_840 : i32 to vector<16xi32>
    %lt3A_842 = arith.cmpi slt, %xor3A_839, %lt3A_841 : vector<16xi32>
    %add3A_843 = arith.constant 16 : i32
    %add3A_844 = vector.broadcast %add3A_843 : i32 to vector<16xi32>
    %add3A_845 = arith.addi %xor3A_839, %add3A_844 : vector<16xi32>
    %select_n3A_846 = arith.select %lt3A_842, %add3A_845, %xor3A_839 : vector<16xi1>, vector<16xi32>
    %broadcast_in_dim3A_847 = vector.shape_cast %select_n3A_846 : vector<16xi32> to vector<16x1xi32>
    %gather3A_848 = vector.shape_cast %broadcast_in_dim3A_847 : vector<16x1xi32> to vector<16xi32>
    %gather3A_849 = tpu.dynamic_gather %or3A_836[%gather3A_848] in [0] : vector<16xi32>, vector<16xi32> -> vector<16xi32>
    %or3A_850 = arith.ori %or3A_836, %gather3A_849 : vector<16xi32>
    %xor3A_851 = arith.constant 2 : i32
    %xor3A_852 = vector.broadcast %xor3A_851 : i32 to vector<16xi32>
    %xor3A_853 = arith.xori %iota3A, %xor3A_852 : vector<16xi32>
    %lt3A_854 = arith.constant 0 : i32
    %lt3A_855 = vector.broadcast %lt3A_854 : i32 to vector<16xi32>
    %lt3A_856 = arith.cmpi slt, %xor3A_853, %lt3A_855 : vector<16xi32>
    %add3A_857 = arith.constant 16 : i32
    %add3A_858 = vector.broadcast %add3A_857 : i32 to vector<16xi32>
    %add3A_859 = arith.addi %xor3A_853, %add3A_858 : vector<16xi32>
    %select_n3A_860 = arith.select %lt3A_856, %add3A_859, %xor3A_853 : vector<16xi1>, vector<16xi32>
    %broadcast_in_dim3A_861 = vector.shape_cast %select_n3A_860 : vector<16xi32> to vector<16x1xi32>
    %gather3A_862 = vector.shape_cast %broadcast_in_dim3A_861 : vector<16x1xi32> to vector<16xi32>
    %gather3A_863 = tpu.dynamic_gather %or3A_850[%gather3A_862] in [0] : vector<16xi32>, vector<16xi32> -> vector<16xi32>
    %or3A_864 = arith.ori %or3A_850, %gather3A_863 : vector<16xi32>
    %xor3A_865 = arith.constant 1 : i32
    %xor3A_866 = vector.broadcast %xor3A_865 : i32 to vector<16xi32>
    %xor3A_867 = arith.xori %iota3A, %xor3A_866 : vector<16xi32>
    %lt3A_868 = arith.constant 0 : i32
    %lt3A_869 = vector.broadcast %lt3A_868 : i32 to vector<16xi32>
    %lt3A_870 = arith.cmpi slt, %xor3A_867, %lt3A_869 : vector<16xi32>
    %add3A_871 = arith.constant 16 : i32
    %add3A_872 = vector.broadcast %add3A_871 : i32 to vector<16xi32>
    %add3A_873 = arith.addi %xor3A_867, %add3A_872 : vector<16xi32>
    %select_n3A_874 = arith.select %lt3A_870, %add3A_873, %xor3A_867 : vector<16xi1>, vector<16xi32>
    %broadcast_in_dim3A_875 = vector.shape_cast %select_n3A_874 : vector<16xi32> to vector<16x1xi32>
    %gather3A_876 = vector.shape_cast %broadcast_in_dim3A_875 : vector<16x1xi32> to vector<16xi32>
    %gather3A_877 = tpu.dynamic_gather %or3A_864[%gather3A_876] in [0] : vector<16xi32>, vector<16xi32> -> vector<16xi32>
    %or3A_878 = arith.ori %or3A_864, %gather3A_877 : vector<16xi32>
    %shift_right_arithmetic3A_879 = arith.shrsi %or3A_878, %iota3A : vector<16xi32>
    %and3A_880 = arith.constant 1 : i32
    %and3A_881 = vector.broadcast %and3A_880 : i32 to vector<16xi32>
    %and3A_882 = arith.andi %shift_right_arithmetic3A_879, %and3A_881 : vector<16xi32>
    %eq3A_883 = arith.constant 11 : i32
    %eq3A_884 = vector.broadcast %eq3A_883 : i32 to vector<16xi32>
    %eq3A_885 = arith.cmpi eq, %iota3A, %eq3A_884 : vector<16xi32>
    %jit3A_886 = arith.constant 0 : i32
    %broadcast_in_dim3A_887 = vector.broadcast %jit3A_886 : i32 to vector<16xi32>
    %select_n3A_888 = arith.select %eq3A_885, %broadcast_in_dim3A_887, %and3A_882 : vector<16xi1>, vector<16xi32>
    %swap3A_889 = arith.constant 11 : i32
    %swap3A_890 = arith.index_cast %swap3A_889 : i32 to index
    %swap3A_891 = arith.constant 0 : index
    %swap3A_892 = tpu.vector_load %arg5[%swap3A_890, %swap3A_891] {strides = array<i32>} : memref<16x16xi32, #tpu.memory_space<vmem>>, vector<1x16xi32>,
    %swap3A_893 = vector.shape_cast %swap3A_892 : vector<1x16xi32> to vector<16xi32>
    %swap3A_894 = vector.shape_cast %select_n3A_888 : vector<16xi32> to vector<1x16xi32>
    tpu.vector_store %arg5[%swap3A_890, %swap3A_891], %swap3A_894 {strides = array<i32>} : memref<16x16xi32, #tpu.memory_space<vmem>>, vector<1x16xi32>,
    %xor3A_895 = arith.constant 8 : i32
    %xor3A_896 = vector.broadcast %xor3A_895 : i32 to vector<16xi32>
    %xor3A_897 = arith.xori %iota3A, %xor3A_896 : vector<16xi32>
    %lt3A_898 = arith.constant 0 : i32
    %lt3A_899 = vector.broadcast %lt3A_898 : i32 to vector<16xi32>
    %lt3A_900 = arith.cmpi slt, %xor3A_897, %lt3A_899 : vector<16xi32>
    %add3A_901 = arith.constant 16 : i32
    %add3A_902 = vector.broadcast %add3A_901 : i32 to vector<16xi32>
    %add3A_903 = arith.addi %xor3A_897, %add3A_902 : vector<16xi32>
    %select_n3A_904 = arith.select %lt3A_900, %add3A_903, %xor3A_897 : vector<16xi1>, vector<16xi32>
    %broadcast_in_dim3A_905 = vector.shape_cast %select_n3A_904 : vector<16xi32> to vector<16x1xi32>
    %gather3A_906 = vector.shape_cast %broadcast_in_dim3A_905 : vector<16x1xi32> to vector<16xi32>
    %gather3A_907 = tpu.dynamic_gather %scan3A_39#12[%gather3A_906] in [0] : vector<16xi32>, vector<16xi32> -> vector<16xi32>
    %or3A_908 = arith.ori %scan3A_39#12, %gather3A_907 : vector<16xi32>
    %xor3A_909 = arith.constant 4 : i32
    %xor3A_910 = vector.broadcast %xor3A_909 : i32 to vector<16xi32>
    %xor3A_911 = arith.xori %iota3A, %xor3A_910 : vector<16xi32>
    %lt3A_912 = arith.constant 0 : i32
    %lt3A_913 = vector.broadcast %lt3A_912 : i32 to vector<16xi32>
    %lt3A_914 = arith.cmpi slt, %xor3A_911, %lt3A_913 : vector<16xi32>
    %add3A_915 = arith.constant 16 : i32
    %add3A_916 = vector.broadcast %add3A_915 : i32 to vector<16xi32>
    %add3A_917 = arith.addi %xor3A_911, %add3A_916 : vector<16xi32>
    %select_n3A_918 = arith.select %lt3A_914, %add3A_917, %xor3A_911 : vector<16xi1>, vector<16xi32>
    %broadcast_in_dim3A_919 = vector.shape_cast %select_n3A_918 : vector<16xi32> to vector<16x1xi32>
    %gather3A_920 = vector.shape_cast %broadcast_in_dim3A_919 : vector<16x1xi32> to vector<16xi32>
    %gather3A_921 = tpu.dynamic_gather %or3A_908[%gather3A_920] in [0] : vector<16xi32>, vector<16xi32> -> vector<16xi32>
    %or3A_922 = arith.ori %or3A_908, %gather3A_921 : vector<16xi32>
    %xor3A_923 = arith.constant 2 : i32
    %xor3A_924 = vector.broadcast %xor3A_923 : i32 to vector<16xi32>
    %xor3A_925 = arith.xori %iota3A, %xor3A_924 : vector<16xi32>
    %lt3A_926 = arith.constant 0 : i32
    %lt3A_927 = vector.broadcast %lt3A_926 : i32 to vector<16xi32>
    %lt3A_928 = arith.cmpi slt, %xor3A_925, %lt3A_927 : vector<16xi32>
    %add3A_929 = arith.constant 16 : i32
    %add3A_930 = vector.broadcast %add3A_929 : i32 to vector<16xi32>
    %add3A_931 = arith.addi %xor3A_925, %add3A_930 : vector<16xi32>
    %select_n3A_932 = arith.select %lt3A_928, %add3A_931, %xor3A_925 : vector<16xi1>, vector<16xi32>
    %broadcast_in_dim3A_933 = vector.shape_cast %select_n3A_932 : vector<16xi32> to vector<16x1xi32>
    %gather3A_934 = vector.shape_cast %broadcast_in_dim3A_933 : vector<16x1xi32> to vector<16xi32>
    %gather3A_935 = tpu.dynamic_gather %or3A_922[%gather3A_934] in [0] : vector<16xi32>, vector<16xi32> -> vector<16xi32>
    %or3A_936 = arith.ori %or3A_922, %gather3A_935 : vector<16xi32>
    %xor3A_937 = arith.constant 1 : i32
    %xor3A_938 = vector.broadcast %xor3A_937 : i32 to vector<16xi32>
    %xor3A_939 = arith.xori %iota3A, %xor3A_938 : vector<16xi32>
    %lt3A_940 = arith.constant 0 : i32
    %lt3A_941 = vector.broadcast %lt3A_940 : i32 to vector<16xi32>
    %lt3A_942 = arith.cmpi slt, %xor3A_939, %lt3A_941 : vector<16xi32>
    %add3A_943 = arith.constant 16 : i32
    %add3A_944 = vector.broadcast %add3A_943 : i32 to vector<16xi32>
    %add3A_945 = arith.addi %xor3A_939, %add3A_944 : vector<16xi32>
    %select_n3A_946 = arith.select %lt3A_942, %add3A_945, %xor3A_939 : vector<16xi1>, vector<16xi32>
    %broadcast_in_dim3A_947 = vector.shape_cast %select_n3A_946 : vector<16xi32> to vector<16x1xi32>
    %gather3A_948 = vector.shape_cast %broadcast_in_dim3A_947 : vector<16x1xi32> to vector<16xi32>
    %gather3A_949 = tpu.dynamic_gather %or3A_936[%gather3A_948] in [0] : vector<16xi32>, vector<16xi32> -> vector<16xi32>
    %or3A_950 = arith.ori %or3A_936, %gather3A_949 : vector<16xi32>
    %shift_right_arithmetic3A_951 = arith.shrsi %or3A_950, %iota3A : vector<16xi32>
    %and3A_952 = arith.constant 1 : i32
    %and3A_953 = vector.broadcast %and3A_952 : i32 to vector<16xi32>
    %and3A_954 = arith.andi %shift_right_arithmetic3A_951, %and3A_953 : vector<16xi32>
    %eq3A_955 = arith.constant 12 : i32
    %eq3A_956 = vector.broadcast %eq3A_955 : i32 to vector<16xi32>
    %eq3A_957 = arith.cmpi eq, %iota3A, %eq3A_956 : vector<16xi32>
    %jit3A_958 = arith.constant 0 : i32
    %broadcast_in_dim3A_959 = vector.broadcast %jit3A_958 : i32 to vector<16xi32>
    %select_n3A_960 = arith.select %eq3A_957, %broadcast_in_dim3A_959, %and3A_954 : vector<16xi1>, vector<16xi32>
    %swap3A_961 = arith.constant 12 : i32
    %swap3A_962 = arith.index_cast %swap3A_961 : i32 to index
    %swap3A_963 = arith.constant 0 : index
    %swap3A_964 = tpu.vector_load %arg5[%swap3A_962, %swap3A_963] {strides = array<i32>} : memref<16x16xi32, #tpu.memory_space<vmem>>, vector<1x16xi32>,
    %swap3A_965 = vector.shape_cast %swap3A_964 : vector<1x16xi32> to vector<16xi32>
    %swap3A_966 = vector.shape_cast %select_n3A_960 : vector<16xi32> to vector<1x16xi32>
    tpu.vector_store %arg5[%swap3A_962, %swap3A_963], %swap3A_966 {strides = array<i32>} : memref<16x16xi32, #tpu.memory_space<vmem>>, vector<1x16xi32>,
    %xor3A_967 = arith.constant 8 : i32
    %xor3A_968 = vector.broadcast %xor3A_967 : i32 to vector<16xi32>
    %xor3A_969 = arith.xori %iota3A, %xor3A_968 : vector<16xi32>
    %lt3A_970 = arith.constant 0 : i32
    %lt3A_971 = vector.broadcast %lt3A_970 : i32 to vector<16xi32>
    %lt3A_972 = arith.cmpi slt, %xor3A_969, %lt3A_971 : vector<16xi32>
    %add3A_973 = arith.constant 16 : i32
    %add3A_974 = vector.broadcast %add3A_973 : i32 to vector<16xi32>
    %add3A_975 = arith.addi %xor3A_969, %add3A_974 : vector<16xi32>
    %select_n3A_976 = arith.select %lt3A_972, %add3A_975, %xor3A_969 : vector<16xi1>, vector<16xi32>
    %broadcast_in_dim3A_977 = vector.shape_cast %select_n3A_976 : vector<16xi32> to vector<16x1xi32>
    %gather3A_978 = vector.shape_cast %broadcast_in_dim3A_977 : vector<16x1xi32> to vector<16xi32>
    %gather3A_979 = tpu.dynamic_gather %scan3A_39#13[%gather3A_978] in [0] : vector<16xi32>, vector<16xi32> -> vector<16xi32>
    %or3A_980 = arith.ori %scan3A_39#13, %gather3A_979 : vector<16xi32>
    %xor3A_981 = arith.constant 4 : i32
    %xor3A_982 = vector.broadcast %xor3A_981 : i32 to vector<16xi32>
    %xor3A_983 = arith.xori %iota3A, %xor3A_982 : vector<16xi32>
    %lt3A_984 = arith.constant 0 : i32
    %lt3A_985 = vector.broadcast %lt3A_984 : i32 to vector<16xi32>
    %lt3A_986 = arith.cmpi slt, %xor3A_983, %lt3A_985 : vector<16xi32>
    %add3A_987 = arith.constant 16 : i32
    %add3A_988 = vector.broadcast %add3A_987 : i32 to vector<16xi32>
    %add3A_989 = arith.addi %xor3A_983, %add3A_988 : vector<16xi32>
    %select_n3A_990 = arith.select %lt3A_986, %add3A_989, %xor3A_983 : vector<16xi1>, vector<16xi32>
    %broadcast_in_dim3A_991 = vector.shape_cast %select_n3A_990 : vector<16xi32> to vector<16x1xi32>
    %gather3A_992 = vector.shape_cast %broadcast_in_dim3A_991 : vector<16x1xi32> to vector<16xi32>
    %gather3A_993 = tpu.dynamic_gather %or3A_980[%gather3A_992] in [0] : vector<16xi32>, vector<16xi32> -> vector<16xi32>
    %or3A_994 = arith.ori %or3A_980, %gather3A_993 : vector<16xi32>
    %xor3A_995 = arith.constant 2 : i32
    %xor3A_996 = vector.broadcast %xor3A_995 : i32 to vector<16xi32>
    %xor3A_997 = arith.xori %iota3A, %xor3A_996 : vector<16xi32>
    %lt3A_998 = arith.constant 0 : i32
    %lt3A_999 = vector.broadcast %lt3A_998 : i32 to vector<16xi32>
    %lt3A_1000 = arith.cmpi slt, %xor3A_997, %lt3A_999 : vector<16xi32>
    %add3A_1001 = arith.constant 16 : i32
    %add3A_1002 = vector.broadcast %add3A_1001 : i32 to vector<16xi32>
    %add3A_1003 = arith.addi %xor3A_997, %add3A_1002 : vector<16xi32>
    %select_n3A_1004 = arith.select %lt3A_1000, %add3A_1003, %xor3A_997 : vector<16xi1>, vector<16xi32>
    %broadcast_in_dim3A_1005 = vector.shape_cast %select_n3A_1004 : vector<16xi32> to vector<16x1xi32>
    %gather3A_1006 = vector.shape_cast %broadcast_in_dim3A_1005 : vector<16x1xi32> to vector<16xi32>
    %gather3A_1007 = tpu.dynamic_gather %or3A_994[%gather3A_1006] in [0] : vector<16xi32>, vector<16xi32> -> vector<16xi32>
    %or3A_1008 = arith.ori %or3A_994, %gather3A_1007 : vector<16xi32>
    %xor3A_1009 = arith.constant 1 : i32
    %xor3A_1010 = vector.broadcast %xor3A_1009 : i32 to vector<16xi32>
    %xor3A_1011 = arith.xori %iota3A, %xor3A_1010 : vector<16xi32>
    %lt3A_1012 = arith.constant 0 : i32
    %lt3A_1013 = vector.broadcast %lt3A_1012 : i32 to vector<16xi32>
    %lt3A_1014 = arith.cmpi slt, %xor3A_1011, %lt3A_1013 : vector<16xi32>
    %add3A_1015 = arith.constant 16 : i32
    %add3A_1016 = vector.broadcast %add3A_1015 : i32 to vector<16xi32>
    %add3A_1017 = arith.addi %xor3A_1011, %add3A_1016 : vector<16xi32>
    %select_n3A_1018 = arith.select %lt3A_1014, %add3A_1017, %xor3A_1011 : vector<16xi1>, vector<16xi32>
    %broadcast_in_dim3A_1019 = vector.shape_cast %select_n3A_1018 : vector<16xi32> to vector<16x1xi32>
    %gather3A_1020 = vector.shape_cast %broadcast_in_dim3A_1019 : vector<16x1xi32> to vector<16xi32>
    %gather3A_1021 = tpu.dynamic_gather %or3A_1008[%gather3A_1020] in [0] : vector<16xi32>, vector<16xi32> -> vector<16xi32>
    %or3A_1022 = arith.ori %or3A_1008, %gather3A_1021 : vector<16xi32>
    %shift_right_arithmetic3A_1023 = arith.shrsi %or3A_1022, %iota3A : vector<16xi32>
    %and3A_1024 = arith.constant 1 : i32
    %and3A_1025 = vector.broadcast %and3A_1024 : i32 to vector<16xi32>
    %and3A_1026 = arith.andi %shift_right_arithmetic3A_1023, %and3A_1025 : vector<16xi32>
    %eq3A_1027 = arith.constant 13 : i32
    %eq3A_1028 = vector.broadcast %eq3A_1027 : i32 to vector<16xi32>
    %eq3A_1029 = arith.cmpi eq, %iota3A, %eq3A_1028 : vector<16xi32>
    %jit3A_1030 = arith.constant 0 : i32
    %broadcast_in_dim3A_1031 = vector.broadcast %jit3A_1030 : i32 to vector<16xi32>
    %select_n3A_1032 = arith.select %eq3A_1029, %broadcast_in_dim3A_1031, %and3A_1026 : vector<16xi1>, vector<16xi32>
    %swap3A_1033 = arith.constant 13 : i32
    %swap3A_1034 = arith.index_cast %swap3A_1033 : i32 to index
    %swap3A_1035 = arith.constant 0 : index
    %swap3A_1036 = tpu.vector_load %arg5[%swap3A_1034, %swap3A_1035] {strides = array<i32>} : memref<16x16xi32, #tpu.memory_space<vmem>>, vector<1x16xi32>,
    %swap3A_1037 = vector.shape_cast %swap3A_1036 : vector<1x16xi32> to vector<16xi32>
    %swap3A_1038 = vector.shape_cast %select_n3A_1032 : vector<16xi32> to vector<1x16xi32>
    tpu.vector_store %arg5[%swap3A_1034, %swap3A_1035], %swap3A_1038 {strides = array<i32>} : memref<16x16xi32, #tpu.memory_space<vmem>>, vector<1x16xi32>,
    %xor3A_1039 = arith.constant 8 : i32
    %xor3A_1040 = vector.broadcast %xor3A_1039 : i32 to vector<16xi32>
    %xor3A_1041 = arith.xori %iota3A, %xor3A_1040 : vector<16xi32>
    %lt3A_1042 = arith.constant 0 : i32
    %lt3A_1043 = vector.broadcast %lt3A_1042 : i32 to vector<16xi32>
    %lt3A_1044 = arith.cmpi slt, %xor3A_1041, %lt3A_1043 : vector<16xi32>
    %add3A_1045 = arith.constant 16 : i32
    %add3A_1046 = vector.broadcast %add3A_1045 : i32 to vector<16xi32>
    %add3A_1047 = arith.addi %xor3A_1041, %add3A_1046 : vector<16xi32>
    %select_n3A_1048 = arith.select %lt3A_1044, %add3A_1047, %xor3A_1041 : vector<16xi1>, vector<16xi32>
    %broadcast_in_dim3A_1049 = vector.shape_cast %select_n3A_1048 : vector<16xi32> to vector<16x1xi32>
    %gather3A_1050 = vector.shape_cast %broadcast_in_dim3A_1049 : vector<16x1xi32> to vector<16xi32>
    %gather3A_1051 = tpu.dynamic_gather %scan3A_39#14[%gather3A_1050] in [0] : vector<16xi32>, vector<16xi32> -> vector<16xi32>
    %or3A_1052 = arith.ori %scan3A_39#14, %gather3A_1051 : vector<16xi32>
    %xor3A_1053 = arith.constant 4 : i32
    %xor3A_1054 = vector.broadcast %xor3A_1053 : i32 to vector<16xi32>
    %xor3A_1055 = arith.xori %iota3A, %xor3A_1054 : vector<16xi32>
    %lt3A_1056 = arith.constant 0 : i32
    %lt3A_1057 = vector.broadcast %lt3A_1056 : i32 to vector<16xi32>
    %lt3A_1058 = arith.cmpi slt, %xor3A_1055, %lt3A_1057 : vector<16xi32>
    %add3A_1059 = arith.constant 16 : i32
    %add3A_1060 = vector.broadcast %add3A_1059 : i32 to vector<16xi32>
    %add3A_1061 = arith.addi %xor3A_1055, %add3A_1060 : vector<16xi32>
    %select_n3A_1062 = arith.select %lt3A_1058, %add3A_1061, %xor3A_1055 : vector<16xi1>, vector<16xi32>
    %broadcast_in_dim3A_1063 = vector.shape_cast %select_n3A_1062 : vector<16xi32> to vector<16x1xi32>
    %gather3A_1064 = vector.shape_cast %broadcast_in_dim3A_1063 : vector<16x1xi32> to vector<16xi32>
    %gather3A_1065 = tpu.dynamic_gather %or3A_1052[%gather3A_1064] in [0] : vector<16xi32>, vector<16xi32> -> vector<16xi32>
    %or3A_1066 = arith.ori %or3A_1052, %gather3A_1065 : vector<16xi32>
    %xor3A_1067 = arith.constant 2 : i32
    %xor3A_1068 = vector.broadcast %xor3A_1067 : i32 to vector<16xi32>
    %xor3A_1069 = arith.xori %iota3A, %xor3A_1068 : vector<16xi32>
    %lt3A_1070 = arith.constant 0 : i32
    %lt3A_1071 = vector.broadcast %lt3A_1070 : i32 to vector<16xi32>
    %lt3A_1072 = arith.cmpi slt, %xor3A_1069, %lt3A_1071 : vector<16xi32>
    %add3A_1073 = arith.constant 16 : i32
    %add3A_1074 = vector.broadcast %add3A_1073 : i32 to vector<16xi32>
    %add3A_1075 = arith.addi %xor3A_1069, %add3A_1074 : vector<16xi32>
    %select_n3A_1076 = arith.select %lt3A_1072, %add3A_1075, %xor3A_1069 : vector<16xi1>, vector<16xi32>
    %broadcast_in_dim3A_1077 = vector.shape_cast %select_n3A_1076 : vector<16xi32> to vector<16x1xi32>
    %gather3A_1078 = vector.shape_cast %broadcast_in_dim3A_1077 : vector<16x1xi32> to vector<16xi32>
    %gather3A_1079 = tpu.dynamic_gather %or3A_1066[%gather3A_1078] in [0] : vector<16xi32>, vector<16xi32> -> vector<16xi32>
    %or3A_1080 = arith.ori %or3A_1066, %gather3A_1079 : vector<16xi32>
    %xor3A_1081 = arith.constant 1 : i32
    %xor3A_1082 = vector.broadcast %xor3A_1081 : i32 to vector<16xi32>
    %xor3A_1083 = arith.xori %iota3A, %xor3A_1082 : vector<16xi32>
    %lt3A_1084 = arith.constant 0 : i32
    %lt3A_1085 = vector.broadcast %lt3A_1084 : i32 to vector<16xi32>
    %lt3A_1086 = arith.cmpi slt, %xor3A_1083, %lt3A_1085 : vector<16xi32>
    %add3A_1087 = arith.constant 16 : i32
    %add3A_1088 = vector.broadcast %add3A_1087 : i32 to vector<16xi32>
    %add3A_1089 = arith.addi %xor3A_1083, %add3A_1088 : vector<16xi32>
    %select_n3A_1090 = arith.select %lt3A_1086, %add3A_1089, %xor3A_1083 : vector<16xi1>, vector<16xi32>
    %broadcast_in_dim3A_1091 = vector.shape_cast %select_n3A_1090 : vector<16xi32> to vector<16x1xi32>
    %gather3A_1092 = vector.shape_cast %broadcast_in_dim3A_1091 : vector<16x1xi32> to vector<16xi32>
    %gather3A_1093 = tpu.dynamic_gather %or3A_1080[%gather3A_1092] in [0] : vector<16xi32>, vector<16xi32> -> vector<16xi32>
    %or3A_1094 = arith.ori %or3A_1080, %gather3A_1093 : vector<16xi32>
    %shift_right_arithmetic3A_1095 = arith.shrsi %or3A_1094, %iota3A : vector<16xi32>
    %and3A_1096 = arith.constant 1 : i32
    %and3A_1097 = vector.broadcast %and3A_1096 : i32 to vector<16xi32>
    %and3A_1098 = arith.andi %shift_right_arithmetic3A_1095, %and3A_1097 : vector<16xi32>
    %eq3A_1099 = arith.constant 14 : i32
    %eq3A_1100 = vector.broadcast %eq3A_1099 : i32 to vector<16xi32>
    %eq3A_1101 = arith.cmpi eq, %iota3A, %eq3A_1100 : vector<16xi32>
    %jit3A_1102 = arith.constant 0 : i32
    %broadcast_in_dim3A_1103 = vector.broadcast %jit3A_1102 : i32 to vector<16xi32>
    %select_n3A_1104 = arith.select %eq3A_1101, %broadcast_in_dim3A_1103, %and3A_1098 : vector<16xi1>, vector<16xi32>
    %swap3A_1105 = arith.constant 14 : i32
    %swap3A_1106 = arith.index_cast %swap3A_1105 : i32 to index
    %swap3A_1107 = arith.constant 0 : index
    %swap3A_1108 = tpu.vector_load %arg5[%swap3A_1106, %swap3A_1107] {strides = array<i32>} : memref<16x16xi32, #tpu.memory_space<vmem>>, vector<1x16xi32>,
    %swap3A_1109 = vector.shape_cast %swap3A_1108 : vector<1x16xi32> to vector<16xi32>
    %swap3A_1110 = vector.shape_cast %select_n3A_1104 : vector<16xi32> to vector<1x16xi32>
    tpu.vector_store %arg5[%swap3A_1106, %swap3A_1107], %swap3A_1110 {strides = array<i32>} : memref<16x16xi32, #tpu.memory_space<vmem>>, vector<1x16xi32>,
    %xor3A_1111 = arith.constant 8 : i32
    %xor3A_1112 = vector.broadcast %xor3A_1111 : i32 to vector<16xi32>
    %xor3A_1113 = arith.xori %iota3A, %xor3A_1112 : vector<16xi32>
    %lt3A_1114 = arith.constant 0 : i32
    %lt3A_1115 = vector.broadcast %lt3A_1114 : i32 to vector<16xi32>
    %lt3A_1116 = arith.cmpi slt, %xor3A_1113, %lt3A_1115 : vector<16xi32>
    %add3A_1117 = arith.constant 16 : i32
    %add3A_1118 = vector.broadcast %add3A_1117 : i32 to vector<16xi32>
    %add3A_1119 = arith.addi %xor3A_1113, %add3A_1118 : vector<16xi32>
    %select_n3A_1120 = arith.select %lt3A_1116, %add3A_1119, %xor3A_1113 : vector<16xi1>, vector<16xi32>
    %broadcast_in_dim3A_1121 = vector.shape_cast %select_n3A_1120 : vector<16xi32> to vector<16x1xi32>
    %gather3A_1122 = vector.shape_cast %broadcast_in_dim3A_1121 : vector<16x1xi32> to vector<16xi32>
    %gather3A_1123 = tpu.dynamic_gather %scan3A_39#15[%gather3A_1122] in [0] : vector<16xi32>, vector<16xi32> -> vector<16xi32>
    %or3A_1124 = arith.ori %scan3A_39#15, %gather3A_1123 : vector<16xi32>
    %xor3A_1125 = arith.constant 4 : i32
    %xor3A_1126 = vector.broadcast %xor3A_1125 : i32 to vector<16xi32>
    %xor3A_1127 = arith.xori %iota3A, %xor3A_1126 : vector<16xi32>
    %lt3A_1128 = arith.constant 0 : i32
    %lt3A_1129 = vector.broadcast %lt3A_1128 : i32 to vector<16xi32>
    %lt3A_1130 = arith.cmpi slt, %xor3A_1127, %lt3A_1129 : vector<16xi32>
    %add3A_1131 = arith.constant 16 : i32
    %add3A_1132 = vector.broadcast %add3A_1131 : i32 to vector<16xi32>
    %add3A_1133 = arith.addi %xor3A_1127, %add3A_1132 : vector<16xi32>
    %select_n3A_1134 = arith.select %lt3A_1130, %add3A_1133, %xor3A_1127 : vector<16xi1>, vector<16xi32>
    %broadcast_in_dim3A_1135 = vector.shape_cast %select_n3A_1134 : vector<16xi32> to vector<16x1xi32>
    %gather3A_1136 = vector.shape_cast %broadcast_in_dim3A_1135 : vector<16x1xi32> to vector<16xi32>
    %gather3A_1137 = tpu.dynamic_gather %or3A_1124[%gather3A_1136] in [0] : vector<16xi32>, vector<16xi32> -> vector<16xi32>
    %or3A_1138 = arith.ori %or3A_1124, %gather3A_1137 : vector<16xi32>
    %xor3A_1139 = arith.constant 2 : i32
    %xor3A_1140 = vector.broadcast %xor3A_1139 : i32 to vector<16xi32>
    %xor3A_1141 = arith.xori %iota3A, %xor3A_1140 : vector<16xi32>
    %lt3A_1142 = arith.constant 0 : i32
    %lt3A_1143 = vector.broadcast %lt3A_1142 : i32 to vector<16xi32>
    %lt3A_1144 = arith.cmpi slt, %xor3A_1141, %lt3A_1143 : vector<16xi32>
    %add3A_1145 = arith.constant 16 : i32
    %add3A_1146 = vector.broadcast %add3A_1145 : i32 to vector<16xi32>
    %add3A_1147 = arith.addi %xor3A_1141, %add3A_1146 : vector<16xi32>
    %select_n3A_1148 = arith.select %lt3A_1144, %add3A_1147, %xor3A_1141 : vector<16xi1>, vector<16xi32>
    %broadcast_in_dim3A_1149 = vector.shape_cast %select_n3A_1148 : vector<16xi32> to vector<16x1xi32>
    %gather3A_1150 = vector.shape_cast %broadcast_in_dim3A_1149 : vector<16x1xi32> to vector<16xi32>
    %gather3A_1151 = tpu.dynamic_gather %or3A_1138[%gather3A_1150] in [0] : vector<16xi32>, vector<16xi32> -> vector<16xi32>
    %or3A_1152 = arith.ori %or3A_1138, %gather3A_1151 : vector<16xi32>
    %xor3A_1153 = arith.constant 1 : i32
    %xor3A_1154 = vector.broadcast %xor3A_1153 : i32 to vector<16xi32>
    %xor3A_1155 = arith.xori %iota3A, %xor3A_1154 : vector<16xi32>
    %lt3A_1156 = arith.constant 0 : i32
    %lt3A_1157 = vector.broadcast %lt3A_1156 : i32 to vector<16xi32>
    %lt3A_1158 = arith.cmpi slt, %xor3A_1155, %lt3A_1157 : vector<16xi32>
    %add3A_1159 = arith.constant 16 : i32
    %add3A_1160 = vector.broadcast %add3A_1159 : i32 to vector<16xi32>
    %add3A_1161 = arith.addi %xor3A_1155, %add3A_1160 : vector<16xi32>
    %select_n3A_1162 = arith.select %lt3A_1158, %add3A_1161, %xor3A_1155 : vector<16xi1>, vector<16xi32>
    %broadcast_in_dim3A_1163 = vector.shape_cast %select_n3A_1162 : vector<16xi32> to vector<16x1xi32>
    %gather3A_1164 = vector.shape_cast %broadcast_in_dim3A_1163 : vector<16x1xi32> to vector<16xi32>
    %gather3A_1165 = tpu.dynamic_gather %or3A_1152[%gather3A_1164] in [0] : vector<16xi32>, vector<16xi32> -> vector<16xi32>
    %or3A_1166 = arith.ori %or3A_1152, %gather3A_1165 : vector<16xi32>
    %shift_right_arithmetic3A_1167 = arith.shrsi %or3A_1166, %iota3A : vector<16xi32>
    %and3A_1168 = arith.constant 1 : i32
    %and3A_1169 = vector.broadcast %and3A_1168 : i32 to vector<16xi32>
    %and3A_1170 = arith.andi %shift_right_arithmetic3A_1167, %and3A_1169 : vector<16xi32>
    %eq3A_1171 = arith.constant 15 : i32
    %eq3A_1172 = vector.broadcast %eq3A_1171 : i32 to vector<16xi32>
    %eq3A_1173 = arith.cmpi eq, %iota3A, %eq3A_1172 : vector<16xi32>
    %jit3A_1174 = arith.constant 0 : i32
    %broadcast_in_dim3A_1175 = vector.broadcast %jit3A_1174 : i32 to vector<16xi32>
    %select_n3A_1176 = arith.select %eq3A_1173, %broadcast_in_dim3A_1175, %and3A_1170 : vector<16xi1>, vector<16xi32>
    %swap3A_1177 = arith.constant 15 : i32
    %swap3A_1178 = arith.index_cast %swap3A_1177 : i32 to index
    %swap3A_1179 = arith.constant 0 : index
    %swap3A_1180 = tpu.vector_load %arg5[%swap3A_1178, %swap3A_1179] {strides = array<i32>} : memref<16x16xi32, #tpu.memory_space<vmem>>, vector<1x16xi32>,
    %swap3A_1181 = vector.shape_cast %swap3A_1180 : vector<1x16xi32> to vector<16xi32>
    %swap3A_1182 = vector.shape_cast %select_n3A_1176 : vector<16xi32> to vector<1x16xi32>
    tpu.vector_store %arg5[%swap3A_1178, %swap3A_1179], %swap3A_1182 {strides = array<i32>} : memref<16x16xi32, #tpu.memory_space<vmem>>, vector<1x16xi32>,
    "tpu.region"() ({
      %run_scoped3A = tpu.sem_alloc : memref<!tpu.dma_semaphore, #tpu.memory_space<semaphore_mem>>
      %dma_start3A = arith.constant 0 : i32
      %dma_start3A_2377 = arith.constant 0 : i32
      %dma_start3A_2378 = tpu.memref_slice %arg3[%add3A_4, %dma_start3A, %dma_start3A_2377] : memref<64x16x16xi32, #tpu.memory_space<hbm>> -> memref<1x16x16xi32, #tpu.memory_space<hbm>>
      %dma_start3A_2379 = tpu.memref_squeeze %dma_start3A_2378 : memref<1x16x16xi32, #tpu.memory_space<hbm>> -> memref<16x16xi32, #tpu.memory_space<hbm>>
      %dma_start3A_2380 = arith.constant 0 : i32
      %dma_start3A_2381 = arith.constant 0 : i32
      %dma_start3A_2382 = tpu.memref_slice %arg3[%add3A_4, %dma_start3A_2380, %dma_start3A_2381] : memref<64x16x16xi32, #tpu.memory_space<hbm>> -> memref<1x16x16xi32, #tpu.memory_space<hbm>>
      %dma_start3A_2383 = tpu.memref_squeeze %dma_start3A_2382 : memref<1x16x16xi32, #tpu.memory_space<hbm>> -> memref<16x16xi32, #tpu.memory_space<hbm>>
      tpu.enqueue_dma source(%arg5 : memref<16x16xi32, #tpu.memory_space<vmem>>) target(%dma_start3A_2383 : memref<16x16xi32, #tpu.memory_space<hbm>>) target_semaphore(%run_scoped3A : memref<!tpu.dma_semaphore, #tpu.memory_space<semaphore_mem>>)
      %dma_wait3A = arith.constant 0 : i32
      %dma_wait3A_2384 = arith.constant 0 : i32
      %dma_wait3A_2385 = tpu.memref_slice %arg3[%add3A_4, %dma_wait3A, %dma_wait3A_2384] : memref<64x16x16xi32, #tpu.memory_space<hbm>> -> memref<1x16x16xi32, #tpu.memory_space<hbm>>
      %dma_wait3A_2386 = tpu.memref_squeeze %dma_wait3A_2385 : memref<1x16x16xi32, #tpu.memory_space<hbm>> -> memref<16x16xi32, #tpu.memory_space<hbm>>
      %dma_wait3A_2387 = arith.constant 0 : i32
      %dma_wait3A_2388 = arith.constant 0 : i32
      %dma_wait3A_2389 = tpu.memref_slice %arg3[%add3A_4, %dma_wait3A_2387, %dma_wait3A_2388] : memref<64x16x16xi32, #tpu.memory_space<hbm>> -> memref<1x16x16xi32, #tpu.memory_space<hbm>>
      %dma_wait3A_2390 = tpu.memref_squeeze %dma_wait3A_2389 : memref<1x16x16xi32, #tpu.memory_space<hbm>> -> memref<16x16xi32, #tpu.memory_space<hbm>>
      tpu.wait_dma2 semaphore(%run_scoped3A : memref<!tpu.dma_semaphore, #tpu.memory_space<semaphore_mem>>) src(%arg5 : memref<16x16xi32, #tpu.memory_space<vmem>>) dst(%dma_wait3A_2390 : memref<16x16xi32, #tpu.memory_space<hbm>>)
      tpu.yield
    }) : () -> ()
    %mul3A_1183 = arith.constant 2 : i32
    %mul3A_1184 = arith.muli %add3A, %mul3A_1183 : i32
    %add3A_1185 = arith.constant 1 : i32
    %add3A_1186 = arith.addi %mul3A_1184, %add3A_1185 : i32
    "tpu.region"() ({
      %run_scoped3A = tpu.sem_alloc : memref<!tpu.dma_semaphore, #tpu.memory_space<semaphore_mem>>
      %dma_start3A = arith.constant 0 : i32
      %dma_start3A_2377 = arith.constant 0 : i32
      %dma_start3A_2378 = tpu.memref_slice %arg2[%add3A_1186, %dma_start3A, %dma_start3A_2377] : memref<64x16x2048xi32, #tpu.memory_space<hbm>> -> memref<1x16x2048xi32, #tpu.memory_space<hbm>>
      %dma_start3A_2379 = tpu.memref_squeeze %dma_start3A_2378 : memref<1x16x2048xi32, #tpu.memory_space<hbm>> -> memref<16x2048xi32, #tpu.memory_space<hbm>>
      %dma_start3A_2380 = arith.constant 0 : i32
      %dma_start3A_2381 = arith.constant 0 : i32
      %dma_start3A_2382 = tpu.memref_slice %arg2[%add3A_1186, %dma_start3A_2380, %dma_start3A_2381] : memref<64x16x2048xi32, #tpu.memory_space<hbm>> -> memref<1x16x2048xi32, #tpu.memory_space<hbm>>
      %dma_start3A_2383 = tpu.memref_squeeze %dma_start3A_2382 : memref<1x16x2048xi32, #tpu.memory_space<hbm>> -> memref<16x2048xi32, #tpu.memory_space<hbm>>
      tpu.enqueue_dma source(%dma_start3A_2383 : memref<16x2048xi32, #tpu.memory_space<hbm>>) target(%arg4 : memref<16x2048xi32, #tpu.memory_space<vmem>>) target_semaphore(%run_scoped3A : memref<!tpu.dma_semaphore, #tpu.memory_space<semaphore_mem>>)
      %dma_wait3A = arith.constant 0 : i32
      %dma_wait3A_2384 = arith.constant 0 : i32
      %dma_wait3A_2385 = tpu.memref_slice %arg2[%add3A_1186, %dma_wait3A, %dma_wait3A_2384] : memref<64x16x2048xi32, #tpu.memory_space<hbm>> -> memref<1x16x2048xi32, #tpu.memory_space<hbm>>
      %dma_wait3A_2386 = tpu.memref_squeeze %dma_wait3A_2385 : memref<1x16x2048xi32, #tpu.memory_space<hbm>> -> memref<16x2048xi32, #tpu.memory_space<hbm>>
      %dma_wait3A_2387 = arith.constant 0 : i32
      %dma_wait3A_2388 = arith.constant 0 : i32
      %dma_wait3A_2389 = tpu.memref_slice %arg2[%add3A_1186, %dma_wait3A_2387, %dma_wait3A_2388] : memref<64x16x2048xi32, #tpu.memory_space<hbm>> -> memref<1x16x2048xi32, #tpu.memory_space<hbm>>
      %dma_wait3A_2390 = tpu.memref_squeeze %dma_wait3A_2389 : memref<1x16x2048xi32, #tpu.memory_space<hbm>> -> memref<16x2048xi32, #tpu.memory_space<hbm>>
      tpu.wait_dma2 semaphore(%run_scoped3A : memref<!tpu.dma_semaphore, #tpu.memory_space<semaphore_mem>>) src(%dma_wait3A_2390 : memref<16x2048xi32, #tpu.memory_space<hbm>>) dst(%arg4 : memref<16x2048xi32, #tpu.memory_space<vmem>>)
      tpu.yield
    }) : () -> ()
    %broadcast_in_dim3A_1187 = arith.constant 0 : i32
    %broadcast_in_dim3A_1188 = vector.broadcast %broadcast_in_dim3A_1187 : i32 to vector<16xi32>
    %broadcast_in_dim3A_1189 = arith.constant 0 : i32
    %broadcast_in_dim3A_1190 = vector.broadcast %broadcast_in_dim3A_1189 : i32 to vector<16xi32>
    %broadcast_in_dim3A_1191 = arith.constant 0 : i32
    %broadcast_in_dim3A_1192 = vector.broadcast %broadcast_in_dim3A_1191 : i32 to vector<16xi32>
    %broadcast_in_dim3A_1193 = arith.constant 0 : i32
    %broadcast_in_dim3A_1194 = vector.broadcast %broadcast_in_dim3A_1193 : i32 to vector<16xi32>
    %broadcast_in_dim3A_1195 = arith.constant 0 : i32
    %broadcast_in_dim3A_1196 = vector.broadcast %broadcast_in_dim3A_1195 : i32 to vector<16xi32>
    %broadcast_in_dim3A_1197 = arith.constant 0 : i32
    %broadcast_in_dim3A_1198 = vector.broadcast %broadcast_in_dim3A_1197 : i32 to vector<16xi32>
    %broadcast_in_dim3A_1199 = arith.constant 0 : i32
    %broadcast_in_dim3A_1200 = vector.broadcast %broadcast_in_dim3A_1199 : i32 to vector<16xi32>
    %broadcast_in_dim3A_1201 = arith.constant 0 : i32
    %broadcast_in_dim3A_1202 = vector.broadcast %broadcast_in_dim3A_1201 : i32 to vector<16xi32>
    %broadcast_in_dim3A_1203 = arith.constant 0 : i32
    %broadcast_in_dim3A_1204 = vector.broadcast %broadcast_in_dim3A_1203 : i32 to vector<16xi32>
    %broadcast_in_dim3A_1205 = arith.constant 0 : i32
    %broadcast_in_dim3A_1206 = vector.broadcast %broadcast_in_dim3A_1205 : i32 to vector<16xi32>
    %broadcast_in_dim3A_1207 = arith.constant 0 : i32
    %broadcast_in_dim3A_1208 = vector.broadcast %broadcast_in_dim3A_1207 : i32 to vector<16xi32>
    %broadcast_in_dim3A_1209 = arith.constant 0 : i32
    %broadcast_in_dim3A_1210 = vector.broadcast %broadcast_in_dim3A_1209 : i32 to vector<16xi32>
    %broadcast_in_dim3A_1211 = arith.constant 0 : i32
    %broadcast_in_dim3A_1212 = vector.broadcast %broadcast_in_dim3A_1211 : i32 to vector<16xi32>
    %broadcast_in_dim3A_1213 = arith.constant 0 : i32
    %broadcast_in_dim3A_1214 = vector.broadcast %broadcast_in_dim3A_1213 : i32 to vector<16xi32>
    %broadcast_in_dim3A_1215 = arith.constant 0 : i32
    %broadcast_in_dim3A_1216 = vector.broadcast %broadcast_in_dim3A_1215 : i32 to vector<16xi32>
    %broadcast_in_dim3A_1217 = arith.constant 0 : i32
    %broadcast_in_dim3A_1218 = vector.broadcast %broadcast_in_dim3A_1217 : i32 to vector<16xi32>
    %scan3A_1219 = arith.constant 0 : i32
    %scan3A_1220 = arith.constant 128 : i32
    %scan3A_1221 = arith.addi %scan3A_1219, %scan3A_1220 : i32
    %scan3A_1222 = arith.constant 1 : i32
    %scan3A_1223:16 = scf.for %scan3A_2377 = %scan3A_1219 to %scan3A_1221 step %scan3A_1222 iter_args(%scan3A_2378 = %broadcast_in_dim3A_1188, %scan3A_2379 = %broadcast_in_dim3A_1190, %scan3A_2380 = %broadcast_in_dim3A_1192, %scan3A_2381 = %broadcast_in_dim3A_1194, %scan3A_2382 = %broadcast_in_dim3A_1196, %scan3A_2383 = %broadcast_in_dim3A_1198, %scan3A_2384 = %broadcast_in_dim3A_1200, %scan3A_2385 = %broadcast_in_dim3A_1202, %scan3A_2386 = %broadcast_in_dim3A_1204, %scan3A_2387 = %broadcast_in_dim3A_1206, %scan3A_2388 = %broadcast_in_dim3A_1208, %scan3A_2389 = %broadcast_in_dim3A_1210, %scan3A_2390 = %broadcast_in_dim3A_1212, %scan3A_2391 = %broadcast_in_dim3A_1214, %scan3A_2392 = %broadcast_in_dim3A_1216, %scan3A_2393 = %broadcast_in_dim3A_1218) -> (vector<16xi32>, vector<16xi32>, vector<16xi32>, vector<16xi32>, vector<16xi32>, vector<16xi32>, vector<16xi32>, vector<16xi32>, vector<16xi32>, vector<16xi32>, vector<16xi32>, vector<16xi32>, vector<16xi32>, vector<16xi32>, vector<16xi32>, vector<16xi32>)  : i32 {
      %broadcast_in_dim3A_2394 = arith.constant 0 : i32
      %broadcast_in_dim3A_2395 = vector.broadcast %broadcast_in_dim3A_2394 : i32 to vector<16xi32>
      %mul3A_2396 = arith.constant 16 : i32
      %mul3A_2397 = arith.muli %scan3A_2377, %mul3A_2396 : i32
      %get3A = arith.constant 0 : i32
      %get3A_2398 = arith.index_cast %get3A : i32 to index
      %get3A_2399 = arith.index_cast %mul3A_2397 : i32 to index
      %get3A_2400 = tpu.vector_load %arg4[%get3A_2398, %get3A_2399] {strides = array<i32>} : memref<16x2048xi32, #tpu.memory_space<vmem>>, vector<1x16xi32>,
      %get3A_2401 = vector.shape_cast %get3A_2400 : vector<1x16xi32> to vector<16xi32>
      %gt3A = arith.constant 0 : i32
      %gt3A_2402 = vector.broadcast %gt3A : i32 to vector<16xi32>
      %gt3A_2403 = arith.cmpi sgt, %get3A_2401, %gt3A_2402 : vector<16xi32>
      %jit3A_2404 = arith.constant 1 : i32
      %jit3A_2405 = arith.constant 0 : i32
      %broadcast_in_dim3A_2406 = vector.broadcast %jit3A_2404 : i32 to vector<16xi32>
      %broadcast_in_dim3A_2407 = vector.broadcast %jit3A_2405 : i32 to vector<16xi32>
      %select_n3A_2408 = arith.select %gt3A_2403, %broadcast_in_dim3A_2406, %broadcast_in_dim3A_2407 : vector<16xi1>, vector<16xi32>
      %or3A_2409 = arith.ori %broadcast_in_dim3A_2395, %select_n3A_2408 : vector<16xi32>
      %mul3A_2410 = arith.constant 16 : i32
      %mul3A_2411 = arith.muli %scan3A_2377, %mul3A_2410 : i32
      %get3A_2412 = arith.constant 1 : i32
      %get3A_2413 = arith.index_cast %get3A_2412 : i32 to index
      %get3A_2414 = arith.index_cast %mul3A_2411 : i32 to index
      %get3A_2415 = tpu.vector_load %arg4[%get3A_2413, %get3A_2414] {strides = array<i32>} : memref<16x2048xi32, #tpu.memory_space<vmem>>, vector<1x16xi32>,
      %get3A_2416 = vector.shape_cast %get3A_2415 : vector<1x16xi32> to vector<16xi32>
      %gt3A_2417 = arith.constant 0 : i32
      %gt3A_2418 = vector.broadcast %gt3A_2417 : i32 to vector<16xi32>
      %gt3A_2419 = arith.cmpi sgt, %get3A_2416, %gt3A_2418 : vector<16xi32>
      %jit3A_2420 = arith.constant 2 : i32
      %jit3A_2421 = arith.constant 0 : i32
      %broadcast_in_dim3A_2422 = vector.broadcast %jit3A_2420 : i32 to vector<16xi32>
      %broadcast_in_dim3A_2423 = vector.broadcast %jit3A_2421 : i32 to vector<16xi32>
      %select_n3A_2424 = arith.select %gt3A_2419, %broadcast_in_dim3A_2422, %broadcast_in_dim3A_2423 : vector<16xi1>, vector<16xi32>
      %or3A_2425 = arith.ori %or3A_2409, %select_n3A_2424 : vector<16xi32>
      %mul3A_2426 = arith.constant 16 : i32
      %mul3A_2427 = arith.muli %scan3A_2377, %mul3A_2426 : i32
      %get3A_2428 = arith.constant 2 : i32
      %get3A_2429 = arith.index_cast %get3A_2428 : i32 to index
      %get3A_2430 = arith.index_cast %mul3A_2427 : i32 to index
      %get3A_2431 = tpu.vector_load %arg4[%get3A_2429, %get3A_2430] {strides = array<i32>} : memref<16x2048xi32, #tpu.memory_space<vmem>>, vector<1x16xi32>,
      %get3A_2432 = vector.shape_cast %get3A_2431 : vector<1x16xi32> to vector<16xi32>
      %gt3A_2433 = arith.constant 0 : i32
      %gt3A_2434 = vector.broadcast %gt3A_2433 : i32 to vector<16xi32>
      %gt3A_2435 = arith.cmpi sgt, %get3A_2432, %gt3A_2434 : vector<16xi32>
      %jit3A_2436 = arith.constant 4 : i32
      %jit3A_2437 = arith.constant 0 : i32
      %broadcast_in_dim3A_2438 = vector.broadcast %jit3A_2436 : i32 to vector<16xi32>
      %broadcast_in_dim3A_2439 = vector.broadcast %jit3A_2437 : i32 to vector<16xi32>
      %select_n3A_2440 = arith.select %gt3A_2435, %broadcast_in_dim3A_2438, %broadcast_in_dim3A_2439 : vector<16xi1>, vector<16xi32>
      %or3A_2441 = arith.ori %or3A_2425, %select_n3A_2440 : vector<16xi32>
      %mul3A_2442 = arith.constant 16 : i32
      %mul3A_2443 = arith.muli %scan3A_2377, %mul3A_2442 : i32
      %get3A_2444 = arith.constant 3 : i32
      %get3A_2445 = arith.index_cast %get3A_2444 : i32 to index
      %get3A_2446 = arith.index_cast %mul3A_2443 : i32 to index
      %get3A_2447 = tpu.vector_load %arg4[%get3A_2445, %get3A_2446] {strides = array<i32>} : memref<16x2048xi32, #tpu.memory_space<vmem>>, vector<1x16xi32>,
      %get3A_2448 = vector.shape_cast %get3A_2447 : vector<1x16xi32> to vector<16xi32>
      %gt3A_2449 = arith.constant 0 : i32
      %gt3A_2450 = vector.broadcast %gt3A_2449 : i32 to vector<16xi32>
      %gt3A_2451 = arith.cmpi sgt, %get3A_2448, %gt3A_2450 : vector<16xi32>
      %jit3A_2452 = arith.constant 8 : i32
      %jit3A_2453 = arith.constant 0 : i32
      %broadcast_in_dim3A_2454 = vector.broadcast %jit3A_2452 : i32 to vector<16xi32>
      %broadcast_in_dim3A_2455 = vector.broadcast %jit3A_2453 : i32 to vector<16xi32>
      %select_n3A_2456 = arith.select %gt3A_2451, %broadcast_in_dim3A_2454, %broadcast_in_dim3A_2455 : vector<16xi1>, vector<16xi32>
      %or3A_2457 = arith.ori %or3A_2441, %select_n3A_2456 : vector<16xi32>
      %mul3A_2458 = arith.constant 16 : i32
      %mul3A_2459 = arith.muli %scan3A_2377, %mul3A_2458 : i32
      %get3A_2460 = arith.constant 4 : i32
      %get3A_2461 = arith.index_cast %get3A_2460 : i32 to index
      %get3A_2462 = arith.index_cast %mul3A_2459 : i32 to index
      %get3A_2463 = tpu.vector_load %arg4[%get3A_2461, %get3A_2462] {strides = array<i32>} : memref<16x2048xi32, #tpu.memory_space<vmem>>, vector<1x16xi32>,
      %get3A_2464 = vector.shape_cast %get3A_2463 : vector<1x16xi32> to vector<16xi32>
      %gt3A_2465 = arith.constant 0 : i32
      %gt3A_2466 = vector.broadcast %gt3A_2465 : i32 to vector<16xi32>
      %gt3A_2467 = arith.cmpi sgt, %get3A_2464, %gt3A_2466 : vector<16xi32>
      %jit3A_2468 = arith.constant 16 : i32
      %jit3A_2469 = arith.constant 0 : i32
      %broadcast_in_dim3A_2470 = vector.broadcast %jit3A_2468 : i32 to vector<16xi32>
      %broadcast_in_dim3A_2471 = vector.broadcast %jit3A_2469 : i32 to vector<16xi32>
      %select_n3A_2472 = arith.select %gt3A_2467, %broadcast_in_dim3A_2470, %broadcast_in_dim3A_2471 : vector<16xi1>, vector<16xi32>
      %or3A_2473 = arith.ori %or3A_2457, %select_n3A_2472 : vector<16xi32>
      %mul3A_2474 = arith.constant 16 : i32
      %mul3A_2475 = arith.muli %scan3A_2377, %mul3A_2474 : i32
      %get3A_2476 = arith.constant 5 : i32
      %get3A_2477 = arith.index_cast %get3A_2476 : i32 to index
      %get3A_2478 = arith.index_cast %mul3A_2475 : i32 to index
      %get3A_2479 = tpu.vector_load %arg4[%get3A_2477, %get3A_2478] {strides = array<i32>} : memref<16x2048xi32, #tpu.memory_space<vmem>>, vector<1x16xi32>,
      %get3A_2480 = vector.shape_cast %get3A_2479 : vector<1x16xi32> to vector<16xi32>
      %gt3A_2481 = arith.constant 0 : i32
      %gt3A_2482 = vector.broadcast %gt3A_2481 : i32 to vector<16xi32>
      %gt3A_2483 = arith.cmpi sgt, %get3A_2480, %gt3A_2482 : vector<16xi32>
      %jit3A_2484 = arith.constant 32 : i32
      %jit3A_2485 = arith.constant 0 : i32
      %broadcast_in_dim3A_2486 = vector.broadcast %jit3A_2484 : i32 to vector<16xi32>
      %broadcast_in_dim3A_2487 = vector.broadcast %jit3A_2485 : i32 to vector<16xi32>
      %select_n3A_2488 = arith.select %gt3A_2483, %broadcast_in_dim3A_2486, %broadcast_in_dim3A_2487 : vector<16xi1>, vector<16xi32>
      %or3A_2489 = arith.ori %or3A_2473, %select_n3A_2488 : vector<16xi32>
      %mul3A_2490 = arith.constant 16 : i32
      %mul3A_2491 = arith.muli %scan3A_2377, %mul3A_2490 : i32
      %get3A_2492 = arith.constant 6 : i32
      %get3A_2493 = arith.index_cast %get3A_2492 : i32 to index
      %get3A_2494 = arith.index_cast %mul3A_2491 : i32 to index
      %get3A_2495 = tpu.vector_load %arg4[%get3A_2493, %get3A_2494] {strides = array<i32>} : memref<16x2048xi32, #tpu.memory_space<vmem>>, vector<1x16xi32>,
      %get3A_2496 = vector.shape_cast %get3A_2495 : vector<1x16xi32> to vector<16xi32>
      %gt3A_2497 = arith.constant 0 : i32
      %gt3A_2498 = vector.broadcast %gt3A_2497 : i32 to vector<16xi32>
      %gt3A_2499 = arith.cmpi sgt, %get3A_2496, %gt3A_2498 : vector<16xi32>
      %jit3A_2500 = arith.constant 64 : i32
      %jit3A_2501 = arith.constant 0 : i32
      %broadcast_in_dim3A_2502 = vector.broadcast %jit3A_2500 : i32 to vector<16xi32>
      %broadcast_in_dim3A_2503 = vector.broadcast %jit3A_2501 : i32 to vector<16xi32>
      %select_n3A_2504 = arith.select %gt3A_2499, %broadcast_in_dim3A_2502, %broadcast_in_dim3A_2503 : vector<16xi1>, vector<16xi32>
      %or3A_2505 = arith.ori %or3A_2489, %select_n3A_2504 : vector<16xi32>
      %mul3A_2506 = arith.constant 16 : i32
      %mul3A_2507 = arith.muli %scan3A_2377, %mul3A_2506 : i32
      %get3A_2508 = arith.constant 7 : i32
      %get3A_2509 = arith.index_cast %get3A_2508 : i32 to index
      %get3A_2510 = arith.index_cast %mul3A_2507 : i32 to index
      %get3A_2511 = tpu.vector_load %arg4[%get3A_2509, %get3A_2510] {strides = array<i32>} : memref<16x2048xi32, #tpu.memory_space<vmem>>, vector<1x16xi32>,
      %get3A_2512 = vector.shape_cast %get3A_2511 : vector<1x16xi32> to vector<16xi32>
      %gt3A_2513 = arith.constant 0 : i32
      %gt3A_2514 = vector.broadcast %gt3A_2513 : i32 to vector<16xi32>
      %gt3A_2515 = arith.cmpi sgt, %get3A_2512, %gt3A_2514 : vector<16xi32>
      %jit3A_2516 = arith.constant 128 : i32
      %jit3A_2517 = arith.constant 0 : i32
      %broadcast_in_dim3A_2518 = vector.broadcast %jit3A_2516 : i32 to vector<16xi32>
      %broadcast_in_dim3A_2519 = vector.broadcast %jit3A_2517 : i32 to vector<16xi32>
      %select_n3A_2520 = arith.select %gt3A_2515, %broadcast_in_dim3A_2518, %broadcast_in_dim3A_2519 : vector<16xi1>, vector<16xi32>
      %or3A_2521 = arith.ori %or3A_2505, %select_n3A_2520 : vector<16xi32>
      %mul3A_2522 = arith.constant 16 : i32
      %mul3A_2523 = arith.muli %scan3A_2377, %mul3A_2522 : i32
      %get3A_2524 = arith.constant 8 : i32
      %get3A_2525 = arith.index_cast %get3A_2524 : i32 to index
      %get3A_2526 = arith.index_cast %mul3A_2523 : i32 to index
      %get3A_2527 = tpu.vector_load %arg4[%get3A_2525, %get3A_2526] {strides = array<i32>} : memref<16x2048xi32, #tpu.memory_space<vmem>>, vector<1x16xi32>,
      %get3A_2528 = vector.shape_cast %get3A_2527 : vector<1x16xi32> to vector<16xi32>
      %gt3A_2529 = arith.constant 0 : i32
      %gt3A_2530 = vector.broadcast %gt3A_2529 : i32 to vector<16xi32>
      %gt3A_2531 = arith.cmpi sgt, %get3A_2528, %gt3A_2530 : vector<16xi32>
      %jit3A_2532 = arith.constant 256 : i32
      %jit3A_2533 = arith.constant 0 : i32
      %broadcast_in_dim3A_2534 = vector.broadcast %jit3A_2532 : i32 to vector<16xi32>
      %broadcast_in_dim3A_2535 = vector.broadcast %jit3A_2533 : i32 to vector<16xi32>
      %select_n3A_2536 = arith.select %gt3A_2531, %broadcast_in_dim3A_2534, %broadcast_in_dim3A_2535 : vector<16xi1>, vector<16xi32>
      %or3A_2537 = arith.ori %or3A_2521, %select_n3A_2536 : vector<16xi32>
      %mul3A_2538 = arith.constant 16 : i32
      %mul3A_2539 = arith.muli %scan3A_2377, %mul3A_2538 : i32
      %get3A_2540 = arith.constant 9 : i32
      %get3A_2541 = arith.index_cast %get3A_2540 : i32 to index
      %get3A_2542 = arith.index_cast %mul3A_2539 : i32 to index
      %get3A_2543 = tpu.vector_load %arg4[%get3A_2541, %get3A_2542] {strides = array<i32>} : memref<16x2048xi32, #tpu.memory_space<vmem>>, vector<1x16xi32>,
      %get3A_2544 = vector.shape_cast %get3A_2543 : vector<1x16xi32> to vector<16xi32>
      %gt3A_2545 = arith.constant 0 : i32
      %gt3A_2546 = vector.broadcast %gt3A_2545 : i32 to vector<16xi32>
      %gt3A_2547 = arith.cmpi sgt, %get3A_2544, %gt3A_2546 : vector<16xi32>
      %jit3A_2548 = arith.constant 512 : i32
      %jit3A_2549 = arith.constant 0 : i32
      %broadcast_in_dim3A_2550 = vector.broadcast %jit3A_2548 : i32 to vector<16xi32>
      %broadcast_in_dim3A_2551 = vector.broadcast %jit3A_2549 : i32 to vector<16xi32>
      %select_n3A_2552 = arith.select %gt3A_2547, %broadcast_in_dim3A_2550, %broadcast_in_dim3A_2551 : vector<16xi1>, vector<16xi32>
      %or3A_2553 = arith.ori %or3A_2537, %select_n3A_2552 : vector<16xi32>
      %mul3A_2554 = arith.constant 16 : i32
      %mul3A_2555 = arith.muli %scan3A_2377, %mul3A_2554 : i32
      %get3A_2556 = arith.constant 10 : i32
      %get3A_2557 = arith.index_cast %get3A_2556 : i32 to index
      %get3A_2558 = arith.index_cast %mul3A_2555 : i32 to index
      %get3A_2559 = tpu.vector_load %arg4[%get3A_2557, %get3A_2558] {strides = array<i32>} : memref<16x2048xi32, #tpu.memory_space<vmem>>, vector<1x16xi32>,
      %get3A_2560 = vector.shape_cast %get3A_2559 : vector<1x16xi32> to vector<16xi32>
      %gt3A_2561 = arith.constant 0 : i32
      %gt3A_2562 = vector.broadcast %gt3A_2561 : i32 to vector<16xi32>
      %gt3A_2563 = arith.cmpi sgt, %get3A_2560, %gt3A_2562 : vector<16xi32>
      %jit3A_2564 = arith.constant 1024 : i32
      %jit3A_2565 = arith.constant 0 : i32
      %broadcast_in_dim3A_2566 = vector.broadcast %jit3A_2564 : i32 to vector<16xi32>
      %broadcast_in_dim3A_2567 = vector.broadcast %jit3A_2565 : i32 to vector<16xi32>
      %select_n3A_2568 = arith.select %gt3A_2563, %broadcast_in_dim3A_2566, %broadcast_in_dim3A_2567 : vector<16xi1>, vector<16xi32>
      %or3A_2569 = arith.ori %or3A_2553, %select_n3A_2568 : vector<16xi32>
      %mul3A_2570 = arith.constant 16 : i32
      %mul3A_2571 = arith.muli %scan3A_2377, %mul3A_2570 : i32
      %get3A_2572 = arith.constant 11 : i32
      %get3A_2573 = arith.index_cast %get3A_2572 : i32 to index
      %get3A_2574 = arith.index_cast %mul3A_2571 : i32 to index
      %get3A_2575 = tpu.vector_load %arg4[%get3A_2573, %get3A_2574] {strides = array<i32>} : memref<16x2048xi32, #tpu.memory_space<vmem>>, vector<1x16xi32>,
      %get3A_2576 = vector.shape_cast %get3A_2575 : vector<1x16xi32> to vector<16xi32>
      %gt3A_2577 = arith.constant 0 : i32
      %gt3A_2578 = vector.broadcast %gt3A_2577 : i32 to vector<16xi32>
      %gt3A_2579 = arith.cmpi sgt, %get3A_2576, %gt3A_2578 : vector<16xi32>
      %jit3A_2580 = arith.constant 2048 : i32
      %jit3A_2581 = arith.constant 0 : i32
      %broadcast_in_dim3A_2582 = vector.broadcast %jit3A_2580 : i32 to vector<16xi32>
      %broadcast_in_dim3A_2583 = vector.broadcast %jit3A_2581 : i32 to vector<16xi32>
      %select_n3A_2584 = arith.select %gt3A_2579, %broadcast_in_dim3A_2582, %broadcast_in_dim3A_2583 : vector<16xi1>, vector<16xi32>
      %or3A_2585 = arith.ori %or3A_2569, %select_n3A_2584 : vector<16xi32>
      %mul3A_2586 = arith.constant 16 : i32
      %mul3A_2587 = arith.muli %scan3A_2377, %mul3A_2586 : i32
      %get3A_2588 = arith.constant 12 : i32
      %get3A_2589 = arith.index_cast %get3A_2588 : i32 to index
      %get3A_2590 = arith.index_cast %mul3A_2587 : i32 to index
      %get3A_2591 = tpu.vector_load %arg4[%get3A_2589, %get3A_2590] {strides = array<i32>} : memref<16x2048xi32, #tpu.memory_space<vmem>>, vector<1x16xi32>,
      %get3A_2592 = vector.shape_cast %get3A_2591 : vector<1x16xi32> to vector<16xi32>
      %gt3A_2593 = arith.constant 0 : i32
      %gt3A_2594 = vector.broadcast %gt3A_2593 : i32 to vector<16xi32>
      %gt3A_2595 = arith.cmpi sgt, %get3A_2592, %gt3A_2594 : vector<16xi32>
      %jit3A_2596 = arith.constant 4096 : i32
      %jit3A_2597 = arith.constant 0 : i32
      %broadcast_in_dim3A_2598 = vector.broadcast %jit3A_2596 : i32 to vector<16xi32>
      %broadcast_in_dim3A_2599 = vector.broadcast %jit3A_2597 : i32 to vector<16xi32>
      %select_n3A_2600 = arith.select %gt3A_2595, %broadcast_in_dim3A_2598, %broadcast_in_dim3A_2599 : vector<16xi1>, vector<16xi32>
      %or3A_2601 = arith.ori %or3A_2585, %select_n3A_2600 : vector<16xi32>
      %mul3A_2602 = arith.constant 16 : i32
      %mul3A_2603 = arith.muli %scan3A_2377, %mul3A_2602 : i32
      %get3A_2604 = arith.constant 13 : i32
      %get3A_2605 = arith.index_cast %get3A_2604 : i32 to index
      %get3A_2606 = arith.index_cast %mul3A_2603 : i32 to index
      %get3A_2607 = tpu.vector_load %arg4[%get3A_2605, %get3A_2606] {strides = array<i32>} : memref<16x2048xi32, #tpu.memory_space<vmem>>, vector<1x16xi32>,
      %get3A_2608 = vector.shape_cast %get3A_2607 : vector<1x16xi32> to vector<16xi32>
      %gt3A_2609 = arith.constant 0 : i32
      %gt3A_2610 = vector.broadcast %gt3A_2609 : i32 to vector<16xi32>
      %gt3A_2611 = arith.cmpi sgt, %get3A_2608, %gt3A_2610 : vector<16xi32>
      %jit3A_2612 = arith.constant 8192 : i32
      %jit3A_2613 = arith.constant 0 : i32
      %broadcast_in_dim3A_2614 = vector.broadcast %jit3A_2612 : i32 to vector<16xi32>
      %broadcast_in_dim3A_2615 = vector.broadcast %jit3A_2613 : i32 to vector<16xi32>
      %select_n3A_2616 = arith.select %gt3A_2611, %broadcast_in_dim3A_2614, %broadcast_in_dim3A_2615 : vector<16xi1>, vector<16xi32>
      %or3A_2617 = arith.ori %or3A_2601, %select_n3A_2616 : vector<16xi32>
      %mul3A_2618 = arith.constant 16 : i32
      %mul3A_2619 = arith.muli %scan3A_2377, %mul3A_2618 : i32
      %get3A_2620 = arith.constant 14 : i32
      %get3A_2621 = arith.index_cast %get3A_2620 : i32 to index
      %get3A_2622 = arith.index_cast %mul3A_2619 : i32 to index
      %get3A_2623 = tpu.vector_load %arg4[%get3A_2621, %get3A_2622] {strides = array<i32>} : memref<16x2048xi32, #tpu.memory_space<vmem>>, vector<1x16xi32>,
      %get3A_2624 = vector.shape_cast %get3A_2623 : vector<1x16xi32> to vector<16xi32>
      %gt3A_2625 = arith.constant 0 : i32
      %gt3A_2626 = vector.broadcast %gt3A_2625 : i32 to vector<16xi32>
      %gt3A_2627 = arith.cmpi sgt, %get3A_2624, %gt3A_2626 : vector<16xi32>
      %jit3A_2628 = arith.constant 16384 : i32
      %jit3A_2629 = arith.constant 0 : i32
      %broadcast_in_dim3A_2630 = vector.broadcast %jit3A_2628 : i32 to vector<16xi32>
      %broadcast_in_dim3A_2631 = vector.broadcast %jit3A_2629 : i32 to vector<16xi32>
      %select_n3A_2632 = arith.select %gt3A_2627, %broadcast_in_dim3A_2630, %broadcast_in_dim3A_2631 : vector<16xi1>, vector<16xi32>
      %or3A_2633 = arith.ori %or3A_2617, %select_n3A_2632 : vector<16xi32>
      %mul3A_2634 = arith.constant 16 : i32
      %mul3A_2635 = arith.muli %scan3A_2377, %mul3A_2634 : i32
      %get3A_2636 = arith.constant 15 : i32
      %get3A_2637 = arith.index_cast %get3A_2636 : i32 to index
      %get3A_2638 = arith.index_cast %mul3A_2635 : i32 to index
      %get3A_2639 = tpu.vector_load %arg4[%get3A_2637, %get3A_2638] {strides = array<i32>} : memref<16x2048xi32, #tpu.memory_space<vmem>>, vector<1x16xi32>,
      %get3A_2640 = vector.shape_cast %get3A_2639 : vector<1x16xi32> to vector<16xi32>
      %gt3A_2641 = arith.constant 0 : i32
      %gt3A_2642 = vector.broadcast %gt3A_2641 : i32 to vector<16xi32>
      %gt3A_2643 = arith.cmpi sgt, %get3A_2640, %gt3A_2642 : vector<16xi32>
      %jit3A_2644 = arith.constant 32768 : i32
      %jit3A_2645 = arith.constant 0 : i32
      %broadcast_in_dim3A_2646 = vector.broadcast %jit3A_2644 : i32 to vector<16xi32>
      %broadcast_in_dim3A_2647 = vector.broadcast %jit3A_2645 : i32 to vector<16xi32>
      %select_n3A_2648 = arith.select %gt3A_2643, %broadcast_in_dim3A_2646, %broadcast_in_dim3A_2647 : vector<16xi1>, vector<16xi32>
      %or3A_2649 = arith.ori %or3A_2633, %select_n3A_2648 : vector<16xi32>
      %shift_right_arithmetic3A_2650 = arith.constant 0 : i32
      %shift_right_arithmetic3A_2651 = vector.broadcast %shift_right_arithmetic3A_2650 : i32 to vector<16xi32>
      %shift_right_arithmetic3A_2652 = arith.shrsi %or3A_2649, %shift_right_arithmetic3A_2651 : vector<16xi32>
      %and3A_2653 = arith.constant 1 : i32
      %and3A_2654 = vector.broadcast %and3A_2653 : i32 to vector<16xi32>
      %and3A_2655 = arith.andi %shift_right_arithmetic3A_2652, %and3A_2654 : vector<16xi32>
      %ne3A = arith.constant 0 : i32
      %ne3A_2656 = vector.broadcast %ne3A : i32 to vector<16xi32>
      %ne3A_2657 = arith.cmpi ne, %and3A_2655, %ne3A_2656 : vector<16xi32>
      %jit3A_2658 = arith.constant 0 : i32
      %broadcast_in_dim3A_2659 = vector.broadcast %jit3A_2658 : i32 to vector<16xi32>
      %select_n3A_2660 = arith.select %ne3A_2657, %or3A_2649, %broadcast_in_dim3A_2659 : vector<16xi1>, vector<16xi32>
      %or3A_2661 = arith.ori %scan3A_2378, %select_n3A_2660 : vector<16xi32>
      %shift_right_arithmetic3A_2662 = arith.constant 1 : i32
      %shift_right_arithmetic3A_2663 = vector.broadcast %shift_right_arithmetic3A_2662 : i32 to vector<16xi32>
      %shift_right_arithmetic3A_2664 = arith.shrsi %or3A_2649, %shift_right_arithmetic3A_2663 : vector<16xi32>
      %and3A_2665 = arith.constant 1 : i32
      %and3A_2666 = vector.broadcast %and3A_2665 : i32 to vector<16xi32>
      %and3A_2667 = arith.andi %shift_right_arithmetic3A_2664, %and3A_2666 : vector<16xi32>
      %ne3A_2668 = arith.constant 0 : i32
      %ne3A_2669 = vector.broadcast %ne3A_2668 : i32 to vector<16xi32>
      %ne3A_2670 = arith.cmpi ne, %and3A_2667, %ne3A_2669 : vector<16xi32>
      %jit3A_2671 = arith.constant 0 : i32
      %broadcast_in_dim3A_2672 = vector.broadcast %jit3A_2671 : i32 to vector<16xi32>
      %select_n3A_2673 = arith.select %ne3A_2670, %or3A_2649, %broadcast_in_dim3A_2672 : vector<16xi1>, vector<16xi32>
      %or3A_2674 = arith.ori %scan3A_2379, %select_n3A_2673 : vector<16xi32>
      %shift_right_arithmetic3A_2675 = arith.constant 2 : i32
      %shift_right_arithmetic3A_2676 = vector.broadcast %shift_right_arithmetic3A_2675 : i32 to vector<16xi32>
      %shift_right_arithmetic3A_2677 = arith.shrsi %or3A_2649, %shift_right_arithmetic3A_2676 : vector<16xi32>
      %and3A_2678 = arith.constant 1 : i32
      %and3A_2679 = vector.broadcast %and3A_2678 : i32 to vector<16xi32>
      %and3A_2680 = arith.andi %shift_right_arithmetic3A_2677, %and3A_2679 : vector<16xi32>
      %ne3A_2681 = arith.constant 0 : i32
      %ne3A_2682 = vector.broadcast %ne3A_2681 : i32 to vector<16xi32>
      %ne3A_2683 = arith.cmpi ne, %and3A_2680, %ne3A_2682 : vector<16xi32>
      %jit3A_2684 = arith.constant 0 : i32
      %broadcast_in_dim3A_2685 = vector.broadcast %jit3A_2684 : i32 to vector<16xi32>
      %select_n3A_2686 = arith.select %ne3A_2683, %or3A_2649, %broadcast_in_dim3A_2685 : vector<16xi1>, vector<16xi32>
      %or3A_2687 = arith.ori %scan3A_2380, %select_n3A_2686 : vector<16xi32>
      %shift_right_arithmetic3A_2688 = arith.constant 3 : i32
      %shift_right_arithmetic3A_2689 = vector.broadcast %shift_right_arithmetic3A_2688 : i32 to vector<16xi32>
      %shift_right_arithmetic3A_2690 = arith.shrsi %or3A_2649, %shift_right_arithmetic3A_2689 : vector<16xi32>
      %and3A_2691 = arith.constant 1 : i32
      %and3A_2692 = vector.broadcast %and3A_2691 : i32 to vector<16xi32>
      %and3A_2693 = arith.andi %shift_right_arithmetic3A_2690, %and3A_2692 : vector<16xi32>
      %ne3A_2694 = arith.constant 0 : i32
      %ne3A_2695 = vector.broadcast %ne3A_2694 : i32 to vector<16xi32>
      %ne3A_2696 = arith.cmpi ne, %and3A_2693, %ne3A_2695 : vector<16xi32>
      %jit3A_2697 = arith.constant 0 : i32
      %broadcast_in_dim3A_2698 = vector.broadcast %jit3A_2697 : i32 to vector<16xi32>
      %select_n3A_2699 = arith.select %ne3A_2696, %or3A_2649, %broadcast_in_dim3A_2698 : vector<16xi1>, vector<16xi32>
      %or3A_2700 = arith.ori %scan3A_2381, %select_n3A_2699 : vector<16xi32>
      %shift_right_arithmetic3A_2701 = arith.constant 4 : i32
      %shift_right_arithmetic3A_2702 = vector.broadcast %shift_right_arithmetic3A_2701 : i32 to vector<16xi32>
      %shift_right_arithmetic3A_2703 = arith.shrsi %or3A_2649, %shift_right_arithmetic3A_2702 : vector<16xi32>
      %and3A_2704 = arith.constant 1 : i32
      %and3A_2705 = vector.broadcast %and3A_2704 : i32 to vector<16xi32>
      %and3A_2706 = arith.andi %shift_right_arithmetic3A_2703, %and3A_2705 : vector<16xi32>
      %ne3A_2707 = arith.constant 0 : i32
      %ne3A_2708 = vector.broadcast %ne3A_2707 : i32 to vector<16xi32>
      %ne3A_2709 = arith.cmpi ne, %and3A_2706, %ne3A_2708 : vector<16xi32>
      %jit3A_2710 = arith.constant 0 : i32
      %broadcast_in_dim3A_2711 = vector.broadcast %jit3A_2710 : i32 to vector<16xi32>
      %select_n3A_2712 = arith.select %ne3A_2709, %or3A_2649, %broadcast_in_dim3A_2711 : vector<16xi1>, vector<16xi32>
      %or3A_2713 = arith.ori %scan3A_2382, %select_n3A_2712 : vector<16xi32>
      %shift_right_arithmetic3A_2714 = arith.constant 5 : i32
      %shift_right_arithmetic3A_2715 = vector.broadcast %shift_right_arithmetic3A_2714 : i32 to vector<16xi32>
      %shift_right_arithmetic3A_2716 = arith.shrsi %or3A_2649, %shift_right_arithmetic3A_2715 : vector<16xi32>
      %and3A_2717 = arith.constant 1 : i32
      %and3A_2718 = vector.broadcast %and3A_2717 : i32 to vector<16xi32>
      %and3A_2719 = arith.andi %shift_right_arithmetic3A_2716, %and3A_2718 : vector<16xi32>
      %ne3A_2720 = arith.constant 0 : i32
      %ne3A_2721 = vector.broadcast %ne3A_2720 : i32 to vector<16xi32>
      %ne3A_2722 = arith.cmpi ne, %and3A_2719, %ne3A_2721 : vector<16xi32>
      %jit3A_2723 = arith.constant 0 : i32
      %broadcast_in_dim3A_2724 = vector.broadcast %jit3A_2723 : i32 to vector<16xi32>
      %select_n3A_2725 = arith.select %ne3A_2722, %or3A_2649, %broadcast_in_dim3A_2724 : vector<16xi1>, vector<16xi32>
      %or3A_2726 = arith.ori %scan3A_2383, %select_n3A_2725 : vector<16xi32>
      %shift_right_arithmetic3A_2727 = arith.constant 6 : i32
      %shift_right_arithmetic3A_2728 = vector.broadcast %shift_right_arithmetic3A_2727 : i32 to vector<16xi32>
      %shift_right_arithmetic3A_2729 = arith.shrsi %or3A_2649, %shift_right_arithmetic3A_2728 : vector<16xi32>
      %and3A_2730 = arith.constant 1 : i32
      %and3A_2731 = vector.broadcast %and3A_2730 : i32 to vector<16xi32>
      %and3A_2732 = arith.andi %shift_right_arithmetic3A_2729, %and3A_2731 : vector<16xi32>
      %ne3A_2733 = arith.constant 0 : i32
      %ne3A_2734 = vector.broadcast %ne3A_2733 : i32 to vector<16xi32>
      %ne3A_2735 = arith.cmpi ne, %and3A_2732, %ne3A_2734 : vector<16xi32>
      %jit3A_2736 = arith.constant 0 : i32
      %broadcast_in_dim3A_2737 = vector.broadcast %jit3A_2736 : i32 to vector<16xi32>
      %select_n3A_2738 = arith.select %ne3A_2735, %or3A_2649, %broadcast_in_dim3A_2737 : vector<16xi1>, vector<16xi32>
      %or3A_2739 = arith.ori %scan3A_2384, %select_n3A_2738 : vector<16xi32>
      %shift_right_arithmetic3A_2740 = arith.constant 7 : i32
      %shift_right_arithmetic3A_2741 = vector.broadcast %shift_right_arithmetic3A_2740 : i32 to vector<16xi32>
      %shift_right_arithmetic3A_2742 = arith.shrsi %or3A_2649, %shift_right_arithmetic3A_2741 : vector<16xi32>
      %and3A_2743 = arith.constant 1 : i32
      %and3A_2744 = vector.broadcast %and3A_2743 : i32 to vector<16xi32>
      %and3A_2745 = arith.andi %shift_right_arithmetic3A_2742, %and3A_2744 : vector<16xi32>
      %ne3A_2746 = arith.constant 0 : i32
      %ne3A_2747 = vector.broadcast %ne3A_2746 : i32 to vector<16xi32>
      %ne3A_2748 = arith.cmpi ne, %and3A_2745, %ne3A_2747 : vector<16xi32>
      %jit3A_2749 = arith.constant 0 : i32
      %broadcast_in_dim3A_2750 = vector.broadcast %jit3A_2749 : i32 to vector<16xi32>
      %select_n3A_2751 = arith.select %ne3A_2748, %or3A_2649, %broadcast_in_dim3A_2750 : vector<16xi1>, vector<16xi32>
      %or3A_2752 = arith.ori %scan3A_2385, %select_n3A_2751 : vector<16xi32>
      %shift_right_arithmetic3A_2753 = arith.constant 8 : i32
      %shift_right_arithmetic3A_2754 = vector.broadcast %shift_right_arithmetic3A_2753 : i32 to vector<16xi32>
      %shift_right_arithmetic3A_2755 = arith.shrsi %or3A_2649, %shift_right_arithmetic3A_2754 : vector<16xi32>
      %and3A_2756 = arith.constant 1 : i32
      %and3A_2757 = vector.broadcast %and3A_2756 : i32 to vector<16xi32>
      %and3A_2758 = arith.andi %shift_right_arithmetic3A_2755, %and3A_2757 : vector<16xi32>
      %ne3A_2759 = arith.constant 0 : i32
      %ne3A_2760 = vector.broadcast %ne3A_2759 : i32 to vector<16xi32>
      %ne3A_2761 = arith.cmpi ne, %and3A_2758, %ne3A_2760 : vector<16xi32>
      %jit3A_2762 = arith.constant 0 : i32
      %broadcast_in_dim3A_2763 = vector.broadcast %jit3A_2762 : i32 to vector<16xi32>
      %select_n3A_2764 = arith.select %ne3A_2761, %or3A_2649, %broadcast_in_dim3A_2763 : vector<16xi1>, vector<16xi32>
      %or3A_2765 = arith.ori %scan3A_2386, %select_n3A_2764 : vector<16xi32>
      %shift_right_arithmetic3A_2766 = arith.constant 9 : i32
      %shift_right_arithmetic3A_2767 = vector.broadcast %shift_right_arithmetic3A_2766 : i32 to vector<16xi32>
      %shift_right_arithmetic3A_2768 = arith.shrsi %or3A_2649, %shift_right_arithmetic3A_2767 : vector<16xi32>
      %and3A_2769 = arith.constant 1 : i32
      %and3A_2770 = vector.broadcast %and3A_2769 : i32 to vector<16xi32>
      %and3A_2771 = arith.andi %shift_right_arithmetic3A_2768, %and3A_2770 : vector<16xi32>
      %ne3A_2772 = arith.constant 0 : i32
      %ne3A_2773 = vector.broadcast %ne3A_2772 : i32 to vector<16xi32>
      %ne3A_2774 = arith.cmpi ne, %and3A_2771, %ne3A_2773 : vector<16xi32>
      %jit3A_2775 = arith.constant 0 : i32
      %broadcast_in_dim3A_2776 = vector.broadcast %jit3A_2775 : i32 to vector<16xi32>
      %select_n3A_2777 = arith.select %ne3A_2774, %or3A_2649, %broadcast_in_dim3A_2776 : vector<16xi1>, vector<16xi32>
      %or3A_2778 = arith.ori %scan3A_2387, %select_n3A_2777 : vector<16xi32>
      %shift_right_arithmetic3A_2779 = arith.constant 10 : i32
      %shift_right_arithmetic3A_2780 = vector.broadcast %shift_right_arithmetic3A_2779 : i32 to vector<16xi32>
      %shift_right_arithmetic3A_2781 = arith.shrsi %or3A_2649, %shift_right_arithmetic3A_2780 : vector<16xi32>
      %and3A_2782 = arith.constant 1 : i32
      %and3A_2783 = vector.broadcast %and3A_2782 : i32 to vector<16xi32>
      %and3A_2784 = arith.andi %shift_right_arithmetic3A_2781, %and3A_2783 : vector<16xi32>
      %ne3A_2785 = arith.constant 0 : i32
      %ne3A_2786 = vector.broadcast %ne3A_2785 : i32 to vector<16xi32>
      %ne3A_2787 = arith.cmpi ne, %and3A_2784, %ne3A_2786 : vector<16xi32>
      %jit3A_2788 = arith.constant 0 : i32
      %broadcast_in_dim3A_2789 = vector.broadcast %jit3A_2788 : i32 to vector<16xi32>
      %select_n3A_2790 = arith.select %ne3A_2787, %or3A_2649, %broadcast_in_dim3A_2789 : vector<16xi1>, vector<16xi32>
      %or3A_2791 = arith.ori %scan3A_2388, %select_n3A_2790 : vector<16xi32>
      %shift_right_arithmetic3A_2792 = arith.constant 11 : i32
      %shift_right_arithmetic3A_2793 = vector.broadcast %shift_right_arithmetic3A_2792 : i32 to vector<16xi32>
      %shift_right_arithmetic3A_2794 = arith.shrsi %or3A_2649, %shift_right_arithmetic3A_2793 : vector<16xi32>
      %and3A_2795 = arith.constant 1 : i32
      %and3A_2796 = vector.broadcast %and3A_2795 : i32 to vector<16xi32>
      %and3A_2797 = arith.andi %shift_right_arithmetic3A_2794, %and3A_2796 : vector<16xi32>
      %ne3A_2798 = arith.constant 0 : i32
      %ne3A_2799 = vector.broadcast %ne3A_2798 : i32 to vector<16xi32>
      %ne3A_2800 = arith.cmpi ne, %and3A_2797, %ne3A_2799 : vector<16xi32>
      %jit3A_2801 = arith.constant 0 : i32
      %broadcast_in_dim3A_2802 = vector.broadcast %jit3A_2801 : i32 to vector<16xi32>
      %select_n3A_2803 = arith.select %ne3A_2800, %or3A_2649, %broadcast_in_dim3A_2802 : vector<16xi1>, vector<16xi32>
      %or3A_2804 = arith.ori %scan3A_2389, %select_n3A_2803 : vector<16xi32>
      %shift_right_arithmetic3A_2805 = arith.constant 12 : i32
      %shift_right_arithmetic3A_2806 = vector.broadcast %shift_right_arithmetic3A_2805 : i32 to vector<16xi32>
      %shift_right_arithmetic3A_2807 = arith.shrsi %or3A_2649, %shift_right_arithmetic3A_2806 : vector<16xi32>
      %and3A_2808 = arith.constant 1 : i32
      %and3A_2809 = vector.broadcast %and3A_2808 : i32 to vector<16xi32>
      %and3A_2810 = arith.andi %shift_right_arithmetic3A_2807, %and3A_2809 : vector<16xi32>
      %ne3A_2811 = arith.constant 0 : i32
      %ne3A_2812 = vector.broadcast %ne3A_2811 : i32 to vector<16xi32>
      %ne3A_2813 = arith.cmpi ne, %and3A_2810, %ne3A_2812 : vector<16xi32>
      %jit3A_2814 = arith.constant 0 : i32
      %broadcast_in_dim3A_2815 = vector.broadcast %jit3A_2814 : i32 to vector<16xi32>
      %select_n3A_2816 = arith.select %ne3A_2813, %or3A_2649, %broadcast_in_dim3A_2815 : vector<16xi1>, vector<16xi32>
      %or3A_2817 = arith.ori %scan3A_2390, %select_n3A_2816 : vector<16xi32>
      %shift_right_arithmetic3A_2818 = arith.constant 13 : i32
      %shift_right_arithmetic3A_2819 = vector.broadcast %shift_right_arithmetic3A_2818 : i32 to vector<16xi32>
      %shift_right_arithmetic3A_2820 = arith.shrsi %or3A_2649, %shift_right_arithmetic3A_2819 : vector<16xi32>
      %and3A_2821 = arith.constant 1 : i32
      %and3A_2822 = vector.broadcast %and3A_2821 : i32 to vector<16xi32>
      %and3A_2823 = arith.andi %shift_right_arithmetic3A_2820, %and3A_2822 : vector<16xi32>
      %ne3A_2824 = arith.constant 0 : i32
      %ne3A_2825 = vector.broadcast %ne3A_2824 : i32 to vector<16xi32>
      %ne3A_2826 = arith.cmpi ne, %and3A_2823, %ne3A_2825 : vector<16xi32>
      %jit3A_2827 = arith.constant 0 : i32
      %broadcast_in_dim3A_2828 = vector.broadcast %jit3A_2827 : i32 to vector<16xi32>
      %select_n3A_2829 = arith.select %ne3A_2826, %or3A_2649, %broadcast_in_dim3A_2828 : vector<16xi1>, vector<16xi32>
      %or3A_2830 = arith.ori %scan3A_2391, %select_n3A_2829 : vector<16xi32>
      %shift_right_arithmetic3A_2831 = arith.constant 14 : i32
      %shift_right_arithmetic3A_2832 = vector.broadcast %shift_right_arithmetic3A_2831 : i32 to vector<16xi32>
      %shift_right_arithmetic3A_2833 = arith.shrsi %or3A_2649, %shift_right_arithmetic3A_2832 : vector<16xi32>
      %and3A_2834 = arith.constant 1 : i32
      %and3A_2835 = vector.broadcast %and3A_2834 : i32 to vector<16xi32>
      %and3A_2836 = arith.andi %shift_right_arithmetic3A_2833, %and3A_2835 : vector<16xi32>
      %ne3A_2837 = arith.constant 0 : i32
      %ne3A_2838 = vector.broadcast %ne3A_2837 : i32 to vector<16xi32>
      %ne3A_2839 = arith.cmpi ne, %and3A_2836, %ne3A_2838 : vector<16xi32>
      %jit3A_2840 = arith.constant 0 : i32
      %broadcast_in_dim3A_2841 = vector.broadcast %jit3A_2840 : i32 to vector<16xi32>
      %select_n3A_2842 = arith.select %ne3A_2839, %or3A_2649, %broadcast_in_dim3A_2841 : vector<16xi1>, vector<16xi32>
      %or3A_2843 = arith.ori %scan3A_2392, %select_n3A_2842 : vector<16xi32>
      %shift_right_arithmetic3A_2844 = arith.constant 15 : i32
      %shift_right_arithmetic3A_2845 = vector.broadcast %shift_right_arithmetic3A_2844 : i32 to vector<16xi32>
      %shift_right_arithmetic3A_2846 = arith.shrsi %or3A_2649, %shift_right_arithmetic3A_2845 : vector<16xi32>
      %and3A_2847 = arith.constant 1 : i32
      %and3A_2848 = vector.broadcast %and3A_2847 : i32 to vector<16xi32>
      %and3A_2849 = arith.andi %shift_right_arithmetic3A_2846, %and3A_2848 : vector<16xi32>
      %ne3A_2850 = arith.constant 0 : i32
      %ne3A_2851 = vector.broadcast %ne3A_2850 : i32 to vector<16xi32>
      %ne3A_2852 = arith.cmpi ne, %and3A_2849, %ne3A_2851 : vector<16xi32>
      %jit3A_2853 = arith.constant 0 : i32
      %broadcast_in_dim3A_2854 = vector.broadcast %jit3A_2853 : i32 to vector<16xi32>
      %select_n3A_2855 = arith.select %ne3A_2852, %or3A_2649, %broadcast_in_dim3A_2854 : vector<16xi1>, vector<16xi32>
      %or3A_2856 = arith.ori %scan3A_2393, %select_n3A_2855 : vector<16xi32>
      scf.yield %or3A_2661, %or3A_2674, %or3A_2687, %or3A_2700, %or3A_2713, %or3A_2726, %or3A_2739, %or3A_2752, %or3A_2765, %or3A_2778, %or3A_2791, %or3A_2804, %or3A_2817, %or3A_2830, %or3A_2843, %or3A_2856 : vector<16xi32>, vector<16xi32>, vector<16xi32>, vector<16xi32>, vector<16xi32>, vector<16xi32>, vector<16xi32>, vector<16xi32>, vector<16xi32>, vector<16xi32>, vector<16xi32>, vector<16xi32>, vector<16xi32>, vector<16xi32>, vector<16xi32>, vector<16xi32>
    }
    %scan3A_1224 = arith.constant 128 : i32
    %xor3A_1225 = arith.constant 8 : i32
    %xor3A_1226 = vector.broadcast %xor3A_1225 : i32 to vector<16xi32>
    %xor3A_1227 = arith.xori %iota3A, %xor3A_1226 : vector<16xi32>
    %lt3A_1228 = arith.constant 0 : i32
    %lt3A_1229 = vector.broadcast %lt3A_1228 : i32 to vector<16xi32>
    %lt3A_1230 = arith.cmpi slt, %xor3A_1227, %lt3A_1229 : vector<16xi32>
    %add3A_1231 = arith.constant 16 : i32
    %add3A_1232 = vector.broadcast %add3A_1231 : i32 to vector<16xi32>
    %add3A_1233 = arith.addi %xor3A_1227, %add3A_1232 : vector<16xi32>
    %select_n3A_1234 = arith.select %lt3A_1230, %add3A_1233, %xor3A_1227 : vector<16xi1>, vector<16xi32>
    %broadcast_in_dim3A_1235 = vector.shape_cast %select_n3A_1234 : vector<16xi32> to vector<16x1xi32>
    %gather3A_1236 = vector.shape_cast %broadcast_in_dim3A_1235 : vector<16x1xi32> to vector<16xi32>
    %gather3A_1237 = tpu.dynamic_gather %scan3A_1223#0[%gather3A_1236] in [0] : vector<16xi32>, vector<16xi32> -> vector<16xi32>
    %or3A_1238 = arith.ori %scan3A_1223#0, %gather3A_1237 : vector<16xi32>
    %xor3A_1239 = arith.constant 4 : i32
    %xor3A_1240 = vector.broadcast %xor3A_1239 : i32 to vector<16xi32>
    %xor3A_1241 = arith.xori %iota3A, %xor3A_1240 : vector<16xi32>
    %lt3A_1242 = arith.constant 0 : i32
    %lt3A_1243 = vector.broadcast %lt3A_1242 : i32 to vector<16xi32>
    %lt3A_1244 = arith.cmpi slt, %xor3A_1241, %lt3A_1243 : vector<16xi32>
    %add3A_1245 = arith.constant 16 : i32
    %add3A_1246 = vector.broadcast %add3A_1245 : i32 to vector<16xi32>
    %add3A_1247 = arith.addi %xor3A_1241, %add3A_1246 : vector<16xi32>
    %select_n3A_1248 = arith.select %lt3A_1244, %add3A_1247, %xor3A_1241 : vector<16xi1>, vector<16xi32>
    %broadcast_in_dim3A_1249 = vector.shape_cast %select_n3A_1248 : vector<16xi32> to vector<16x1xi32>
    %gather3A_1250 = vector.shape_cast %broadcast_in_dim3A_1249 : vector<16x1xi32> to vector<16xi32>
    %gather3A_1251 = tpu.dynamic_gather %or3A_1238[%gather3A_1250] in [0] : vector<16xi32>, vector<16xi32> -> vector<16xi32>
    %or3A_1252 = arith.ori %or3A_1238, %gather3A_1251 : vector<16xi32>
    %xor3A_1253 = arith.constant 2 : i32
    %xor3A_1254 = vector.broadcast %xor3A_1253 : i32 to vector<16xi32>
    %xor3A_1255 = arith.xori %iota3A, %xor3A_1254 : vector<16xi32>
    %lt3A_1256 = arith.constant 0 : i32
    %lt3A_1257 = vector.broadcast %lt3A_1256 : i32 to vector<16xi32>
    %lt3A_1258 = arith.cmpi slt, %xor3A_1255, %lt3A_1257 : vector<16xi32>
    %add3A_1259 = arith.constant 16 : i32
    %add3A_1260 = vector.broadcast %add3A_1259 : i32 to vector<16xi32>
    %add3A_1261 = arith.addi %xor3A_1255, %add3A_1260 : vector<16xi32>
    %select_n3A_1262 = arith.select %lt3A_1258, %add3A_1261, %xor3A_1255 : vector<16xi1>, vector<16xi32>
    %broadcast_in_dim3A_1263 = vector.shape_cast %select_n3A_1262 : vector<16xi32> to vector<16x1xi32>
    %gather3A_1264 = vector.shape_cast %broadcast_in_dim3A_1263 : vector<16x1xi32> to vector<16xi32>
    %gather3A_1265 = tpu.dynamic_gather %or3A_1252[%gather3A_1264] in [0] : vector<16xi32>, vector<16xi32> -> vector<16xi32>
    %or3A_1266 = arith.ori %or3A_1252, %gather3A_1265 : vector<16xi32>
    %xor3A_1267 = arith.constant 1 : i32
    %xor3A_1268 = vector.broadcast %xor3A_1267 : i32 to vector<16xi32>
    %xor3A_1269 = arith.xori %iota3A, %xor3A_1268 : vector<16xi32>
    %lt3A_1270 = arith.constant 0 : i32
    %lt3A_1271 = vector.broadcast %lt3A_1270 : i32 to vector<16xi32>
    %lt3A_1272 = arith.cmpi slt, %xor3A_1269, %lt3A_1271 : vector<16xi32>
    %add3A_1273 = arith.constant 16 : i32
    %add3A_1274 = vector.broadcast %add3A_1273 : i32 to vector<16xi32>
    %add3A_1275 = arith.addi %xor3A_1269, %add3A_1274 : vector<16xi32>
    %select_n3A_1276 = arith.select %lt3A_1272, %add3A_1275, %xor3A_1269 : vector<16xi1>, vector<16xi32>
    %broadcast_in_dim3A_1277 = vector.shape_cast %select_n3A_1276 : vector<16xi32> to vector<16x1xi32>
    %gather3A_1278 = vector.shape_cast %broadcast_in_dim3A_1277 : vector<16x1xi32> to vector<16xi32>
    %gather3A_1279 = tpu.dynamic_gather %or3A_1266[%gather3A_1278] in [0] : vector<16xi32>, vector<16xi32> -> vector<16xi32>
    %or3A_1280 = arith.ori %or3A_1266, %gather3A_1279 : vector<16xi32>
    %shift_right_arithmetic3A_1281 = arith.shrsi %or3A_1280, %iota3A : vector<16xi32>
    %and3A_1282 = arith.constant 1 : i32
    %and3A_1283 = vector.broadcast %and3A_1282 : i32 to vector<16xi32>
    %and3A_1284 = arith.andi %shift_right_arithmetic3A_1281, %and3A_1283 : vector<16xi32>
    %eq3A_1285 = arith.constant 0 : i32
    %eq3A_1286 = vector.broadcast %eq3A_1285 : i32 to vector<16xi32>
    %eq3A_1287 = arith.cmpi eq, %iota3A, %eq3A_1286 : vector<16xi32>
    %jit3A_1288 = arith.constant 0 : i32
    %broadcast_in_dim3A_1289 = vector.broadcast %jit3A_1288 : i32 to vector<16xi32>
    %select_n3A_1290 = arith.select %eq3A_1287, %broadcast_in_dim3A_1289, %and3A_1284 : vector<16xi1>, vector<16xi32>
    %swap3A_1291 = arith.constant 0 : i32
    %swap3A_1292 = arith.index_cast %swap3A_1291 : i32 to index
    %swap3A_1293 = arith.constant 0 : index
    %swap3A_1294 = tpu.vector_load %arg5[%swap3A_1292, %swap3A_1293] {strides = array<i32>} : memref<16x16xi32, #tpu.memory_space<vmem>>, vector<1x16xi32>,
    %swap3A_1295 = vector.shape_cast %swap3A_1294 : vector<1x16xi32> to vector<16xi32>
    %swap3A_1296 = vector.shape_cast %select_n3A_1290 : vector<16xi32> to vector<1x16xi32>
    tpu.vector_store %arg5[%swap3A_1292, %swap3A_1293], %swap3A_1296 {strides = array<i32>} : memref<16x16xi32, #tpu.memory_space<vmem>>, vector<1x16xi32>,
    %xor3A_1297 = arith.constant 8 : i32
    %xor3A_1298 = vector.broadcast %xor3A_1297 : i32 to vector<16xi32>
    %xor3A_1299 = arith.xori %iota3A, %xor3A_1298 : vector<16xi32>
    %lt3A_1300 = arith.constant 0 : i32
    %lt3A_1301 = vector.broadcast %lt3A_1300 : i32 to vector<16xi32>
    %lt3A_1302 = arith.cmpi slt, %xor3A_1299, %lt3A_1301 : vector<16xi32>
    %add3A_1303 = arith.constant 16 : i32
    %add3A_1304 = vector.broadcast %add3A_1303 : i32 to vector<16xi32>
    %add3A_1305 = arith.addi %xor3A_1299, %add3A_1304 : vector<16xi32>
    %select_n3A_1306 = arith.select %lt3A_1302, %add3A_1305, %xor3A_1299 : vector<16xi1>, vector<16xi32>
    %broadcast_in_dim3A_1307 = vector.shape_cast %select_n3A_1306 : vector<16xi32> to vector<16x1xi32>
    %gather3A_1308 = vector.shape_cast %broadcast_in_dim3A_1307 : vector<16x1xi32> to vector<16xi32>
    %gather3A_1309 = tpu.dynamic_gather %scan3A_1223#1[%gather3A_1308] in [0] : vector<16xi32>, vector<16xi32> -> vector<16xi32>
    %or3A_1310 = arith.ori %scan3A_1223#1, %gather3A_1309 : vector<16xi32>
    %xor3A_1311 = arith.constant 4 : i32
    %xor3A_1312 = vector.broadcast %xor3A_1311 : i32 to vector<16xi32>
    %xor3A_1313 = arith.xori %iota3A, %xor3A_1312 : vector<16xi32>
    %lt3A_1314 = arith.constant 0 : i32
    %lt3A_1315 = vector.broadcast %lt3A_1314 : i32 to vector<16xi32>
    %lt3A_1316 = arith.cmpi slt, %xor3A_1313, %lt3A_1315 : vector<16xi32>
    %add3A_1317 = arith.constant 16 : i32
    %add3A_1318 = vector.broadcast %add3A_1317 : i32 to vector<16xi32>
    %add3A_1319 = arith.addi %xor3A_1313, %add3A_1318 : vector<16xi32>
    %select_n3A_1320 = arith.select %lt3A_1316, %add3A_1319, %xor3A_1313 : vector<16xi1>, vector<16xi32>
    %broadcast_in_dim3A_1321 = vector.shape_cast %select_n3A_1320 : vector<16xi32> to vector<16x1xi32>
    %gather3A_1322 = vector.shape_cast %broadcast_in_dim3A_1321 : vector<16x1xi32> to vector<16xi32>
    %gather3A_1323 = tpu.dynamic_gather %or3A_1310[%gather3A_1322] in [0] : vector<16xi32>, vector<16xi32> -> vector<16xi32>
    %or3A_1324 = arith.ori %or3A_1310, %gather3A_1323 : vector<16xi32>
    %xor3A_1325 = arith.constant 2 : i32
    %xor3A_1326 = vector.broadcast %xor3A_1325 : i32 to vector<16xi32>
    %xor3A_1327 = arith.xori %iota3A, %xor3A_1326 : vector<16xi32>
    %lt3A_1328 = arith.constant 0 : i32
    %lt3A_1329 = vector.broadcast %lt3A_1328 : i32 to vector<16xi32>
    %lt3A_1330 = arith.cmpi slt, %xor3A_1327, %lt3A_1329 : vector<16xi32>
    %add3A_1331 = arith.constant 16 : i32
    %add3A_1332 = vector.broadcast %add3A_1331 : i32 to vector<16xi32>
    %add3A_1333 = arith.addi %xor3A_1327, %add3A_1332 : vector<16xi32>
    %select_n3A_1334 = arith.select %lt3A_1330, %add3A_1333, %xor3A_1327 : vector<16xi1>, vector<16xi32>
    %broadcast_in_dim3A_1335 = vector.shape_cast %select_n3A_1334 : vector<16xi32> to vector<16x1xi32>
    %gather3A_1336 = vector.shape_cast %broadcast_in_dim3A_1335 : vector<16x1xi32> to vector<16xi32>
    %gather3A_1337 = tpu.dynamic_gather %or3A_1324[%gather3A_1336] in [0] : vector<16xi32>, vector<16xi32> -> vector<16xi32>
    %or3A_1338 = arith.ori %or3A_1324, %gather3A_1337 : vector<16xi32>
    %xor3A_1339 = arith.constant 1 : i32
    %xor3A_1340 = vector.broadcast %xor3A_1339 : i32 to vector<16xi32>
    %xor3A_1341 = arith.xori %iota3A, %xor3A_1340 : vector<16xi32>
    %lt3A_1342 = arith.constant 0 : i32
    %lt3A_1343 = vector.broadcast %lt3A_1342 : i32 to vector<16xi32>
    %lt3A_1344 = arith.cmpi slt, %xor3A_1341, %lt3A_1343 : vector<16xi32>
    %add3A_1345 = arith.constant 16 : i32
    %add3A_1346 = vector.broadcast %add3A_1345 : i32 to vector<16xi32>
    %add3A_1347 = arith.addi %xor3A_1341, %add3A_1346 : vector<16xi32>
    %select_n3A_1348 = arith.select %lt3A_1344, %add3A_1347, %xor3A_1341 : vector<16xi1>, vector<16xi32>
    %broadcast_in_dim3A_1349 = vector.shape_cast %select_n3A_1348 : vector<16xi32> to vector<16x1xi32>
    %gather3A_1350 = vector.shape_cast %broadcast_in_dim3A_1349 : vector<16x1xi32> to vector<16xi32>
    %gather3A_1351 = tpu.dynamic_gather %or3A_1338[%gather3A_1350] in [0] : vector<16xi32>, vector<16xi32> -> vector<16xi32>
    %or3A_1352 = arith.ori %or3A_1338, %gather3A_1351 : vector<16xi32>
    %shift_right_arithmetic3A_1353 = arith.shrsi %or3A_1352, %iota3A : vector<16xi32>
    %and3A_1354 = arith.constant 1 : i32
    %and3A_1355 = vector.broadcast %and3A_1354 : i32 to vector<16xi32>
    %and3A_1356 = arith.andi %shift_right_arithmetic3A_1353, %and3A_1355 : vector<16xi32>
    %eq3A_1357 = arith.constant 1 : i32
    %eq3A_1358 = vector.broadcast %eq3A_1357 : i32 to vector<16xi32>
    %eq3A_1359 = arith.cmpi eq, %iota3A, %eq3A_1358 : vector<16xi32>
    %jit3A_1360 = arith.constant 0 : i32
    %broadcast_in_dim3A_1361 = vector.broadcast %jit3A_1360 : i32 to vector<16xi32>
    %select_n3A_1362 = arith.select %eq3A_1359, %broadcast_in_dim3A_1361, %and3A_1356 : vector<16xi1>, vector<16xi32>
    %swap3A_1363 = arith.constant 1 : i32
    %swap3A_1364 = arith.index_cast %swap3A_1363 : i32 to index
    %swap3A_1365 = arith.constant 0 : index
    %swap3A_1366 = tpu.vector_load %arg5[%swap3A_1364, %swap3A_1365] {strides = array<i32>} : memref<16x16xi32, #tpu.memory_space<vmem>>, vector<1x16xi32>,
    %swap3A_1367 = vector.shape_cast %swap3A_1366 : vector<1x16xi32> to vector<16xi32>
    %swap3A_1368 = vector.shape_cast %select_n3A_1362 : vector<16xi32> to vector<1x16xi32>
    tpu.vector_store %arg5[%swap3A_1364, %swap3A_1365], %swap3A_1368 {strides = array<i32>} : memref<16x16xi32, #tpu.memory_space<vmem>>, vector<1x16xi32>,
    %xor3A_1369 = arith.constant 8 : i32
    %xor3A_1370 = vector.broadcast %xor3A_1369 : i32 to vector<16xi32>
    %xor3A_1371 = arith.xori %iota3A, %xor3A_1370 : vector<16xi32>
    %lt3A_1372 = arith.constant 0 : i32
    %lt3A_1373 = vector.broadcast %lt3A_1372 : i32 to vector<16xi32>
    %lt3A_1374 = arith.cmpi slt, %xor3A_1371, %lt3A_1373 : vector<16xi32>
    %add3A_1375 = arith.constant 16 : i32
    %add3A_1376 = vector.broadcast %add3A_1375 : i32 to vector<16xi32>
    %add3A_1377 = arith.addi %xor3A_1371, %add3A_1376 : vector<16xi32>
    %select_n3A_1378 = arith.select %lt3A_1374, %add3A_1377, %xor3A_1371 : vector<16xi1>, vector<16xi32>
    %broadcast_in_dim3A_1379 = vector.shape_cast %select_n3A_1378 : vector<16xi32> to vector<16x1xi32>
    %gather3A_1380 = vector.shape_cast %broadcast_in_dim3A_1379 : vector<16x1xi32> to vector<16xi32>
    %gather3A_1381 = tpu.dynamic_gather %scan3A_1223#2[%gather3A_1380] in [0] : vector<16xi32>, vector<16xi32> -> vector<16xi32>
    %or3A_1382 = arith.ori %scan3A_1223#2, %gather3A_1381 : vector<16xi32>
    %xor3A_1383 = arith.constant 4 : i32
    %xor3A_1384 = vector.broadcast %xor3A_1383 : i32 to vector<16xi32>
    %xor3A_1385 = arith.xori %iota3A, %xor3A_1384 : vector<16xi32>
    %lt3A_1386 = arith.constant 0 : i32
    %lt3A_1387 = vector.broadcast %lt3A_1386 : i32 to vector<16xi32>
    %lt3A_1388 = arith.cmpi slt, %xor3A_1385, %lt3A_1387 : vector<16xi32>
    %add3A_1389 = arith.constant 16 : i32
    %add3A_1390 = vector.broadcast %add3A_1389 : i32 to vector<16xi32>
    %add3A_1391 = arith.addi %xor3A_1385, %add3A_1390 : vector<16xi32>
    %select_n3A_1392 = arith.select %lt3A_1388, %add3A_1391, %xor3A_1385 : vector<16xi1>, vector<16xi32>
    %broadcast_in_dim3A_1393 = vector.shape_cast %select_n3A_1392 : vector<16xi32> to vector<16x1xi32>
    %gather3A_1394 = vector.shape_cast %broadcast_in_dim3A_1393 : vector<16x1xi32> to vector<16xi32>
    %gather3A_1395 = tpu.dynamic_gather %or3A_1382[%gather3A_1394] in [0] : vector<16xi32>, vector<16xi32> -> vector<16xi32>
    %or3A_1396 = arith.ori %or3A_1382, %gather3A_1395 : vector<16xi32>
    %xor3A_1397 = arith.constant 2 : i32
    %xor3A_1398 = vector.broadcast %xor3A_1397 : i32 to vector<16xi32>
    %xor3A_1399 = arith.xori %iota3A, %xor3A_1398 : vector<16xi32>
    %lt3A_1400 = arith.constant 0 : i32
    %lt3A_1401 = vector.broadcast %lt3A_1400 : i32 to vector<16xi32>
    %lt3A_1402 = arith.cmpi slt, %xor3A_1399, %lt3A_1401 : vector<16xi32>
    %add3A_1403 = arith.constant 16 : i32
    %add3A_1404 = vector.broadcast %add3A_1403 : i32 to vector<16xi32>
    %add3A_1405 = arith.addi %xor3A_1399, %add3A_1404 : vector<16xi32>
    %select_n3A_1406 = arith.select %lt3A_1402, %add3A_1405, %xor3A_1399 : vector<16xi1>, vector<16xi32>
    %broadcast_in_dim3A_1407 = vector.shape_cast %select_n3A_1406 : vector<16xi32> to vector<16x1xi32>
    %gather3A_1408 = vector.shape_cast %broadcast_in_dim3A_1407 : vector<16x1xi32> to vector<16xi32>
    %gather3A_1409 = tpu.dynamic_gather %or3A_1396[%gather3A_1408] in [0] : vector<16xi32>, vector<16xi32> -> vector<16xi32>
    %or3A_1410 = arith.ori %or3A_1396, %gather3A_1409 : vector<16xi32>
    %xor3A_1411 = arith.constant 1 : i32
    %xor3A_1412 = vector.broadcast %xor3A_1411 : i32 to vector<16xi32>
    %xor3A_1413 = arith.xori %iota3A, %xor3A_1412 : vector<16xi32>
    %lt3A_1414 = arith.constant 0 : i32
    %lt3A_1415 = vector.broadcast %lt3A_1414 : i32 to vector<16xi32>
    %lt3A_1416 = arith.cmpi slt, %xor3A_1413, %lt3A_1415 : vector<16xi32>
    %add3A_1417 = arith.constant 16 : i32
    %add3A_1418 = vector.broadcast %add3A_1417 : i32 to vector<16xi32>
    %add3A_1419 = arith.addi %xor3A_1413, %add3A_1418 : vector<16xi32>
    %select_n3A_1420 = arith.select %lt3A_1416, %add3A_1419, %xor3A_1413 : vector<16xi1>, vector<16xi32>
    %broadcast_in_dim3A_1421 = vector.shape_cast %select_n3A_1420 : vector<16xi32> to vector<16x1xi32>
    %gather3A_1422 = vector.shape_cast %broadcast_in_dim3A_1421 : vector<16x1xi32> to vector<16xi32>
    %gather3A_1423 = tpu.dynamic_gather %or3A_1410[%gather3A_1422] in [0] : vector<16xi32>, vector<16xi32> -> vector<16xi32>
    %or3A_1424 = arith.ori %or3A_1410, %gather3A_1423 : vector<16xi32>
    %shift_right_arithmetic3A_1425 = arith.shrsi %or3A_1424, %iota3A : vector<16xi32>
    %and3A_1426 = arith.constant 1 : i32
    %and3A_1427 = vector.broadcast %and3A_1426 : i32 to vector<16xi32>
    %and3A_1428 = arith.andi %shift_right_arithmetic3A_1425, %and3A_1427 : vector<16xi32>
    %eq3A_1429 = arith.constant 2 : i32
    %eq3A_1430 = vector.broadcast %eq3A_1429 : i32 to vector<16xi32>
    %eq3A_1431 = arith.cmpi eq, %iota3A, %eq3A_1430 : vector<16xi32>
    %jit3A_1432 = arith.constant 0 : i32
    %broadcast_in_dim3A_1433 = vector.broadcast %jit3A_1432 : i32 to vector<16xi32>
    %select_n3A_1434 = arith.select %eq3A_1431, %broadcast_in_dim3A_1433, %and3A_1428 : vector<16xi1>, vector<16xi32>
    %swap3A_1435 = arith.constant 2 : i32
    %swap3A_1436 = arith.index_cast %swap3A_1435 : i32 to index
    %swap3A_1437 = arith.constant 0 : index
    %swap3A_1438 = tpu.vector_load %arg5[%swap3A_1436, %swap3A_1437] {strides = array<i32>} : memref<16x16xi32, #tpu.memory_space<vmem>>, vector<1x16xi32>,
    %swap3A_1439 = vector.shape_cast %swap3A_1438 : vector<1x16xi32> to vector<16xi32>
    %swap3A_1440 = vector.shape_cast %select_n3A_1434 : vector<16xi32> to vector<1x16xi32>
    tpu.vector_store %arg5[%swap3A_1436, %swap3A_1437], %swap3A_1440 {strides = array<i32>} : memref<16x16xi32, #tpu.memory_space<vmem>>, vector<1x16xi32>,
    %xor3A_1441 = arith.constant 8 : i32
    %xor3A_1442 = vector.broadcast %xor3A_1441 : i32 to vector<16xi32>
    %xor3A_1443 = arith.xori %iota3A, %xor3A_1442 : vector<16xi32>
    %lt3A_1444 = arith.constant 0 : i32
    %lt3A_1445 = vector.broadcast %lt3A_1444 : i32 to vector<16xi32>
    %lt3A_1446 = arith.cmpi slt, %xor3A_1443, %lt3A_1445 : vector<16xi32>
    %add3A_1447 = arith.constant 16 : i32
    %add3A_1448 = vector.broadcast %add3A_1447 : i32 to vector<16xi32>
    %add3A_1449 = arith.addi %xor3A_1443, %add3A_1448 : vector<16xi32>
    %select_n3A_1450 = arith.select %lt3A_1446, %add3A_1449, %xor3A_1443 : vector<16xi1>, vector<16xi32>
    %broadcast_in_dim3A_1451 = vector.shape_cast %select_n3A_1450 : vector<16xi32> to vector<16x1xi32>
    %gather3A_1452 = vector.shape_cast %broadcast_in_dim3A_1451 : vector<16x1xi32> to vector<16xi32>
    %gather3A_1453 = tpu.dynamic_gather %scan3A_1223#3[%gather3A_1452] in [0] : vector<16xi32>, vector<16xi32> -> vector<16xi32>
    %or3A_1454 = arith.ori %scan3A_1223#3, %gather3A_1453 : vector<16xi32>
    %xor3A_1455 = arith.constant 4 : i32
    %xor3A_1456 = vector.broadcast %xor3A_1455 : i32 to vector<16xi32>
    %xor3A_1457 = arith.xori %iota3A, %xor3A_1456 : vector<16xi32>
    %lt3A_1458 = arith.constant 0 : i32
    %lt3A_1459 = vector.broadcast %lt3A_1458 : i32 to vector<16xi32>
    %lt3A_1460 = arith.cmpi slt, %xor3A_1457, %lt3A_1459 : vector<16xi32>
    %add3A_1461 = arith.constant 16 : i32
    %add3A_1462 = vector.broadcast %add3A_1461 : i32 to vector<16xi32>
    %add3A_1463 = arith.addi %xor3A_1457, %add3A_1462 : vector<16xi32>
    %select_n3A_1464 = arith.select %lt3A_1460, %add3A_1463, %xor3A_1457 : vector<16xi1>, vector<16xi32>
    %broadcast_in_dim3A_1465 = vector.shape_cast %select_n3A_1464 : vector<16xi32> to vector<16x1xi32>
    %gather3A_1466 = vector.shape_cast %broadcast_in_dim3A_1465 : vector<16x1xi32> to vector<16xi32>
    %gather3A_1467 = tpu.dynamic_gather %or3A_1454[%gather3A_1466] in [0] : vector<16xi32>, vector<16xi32> -> vector<16xi32>
    %or3A_1468 = arith.ori %or3A_1454, %gather3A_1467 : vector<16xi32>
    %xor3A_1469 = arith.constant 2 : i32
    %xor3A_1470 = vector.broadcast %xor3A_1469 : i32 to vector<16xi32>
    %xor3A_1471 = arith.xori %iota3A, %xor3A_1470 : vector<16xi32>
    %lt3A_1472 = arith.constant 0 : i32
    %lt3A_1473 = vector.broadcast %lt3A_1472 : i32 to vector<16xi32>
    %lt3A_1474 = arith.cmpi slt, %xor3A_1471, %lt3A_1473 : vector<16xi32>
    %add3A_1475 = arith.constant 16 : i32
    %add3A_1476 = vector.broadcast %add3A_1475 : i32 to vector<16xi32>
    %add3A_1477 = arith.addi %xor3A_1471, %add3A_1476 : vector<16xi32>
    %select_n3A_1478 = arith.select %lt3A_1474, %add3A_1477, %xor3A_1471 : vector<16xi1>, vector<16xi32>
    %broadcast_in_dim3A_1479 = vector.shape_cast %select_n3A_1478 : vector<16xi32> to vector<16x1xi32>
    %gather3A_1480 = vector.shape_cast %broadcast_in_dim3A_1479 : vector<16x1xi32> to vector<16xi32>
    %gather3A_1481 = tpu.dynamic_gather %or3A_1468[%gather3A_1480] in [0] : vector<16xi32>, vector<16xi32> -> vector<16xi32>
    %or3A_1482 = arith.ori %or3A_1468, %gather3A_1481 : vector<16xi32>
    %xor3A_1483 = arith.constant 1 : i32
    %xor3A_1484 = vector.broadcast %xor3A_1483 : i32 to vector<16xi32>
    %xor3A_1485 = arith.xori %iota3A, %xor3A_1484 : vector<16xi32>
    %lt3A_1486 = arith.constant 0 : i32
    %lt3A_1487 = vector.broadcast %lt3A_1486 : i32 to vector<16xi32>
    %lt3A_1488 = arith.cmpi slt, %xor3A_1485, %lt3A_1487 : vector<16xi32>
    %add3A_1489 = arith.constant 16 : i32
    %add3A_1490 = vector.broadcast %add3A_1489 : i32 to vector<16xi32>
    %add3A_1491 = arith.addi %xor3A_1485, %add3A_1490 : vector<16xi32>
    %select_n3A_1492 = arith.select %lt3A_1488, %add3A_1491, %xor3A_1485 : vector<16xi1>, vector<16xi32>
    %broadcast_in_dim3A_1493 = vector.shape_cast %select_n3A_1492 : vector<16xi32> to vector<16x1xi32>
    %gather3A_1494 = vector.shape_cast %broadcast_in_dim3A_1493 : vector<16x1xi32> to vector<16xi32>
    %gather3A_1495 = tpu.dynamic_gather %or3A_1482[%gather3A_1494] in [0] : vector<16xi32>, vector<16xi32> -> vector<16xi32>
    %or3A_1496 = arith.ori %or3A_1482, %gather3A_1495 : vector<16xi32>
    %shift_right_arithmetic3A_1497 = arith.shrsi %or3A_1496, %iota3A : vector<16xi32>
    %and3A_1498 = arith.constant 1 : i32
    %and3A_1499 = vector.broadcast %and3A_1498 : i32 to vector<16xi32>
    %and3A_1500 = arith.andi %shift_right_arithmetic3A_1497, %and3A_1499 : vector<16xi32>
    %eq3A_1501 = arith.constant 3 : i32
    %eq3A_1502 = vector.broadcast %eq3A_1501 : i32 to vector<16xi32>
    %eq3A_1503 = arith.cmpi eq, %iota3A, %eq3A_1502 : vector<16xi32>
    %jit3A_1504 = arith.constant 0 : i32
    %broadcast_in_dim3A_1505 = vector.broadcast %jit3A_1504 : i32 to vector<16xi32>
    %select_n3A_1506 = arith.select %eq3A_1503, %broadcast_in_dim3A_1505, %and3A_1500 : vector<16xi1>, vector<16xi32>
    %swap3A_1507 = arith.constant 3 : i32
    %swap3A_1508 = arith.index_cast %swap3A_1507 : i32 to index
    %swap3A_1509 = arith.constant 0 : index
    %swap3A_1510 = tpu.vector_load %arg5[%swap3A_1508, %swap3A_1509] {strides = array<i32>} : memref<16x16xi32, #tpu.memory_space<vmem>>, vector<1x16xi32>,
    %swap3A_1511 = vector.shape_cast %swap3A_1510 : vector<1x16xi32> to vector<16xi32>
    %swap3A_1512 = vector.shape_cast %select_n3A_1506 : vector<16xi32> to vector<1x16xi32>
    tpu.vector_store %arg5[%swap3A_1508, %swap3A_1509], %swap3A_1512 {strides = array<i32>} : memref<16x16xi32, #tpu.memory_space<vmem>>, vector<1x16xi32>,
    %xor3A_1513 = arith.constant 8 : i32
    %xor3A_1514 = vector.broadcast %xor3A_1513 : i32 to vector<16xi32>
    %xor3A_1515 = arith.xori %iota3A, %xor3A_1514 : vector<16xi32>
    %lt3A_1516 = arith.constant 0 : i32
    %lt3A_1517 = vector.broadcast %lt3A_1516 : i32 to vector<16xi32>
    %lt3A_1518 = arith.cmpi slt, %xor3A_1515, %lt3A_1517 : vector<16xi32>
    %add3A_1519 = arith.constant 16 : i32
    %add3A_1520 = vector.broadcast %add3A_1519 : i32 to vector<16xi32>
    %add3A_1521 = arith.addi %xor3A_1515, %add3A_1520 : vector<16xi32>
    %select_n3A_1522 = arith.select %lt3A_1518, %add3A_1521, %xor3A_1515 : vector<16xi1>, vector<16xi32>
    %broadcast_in_dim3A_1523 = vector.shape_cast %select_n3A_1522 : vector<16xi32> to vector<16x1xi32>
    %gather3A_1524 = vector.shape_cast %broadcast_in_dim3A_1523 : vector<16x1xi32> to vector<16xi32>
    %gather3A_1525 = tpu.dynamic_gather %scan3A_1223#4[%gather3A_1524] in [0] : vector<16xi32>, vector<16xi32> -> vector<16xi32>
    %or3A_1526 = arith.ori %scan3A_1223#4, %gather3A_1525 : vector<16xi32>
    %xor3A_1527 = arith.constant 4 : i32
    %xor3A_1528 = vector.broadcast %xor3A_1527 : i32 to vector<16xi32>
    %xor3A_1529 = arith.xori %iota3A, %xor3A_1528 : vector<16xi32>
    %lt3A_1530 = arith.constant 0 : i32
    %lt3A_1531 = vector.broadcast %lt3A_1530 : i32 to vector<16xi32>
    %lt3A_1532 = arith.cmpi slt, %xor3A_1529, %lt3A_1531 : vector<16xi32>
    %add3A_1533 = arith.constant 16 : i32
    %add3A_1534 = vector.broadcast %add3A_1533 : i32 to vector<16xi32>
    %add3A_1535 = arith.addi %xor3A_1529, %add3A_1534 : vector<16xi32>
    %select_n3A_1536 = arith.select %lt3A_1532, %add3A_1535, %xor3A_1529 : vector<16xi1>, vector<16xi32>
    %broadcast_in_dim3A_1537 = vector.shape_cast %select_n3A_1536 : vector<16xi32> to vector<16x1xi32>
    %gather3A_1538 = vector.shape_cast %broadcast_in_dim3A_1537 : vector<16x1xi32> to vector<16xi32>
    %gather3A_1539 = tpu.dynamic_gather %or3A_1526[%gather3A_1538] in [0] : vector<16xi32>, vector<16xi32> -> vector<16xi32>
    %or3A_1540 = arith.ori %or3A_1526, %gather3A_1539 : vector<16xi32>
    %xor3A_1541 = arith.constant 2 : i32
    %xor3A_1542 = vector.broadcast %xor3A_1541 : i32 to vector<16xi32>
    %xor3A_1543 = arith.xori %iota3A, %xor3A_1542 : vector<16xi32>
    %lt3A_1544 = arith.constant 0 : i32
    %lt3A_1545 = vector.broadcast %lt3A_1544 : i32 to vector<16xi32>
    %lt3A_1546 = arith.cmpi slt, %xor3A_1543, %lt3A_1545 : vector<16xi32>
    %add3A_1547 = arith.constant 16 : i32
    %add3A_1548 = vector.broadcast %add3A_1547 : i32 to vector<16xi32>
    %add3A_1549 = arith.addi %xor3A_1543, %add3A_1548 : vector<16xi32>
    %select_n3A_1550 = arith.select %lt3A_1546, %add3A_1549, %xor3A_1543 : vector<16xi1>, vector<16xi32>
    %broadcast_in_dim3A_1551 = vector.shape_cast %select_n3A_1550 : vector<16xi32> to vector<16x1xi32>
    %gather3A_1552 = vector.shape_cast %broadcast_in_dim3A_1551 : vector<16x1xi32> to vector<16xi32>
    %gather3A_1553 = tpu.dynamic_gather %or3A_1540[%gather3A_1552] in [0] : vector<16xi32>, vector<16xi32> -> vector<16xi32>
    %or3A_1554 = arith.ori %or3A_1540, %gather3A_1553 : vector<16xi32>
    %xor3A_1555 = arith.constant 1 : i32
    %xor3A_1556 = vector.broadcast %xor3A_1555 : i32 to vector<16xi32>
    %xor3A_1557 = arith.xori %iota3A, %xor3A_1556 : vector<16xi32>
    %lt3A_1558 = arith.constant 0 : i32
    %lt3A_1559 = vector.broadcast %lt3A_1558 : i32 to vector<16xi32>
    %lt3A_1560 = arith.cmpi slt, %xor3A_1557, %lt3A_1559 : vector<16xi32>
    %add3A_1561 = arith.constant 16 : i32
    %add3A_1562 = vector.broadcast %add3A_1561 : i32 to vector<16xi32>
    %add3A_1563 = arith.addi %xor3A_1557, %add3A_1562 : vector<16xi32>
    %select_n3A_1564 = arith.select %lt3A_1560, %add3A_1563, %xor3A_1557 : vector<16xi1>, vector<16xi32>
    %broadcast_in_dim3A_1565 = vector.shape_cast %select_n3A_1564 : vector<16xi32> to vector<16x1xi32>
    %gather3A_1566 = vector.shape_cast %broadcast_in_dim3A_1565 : vector<16x1xi32> to vector<16xi32>
    %gather3A_1567 = tpu.dynamic_gather %or3A_1554[%gather3A_1566] in [0] : vector<16xi32>, vector<16xi32> -> vector<16xi32>
    %or3A_1568 = arith.ori %or3A_1554, %gather3A_1567 : vector<16xi32>
    %shift_right_arithmetic3A_1569 = arith.shrsi %or3A_1568, %iota3A : vector<16xi32>
    %and3A_1570 = arith.constant 1 : i32
    %and3A_1571 = vector.broadcast %and3A_1570 : i32 to vector<16xi32>
    %and3A_1572 = arith.andi %shift_right_arithmetic3A_1569, %and3A_1571 : vector<16xi32>
    %eq3A_1573 = arith.constant 4 : i32
    %eq3A_1574 = vector.broadcast %eq3A_1573 : i32 to vector<16xi32>
    %eq3A_1575 = arith.cmpi eq, %iota3A, %eq3A_1574 : vector<16xi32>
    %jit3A_1576 = arith.constant 0 : i32
    %broadcast_in_dim3A_1577 = vector.broadcast %jit3A_1576 : i32 to vector<16xi32>
    %select_n3A_1578 = arith.select %eq3A_1575, %broadcast_in_dim3A_1577, %and3A_1572 : vector<16xi1>, vector<16xi32>
    %swap3A_1579 = arith.constant 4 : i32
    %swap3A_1580 = arith.index_cast %swap3A_1579 : i32 to index
    %swap3A_1581 = arith.constant 0 : index
    %swap3A_1582 = tpu.vector_load %arg5[%swap3A_1580, %swap3A_1581] {strides = array<i32>} : memref<16x16xi32, #tpu.memory_space<vmem>>, vector<1x16xi32>,
    %swap3A_1583 = vector.shape_cast %swap3A_1582 : vector<1x16xi32> to vector<16xi32>
    %swap3A_1584 = vector.shape_cast %select_n3A_1578 : vector<16xi32> to vector<1x16xi32>
    tpu.vector_store %arg5[%swap3A_1580, %swap3A_1581], %swap3A_1584 {strides = array<i32>} : memref<16x16xi32, #tpu.memory_space<vmem>>, vector<1x16xi32>,
    %xor3A_1585 = arith.constant 8 : i32
    %xor3A_1586 = vector.broadcast %xor3A_1585 : i32 to vector<16xi32>
    %xor3A_1587 = arith.xori %iota3A, %xor3A_1586 : vector<16xi32>
    %lt3A_1588 = arith.constant 0 : i32
    %lt3A_1589 = vector.broadcast %lt3A_1588 : i32 to vector<16xi32>
    %lt3A_1590 = arith.cmpi slt, %xor3A_1587, %lt3A_1589 : vector<16xi32>
    %add3A_1591 = arith.constant 16 : i32
    %add3A_1592 = vector.broadcast %add3A_1591 : i32 to vector<16xi32>
    %add3A_1593 = arith.addi %xor3A_1587, %add3A_1592 : vector<16xi32>
    %select_n3A_1594 = arith.select %lt3A_1590, %add3A_1593, %xor3A_1587 : vector<16xi1>, vector<16xi32>
    %broadcast_in_dim3A_1595 = vector.shape_cast %select_n3A_1594 : vector<16xi32> to vector<16x1xi32>
    %gather3A_1596 = vector.shape_cast %broadcast_in_dim3A_1595 : vector<16x1xi32> to vector<16xi32>
    %gather3A_1597 = tpu.dynamic_gather %scan3A_1223#5[%gather3A_1596] in [0] : vector<16xi32>, vector<16xi32> -> vector<16xi32>
    %or3A_1598 = arith.ori %scan3A_1223#5, %gather3A_1597 : vector<16xi32>
    %xor3A_1599 = arith.constant 4 : i32
    %xor3A_1600 = vector.broadcast %xor3A_1599 : i32 to vector<16xi32>
    %xor3A_1601 = arith.xori %iota3A, %xor3A_1600 : vector<16xi32>
    %lt3A_1602 = arith.constant 0 : i32
    %lt3A_1603 = vector.broadcast %lt3A_1602 : i32 to vector<16xi32>
    %lt3A_1604 = arith.cmpi slt, %xor3A_1601, %lt3A_1603 : vector<16xi32>
    %add3A_1605 = arith.constant 16 : i32
    %add3A_1606 = vector.broadcast %add3A_1605 : i32 to vector<16xi32>
    %add3A_1607 = arith.addi %xor3A_1601, %add3A_1606 : vector<16xi32>
    %select_n3A_1608 = arith.select %lt3A_1604, %add3A_1607, %xor3A_1601 : vector<16xi1>, vector<16xi32>
    %broadcast_in_dim3A_1609 = vector.shape_cast %select_n3A_1608 : vector<16xi32> to vector<16x1xi32>
    %gather3A_1610 = vector.shape_cast %broadcast_in_dim3A_1609 : vector<16x1xi32> to vector<16xi32>
    %gather3A_1611 = tpu.dynamic_gather %or3A_1598[%gather3A_1610] in [0] : vector<16xi32>, vector<16xi32> -> vector<16xi32>
    %or3A_1612 = arith.ori %or3A_1598, %gather3A_1611 : vector<16xi32>
    %xor3A_1613 = arith.constant 2 : i32
    %xor3A_1614 = vector.broadcast %xor3A_1613 : i32 to vector<16xi32>
    %xor3A_1615 = arith.xori %iota3A, %xor3A_1614 : vector<16xi32>
    %lt3A_1616 = arith.constant 0 : i32
    %lt3A_1617 = vector.broadcast %lt3A_1616 : i32 to vector<16xi32>
    %lt3A_1618 = arith.cmpi slt, %xor3A_1615, %lt3A_1617 : vector<16xi32>
    %add3A_1619 = arith.constant 16 : i32
    %add3A_1620 = vector.broadcast %add3A_1619 : i32 to vector<16xi32>
    %add3A_1621 = arith.addi %xor3A_1615, %add3A_1620 : vector<16xi32>
    %select_n3A_1622 = arith.select %lt3A_1618, %add3A_1621, %xor3A_1615 : vector<16xi1>, vector<16xi32>
    %broadcast_in_dim3A_1623 = vector.shape_cast %select_n3A_1622 : vector<16xi32> to vector<16x1xi32>
    %gather3A_1624 = vector.shape_cast %broadcast_in_dim3A_1623 : vector<16x1xi32> to vector<16xi32>
    %gather3A_1625 = tpu.dynamic_gather %or3A_1612[%gather3A_1624] in [0] : vector<16xi32>, vector<16xi32> -> vector<16xi32>
    %or3A_1626 = arith.ori %or3A_1612, %gather3A_1625 : vector<16xi32>
    %xor3A_1627 = arith.constant 1 : i32
    %xor3A_1628 = vector.broadcast %xor3A_1627 : i32 to vector<16xi32>
    %xor3A_1629 = arith.xori %iota3A, %xor3A_1628 : vector<16xi32>
    %lt3A_1630 = arith.constant 0 : i32
    %lt3A_1631 = vector.broadcast %lt3A_1630 : i32 to vector<16xi32>
    %lt3A_1632 = arith.cmpi slt, %xor3A_1629, %lt3A_1631 : vector<16xi32>
    %add3A_1633 = arith.constant 16 : i32
    %add3A_1634 = vector.broadcast %add3A_1633 : i32 to vector<16xi32>
    %add3A_1635 = arith.addi %xor3A_1629, %add3A_1634 : vector<16xi32>
    %select_n3A_1636 = arith.select %lt3A_1632, %add3A_1635, %xor3A_1629 : vector<16xi1>, vector<16xi32>
    %broadcast_in_dim3A_1637 = vector.shape_cast %select_n3A_1636 : vector<16xi32> to vector<16x1xi32>
    %gather3A_1638 = vector.shape_cast %broadcast_in_dim3A_1637 : vector<16x1xi32> to vector<16xi32>
    %gather3A_1639 = tpu.dynamic_gather %or3A_1626[%gather3A_1638] in [0] : vector<16xi32>, vector<16xi32> -> vector<16xi32>
    %or3A_1640 = arith.ori %or3A_1626, %gather3A_1639 : vector<16xi32>
    %shift_right_arithmetic3A_1641 = arith.shrsi %or3A_1640, %iota3A : vector<16xi32>
    %and3A_1642 = arith.constant 1 : i32
    %and3A_1643 = vector.broadcast %and3A_1642 : i32 to vector<16xi32>
    %and3A_1644 = arith.andi %shift_right_arithmetic3A_1641, %and3A_1643 : vector<16xi32>
    %eq3A_1645 = arith.constant 5 : i32
    %eq3A_1646 = vector.broadcast %eq3A_1645 : i32 to vector<16xi32>
    %eq3A_1647 = arith.cmpi eq, %iota3A, %eq3A_1646 : vector<16xi32>
    %jit3A_1648 = arith.constant 0 : i32
    %broadcast_in_dim3A_1649 = vector.broadcast %jit3A_1648 : i32 to vector<16xi32>
    %select_n3A_1650 = arith.select %eq3A_1647, %broadcast_in_dim3A_1649, %and3A_1644 : vector<16xi1>, vector<16xi32>
    %swap3A_1651 = arith.constant 5 : i32
    %swap3A_1652 = arith.index_cast %swap3A_1651 : i32 to index
    %swap3A_1653 = arith.constant 0 : index
    %swap3A_1654 = tpu.vector_load %arg5[%swap3A_1652, %swap3A_1653] {strides = array<i32>} : memref<16x16xi32, #tpu.memory_space<vmem>>, vector<1x16xi32>,
    %swap3A_1655 = vector.shape_cast %swap3A_1654 : vector<1x16xi32> to vector<16xi32>
    %swap3A_1656 = vector.shape_cast %select_n3A_1650 : vector<16xi32> to vector<1x16xi32>
    tpu.vector_store %arg5[%swap3A_1652, %swap3A_1653], %swap3A_1656 {strides = array<i32>} : memref<16x16xi32, #tpu.memory_space<vmem>>, vector<1x16xi32>,
    %xor3A_1657 = arith.constant 8 : i32
    %xor3A_1658 = vector.broadcast %xor3A_1657 : i32 to vector<16xi32>
    %xor3A_1659 = arith.xori %iota3A, %xor3A_1658 : vector<16xi32>
    %lt3A_1660 = arith.constant 0 : i32
    %lt3A_1661 = vector.broadcast %lt3A_1660 : i32 to vector<16xi32>
    %lt3A_1662 = arith.cmpi slt, %xor3A_1659, %lt3A_1661 : vector<16xi32>
    %add3A_1663 = arith.constant 16 : i32
    %add3A_1664 = vector.broadcast %add3A_1663 : i32 to vector<16xi32>
    %add3A_1665 = arith.addi %xor3A_1659, %add3A_1664 : vector<16xi32>
    %select_n3A_1666 = arith.select %lt3A_1662, %add3A_1665, %xor3A_1659 : vector<16xi1>, vector<16xi32>
    %broadcast_in_dim3A_1667 = vector.shape_cast %select_n3A_1666 : vector<16xi32> to vector<16x1xi32>
    %gather3A_1668 = vector.shape_cast %broadcast_in_dim3A_1667 : vector<16x1xi32> to vector<16xi32>
    %gather3A_1669 = tpu.dynamic_gather %scan3A_1223#6[%gather3A_1668] in [0] : vector<16xi32>, vector<16xi32> -> vector<16xi32>
    %or3A_1670 = arith.ori %scan3A_1223#6, %gather3A_1669 : vector<16xi32>
    %xor3A_1671 = arith.constant 4 : i32
    %xor3A_1672 = vector.broadcast %xor3A_1671 : i32 to vector<16xi32>
    %xor3A_1673 = arith.xori %iota3A, %xor3A_1672 : vector<16xi32>
    %lt3A_1674 = arith.constant 0 : i32
    %lt3A_1675 = vector.broadcast %lt3A_1674 : i32 to vector<16xi32>
    %lt3A_1676 = arith.cmpi slt, %xor3A_1673, %lt3A_1675 : vector<16xi32>
    %add3A_1677 = arith.constant 16 : i32
    %add3A_1678 = vector.broadcast %add3A_1677 : i32 to vector<16xi32>
    %add3A_1679 = arith.addi %xor3A_1673, %add3A_1678 : vector<16xi32>
    %select_n3A_1680 = arith.select %lt3A_1676, %add3A_1679, %xor3A_1673 : vector<16xi1>, vector<16xi32>
    %broadcast_in_dim3A_1681 = vector.shape_cast %select_n3A_1680 : vector<16xi32> to vector<16x1xi32>
    %gather3A_1682 = vector.shape_cast %broadcast_in_dim3A_1681 : vector<16x1xi32> to vector<16xi32>
    %gather3A_1683 = tpu.dynamic_gather %or3A_1670[%gather3A_1682] in [0] : vector<16xi32>, vector<16xi32> -> vector<16xi32>
    %or3A_1684 = arith.ori %or3A_1670, %gather3A_1683 : vector<16xi32>
    %xor3A_1685 = arith.constant 2 : i32
    %xor3A_1686 = vector.broadcast %xor3A_1685 : i32 to vector<16xi32>
    %xor3A_1687 = arith.xori %iota3A, %xor3A_1686 : vector<16xi32>
    %lt3A_1688 = arith.constant 0 : i32
    %lt3A_1689 = vector.broadcast %lt3A_1688 : i32 to vector<16xi32>
    %lt3A_1690 = arith.cmpi slt, %xor3A_1687, %lt3A_1689 : vector<16xi32>
    %add3A_1691 = arith.constant 16 : i32
    %add3A_1692 = vector.broadcast %add3A_1691 : i32 to vector<16xi32>
    %add3A_1693 = arith.addi %xor3A_1687, %add3A_1692 : vector<16xi32>
    %select_n3A_1694 = arith.select %lt3A_1690, %add3A_1693, %xor3A_1687 : vector<16xi1>, vector<16xi32>
    %broadcast_in_dim3A_1695 = vector.shape_cast %select_n3A_1694 : vector<16xi32> to vector<16x1xi32>
    %gather3A_1696 = vector.shape_cast %broadcast_in_dim3A_1695 : vector<16x1xi32> to vector<16xi32>
    %gather3A_1697 = tpu.dynamic_gather %or3A_1684[%gather3A_1696] in [0] : vector<16xi32>, vector<16xi32> -> vector<16xi32>
    %or3A_1698 = arith.ori %or3A_1684, %gather3A_1697 : vector<16xi32>
    %xor3A_1699 = arith.constant 1 : i32
    %xor3A_1700 = vector.broadcast %xor3A_1699 : i32 to vector<16xi32>
    %xor3A_1701 = arith.xori %iota3A, %xor3A_1700 : vector<16xi32>
    %lt3A_1702 = arith.constant 0 : i32
    %lt3A_1703 = vector.broadcast %lt3A_1702 : i32 to vector<16xi32>
    %lt3A_1704 = arith.cmpi slt, %xor3A_1701, %lt3A_1703 : vector<16xi32>
    %add3A_1705 = arith.constant 16 : i32
    %add3A_1706 = vector.broadcast %add3A_1705 : i32 to vector<16xi32>
    %add3A_1707 = arith.addi %xor3A_1701, %add3A_1706 : vector<16xi32>
    %select_n3A_1708 = arith.select %lt3A_1704, %add3A_1707, %xor3A_1701 : vector<16xi1>, vector<16xi32>
    %broadcast_in_dim3A_1709 = vector.shape_cast %select_n3A_1708 : vector<16xi32> to vector<16x1xi32>
    %gather3A_1710 = vector.shape_cast %broadcast_in_dim3A_1709 : vector<16x1xi32> to vector<16xi32>
    %gather3A_1711 = tpu.dynamic_gather %or3A_1698[%gather3A_1710] in [0] : vector<16xi32>, vector<16xi32> -> vector<16xi32>
    %or3A_1712 = arith.ori %or3A_1698, %gather3A_1711 : vector<16xi32>
    %shift_right_arithmetic3A_1713 = arith.shrsi %or3A_1712, %iota3A : vector<16xi32>
    %and3A_1714 = arith.constant 1 : i32
    %and3A_1715 = vector.broadcast %and3A_1714 : i32 to vector<16xi32>
    %and3A_1716 = arith.andi %shift_right_arithmetic3A_1713, %and3A_1715 : vector<16xi32>
    %eq3A_1717 = arith.constant 6 : i32
    %eq3A_1718 = vector.broadcast %eq3A_1717 : i32 to vector<16xi32>
    %eq3A_1719 = arith.cmpi eq, %iota3A, %eq3A_1718 : vector<16xi32>
    %jit3A_1720 = arith.constant 0 : i32
    %broadcast_in_dim3A_1721 = vector.broadcast %jit3A_1720 : i32 to vector<16xi32>
    %select_n3A_1722 = arith.select %eq3A_1719, %broadcast_in_dim3A_1721, %and3A_1716 : vector<16xi1>, vector<16xi32>
    %swap3A_1723 = arith.constant 6 : i32
    %swap3A_1724 = arith.index_cast %swap3A_1723 : i32 to index
    %swap3A_1725 = arith.constant 0 : index
    %swap3A_1726 = tpu.vector_load %arg5[%swap3A_1724, %swap3A_1725] {strides = array<i32>} : memref<16x16xi32, #tpu.memory_space<vmem>>, vector<1x16xi32>,
    %swap3A_1727 = vector.shape_cast %swap3A_1726 : vector<1x16xi32> to vector<16xi32>
    %swap3A_1728 = vector.shape_cast %select_n3A_1722 : vector<16xi32> to vector<1x16xi32>
    tpu.vector_store %arg5[%swap3A_1724, %swap3A_1725], %swap3A_1728 {strides = array<i32>} : memref<16x16xi32, #tpu.memory_space<vmem>>, vector<1x16xi32>,
    %xor3A_1729 = arith.constant 8 : i32
    %xor3A_1730 = vector.broadcast %xor3A_1729 : i32 to vector<16xi32>
    %xor3A_1731 = arith.xori %iota3A, %xor3A_1730 : vector<16xi32>
    %lt3A_1732 = arith.constant 0 : i32
    %lt3A_1733 = vector.broadcast %lt3A_1732 : i32 to vector<16xi32>
    %lt3A_1734 = arith.cmpi slt, %xor3A_1731, %lt3A_1733 : vector<16xi32>
    %add3A_1735 = arith.constant 16 : i32
    %add3A_1736 = vector.broadcast %add3A_1735 : i32 to vector<16xi32>
    %add3A_1737 = arith.addi %xor3A_1731, %add3A_1736 : vector<16xi32>
    %select_n3A_1738 = arith.select %lt3A_1734, %add3A_1737, %xor3A_1731 : vector<16xi1>, vector<16xi32>
    %broadcast_in_dim3A_1739 = vector.shape_cast %select_n3A_1738 : vector<16xi32> to vector<16x1xi32>
    %gather3A_1740 = vector.shape_cast %broadcast_in_dim3A_1739 : vector<16x1xi32> to vector<16xi32>
    %gather3A_1741 = tpu.dynamic_gather %scan3A_1223#7[%gather3A_1740] in [0] : vector<16xi32>, vector<16xi32> -> vector<16xi32>
    %or3A_1742 = arith.ori %scan3A_1223#7, %gather3A_1741 : vector<16xi32>
    %xor3A_1743 = arith.constant 4 : i32
    %xor3A_1744 = vector.broadcast %xor3A_1743 : i32 to vector<16xi32>
    %xor3A_1745 = arith.xori %iota3A, %xor3A_1744 : vector<16xi32>
    %lt3A_1746 = arith.constant 0 : i32
    %lt3A_1747 = vector.broadcast %lt3A_1746 : i32 to vector<16xi32>
    %lt3A_1748 = arith.cmpi slt, %xor3A_1745, %lt3A_1747 : vector<16xi32>
    %add3A_1749 = arith.constant 16 : i32
    %add3A_1750 = vector.broadcast %add3A_1749 : i32 to vector<16xi32>
    %add3A_1751 = arith.addi %xor3A_1745, %add3A_1750 : vector<16xi32>
    %select_n3A_1752 = arith.select %lt3A_1748, %add3A_1751, %xor3A_1745 : vector<16xi1>, vector<16xi32>
    %broadcast_in_dim3A_1753 = vector.shape_cast %select_n3A_1752 : vector<16xi32> to vector<16x1xi32>
    %gather3A_1754 = vector.shape_cast %broadcast_in_dim3A_1753 : vector<16x1xi32> to vector<16xi32>
    %gather3A_1755 = tpu.dynamic_gather %or3A_1742[%gather3A_1754] in [0] : vector<16xi32>, vector<16xi32> -> vector<16xi32>
    %or3A_1756 = arith.ori %or3A_1742, %gather3A_1755 : vector<16xi32>
    %xor3A_1757 = arith.constant 2 : i32
    %xor3A_1758 = vector.broadcast %xor3A_1757 : i32 to vector<16xi32>
    %xor3A_1759 = arith.xori %iota3A, %xor3A_1758 : vector<16xi32>
    %lt3A_1760 = arith.constant 0 : i32
    %lt3A_1761 = vector.broadcast %lt3A_1760 : i32 to vector<16xi32>
    %lt3A_1762 = arith.cmpi slt, %xor3A_1759, %lt3A_1761 : vector<16xi32>
    %add3A_1763 = arith.constant 16 : i32
    %add3A_1764 = vector.broadcast %add3A_1763 : i32 to vector<16xi32>
    %add3A_1765 = arith.addi %xor3A_1759, %add3A_1764 : vector<16xi32>
    %select_n3A_1766 = arith.select %lt3A_1762, %add3A_1765, %xor3A_1759 : vector<16xi1>, vector<16xi32>
    %broadcast_in_dim3A_1767 = vector.shape_cast %select_n3A_1766 : vector<16xi32> to vector<16x1xi32>
    %gather3A_1768 = vector.shape_cast %broadcast_in_dim3A_1767 : vector<16x1xi32> to vector<16xi32>
    %gather3A_1769 = tpu.dynamic_gather %or3A_1756[%gather3A_1768] in [0] : vector<16xi32>, vector<16xi32> -> vector<16xi32>
    %or3A_1770 = arith.ori %or3A_1756, %gather3A_1769 : vector<16xi32>
    %xor3A_1771 = arith.constant 1 : i32
    %xor3A_1772 = vector.broadcast %xor3A_1771 : i32 to vector<16xi32>
    %xor3A_1773 = arith.xori %iota3A, %xor3A_1772 : vector<16xi32>
    %lt3A_1774 = arith.constant 0 : i32
    %lt3A_1775 = vector.broadcast %lt3A_1774 : i32 to vector<16xi32>
    %lt3A_1776 = arith.cmpi slt, %xor3A_1773, %lt3A_1775 : vector<16xi32>
    %add3A_1777 = arith.constant 16 : i32
    %add3A_1778 = vector.broadcast %add3A_1777 : i32 to vector<16xi32>
    %add3A_1779 = arith.addi %xor3A_1773, %add3A_1778 : vector<16xi32>
    %select_n3A_1780 = arith.select %lt3A_1776, %add3A_1779, %xor3A_1773 : vector<16xi1>, vector<16xi32>
    %broadcast_in_dim3A_1781 = vector.shape_cast %select_n3A_1780 : vector<16xi32> to vector<16x1xi32>
    %gather3A_1782 = vector.shape_cast %broadcast_in_dim3A_1781 : vector<16x1xi32> to vector<16xi32>
    %gather3A_1783 = tpu.dynamic_gather %or3A_1770[%gather3A_1782] in [0] : vector<16xi32>, vector<16xi32> -> vector<16xi32>
    %or3A_1784 = arith.ori %or3A_1770, %gather3A_1783 : vector<16xi32>
    %shift_right_arithmetic3A_1785 = arith.shrsi %or3A_1784, %iota3A : vector<16xi32>
    %and3A_1786 = arith.constant 1 : i32
    %and3A_1787 = vector.broadcast %and3A_1786 : i32 to vector<16xi32>
    %and3A_1788 = arith.andi %shift_right_arithmetic3A_1785, %and3A_1787 : vector<16xi32>
    %eq3A_1789 = arith.constant 7 : i32
    %eq3A_1790 = vector.broadcast %eq3A_1789 : i32 to vector<16xi32>
    %eq3A_1791 = arith.cmpi eq, %iota3A, %eq3A_1790 : vector<16xi32>
    %jit3A_1792 = arith.constant 0 : i32
    %broadcast_in_dim3A_1793 = vector.broadcast %jit3A_1792 : i32 to vector<16xi32>
    %select_n3A_1794 = arith.select %eq3A_1791, %broadcast_in_dim3A_1793, %and3A_1788 : vector<16xi1>, vector<16xi32>
    %swap3A_1795 = arith.constant 7 : i32
    %swap3A_1796 = arith.index_cast %swap3A_1795 : i32 to index
    %swap3A_1797 = arith.constant 0 : index
    %swap3A_1798 = tpu.vector_load %arg5[%swap3A_1796, %swap3A_1797] {strides = array<i32>} : memref<16x16xi32, #tpu.memory_space<vmem>>, vector<1x16xi32>,
    %swap3A_1799 = vector.shape_cast %swap3A_1798 : vector<1x16xi32> to vector<16xi32>
    %swap3A_1800 = vector.shape_cast %select_n3A_1794 : vector<16xi32> to vector<1x16xi32>
    tpu.vector_store %arg5[%swap3A_1796, %swap3A_1797], %swap3A_1800 {strides = array<i32>} : memref<16x16xi32, #tpu.memory_space<vmem>>, vector<1x16xi32>,
    %xor3A_1801 = arith.constant 8 : i32
    %xor3A_1802 = vector.broadcast %xor3A_1801 : i32 to vector<16xi32>
    %xor3A_1803 = arith.xori %iota3A, %xor3A_1802 : vector<16xi32>
    %lt3A_1804 = arith.constant 0 : i32
    %lt3A_1805 = vector.broadcast %lt3A_1804 : i32 to vector<16xi32>
    %lt3A_1806 = arith.cmpi slt, %xor3A_1803, %lt3A_1805 : vector<16xi32>
    %add3A_1807 = arith.constant 16 : i32
    %add3A_1808 = vector.broadcast %add3A_1807 : i32 to vector<16xi32>
    %add3A_1809 = arith.addi %xor3A_1803, %add3A_1808 : vector<16xi32>
    %select_n3A_1810 = arith.select %lt3A_1806, %add3A_1809, %xor3A_1803 : vector<16xi1>, vector<16xi32>
    %broadcast_in_dim3A_1811 = vector.shape_cast %select_n3A_1810 : vector<16xi32> to vector<16x1xi32>
    %gather3A_1812 = vector.shape_cast %broadcast_in_dim3A_1811 : vector<16x1xi32> to vector<16xi32>
    %gather3A_1813 = tpu.dynamic_gather %scan3A_1223#8[%gather3A_1812] in [0] : vector<16xi32>, vector<16xi32> -> vector<16xi32>
    %or3A_1814 = arith.ori %scan3A_1223#8, %gather3A_1813 : vector<16xi32>
    %xor3A_1815 = arith.constant 4 : i32
    %xor3A_1816 = vector.broadcast %xor3A_1815 : i32 to vector<16xi32>
    %xor3A_1817 = arith.xori %iota3A, %xor3A_1816 : vector<16xi32>
    %lt3A_1818 = arith.constant 0 : i32
    %lt3A_1819 = vector.broadcast %lt3A_1818 : i32 to vector<16xi32>
    %lt3A_1820 = arith.cmpi slt, %xor3A_1817, %lt3A_1819 : vector<16xi32>
    %add3A_1821 = arith.constant 16 : i32
    %add3A_1822 = vector.broadcast %add3A_1821 : i32 to vector<16xi32>
    %add3A_1823 = arith.addi %xor3A_1817, %add3A_1822 : vector<16xi32>
    %select_n3A_1824 = arith.select %lt3A_1820, %add3A_1823, %xor3A_1817 : vector<16xi1>, vector<16xi32>
    %broadcast_in_dim3A_1825 = vector.shape_cast %select_n3A_1824 : vector<16xi32> to vector<16x1xi32>
    %gather3A_1826 = vector.shape_cast %broadcast_in_dim3A_1825 : vector<16x1xi32> to vector<16xi32>
    %gather3A_1827 = tpu.dynamic_gather %or3A_1814[%gather3A_1826] in [0] : vector<16xi32>, vector<16xi32> -> vector<16xi32>
    %or3A_1828 = arith.ori %or3A_1814, %gather3A_1827 : vector<16xi32>
    %xor3A_1829 = arith.constant 2 : i32
    %xor3A_1830 = vector.broadcast %xor3A_1829 : i32 to vector<16xi32>
    %xor3A_1831 = arith.xori %iota3A, %xor3A_1830 : vector<16xi32>
    %lt3A_1832 = arith.constant 0 : i32
    %lt3A_1833 = vector.broadcast %lt3A_1832 : i32 to vector<16xi32>
    %lt3A_1834 = arith.cmpi slt, %xor3A_1831, %lt3A_1833 : vector<16xi32>
    %add3A_1835 = arith.constant 16 : i32
    %add3A_1836 = vector.broadcast %add3A_1835 : i32 to vector<16xi32>
    %add3A_1837 = arith.addi %xor3A_1831, %add3A_1836 : vector<16xi32>
    %select_n3A_1838 = arith.select %lt3A_1834, %add3A_1837, %xor3A_1831 : vector<16xi1>, vector<16xi32>
    %broadcast_in_dim3A_1839 = vector.shape_cast %select_n3A_1838 : vector<16xi32> to vector<16x1xi32>
    %gather3A_1840 = vector.shape_cast %broadcast_in_dim3A_1839 : vector<16x1xi32> to vector<16xi32>
    %gather3A_1841 = tpu.dynamic_gather %or3A_1828[%gather3A_1840] in [0] : vector<16xi32>, vector<16xi32> -> vector<16xi32>
    %or3A_1842 = arith.ori %or3A_1828, %gather3A_1841 : vector<16xi32>
    %xor3A_1843 = arith.constant 1 : i32
    %xor3A_1844 = vector.broadcast %xor3A_1843 : i32 to vector<16xi32>
    %xor3A_1845 = arith.xori %iota3A, %xor3A_1844 : vector<16xi32>
    %lt3A_1846 = arith.constant 0 : i32
    %lt3A_1847 = vector.broadcast %lt3A_1846 : i32 to vector<16xi32>
    %lt3A_1848 = arith.cmpi slt, %xor3A_1845, %lt3A_1847 : vector<16xi32>
    %add3A_1849 = arith.constant 16 : i32
    %add3A_1850 = vector.broadcast %add3A_1849 : i32 to vector<16xi32>
    %add3A_1851 = arith.addi %xor3A_1845, %add3A_1850 : vector<16xi32>
    %select_n3A_1852 = arith.select %lt3A_1848, %add3A_1851, %xor3A_1845 : vector<16xi1>, vector<16xi32>
    %broadcast_in_dim3A_1853 = vector.shape_cast %select_n3A_1852 : vector<16xi32> to vector<16x1xi32>
    %gather3A_1854 = vector.shape_cast %broadcast_in_dim3A_1853 : vector<16x1xi32> to vector<16xi32>
    %gather3A_1855 = tpu.dynamic_gather %or3A_1842[%gather3A_1854] in [0] : vector<16xi32>, vector<16xi32> -> vector<16xi32>
    %or3A_1856 = arith.ori %or3A_1842, %gather3A_1855 : vector<16xi32>
    %shift_right_arithmetic3A_1857 = arith.shrsi %or3A_1856, %iota3A : vector<16xi32>
    %and3A_1858 = arith.constant 1 : i32
    %and3A_1859 = vector.broadcast %and3A_1858 : i32 to vector<16xi32>
    %and3A_1860 = arith.andi %shift_right_arithmetic3A_1857, %and3A_1859 : vector<16xi32>
    %eq3A_1861 = arith.constant 8 : i32
    %eq3A_1862 = vector.broadcast %eq3A_1861 : i32 to vector<16xi32>
    %eq3A_1863 = arith.cmpi eq, %iota3A, %eq3A_1862 : vector<16xi32>
    %jit3A_1864 = arith.constant 0 : i32
    %broadcast_in_dim3A_1865 = vector.broadcast %jit3A_1864 : i32 to vector<16xi32>
    %select_n3A_1866 = arith.select %eq3A_1863, %broadcast_in_dim3A_1865, %and3A_1860 : vector<16xi1>, vector<16xi32>
    %swap3A_1867 = arith.constant 8 : i32
    %swap3A_1868 = arith.index_cast %swap3A_1867 : i32 to index
    %swap3A_1869 = arith.constant 0 : index
    %swap3A_1870 = tpu.vector_load %arg5[%swap3A_1868, %swap3A_1869] {strides = array<i32>} : memref<16x16xi32, #tpu.memory_space<vmem>>, vector<1x16xi32>,
    %swap3A_1871 = vector.shape_cast %swap3A_1870 : vector<1x16xi32> to vector<16xi32>
    %swap3A_1872 = vector.shape_cast %select_n3A_1866 : vector<16xi32> to vector<1x16xi32>
    tpu.vector_store %arg5[%swap3A_1868, %swap3A_1869], %swap3A_1872 {strides = array<i32>} : memref<16x16xi32, #tpu.memory_space<vmem>>, vector<1x16xi32>,
    %xor3A_1873 = arith.constant 8 : i32
    %xor3A_1874 = vector.broadcast %xor3A_1873 : i32 to vector<16xi32>
    %xor3A_1875 = arith.xori %iota3A, %xor3A_1874 : vector<16xi32>
    %lt3A_1876 = arith.constant 0 : i32
    %lt3A_1877 = vector.broadcast %lt3A_1876 : i32 to vector<16xi32>
    %lt3A_1878 = arith.cmpi slt, %xor3A_1875, %lt3A_1877 : vector<16xi32>
    %add3A_1879 = arith.constant 16 : i32
    %add3A_1880 = vector.broadcast %add3A_1879 : i32 to vector<16xi32>
    %add3A_1881 = arith.addi %xor3A_1875, %add3A_1880 : vector<16xi32>
    %select_n3A_1882 = arith.select %lt3A_1878, %add3A_1881, %xor3A_1875 : vector<16xi1>, vector<16xi32>
    %broadcast_in_dim3A_1883 = vector.shape_cast %select_n3A_1882 : vector<16xi32> to vector<16x1xi32>
    %gather3A_1884 = vector.shape_cast %broadcast_in_dim3A_1883 : vector<16x1xi32> to vector<16xi32>
    %gather3A_1885 = tpu.dynamic_gather %scan3A_1223#9[%gather3A_1884] in [0] : vector<16xi32>, vector<16xi32> -> vector<16xi32>
    %or3A_1886 = arith.ori %scan3A_1223#9, %gather3A_1885 : vector<16xi32>
    %xor3A_1887 = arith.constant 4 : i32
    %xor3A_1888 = vector.broadcast %xor3A_1887 : i32 to vector<16xi32>
    %xor3A_1889 = arith.xori %iota3A, %xor3A_1888 : vector<16xi32>
    %lt3A_1890 = arith.constant 0 : i32
    %lt3A_1891 = vector.broadcast %lt3A_1890 : i32 to vector<16xi32>
    %lt3A_1892 = arith.cmpi slt, %xor3A_1889, %lt3A_1891 : vector<16xi32>
    %add3A_1893 = arith.constant 16 : i32
    %add3A_1894 = vector.broadcast %add3A_1893 : i32 to vector<16xi32>
    %add3A_1895 = arith.addi %xor3A_1889, %add3A_1894 : vector<16xi32>
    %select_n3A_1896 = arith.select %lt3A_1892, %add3A_1895, %xor3A_1889 : vector<16xi1>, vector<16xi32>
    %broadcast_in_dim3A_1897 = vector.shape_cast %select_n3A_1896 : vector<16xi32> to vector<16x1xi32>
    %gather3A_1898 = vector.shape_cast %broadcast_in_dim3A_1897 : vector<16x1xi32> to vector<16xi32>
    %gather3A_1899 = tpu.dynamic_gather %or3A_1886[%gather3A_1898] in [0] : vector<16xi32>, vector<16xi32> -> vector<16xi32>
    %or3A_1900 = arith.ori %or3A_1886, %gather3A_1899 : vector<16xi32>
    %xor3A_1901 = arith.constant 2 : i32
    %xor3A_1902 = vector.broadcast %xor3A_1901 : i32 to vector<16xi32>
    %xor3A_1903 = arith.xori %iota3A, %xor3A_1902 : vector<16xi32>
    %lt3A_1904 = arith.constant 0 : i32
    %lt3A_1905 = vector.broadcast %lt3A_1904 : i32 to vector<16xi32>
    %lt3A_1906 = arith.cmpi slt, %xor3A_1903, %lt3A_1905 : vector<16xi32>
    %add3A_1907 = arith.constant 16 : i32
    %add3A_1908 = vector.broadcast %add3A_1907 : i32 to vector<16xi32>
    %add3A_1909 = arith.addi %xor3A_1903, %add3A_1908 : vector<16xi32>
    %select_n3A_1910 = arith.select %lt3A_1906, %add3A_1909, %xor3A_1903 : vector<16xi1>, vector<16xi32>
    %broadcast_in_dim3A_1911 = vector.shape_cast %select_n3A_1910 : vector<16xi32> to vector<16x1xi32>
    %gather3A_1912 = vector.shape_cast %broadcast_in_dim3A_1911 : vector<16x1xi32> to vector<16xi32>
    %gather3A_1913 = tpu.dynamic_gather %or3A_1900[%gather3A_1912] in [0] : vector<16xi32>, vector<16xi32> -> vector<16xi32>
    %or3A_1914 = arith.ori %or3A_1900, %gather3A_1913 : vector<16xi32>
    %xor3A_1915 = arith.constant 1 : i32
    %xor3A_1916 = vector.broadcast %xor3A_1915 : i32 to vector<16xi32>
    %xor3A_1917 = arith.xori %iota3A, %xor3A_1916 : vector<16xi32>
    %lt3A_1918 = arith.constant 0 : i32
    %lt3A_1919 = vector.broadcast %lt3A_1918 : i32 to vector<16xi32>
    %lt3A_1920 = arith.cmpi slt, %xor3A_1917, %lt3A_1919 : vector<16xi32>
    %add3A_1921 = arith.constant 16 : i32
    %add3A_1922 = vector.broadcast %add3A_1921 : i32 to vector<16xi32>
    %add3A_1923 = arith.addi %xor3A_1917, %add3A_1922 : vector<16xi32>
    %select_n3A_1924 = arith.select %lt3A_1920, %add3A_1923, %xor3A_1917 : vector<16xi1>, vector<16xi32>
    %broadcast_in_dim3A_1925 = vector.shape_cast %select_n3A_1924 : vector<16xi32> to vector<16x1xi32>
    %gather3A_1926 = vector.shape_cast %broadcast_in_dim3A_1925 : vector<16x1xi32> to vector<16xi32>
    %gather3A_1927 = tpu.dynamic_gather %or3A_1914[%gather3A_1926] in [0] : vector<16xi32>, vector<16xi32> -> vector<16xi32>
    %or3A_1928 = arith.ori %or3A_1914, %gather3A_1927 : vector<16xi32>
    %shift_right_arithmetic3A_1929 = arith.shrsi %or3A_1928, %iota3A : vector<16xi32>
    %and3A_1930 = arith.constant 1 : i32
    %and3A_1931 = vector.broadcast %and3A_1930 : i32 to vector<16xi32>
    %and3A_1932 = arith.andi %shift_right_arithmetic3A_1929, %and3A_1931 : vector<16xi32>
    %eq3A_1933 = arith.constant 9 : i32
    %eq3A_1934 = vector.broadcast %eq3A_1933 : i32 to vector<16xi32>
    %eq3A_1935 = arith.cmpi eq, %iota3A, %eq3A_1934 : vector<16xi32>
    %jit3A_1936 = arith.constant 0 : i32
    %broadcast_in_dim3A_1937 = vector.broadcast %jit3A_1936 : i32 to vector<16xi32>
    %select_n3A_1938 = arith.select %eq3A_1935, %broadcast_in_dim3A_1937, %and3A_1932 : vector<16xi1>, vector<16xi32>
    %swap3A_1939 = arith.constant 9 : i32
    %swap3A_1940 = arith.index_cast %swap3A_1939 : i32 to index
    %swap3A_1941 = arith.constant 0 : index
    %swap3A_1942 = tpu.vector_load %arg5[%swap3A_1940, %swap3A_1941] {strides = array<i32>} : memref<16x16xi32, #tpu.memory_space<vmem>>, vector<1x16xi32>,
    %swap3A_1943 = vector.shape_cast %swap3A_1942 : vector<1x16xi32> to vector<16xi32>
    %swap3A_1944 = vector.shape_cast %select_n3A_1938 : vector<16xi32> to vector<1x16xi32>
    tpu.vector_store %arg5[%swap3A_1940, %swap3A_1941], %swap3A_1944 {strides = array<i32>} : memref<16x16xi32, #tpu.memory_space<vmem>>, vector<1x16xi32>,
    %xor3A_1945 = arith.constant 8 : i32
    %xor3A_1946 = vector.broadcast %xor3A_1945 : i32 to vector<16xi32>
    %xor3A_1947 = arith.xori %iota3A, %xor3A_1946 : vector<16xi32>
    %lt3A_1948 = arith.constant 0 : i32
    %lt3A_1949 = vector.broadcast %lt3A_1948 : i32 to vector<16xi32>
    %lt3A_1950 = arith.cmpi slt, %xor3A_1947, %lt3A_1949 : vector<16xi32>
    %add3A_1951 = arith.constant 16 : i32
    %add3A_1952 = vector.broadcast %add3A_1951 : i32 to vector<16xi32>
    %add3A_1953 = arith.addi %xor3A_1947, %add3A_1952 : vector<16xi32>
    %select_n3A_1954 = arith.select %lt3A_1950, %add3A_1953, %xor3A_1947 : vector<16xi1>, vector<16xi32>
    %broadcast_in_dim3A_1955 = vector.shape_cast %select_n3A_1954 : vector<16xi32> to vector<16x1xi32>
    %gather3A_1956 = vector.shape_cast %broadcast_in_dim3A_1955 : vector<16x1xi32> to vector<16xi32>
    %gather3A_1957 = tpu.dynamic_gather %scan3A_1223#10[%gather3A_1956] in [0] : vector<16xi32>, vector<16xi32> -> vector<16xi32>
    %or3A_1958 = arith.ori %scan3A_1223#10, %gather3A_1957 : vector<16xi32>
    %xor3A_1959 = arith.constant 4 : i32
    %xor3A_1960 = vector.broadcast %xor3A_1959 : i32 to vector<16xi32>
    %xor3A_1961 = arith.xori %iota3A, %xor3A_1960 : vector<16xi32>
    %lt3A_1962 = arith.constant 0 : i32
    %lt3A_1963 = vector.broadcast %lt3A_1962 : i32 to vector<16xi32>
    %lt3A_1964 = arith.cmpi slt, %xor3A_1961, %lt3A_1963 : vector<16xi32>
    %add3A_1965 = arith.constant 16 : i32
    %add3A_1966 = vector.broadcast %add3A_1965 : i32 to vector<16xi32>
    %add3A_1967 = arith.addi %xor3A_1961, %add3A_1966 : vector<16xi32>
    %select_n3A_1968 = arith.select %lt3A_1964, %add3A_1967, %xor3A_1961 : vector<16xi1>, vector<16xi32>
    %broadcast_in_dim3A_1969 = vector.shape_cast %select_n3A_1968 : vector<16xi32> to vector<16x1xi32>
    %gather3A_1970 = vector.shape_cast %broadcast_in_dim3A_1969 : vector<16x1xi32> to vector<16xi32>
    %gather3A_1971 = tpu.dynamic_gather %or3A_1958[%gather3A_1970] in [0] : vector<16xi32>, vector<16xi32> -> vector<16xi32>
    %or3A_1972 = arith.ori %or3A_1958, %gather3A_1971 : vector<16xi32>
    %xor3A_1973 = arith.constant 2 : i32
    %xor3A_1974 = vector.broadcast %xor3A_1973 : i32 to vector<16xi32>
    %xor3A_1975 = arith.xori %iota3A, %xor3A_1974 : vector<16xi32>
    %lt3A_1976 = arith.constant 0 : i32
    %lt3A_1977 = vector.broadcast %lt3A_1976 : i32 to vector<16xi32>
    %lt3A_1978 = arith.cmpi slt, %xor3A_1975, %lt3A_1977 : vector<16xi32>
    %add3A_1979 = arith.constant 16 : i32
    %add3A_1980 = vector.broadcast %add3A_1979 : i32 to vector<16xi32>
    %add3A_1981 = arith.addi %xor3A_1975, %add3A_1980 : vector<16xi32>
    %select_n3A_1982 = arith.select %lt3A_1978, %add3A_1981, %xor3A_1975 : vector<16xi1>, vector<16xi32>
    %broadcast_in_dim3A_1983 = vector.shape_cast %select_n3A_1982 : vector<16xi32> to vector<16x1xi32>
    %gather3A_1984 = vector.shape_cast %broadcast_in_dim3A_1983 : vector<16x1xi32> to vector<16xi32>
    %gather3A_1985 = tpu.dynamic_gather %or3A_1972[%gather3A_1984] in [0] : vector<16xi32>, vector<16xi32> -> vector<16xi32>
    %or3A_1986 = arith.ori %or3A_1972, %gather3A_1985 : vector<16xi32>
    %xor3A_1987 = arith.constant 1 : i32
    %xor3A_1988 = vector.broadcast %xor3A_1987 : i32 to vector<16xi32>
    %xor3A_1989 = arith.xori %iota3A, %xor3A_1988 : vector<16xi32>
    %lt3A_1990 = arith.constant 0 : i32
    %lt3A_1991 = vector.broadcast %lt3A_1990 : i32 to vector<16xi32>
    %lt3A_1992 = arith.cmpi slt, %xor3A_1989, %lt3A_1991 : vector<16xi32>
    %add3A_1993 = arith.constant 16 : i32
    %add3A_1994 = vector.broadcast %add3A_1993 : i32 to vector<16xi32>
    %add3A_1995 = arith.addi %xor3A_1989, %add3A_1994 : vector<16xi32>
    %select_n3A_1996 = arith.select %lt3A_1992, %add3A_1995, %xor3A_1989 : vector<16xi1>, vector<16xi32>
    %broadcast_in_dim3A_1997 = vector.shape_cast %select_n3A_1996 : vector<16xi32> to vector<16x1xi32>
    %gather3A_1998 = vector.shape_cast %broadcast_in_dim3A_1997 : vector<16x1xi32> to vector<16xi32>
    %gather3A_1999 = tpu.dynamic_gather %or3A_1986[%gather3A_1998] in [0] : vector<16xi32>, vector<16xi32> -> vector<16xi32>
    %or3A_2000 = arith.ori %or3A_1986, %gather3A_1999 : vector<16xi32>
    %shift_right_arithmetic3A_2001 = arith.shrsi %or3A_2000, %iota3A : vector<16xi32>
    %and3A_2002 = arith.constant 1 : i32
    %and3A_2003 = vector.broadcast %and3A_2002 : i32 to vector<16xi32>
    %and3A_2004 = arith.andi %shift_right_arithmetic3A_2001, %and3A_2003 : vector<16xi32>
    %eq3A_2005 = arith.constant 10 : i32
    %eq3A_2006 = vector.broadcast %eq3A_2005 : i32 to vector<16xi32>
    %eq3A_2007 = arith.cmpi eq, %iota3A, %eq3A_2006 : vector<16xi32>
    %jit3A_2008 = arith.constant 0 : i32
    %broadcast_in_dim3A_2009 = vector.broadcast %jit3A_2008 : i32 to vector<16xi32>
    %select_n3A_2010 = arith.select %eq3A_2007, %broadcast_in_dim3A_2009, %and3A_2004 : vector<16xi1>, vector<16xi32>
    %swap3A_2011 = arith.constant 10 : i32
    %swap3A_2012 = arith.index_cast %swap3A_2011 : i32 to index
    %swap3A_2013 = arith.constant 0 : index
    %swap3A_2014 = tpu.vector_load %arg5[%swap3A_2012, %swap3A_2013] {strides = array<i32>} : memref<16x16xi32, #tpu.memory_space<vmem>>, vector<1x16xi32>,
    %swap3A_2015 = vector.shape_cast %swap3A_2014 : vector<1x16xi32> to vector<16xi32>
    %swap3A_2016 = vector.shape_cast %select_n3A_2010 : vector<16xi32> to vector<1x16xi32>
    tpu.vector_store %arg5[%swap3A_2012, %swap3A_2013], %swap3A_2016 {strides = array<i32>} : memref<16x16xi32, #tpu.memory_space<vmem>>, vector<1x16xi32>,
    %xor3A_2017 = arith.constant 8 : i32
    %xor3A_2018 = vector.broadcast %xor3A_2017 : i32 to vector<16xi32>
    %xor3A_2019 = arith.xori %iota3A, %xor3A_2018 : vector<16xi32>
    %lt3A_2020 = arith.constant 0 : i32
    %lt3A_2021 = vector.broadcast %lt3A_2020 : i32 to vector<16xi32>
    %lt3A_2022 = arith.cmpi slt, %xor3A_2019, %lt3A_2021 : vector<16xi32>
    %add3A_2023 = arith.constant 16 : i32
    %add3A_2024 = vector.broadcast %add3A_2023 : i32 to vector<16xi32>
    %add3A_2025 = arith.addi %xor3A_2019, %add3A_2024 : vector<16xi32>
    %select_n3A_2026 = arith.select %lt3A_2022, %add3A_2025, %xor3A_2019 : vector<16xi1>, vector<16xi32>
    %broadcast_in_dim3A_2027 = vector.shape_cast %select_n3A_2026 : vector<16xi32> to vector<16x1xi32>
    %gather3A_2028 = vector.shape_cast %broadcast_in_dim3A_2027 : vector<16x1xi32> to vector<16xi32>
    %gather3A_2029 = tpu.dynamic_gather %scan3A_1223#11[%gather3A_2028] in [0] : vector<16xi32>, vector<16xi32> -> vector<16xi32>
    %or3A_2030 = arith.ori %scan3A_1223#11, %gather3A_2029 : vector<16xi32>
    %xor3A_2031 = arith.constant 4 : i32
    %xor3A_2032 = vector.broadcast %xor3A_2031 : i32 to vector<16xi32>
    %xor3A_2033 = arith.xori %iota3A, %xor3A_2032 : vector<16xi32>
    %lt3A_2034 = arith.constant 0 : i32
    %lt3A_2035 = vector.broadcast %lt3A_2034 : i32 to vector<16xi32>
    %lt3A_2036 = arith.cmpi slt, %xor3A_2033, %lt3A_2035 : vector<16xi32>
    %add3A_2037 = arith.constant 16 : i32
    %add3A_2038 = vector.broadcast %add3A_2037 : i32 to vector<16xi32>
    %add3A_2039 = arith.addi %xor3A_2033, %add3A_2038 : vector<16xi32>
    %select_n3A_2040 = arith.select %lt3A_2036, %add3A_2039, %xor3A_2033 : vector<16xi1>, vector<16xi32>
    %broadcast_in_dim3A_2041 = vector.shape_cast %select_n3A_2040 : vector<16xi32> to vector<16x1xi32>
    %gather3A_2042 = vector.shape_cast %broadcast_in_dim3A_2041 : vector<16x1xi32> to vector<16xi32>
    %gather3A_2043 = tpu.dynamic_gather %or3A_2030[%gather3A_2042] in [0] : vector<16xi32>, vector<16xi32> -> vector<16xi32>
    %or3A_2044 = arith.ori %or3A_2030, %gather3A_2043 : vector<16xi32>
    %xor3A_2045 = arith.constant 2 : i32
    %xor3A_2046 = vector.broadcast %xor3A_2045 : i32 to vector<16xi32>
    %xor3A_2047 = arith.xori %iota3A, %xor3A_2046 : vector<16xi32>
    %lt3A_2048 = arith.constant 0 : i32
    %lt3A_2049 = vector.broadcast %lt3A_2048 : i32 to vector<16xi32>
    %lt3A_2050 = arith.cmpi slt, %xor3A_2047, %lt3A_2049 : vector<16xi32>
    %add3A_2051 = arith.constant 16 : i32
    %add3A_2052 = vector.broadcast %add3A_2051 : i32 to vector<16xi32>
    %add3A_2053 = arith.addi %xor3A_2047, %add3A_2052 : vector<16xi32>
    %select_n3A_2054 = arith.select %lt3A_2050, %add3A_2053, %xor3A_2047 : vector<16xi1>, vector<16xi32>
    %broadcast_in_dim3A_2055 = vector.shape_cast %select_n3A_2054 : vector<16xi32> to vector<16x1xi32>
    %gather3A_2056 = vector.shape_cast %broadcast_in_dim3A_2055 : vector<16x1xi32> to vector<16xi32>
    %gather3A_2057 = tpu.dynamic_gather %or3A_2044[%gather3A_2056] in [0] : vector<16xi32>, vector<16xi32> -> vector<16xi32>
    %or3A_2058 = arith.ori %or3A_2044, %gather3A_2057 : vector<16xi32>
    %xor3A_2059 = arith.constant 1 : i32
    %xor3A_2060 = vector.broadcast %xor3A_2059 : i32 to vector<16xi32>
    %xor3A_2061 = arith.xori %iota3A, %xor3A_2060 : vector<16xi32>
    %lt3A_2062 = arith.constant 0 : i32
    %lt3A_2063 = vector.broadcast %lt3A_2062 : i32 to vector<16xi32>
    %lt3A_2064 = arith.cmpi slt, %xor3A_2061, %lt3A_2063 : vector<16xi32>
    %add3A_2065 = arith.constant 16 : i32
    %add3A_2066 = vector.broadcast %add3A_2065 : i32 to vector<16xi32>
    %add3A_2067 = arith.addi %xor3A_2061, %add3A_2066 : vector<16xi32>
    %select_n3A_2068 = arith.select %lt3A_2064, %add3A_2067, %xor3A_2061 : vector<16xi1>, vector<16xi32>
    %broadcast_in_dim3A_2069 = vector.shape_cast %select_n3A_2068 : vector<16xi32> to vector<16x1xi32>
    %gather3A_2070 = vector.shape_cast %broadcast_in_dim3A_2069 : vector<16x1xi32> to vector<16xi32>
    %gather3A_2071 = tpu.dynamic_gather %or3A_2058[%gather3A_2070] in [0] : vector<16xi32>, vector<16xi32> -> vector<16xi32>
    %or3A_2072 = arith.ori %or3A_2058, %gather3A_2071 : vector<16xi32>
    %shift_right_arithmetic3A_2073 = arith.shrsi %or3A_2072, %iota3A : vector<16xi32>
    %and3A_2074 = arith.constant 1 : i32
    %and3A_2075 = vector.broadcast %and3A_2074 : i32 to vector<16xi32>
    %and3A_2076 = arith.andi %shift_right_arithmetic3A_2073, %and3A_2075 : vector<16xi32>
    %eq3A_2077 = arith.constant 11 : i32
    %eq3A_2078 = vector.broadcast %eq3A_2077 : i32 to vector<16xi32>
    %eq3A_2079 = arith.cmpi eq, %iota3A, %eq3A_2078 : vector<16xi32>
    %jit3A_2080 = arith.constant 0 : i32
    %broadcast_in_dim3A_2081 = vector.broadcast %jit3A_2080 : i32 to vector<16xi32>
    %select_n3A_2082 = arith.select %eq3A_2079, %broadcast_in_dim3A_2081, %and3A_2076 : vector<16xi1>, vector<16xi32>
    %swap3A_2083 = arith.constant 11 : i32
    %swap3A_2084 = arith.index_cast %swap3A_2083 : i32 to index
    %swap3A_2085 = arith.constant 0 : index
    %swap3A_2086 = tpu.vector_load %arg5[%swap3A_2084, %swap3A_2085] {strides = array<i32>} : memref<16x16xi32, #tpu.memory_space<vmem>>, vector<1x16xi32>,
    %swap3A_2087 = vector.shape_cast %swap3A_2086 : vector<1x16xi32> to vector<16xi32>
    %swap3A_2088 = vector.shape_cast %select_n3A_2082 : vector<16xi32> to vector<1x16xi32>
    tpu.vector_store %arg5[%swap3A_2084, %swap3A_2085], %swap3A_2088 {strides = array<i32>} : memref<16x16xi32, #tpu.memory_space<vmem>>, vector<1x16xi32>,
    %xor3A_2089 = arith.constant 8 : i32
    %xor3A_2090 = vector.broadcast %xor3A_2089 : i32 to vector<16xi32>
    %xor3A_2091 = arith.xori %iota3A, %xor3A_2090 : vector<16xi32>
    %lt3A_2092 = arith.constant 0 : i32
    %lt3A_2093 = vector.broadcast %lt3A_2092 : i32 to vector<16xi32>
    %lt3A_2094 = arith.cmpi slt, %xor3A_2091, %lt3A_2093 : vector<16xi32>
    %add3A_2095 = arith.constant 16 : i32
    %add3A_2096 = vector.broadcast %add3A_2095 : i32 to vector<16xi32>
    %add3A_2097 = arith.addi %xor3A_2091, %add3A_2096 : vector<16xi32>
    %select_n3A_2098 = arith.select %lt3A_2094, %add3A_2097, %xor3A_2091 : vector<16xi1>, vector<16xi32>
    %broadcast_in_dim3A_2099 = vector.shape_cast %select_n3A_2098 : vector<16xi32> to vector<16x1xi32>
    %gather3A_2100 = vector.shape_cast %broadcast_in_dim3A_2099 : vector<16x1xi32> to vector<16xi32>
    %gather3A_2101 = tpu.dynamic_gather %scan3A_1223#12[%gather3A_2100] in [0] : vector<16xi32>, vector<16xi32> -> vector<16xi32>
    %or3A_2102 = arith.ori %scan3A_1223#12, %gather3A_2101 : vector<16xi32>
    %xor3A_2103 = arith.constant 4 : i32
    %xor3A_2104 = vector.broadcast %xor3A_2103 : i32 to vector<16xi32>
    %xor3A_2105 = arith.xori %iota3A, %xor3A_2104 : vector<16xi32>
    %lt3A_2106 = arith.constant 0 : i32
    %lt3A_2107 = vector.broadcast %lt3A_2106 : i32 to vector<16xi32>
    %lt3A_2108 = arith.cmpi slt, %xor3A_2105, %lt3A_2107 : vector<16xi32>
    %add3A_2109 = arith.constant 16 : i32
    %add3A_2110 = vector.broadcast %add3A_2109 : i32 to vector<16xi32>
    %add3A_2111 = arith.addi %xor3A_2105, %add3A_2110 : vector<16xi32>
    %select_n3A_2112 = arith.select %lt3A_2108, %add3A_2111, %xor3A_2105 : vector<16xi1>, vector<16xi32>
    %broadcast_in_dim3A_2113 = vector.shape_cast %select_n3A_2112 : vector<16xi32> to vector<16x1xi32>
    %gather3A_2114 = vector.shape_cast %broadcast_in_dim3A_2113 : vector<16x1xi32> to vector<16xi32>
    %gather3A_2115 = tpu.dynamic_gather %or3A_2102[%gather3A_2114] in [0] : vector<16xi32>, vector<16xi32> -> vector<16xi32>
    %or3A_2116 = arith.ori %or3A_2102, %gather3A_2115 : vector<16xi32>
    %xor3A_2117 = arith.constant 2 : i32
    %xor3A_2118 = vector.broadcast %xor3A_2117 : i32 to vector<16xi32>
    %xor3A_2119 = arith.xori %iota3A, %xor3A_2118 : vector<16xi32>
    %lt3A_2120 = arith.constant 0 : i32
    %lt3A_2121 = vector.broadcast %lt3A_2120 : i32 to vector<16xi32>
    %lt3A_2122 = arith.cmpi slt, %xor3A_2119, %lt3A_2121 : vector<16xi32>
    %add3A_2123 = arith.constant 16 : i32
    %add3A_2124 = vector.broadcast %add3A_2123 : i32 to vector<16xi32>
    %add3A_2125 = arith.addi %xor3A_2119, %add3A_2124 : vector<16xi32>
    %select_n3A_2126 = arith.select %lt3A_2122, %add3A_2125, %xor3A_2119 : vector<16xi1>, vector<16xi32>
    %broadcast_in_dim3A_2127 = vector.shape_cast %select_n3A_2126 : vector<16xi32> to vector<16x1xi32>
    %gather3A_2128 = vector.shape_cast %broadcast_in_dim3A_2127 : vector<16x1xi32> to vector<16xi32>
    %gather3A_2129 = tpu.dynamic_gather %or3A_2116[%gather3A_2128] in [0] : vector<16xi32>, vector<16xi32> -> vector<16xi32>
    %or3A_2130 = arith.ori %or3A_2116, %gather3A_2129 : vector<16xi32>
    %xor3A_2131 = arith.constant 1 : i32
    %xor3A_2132 = vector.broadcast %xor3A_2131 : i32 to vector<16xi32>
    %xor3A_2133 = arith.xori %iota3A, %xor3A_2132 : vector<16xi32>
    %lt3A_2134 = arith.constant 0 : i32
    %lt3A_2135 = vector.broadcast %lt3A_2134 : i32 to vector<16xi32>
    %lt3A_2136 = arith.cmpi slt, %xor3A_2133, %lt3A_2135 : vector<16xi32>
    %add3A_2137 = arith.constant 16 : i32
    %add3A_2138 = vector.broadcast %add3A_2137 : i32 to vector<16xi32>
    %add3A_2139 = arith.addi %xor3A_2133, %add3A_2138 : vector<16xi32>
    %select_n3A_2140 = arith.select %lt3A_2136, %add3A_2139, %xor3A_2133 : vector<16xi1>, vector<16xi32>
    %broadcast_in_dim3A_2141 = vector.shape_cast %select_n3A_2140 : vector<16xi32> to vector<16x1xi32>
    %gather3A_2142 = vector.shape_cast %broadcast_in_dim3A_2141 : vector<16x1xi32> to vector<16xi32>
    %gather3A_2143 = tpu.dynamic_gather %or3A_2130[%gather3A_2142] in [0] : vector<16xi32>, vector<16xi32> -> vector<16xi32>
    %or3A_2144 = arith.ori %or3A_2130, %gather3A_2143 : vector<16xi32>
    %shift_right_arithmetic3A_2145 = arith.shrsi %or3A_2144, %iota3A : vector<16xi32>
    %and3A_2146 = arith.constant 1 : i32
    %and3A_2147 = vector.broadcast %and3A_2146 : i32 to vector<16xi32>
    %and3A_2148 = arith.andi %shift_right_arithmetic3A_2145, %and3A_2147 : vector<16xi32>
    %eq3A_2149 = arith.constant 12 : i32
    %eq3A_2150 = vector.broadcast %eq3A_2149 : i32 to vector<16xi32>
    %eq3A_2151 = arith.cmpi eq, %iota3A, %eq3A_2150 : vector<16xi32>
    %jit3A_2152 = arith.constant 0 : i32
    %broadcast_in_dim3A_2153 = vector.broadcast %jit3A_2152 : i32 to vector<16xi32>
    %select_n3A_2154 = arith.select %eq3A_2151, %broadcast_in_dim3A_2153, %and3A_2148 : vector<16xi1>, vector<16xi32>
    %swap3A_2155 = arith.constant 12 : i32
    %swap3A_2156 = arith.index_cast %swap3A_2155 : i32 to index
    %swap3A_2157 = arith.constant 0 : index
    %swap3A_2158 = tpu.vector_load %arg5[%swap3A_2156, %swap3A_2157] {strides = array<i32>} : memref<16x16xi32, #tpu.memory_space<vmem>>, vector<1x16xi32>,
    %swap3A_2159 = vector.shape_cast %swap3A_2158 : vector<1x16xi32> to vector<16xi32>
    %swap3A_2160 = vector.shape_cast %select_n3A_2154 : vector<16xi32> to vector<1x16xi32>
    tpu.vector_store %arg5[%swap3A_2156, %swap3A_2157], %swap3A_2160 {strides = array<i32>} : memref<16x16xi32, #tpu.memory_space<vmem>>, vector<1x16xi32>,
    %xor3A_2161 = arith.constant 8 : i32
    %xor3A_2162 = vector.broadcast %xor3A_2161 : i32 to vector<16xi32>
    %xor3A_2163 = arith.xori %iota3A, %xor3A_2162 : vector<16xi32>
    %lt3A_2164 = arith.constant 0 : i32
    %lt3A_2165 = vector.broadcast %lt3A_2164 : i32 to vector<16xi32>
    %lt3A_2166 = arith.cmpi slt, %xor3A_2163, %lt3A_2165 : vector<16xi32>
    %add3A_2167 = arith.constant 16 : i32
    %add3A_2168 = vector.broadcast %add3A_2167 : i32 to vector<16xi32>
    %add3A_2169 = arith.addi %xor3A_2163, %add3A_2168 : vector<16xi32>
    %select_n3A_2170 = arith.select %lt3A_2166, %add3A_2169, %xor3A_2163 : vector<16xi1>, vector<16xi32>
    %broadcast_in_dim3A_2171 = vector.shape_cast %select_n3A_2170 : vector<16xi32> to vector<16x1xi32>
    %gather3A_2172 = vector.shape_cast %broadcast_in_dim3A_2171 : vector<16x1xi32> to vector<16xi32>
    %gather3A_2173 = tpu.dynamic_gather %scan3A_1223#13[%gather3A_2172] in [0] : vector<16xi32>, vector<16xi32> -> vector<16xi32>
    %or3A_2174 = arith.ori %scan3A_1223#13, %gather3A_2173 : vector<16xi32>
    %xor3A_2175 = arith.constant 4 : i32
    %xor3A_2176 = vector.broadcast %xor3A_2175 : i32 to vector<16xi32>
    %xor3A_2177 = arith.xori %iota3A, %xor3A_2176 : vector<16xi32>
    %lt3A_2178 = arith.constant 0 : i32
    %lt3A_2179 = vector.broadcast %lt3A_2178 : i32 to vector<16xi32>
    %lt3A_2180 = arith.cmpi slt, %xor3A_2177, %lt3A_2179 : vector<16xi32>
    %add3A_2181 = arith.constant 16 : i32
    %add3A_2182 = vector.broadcast %add3A_2181 : i32 to vector<16xi32>
    %add3A_2183 = arith.addi %xor3A_2177, %add3A_2182 : vector<16xi32>
    %select_n3A_2184 = arith.select %lt3A_2180, %add3A_2183, %xor3A_2177 : vector<16xi1>, vector<16xi32>
    %broadcast_in_dim3A_2185 = vector.shape_cast %select_n3A_2184 : vector<16xi32> to vector<16x1xi32>
    %gather3A_2186 = vector.shape_cast %broadcast_in_dim3A_2185 : vector<16x1xi32> to vector<16xi32>
    %gather3A_2187 = tpu.dynamic_gather %or3A_2174[%gather3A_2186] in [0] : vector<16xi32>, vector<16xi32> -> vector<16xi32>
    %or3A_2188 = arith.ori %or3A_2174, %gather3A_2187 : vector<16xi32>
    %xor3A_2189 = arith.constant 2 : i32
    %xor3A_2190 = vector.broadcast %xor3A_2189 : i32 to vector<16xi32>
    %xor3A_2191 = arith.xori %iota3A, %xor3A_2190 : vector<16xi32>
    %lt3A_2192 = arith.constant 0 : i32
    %lt3A_2193 = vector.broadcast %lt3A_2192 : i32 to vector<16xi32>
    %lt3A_2194 = arith.cmpi slt, %xor3A_2191, %lt3A_2193 : vector<16xi32>
    %add3A_2195 = arith.constant 16 : i32
    %add3A_2196 = vector.broadcast %add3A_2195 : i32 to vector<16xi32>
    %add3A_2197 = arith.addi %xor3A_2191, %add3A_2196 : vector<16xi32>
    %select_n3A_2198 = arith.select %lt3A_2194, %add3A_2197, %xor3A_2191 : vector<16xi1>, vector<16xi32>
    %broadcast_in_dim3A_2199 = vector.shape_cast %select_n3A_2198 : vector<16xi32> to vector<16x1xi32>
    %gather3A_2200 = vector.shape_cast %broadcast_in_dim3A_2199 : vector<16x1xi32> to vector<16xi32>
    %gather3A_2201 = tpu.dynamic_gather %or3A_2188[%gather3A_2200] in [0] : vector<16xi32>, vector<16xi32> -> vector<16xi32>
    %or3A_2202 = arith.ori %or3A_2188, %gather3A_2201 : vector<16xi32>
    %xor3A_2203 = arith.constant 1 : i32
    %xor3A_2204 = vector.broadcast %xor3A_2203 : i32 to vector<16xi32>
    %xor3A_2205 = arith.xori %iota3A, %xor3A_2204 : vector<16xi32>
    %lt3A_2206 = arith.constant 0 : i32
    %lt3A_2207 = vector.broadcast %lt3A_2206 : i32 to vector<16xi32>
    %lt3A_2208 = arith.cmpi slt, %xor3A_2205, %lt3A_2207 : vector<16xi32>
    %add3A_2209 = arith.constant 16 : i32
    %add3A_2210 = vector.broadcast %add3A_2209 : i32 to vector<16xi32>
    %add3A_2211 = arith.addi %xor3A_2205, %add3A_2210 : vector<16xi32>
    %select_n3A_2212 = arith.select %lt3A_2208, %add3A_2211, %xor3A_2205 : vector<16xi1>, vector<16xi32>
    %broadcast_in_dim3A_2213 = vector.shape_cast %select_n3A_2212 : vector<16xi32> to vector<16x1xi32>
    %gather3A_2214 = vector.shape_cast %broadcast_in_dim3A_2213 : vector<16x1xi32> to vector<16xi32>
    %gather3A_2215 = tpu.dynamic_gather %or3A_2202[%gather3A_2214] in [0] : vector<16xi32>, vector<16xi32> -> vector<16xi32>
    %or3A_2216 = arith.ori %or3A_2202, %gather3A_2215 : vector<16xi32>
    %shift_right_arithmetic3A_2217 = arith.shrsi %or3A_2216, %iota3A : vector<16xi32>
    %and3A_2218 = arith.constant 1 : i32
    %and3A_2219 = vector.broadcast %and3A_2218 : i32 to vector<16xi32>
    %and3A_2220 = arith.andi %shift_right_arithmetic3A_2217, %and3A_2219 : vector<16xi32>
    %eq3A_2221 = arith.constant 13 : i32
    %eq3A_2222 = vector.broadcast %eq3A_2221 : i32 to vector<16xi32>
    %eq3A_2223 = arith.cmpi eq, %iota3A, %eq3A_2222 : vector<16xi32>
    %jit3A_2224 = arith.constant 0 : i32
    %broadcast_in_dim3A_2225 = vector.broadcast %jit3A_2224 : i32 to vector<16xi32>
    %select_n3A_2226 = arith.select %eq3A_2223, %broadcast_in_dim3A_2225, %and3A_2220 : vector<16xi1>, vector<16xi32>
    %swap3A_2227 = arith.constant 13 : i32
    %swap3A_2228 = arith.index_cast %swap3A_2227 : i32 to index
    %swap3A_2229 = arith.constant 0 : index
    %swap3A_2230 = tpu.vector_load %arg5[%swap3A_2228, %swap3A_2229] {strides = array<i32>} : memref<16x16xi32, #tpu.memory_space<vmem>>, vector<1x16xi32>,
    %swap3A_2231 = vector.shape_cast %swap3A_2230 : vector<1x16xi32> to vector<16xi32>
    %swap3A_2232 = vector.shape_cast %select_n3A_2226 : vector<16xi32> to vector<1x16xi32>
    tpu.vector_store %arg5[%swap3A_2228, %swap3A_2229], %swap3A_2232 {strides = array<i32>} : memref<16x16xi32, #tpu.memory_space<vmem>>, vector<1x16xi32>,
    %xor3A_2233 = arith.constant 8 : i32
    %xor3A_2234 = vector.broadcast %xor3A_2233 : i32 to vector<16xi32>
    %xor3A_2235 = arith.xori %iota3A, %xor3A_2234 : vector<16xi32>
    %lt3A_2236 = arith.constant 0 : i32
    %lt3A_2237 = vector.broadcast %lt3A_2236 : i32 to vector<16xi32>
    %lt3A_2238 = arith.cmpi slt, %xor3A_2235, %lt3A_2237 : vector<16xi32>
    %add3A_2239 = arith.constant 16 : i32
    %add3A_2240 = vector.broadcast %add3A_2239 : i32 to vector<16xi32>
    %add3A_2241 = arith.addi %xor3A_2235, %add3A_2240 : vector<16xi32>
    %select_n3A_2242 = arith.select %lt3A_2238, %add3A_2241, %xor3A_2235 : vector<16xi1>, vector<16xi32>
    %broadcast_in_dim3A_2243 = vector.shape_cast %select_n3A_2242 : vector<16xi32> to vector<16x1xi32>
    %gather3A_2244 = vector.shape_cast %broadcast_in_dim3A_2243 : vector<16x1xi32> to vector<16xi32>
    %gather3A_2245 = tpu.dynamic_gather %scan3A_1223#14[%gather3A_2244] in [0] : vector<16xi32>, vector<16xi32> -> vector<16xi32>
    %or3A_2246 = arith.ori %scan3A_1223#14, %gather3A_2245 : vector<16xi32>
    %xor3A_2247 = arith.constant 4 : i32
    %xor3A_2248 = vector.broadcast %xor3A_2247 : i32 to vector<16xi32>
    %xor3A_2249 = arith.xori %iota3A, %xor3A_2248 : vector<16xi32>
    %lt3A_2250 = arith.constant 0 : i32
    %lt3A_2251 = vector.broadcast %lt3A_2250 : i32 to vector<16xi32>
    %lt3A_2252 = arith.cmpi slt, %xor3A_2249, %lt3A_2251 : vector<16xi32>
    %add3A_2253 = arith.constant 16 : i32
    %add3A_2254 = vector.broadcast %add3A_2253 : i32 to vector<16xi32>
    %add3A_2255 = arith.addi %xor3A_2249, %add3A_2254 : vector<16xi32>
    %select_n3A_2256 = arith.select %lt3A_2252, %add3A_2255, %xor3A_2249 : vector<16xi1>, vector<16xi32>
    %broadcast_in_dim3A_2257 = vector.shape_cast %select_n3A_2256 : vector<16xi32> to vector<16x1xi32>
    %gather3A_2258 = vector.shape_cast %broadcast_in_dim3A_2257 : vector<16x1xi32> to vector<16xi32>
    %gather3A_2259 = tpu.dynamic_gather %or3A_2246[%gather3A_2258] in [0] : vector<16xi32>, vector<16xi32> -> vector<16xi32>
    %or3A_2260 = arith.ori %or3A_2246, %gather3A_2259 : vector<16xi32>
    %xor3A_2261 = arith.constant 2 : i32
    %xor3A_2262 = vector.broadcast %xor3A_2261 : i32 to vector<16xi32>
    %xor3A_2263 = arith.xori %iota3A, %xor3A_2262 : vector<16xi32>
    %lt3A_2264 = arith.constant 0 : i32
    %lt3A_2265 = vector.broadcast %lt3A_2264 : i32 to vector<16xi32>
    %lt3A_2266 = arith.cmpi slt, %xor3A_2263, %lt3A_2265 : vector<16xi32>
    %add3A_2267 = arith.constant 16 : i32
    %add3A_2268 = vector.broadcast %add3A_2267 : i32 to vector<16xi32>
    %add3A_2269 = arith.addi %xor3A_2263, %add3A_2268 : vector<16xi32>
    %select_n3A_2270 = arith.select %lt3A_2266, %add3A_2269, %xor3A_2263 : vector<16xi1>, vector<16xi32>
    %broadcast_in_dim3A_2271 = vector.shape_cast %select_n3A_2270 : vector<16xi32> to vector<16x1xi32>
    %gather3A_2272 = vector.shape_cast %broadcast_in_dim3A_2271 : vector<16x1xi32> to vector<16xi32>
    %gather3A_2273 = tpu.dynamic_gather %or3A_2260[%gather3A_2272] in [0] : vector<16xi32>, vector<16xi32> -> vector<16xi32>
    %or3A_2274 = arith.ori %or3A_2260, %gather3A_2273 : vector<16xi32>
    %xor3A_2275 = arith.constant 1 : i32
    %xor3A_2276 = vector.broadcast %xor3A_2275 : i32 to vector<16xi32>
    %xor3A_2277 = arith.xori %iota3A, %xor3A_2276 : vector<16xi32>
    %lt3A_2278 = arith.constant 0 : i32
    %lt3A_2279 = vector.broadcast %lt3A_2278 : i32 to vector<16xi32>
    %lt3A_2280 = arith.cmpi slt, %xor3A_2277, %lt3A_2279 : vector<16xi32>
    %add3A_2281 = arith.constant 16 : i32
    %add3A_2282 = vector.broadcast %add3A_2281 : i32 to vector<16xi32>
    %add3A_2283 = arith.addi %xor3A_2277, %add3A_2282 : vector<16xi32>
    %select_n3A_2284 = arith.select %lt3A_2280, %add3A_2283, %xor3A_2277 : vector<16xi1>, vector<16xi32>
    %broadcast_in_dim3A_2285 = vector.shape_cast %select_n3A_2284 : vector<16xi32> to vector<16x1xi32>
    %gather3A_2286 = vector.shape_cast %broadcast_in_dim3A_2285 : vector<16x1xi32> to vector<16xi32>
    %gather3A_2287 = tpu.dynamic_gather %or3A_2274[%gather3A_2286] in [0] : vector<16xi32>, vector<16xi32> -> vector<16xi32>
    %or3A_2288 = arith.ori %or3A_2274, %gather3A_2287 : vector<16xi32>
    %shift_right_arithmetic3A_2289 = arith.shrsi %or3A_2288, %iota3A : vector<16xi32>
    %and3A_2290 = arith.constant 1 : i32
    %and3A_2291 = vector.broadcast %and3A_2290 : i32 to vector<16xi32>
    %and3A_2292 = arith.andi %shift_right_arithmetic3A_2289, %and3A_2291 : vector<16xi32>
    %eq3A_2293 = arith.constant 14 : i32
    %eq3A_2294 = vector.broadcast %eq3A_2293 : i32 to vector<16xi32>
    %eq3A_2295 = arith.cmpi eq, %iota3A, %eq3A_2294 : vector<16xi32>
    %jit3A_2296 = arith.constant 0 : i32
    %broadcast_in_dim3A_2297 = vector.broadcast %jit3A_2296 : i32 to vector<16xi32>
    %select_n3A_2298 = arith.select %eq3A_2295, %broadcast_in_dim3A_2297, %and3A_2292 : vector<16xi1>, vector<16xi32>
    %swap3A_2299 = arith.constant 14 : i32
    %swap3A_2300 = arith.index_cast %swap3A_2299 : i32 to index
    %swap3A_2301 = arith.constant 0 : index
    %swap3A_2302 = tpu.vector_load %arg5[%swap3A_2300, %swap3A_2301] {strides = array<i32>} : memref<16x16xi32, #tpu.memory_space<vmem>>, vector<1x16xi32>,
    %swap3A_2303 = vector.shape_cast %swap3A_2302 : vector<1x16xi32> to vector<16xi32>
    %swap3A_2304 = vector.shape_cast %select_n3A_2298 : vector<16xi32> to vector<1x16xi32>
    tpu.vector_store %arg5[%swap3A_2300, %swap3A_2301], %swap3A_2304 {strides = array<i32>} : memref<16x16xi32, #tpu.memory_space<vmem>>, vector<1x16xi32>,
    %xor3A_2305 = arith.constant 8 : i32
    %xor3A_2306 = vector.broadcast %xor3A_2305 : i32 to vector<16xi32>
    %xor3A_2307 = arith.xori %iota3A, %xor3A_2306 : vector<16xi32>
    %lt3A_2308 = arith.constant 0 : i32
    %lt3A_2309 = vector.broadcast %lt3A_2308 : i32 to vector<16xi32>
    %lt3A_2310 = arith.cmpi slt, %xor3A_2307, %lt3A_2309 : vector<16xi32>
    %add3A_2311 = arith.constant 16 : i32
    %add3A_2312 = vector.broadcast %add3A_2311 : i32 to vector<16xi32>
    %add3A_2313 = arith.addi %xor3A_2307, %add3A_2312 : vector<16xi32>
    %select_n3A_2314 = arith.select %lt3A_2310, %add3A_2313, %xor3A_2307 : vector<16xi1>, vector<16xi32>
    %broadcast_in_dim3A_2315 = vector.shape_cast %select_n3A_2314 : vector<16xi32> to vector<16x1xi32>
    %gather3A_2316 = vector.shape_cast %broadcast_in_dim3A_2315 : vector<16x1xi32> to vector<16xi32>
    %gather3A_2317 = tpu.dynamic_gather %scan3A_1223#15[%gather3A_2316] in [0] : vector<16xi32>, vector<16xi32> -> vector<16xi32>
    %or3A_2318 = arith.ori %scan3A_1223#15, %gather3A_2317 : vector<16xi32>
    %xor3A_2319 = arith.constant 4 : i32
    %xor3A_2320 = vector.broadcast %xor3A_2319 : i32 to vector<16xi32>
    %xor3A_2321 = arith.xori %iota3A, %xor3A_2320 : vector<16xi32>
    %lt3A_2322 = arith.constant 0 : i32
    %lt3A_2323 = vector.broadcast %lt3A_2322 : i32 to vector<16xi32>
    %lt3A_2324 = arith.cmpi slt, %xor3A_2321, %lt3A_2323 : vector<16xi32>
    %add3A_2325 = arith.constant 16 : i32
    %add3A_2326 = vector.broadcast %add3A_2325 : i32 to vector<16xi32>
    %add3A_2327 = arith.addi %xor3A_2321, %add3A_2326 : vector<16xi32>
    %select_n3A_2328 = arith.select %lt3A_2324, %add3A_2327, %xor3A_2321 : vector<16xi1>, vector<16xi32>
    %broadcast_in_dim3A_2329 = vector.shape_cast %select_n3A_2328 : vector<16xi32> to vector<16x1xi32>
    %gather3A_2330 = vector.shape_cast %broadcast_in_dim3A_2329 : vector<16x1xi32> to vector<16xi32>
    %gather3A_2331 = tpu.dynamic_gather %or3A_2318[%gather3A_2330] in [0] : vector<16xi32>, vector<16xi32> -> vector<16xi32>
    %or3A_2332 = arith.ori %or3A_2318, %gather3A_2331 : vector<16xi32>
    %xor3A_2333 = arith.constant 2 : i32
    %xor3A_2334 = vector.broadcast %xor3A_2333 : i32 to vector<16xi32>
    %xor3A_2335 = arith.xori %iota3A, %xor3A_2334 : vector<16xi32>
    %lt3A_2336 = arith.constant 0 : i32
    %lt3A_2337 = vector.broadcast %lt3A_2336 : i32 to vector<16xi32>
    %lt3A_2338 = arith.cmpi slt, %xor3A_2335, %lt3A_2337 : vector<16xi32>
    %add3A_2339 = arith.constant 16 : i32
    %add3A_2340 = vector.broadcast %add3A_2339 : i32 to vector<16xi32>
    %add3A_2341 = arith.addi %xor3A_2335, %add3A_2340 : vector<16xi32>
    %select_n3A_2342 = arith.select %lt3A_2338, %add3A_2341, %xor3A_2335 : vector<16xi1>, vector<16xi32>
    %broadcast_in_dim3A_2343 = vector.shape_cast %select_n3A_2342 : vector<16xi32> to vector<16x1xi32>
    %gather3A_2344 = vector.shape_cast %broadcast_in_dim3A_2343 : vector<16x1xi32> to vector<16xi32>
    %gather3A_2345 = tpu.dynamic_gather %or3A_2332[%gather3A_2344] in [0] : vector<16xi32>, vector<16xi32> -> vector<16xi32>
    %or3A_2346 = arith.ori %or3A_2332, %gather3A_2345 : vector<16xi32>
    %xor3A_2347 = arith.constant 1 : i32
    %xor3A_2348 = vector.broadcast %xor3A_2347 : i32 to vector<16xi32>
    %xor3A_2349 = arith.xori %iota3A, %xor3A_2348 : vector<16xi32>
    %lt3A_2350 = arith.constant 0 : i32
    %lt3A_2351 = vector.broadcast %lt3A_2350 : i32 to vector<16xi32>
    %lt3A_2352 = arith.cmpi slt, %xor3A_2349, %lt3A_2351 : vector<16xi32>
    %add3A_2353 = arith.constant 16 : i32
    %add3A_2354 = vector.broadcast %add3A_2353 : i32 to vector<16xi32>
    %add3A_2355 = arith.addi %xor3A_2349, %add3A_2354 : vector<16xi32>
    %select_n3A_2356 = arith.select %lt3A_2352, %add3A_2355, %xor3A_2349 : vector<16xi1>, vector<16xi32>
    %broadcast_in_dim3A_2357 = vector.shape_cast %select_n3A_2356 : vector<16xi32> to vector<16x1xi32>
    %gather3A_2358 = vector.shape_cast %broadcast_in_dim3A_2357 : vector<16x1xi32> to vector<16xi32>
    %gather3A_2359 = tpu.dynamic_gather %or3A_2346[%gather3A_2358] in [0] : vector<16xi32>, vector<16xi32> -> vector<16xi32>
    %or3A_2360 = arith.ori %or3A_2346, %gather3A_2359 : vector<16xi32>
    %shift_right_arithmetic3A_2361 = arith.shrsi %or3A_2360, %iota3A : vector<16xi32>
    %and3A_2362 = arith.constant 1 : i32
    %and3A_2363 = vector.broadcast %and3A_2362 : i32 to vector<16xi32>
    %and3A_2364 = arith.andi %shift_right_arithmetic3A_2361, %and3A_2363 : vector<16xi32>
    %eq3A_2365 = arith.constant 15 : i32
    %eq3A_2366 = vector.broadcast %eq3A_2365 : i32 to vector<16xi32>
    %eq3A_2367 = arith.cmpi eq, %iota3A, %eq3A_2366 : vector<16xi32>
    %jit3A_2368 = arith.constant 0 : i32
    %broadcast_in_dim3A_2369 = vector.broadcast %jit3A_2368 : i32 to vector<16xi32>
    %select_n3A_2370 = arith.select %eq3A_2367, %broadcast_in_dim3A_2369, %and3A_2364 : vector<16xi1>, vector<16xi32>
    %swap3A_2371 = arith.constant 15 : i32
    %swap3A_2372 = arith.index_cast %swap3A_2371 : i32 to index
    %swap3A_2373 = arith.constant 0 : index
    %swap3A_2374 = tpu.vector_load %arg5[%swap3A_2372, %swap3A_2373] {strides = array<i32>} : memref<16x16xi32, #tpu.memory_space<vmem>>, vector<1x16xi32>,
    %swap3A_2375 = vector.shape_cast %swap3A_2374 : vector<1x16xi32> to vector<16xi32>
    %swap3A_2376 = vector.shape_cast %select_n3A_2370 : vector<16xi32> to vector<1x16xi32>
    tpu.vector_store %arg5[%swap3A_2372, %swap3A_2373], %swap3A_2376 {strides = array<i32>} : memref<16x16xi32, #tpu.memory_space<vmem>>, vector<1x16xi32>,
    "tpu.region"() ({
      %run_scoped3A = tpu.sem_alloc : memref<!tpu.dma_semaphore, #tpu.memory_space<semaphore_mem>>
      %dma_start3A = arith.constant 0 : i32
      %dma_start3A_2377 = arith.constant 0 : i32
      %dma_start3A_2378 = tpu.memref_slice %arg3[%add3A_1186, %dma_start3A, %dma_start3A_2377] : memref<64x16x16xi32, #tpu.memory_space<hbm>> -> memref<1x16x16xi32, #tpu.memory_space<hbm>>
      %dma_start3A_2379 = tpu.memref_squeeze %dma_start3A_2378 : memref<1x16x16xi32, #tpu.memory_space<hbm>> -> memref<16x16xi32, #tpu.memory_space<hbm>>
      %dma_start3A_2380 = arith.constant 0 : i32
      %dma_start3A_2381 = arith.constant 0 : i32
      %dma_start3A_2382 = tpu.memref_slice %arg3[%add3A_1186, %dma_start3A_2380, %dma_start3A_2381] : memref<64x16x16xi32, #tpu.memory_space<hbm>> -> memref<1x16x16xi32, #tpu.memory_space<hbm>>
      %dma_start3A_2383 = tpu.memref_squeeze %dma_start3A_2382 : memref<1x16x16xi32, #tpu.memory_space<hbm>> -> memref<16x16xi32, #tpu.memory_space<hbm>>
      tpu.enqueue_dma source(%arg5 : memref<16x16xi32, #tpu.memory_space<vmem>>) target(%dma_start3A_2383 : memref<16x16xi32, #tpu.memory_space<hbm>>) target_semaphore(%run_scoped3A : memref<!tpu.dma_semaphore, #tpu.memory_space<semaphore_mem>>)
      %dma_wait3A = arith.constant 0 : i32
      %dma_wait3A_2384 = arith.constant 0 : i32
      %dma_wait3A_2385 = tpu.memref_slice %arg3[%add3A_1186, %dma_wait3A, %dma_wait3A_2384] : memref<64x16x16xi32, #tpu.memory_space<hbm>> -> memref<1x16x16xi32, #tpu.memory_space<hbm>>
      %dma_wait3A_2386 = tpu.memref_squeeze %dma_wait3A_2385 : memref<1x16x16xi32, #tpu.memory_space<hbm>> -> memref<16x16xi32, #tpu.memory_space<hbm>>
      %dma_wait3A_2387 = arith.constant 0 : i32
      %dma_wait3A_2388 = arith.constant 0 : i32
      %dma_wait3A_2389 = tpu.memref_slice %arg3[%add3A_1186, %dma_wait3A_2387, %dma_wait3A_2388] : memref<64x16x16xi32, #tpu.memory_space<hbm>> -> memref<1x16x16xi32, #tpu.memory_space<hbm>>
      %dma_wait3A_2390 = tpu.memref_squeeze %dma_wait3A_2389 : memref<1x16x16xi32, #tpu.memory_space<hbm>> -> memref<16x16xi32, #tpu.memory_space<hbm>>
      tpu.wait_dma2 semaphore(%run_scoped3A : memref<!tpu.dma_semaphore, #tpu.memory_space<semaphore_mem>>) src(%arg5 : memref<16x16xi32, #tpu.memory_space<vmem>>) dst(%dma_wait3A_2390 : memref<16x16xi32, #tpu.memory_space<hbm>>)
      tpu.yield
    }) : () -> ()
    return
  }
}

module attributes {stable_mosaic.version = 14 : i64} {
  func.func @_tc_kernel(%arg0: i32, %arg1: memref<4x2048x256xf32, #tpu.memory_space<vmem>>, %arg2: memref<4x16x256xf32, #tpu.memory_space<vmem>>, %arg3: memref<4x16x2048xi32, #tpu.memory_space<vmem>>, %arg4: memref<4x16x16xi32, #tpu.memory_space<vmem>>, %arg5: memref<64x256xf32, #tpu.memory_space<vmem>>) attributes {dimension_semantics = [#tpu.dimension_semantics<arbitrary>], iteration_bounds = array<i64: 16>, scalar_prefetch = 0 : i64, scratch_operands = 0 : i64, tpu.core_type = #tpu.core_type<tc>, window_params = [{transform_indices = @transform_0, window_bounds = array<i64: 4, 2048, 256>}, {transform_indices = @transform_1, window_bounds = array<i64: 4, 16, 256>}, {transform_indices = @transform_2, window_bounds = array<i64: 4, 16, 2048>}, {transform_indices = @transform_3, window_bounds = array<i64: 4, 16, 16>}, {transform_indices = @transform_4, window_bounds = array<i64: 64, 256>}]} {
    %get3A = arith.constant 0 : index
    %get3A_0 = arith.constant 0 : index
    %get3A_1 = arith.constant 0 : index
    %get3A_2 = vector.load %arg3[%get3A, %get3A_0, %get3A_1] : memref<4x16x2048xi32, #tpu.memory_space<vmem>>, vector<1x16x2048xi32>
    %get3A_3 = vector.shape_cast %get3A_2 : vector<1x16x2048xi32> to vector<16x2048xi32>
    %gt3A = arith.constant 0 : i32
    %gt3A_4 = vector.broadcast %gt3A : i32 to vector<16x2048xi32>
    %gt3A_5 = arith.cmpi sgt, %get3A_3, %gt3A_4 : vector<16x2048xi32>
    %convert_element_type3A = arith.extui %gt3A_5 : vector<16x2048xi1> to vector<16x2048xi32>
    %convert_element_type3A_6 = arith.sitofp %convert_element_type3A : vector<16x2048xi32> to vector<16x2048xf32>
    %convert_element_type3A_7 = arith.truncf %convert_element_type3A_6 : vector<16x2048xf32> to vector<16x2048xbf16>
    %get3A_8 = arith.constant 0 : index
    %get3A_9 = arith.constant 0 : index
    %get3A_10 = arith.constant 0 : index
    %get3A_11 = vector.load %arg1[%get3A_8, %get3A_9, %get3A_10] : memref<4x2048x256xf32, #tpu.memory_space<vmem>>, vector<1x2048x256xf32>
    %get3A_12 = vector.shape_cast %get3A_11 : vector<1x2048x256xf32> to vector<2048x256xf32>
    %convert_element_type3A_13 = arith.truncf %get3A_12 : vector<2048x256xf32> to vector<2048x256xbf16>
    %dot_general3A = arith.constant dense<0.000000e+00> : vector<16x256xf32>
    %dot_general3A_14 = tpu.matmul %convert_element_type3A_7, %convert_element_type3A_13, %dot_general3A {dimension_numbers = #tpu.dot_dimension_numbers<[1], [0], [0], [1], [0, 0, 1, 1], [], []>, transpose_lhs_hint = false} : vector<16x2048xbf16>, vector<2048x256xbf16>, vector<16x256xf32> -> vector<16x256xf32>
    %convert_element_type3A_15 = arith.extf %convert_element_type3A_7 : vector<16x2048xbf16> to vector<16x2048xf32>
    %reduce_sum3A = arith.constant dense<0.000000e+00> : vector<16xf32>
    %reduce_sum3A_16 = vector.multi_reduction <add>, %convert_element_type3A_15, %reduce_sum3A [1] : vector<16x2048xf32> to vector<16xf32>
    %broadcast_in_dim3A = vector.shape_cast %reduce_sum3A_16 : vector<16xf32> to vector<16x1xf32>
    %max3A = arith.constant 1.000000e+00 : f32
    %max3A_17 = vector.broadcast %max3A : f32 to vector<16x1xf32>
    %max3A_18 = arith.maximumf %broadcast_in_dim3A, %max3A_17 : vector<16x1xf32>
    %get3A_19 = arith.constant 0 : index
    %get3A_20 = arith.constant 0 : index
    %get3A_21 = arith.constant 0 : index
    %get3A_22 = vector.load %arg4[%get3A_19, %get3A_20, %get3A_21] : memref<4x16x16xi32, #tpu.memory_space<vmem>>, vector<1x16x16xi32>
    %get3A_23 = vector.shape_cast %get3A_22 : vector<1x16x16xi32> to vector<16x16xi32>
    %gt3A_24 = arith.constant 0 : i32
    %gt3A_25 = vector.broadcast %gt3A_24 : i32 to vector<16x16xi32>
    %gt3A_26 = arith.cmpi sgt, %get3A_23, %gt3A_25 : vector<16x16xi32>
    %convert_element_type3A_27 = arith.extui %gt3A_26 : vector<16x16xi1> to vector<16x16xi32>
    %convert_element_type3A_28 = arith.sitofp %convert_element_type3A_27 : vector<16x16xi32> to vector<16x16xf32>
    %get3A_29 = arith.constant 0 : index
    %get3A_30 = arith.constant 0 : index
    %get3A_31 = arith.constant 0 : index
    %get3A_32 = vector.load %arg2[%get3A_29, %get3A_30, %get3A_31] : memref<4x16x256xf32, #tpu.memory_space<vmem>>, vector<1x16x256xf32>
    %get3A_33 = vector.shape_cast %get3A_32 : vector<1x16x256xf32> to vector<16x256xf32>
    %dot_general3A_34 = arith.constant dense<0.000000e+00> : vector<16x256xf32>
    %dot_general3A_35 = tpu.matmul %convert_element_type3A_28, %get3A_33, %dot_general3A_34 {dimension_numbers = #tpu.dot_dimension_numbers<[1], [0], [0], [1], [0, 0, 1, 1], [], []>, transpose_lhs_hint = false} : vector<16x16xf32>, vector<16x256xf32>, vector<16x256xf32> -> vector<16x256xf32>
    %reduce_sum3A_36 = arith.constant dense<0.000000e+00> : vector<16xf32>
    %reduce_sum3A_37 = vector.multi_reduction <add>, %convert_element_type3A_28, %reduce_sum3A_36 [1] : vector<16x16xf32> to vector<16xf32>
    %broadcast_in_dim3A_38 = vector.shape_cast %reduce_sum3A_37 : vector<16xf32> to vector<16x1xf32>
    %max3A_39 = arith.constant 1.000000e+00 : f32
    %max3A_40 = vector.broadcast %max3A_39 : f32 to vector<16x1xf32>
    %max3A_41 = arith.maximumf %broadcast_in_dim3A_38, %max3A_40 : vector<16x1xf32>
    %div3A = vector.broadcast %max3A_18 : vector<16x1xf32> to vector<16x256xf32>
    %div3A_42 = arith.divf %dot_general3A_14, %div3A : vector<16x256xf32>
    %div3A_43 = vector.broadcast %max3A_41 : vector<16x1xf32> to vector<16x256xf32>
    %div3A_44 = arith.divf %dot_general3A_35, %div3A_43 : vector<16x256xf32>
    %add3A = arith.addf %div3A_42, %div3A_44 : vector<16x256xf32>
    %swap3A = arith.constant 0 : index
    %swap3A_45 = arith.constant 0 : index
    %swap3A_46 = vector.load %arg5[%swap3A, %swap3A_45] : memref<64x256xf32, #tpu.memory_space<vmem>>, vector<16x256xf32>
    tpu.vector_store %arg5[%swap3A, %swap3A_45], %add3A {strides = array<i32>} : memref<64x256xf32, #tpu.memory_space<vmem>>, vector<16x256xf32>,
    %get3A_47 = arith.constant 1 : index
    %get3A_48 = arith.constant 0 : index
    %get3A_49 = arith.constant 0 : index
    %get3A_50 = vector.load %arg3[%get3A_47, %get3A_48, %get3A_49] : memref<4x16x2048xi32, #tpu.memory_space<vmem>>, vector<1x16x2048xi32>
    %get3A_51 = vector.shape_cast %get3A_50 : vector<1x16x2048xi32> to vector<16x2048xi32>
    %gt3A_52 = arith.constant 0 : i32
    %gt3A_53 = vector.broadcast %gt3A_52 : i32 to vector<16x2048xi32>
    %gt3A_54 = arith.cmpi sgt, %get3A_51, %gt3A_53 : vector<16x2048xi32>
    %convert_element_type3A_55 = arith.extui %gt3A_54 : vector<16x2048xi1> to vector<16x2048xi32>
    %convert_element_type3A_56 = arith.sitofp %convert_element_type3A_55 : vector<16x2048xi32> to vector<16x2048xf32>
    %convert_element_type3A_57 = arith.truncf %convert_element_type3A_56 : vector<16x2048xf32> to vector<16x2048xbf16>
    %get3A_58 = arith.constant 1 : index
    %get3A_59 = arith.constant 0 : index
    %get3A_60 = arith.constant 0 : index
    %get3A_61 = vector.load %arg1[%get3A_58, %get3A_59, %get3A_60] : memref<4x2048x256xf32, #tpu.memory_space<vmem>>, vector<1x2048x256xf32>
    %get3A_62 = vector.shape_cast %get3A_61 : vector<1x2048x256xf32> to vector<2048x256xf32>
    %convert_element_type3A_63 = arith.truncf %get3A_62 : vector<2048x256xf32> to vector<2048x256xbf16>
    %dot_general3A_64 = arith.constant dense<0.000000e+00> : vector<16x256xf32>
    %dot_general3A_65 = tpu.matmul %convert_element_type3A_57, %convert_element_type3A_63, %dot_general3A_64 {dimension_numbers = #tpu.dot_dimension_numbers<[1], [0], [0], [1], [0, 0, 1, 1], [], []>, transpose_lhs_hint = false} : vector<16x2048xbf16>, vector<2048x256xbf16>, vector<16x256xf32> -> vector<16x256xf32>
    %convert_element_type3A_66 = arith.extf %convert_element_type3A_57 : vector<16x2048xbf16> to vector<16x2048xf32>
    %reduce_sum3A_67 = arith.constant dense<0.000000e+00> : vector<16xf32>
    %reduce_sum3A_68 = vector.multi_reduction <add>, %convert_element_type3A_66, %reduce_sum3A_67 [1] : vector<16x2048xf32> to vector<16xf32>
    %broadcast_in_dim3A_69 = vector.shape_cast %reduce_sum3A_68 : vector<16xf32> to vector<16x1xf32>
    %max3A_70 = arith.constant 1.000000e+00 : f32
    %max3A_71 = vector.broadcast %max3A_70 : f32 to vector<16x1xf32>
    %max3A_72 = arith.maximumf %broadcast_in_dim3A_69, %max3A_71 : vector<16x1xf32>
    %get3A_73 = arith.constant 1 : index
    %get3A_74 = arith.constant 0 : index
    %get3A_75 = arith.constant 0 : index
    %get3A_76 = vector.load %arg4[%get3A_73, %get3A_74, %get3A_75] : memref<4x16x16xi32, #tpu.memory_space<vmem>>, vector<1x16x16xi32>
    %get3A_77 = vector.shape_cast %get3A_76 : vector<1x16x16xi32> to vector<16x16xi32>
    %gt3A_78 = arith.constant 0 : i32
    %gt3A_79 = vector.broadcast %gt3A_78 : i32 to vector<16x16xi32>
    %gt3A_80 = arith.cmpi sgt, %get3A_77, %gt3A_79 : vector<16x16xi32>
    %convert_element_type3A_81 = arith.extui %gt3A_80 : vector<16x16xi1> to vector<16x16xi32>
    %convert_element_type3A_82 = arith.sitofp %convert_element_type3A_81 : vector<16x16xi32> to vector<16x16xf32>
    %get3A_83 = arith.constant 1 : index
    %get3A_84 = arith.constant 0 : index
    %get3A_85 = arith.constant 0 : index
    %get3A_86 = vector.load %arg2[%get3A_83, %get3A_84, %get3A_85] : memref<4x16x256xf32, #tpu.memory_space<vmem>>, vector<1x16x256xf32>
    %get3A_87 = vector.shape_cast %get3A_86 : vector<1x16x256xf32> to vector<16x256xf32>
    %dot_general3A_88 = arith.constant dense<0.000000e+00> : vector<16x256xf32>
    %dot_general3A_89 = tpu.matmul %convert_element_type3A_82, %get3A_87, %dot_general3A_88 {dimension_numbers = #tpu.dot_dimension_numbers<[1], [0], [0], [1], [0, 0, 1, 1], [], []>, transpose_lhs_hint = false} : vector<16x16xf32>, vector<16x256xf32>, vector<16x256xf32> -> vector<16x256xf32>
    %reduce_sum3A_90 = arith.constant dense<0.000000e+00> : vector<16xf32>
    %reduce_sum3A_91 = vector.multi_reduction <add>, %convert_element_type3A_82, %reduce_sum3A_90 [1] : vector<16x16xf32> to vector<16xf32>
    %broadcast_in_dim3A_92 = vector.shape_cast %reduce_sum3A_91 : vector<16xf32> to vector<16x1xf32>
    %max3A_93 = arith.constant 1.000000e+00 : f32
    %max3A_94 = vector.broadcast %max3A_93 : f32 to vector<16x1xf32>
    %max3A_95 = arith.maximumf %broadcast_in_dim3A_92, %max3A_94 : vector<16x1xf32>
    %div3A_96 = vector.broadcast %max3A_72 : vector<16x1xf32> to vector<16x256xf32>
    %div3A_97 = arith.divf %dot_general3A_65, %div3A_96 : vector<16x256xf32>
    %div3A_98 = vector.broadcast %max3A_95 : vector<16x1xf32> to vector<16x256xf32>
    %div3A_99 = arith.divf %dot_general3A_89, %div3A_98 : vector<16x256xf32>
    %add3A_100 = arith.addf %div3A_97, %div3A_99 : vector<16x256xf32>
    %swap3A_101 = arith.constant 16 : index
    %swap3A_102 = arith.constant 0 : index
    %swap3A_103 = vector.load %arg5[%swap3A_101, %swap3A_102] : memref<64x256xf32, #tpu.memory_space<vmem>>, vector<16x256xf32>
    tpu.vector_store %arg5[%swap3A_101, %swap3A_102], %add3A_100 {strides = array<i32>} : memref<64x256xf32, #tpu.memory_space<vmem>>, vector<16x256xf32>,
    %get3A_104 = arith.constant 2 : index
    %get3A_105 = arith.constant 0 : index
    %get3A_106 = arith.constant 0 : index
    %get3A_107 = vector.load %arg3[%get3A_104, %get3A_105, %get3A_106] : memref<4x16x2048xi32, #tpu.memory_space<vmem>>, vector<1x16x2048xi32>
    %get3A_108 = vector.shape_cast %get3A_107 : vector<1x16x2048xi32> to vector<16x2048xi32>
    %gt3A_109 = arith.constant 0 : i32
    %gt3A_110 = vector.broadcast %gt3A_109 : i32 to vector<16x2048xi32>
    %gt3A_111 = arith.cmpi sgt, %get3A_108, %gt3A_110 : vector<16x2048xi32>
    %convert_element_type3A_112 = arith.extui %gt3A_111 : vector<16x2048xi1> to vector<16x2048xi32>
    %convert_element_type3A_113 = arith.sitofp %convert_element_type3A_112 : vector<16x2048xi32> to vector<16x2048xf32>
    %convert_element_type3A_114 = arith.truncf %convert_element_type3A_113 : vector<16x2048xf32> to vector<16x2048xbf16>
    %get3A_115 = arith.constant 2 : index
    %get3A_116 = arith.constant 0 : index
    %get3A_117 = arith.constant 0 : index
    %get3A_118 = vector.load %arg1[%get3A_115, %get3A_116, %get3A_117] : memref<4x2048x256xf32, #tpu.memory_space<vmem>>, vector<1x2048x256xf32>
    %get3A_119 = vector.shape_cast %get3A_118 : vector<1x2048x256xf32> to vector<2048x256xf32>
    %convert_element_type3A_120 = arith.truncf %get3A_119 : vector<2048x256xf32> to vector<2048x256xbf16>
    %dot_general3A_121 = arith.constant dense<0.000000e+00> : vector<16x256xf32>
    %dot_general3A_122 = tpu.matmul %convert_element_type3A_114, %convert_element_type3A_120, %dot_general3A_121 {dimension_numbers = #tpu.dot_dimension_numbers<[1], [0], [0], [1], [0, 0, 1, 1], [], []>, transpose_lhs_hint = false} : vector<16x2048xbf16>, vector<2048x256xbf16>, vector<16x256xf32> -> vector<16x256xf32>
    %convert_element_type3A_123 = arith.extf %convert_element_type3A_114 : vector<16x2048xbf16> to vector<16x2048xf32>
    %reduce_sum3A_124 = arith.constant dense<0.000000e+00> : vector<16xf32>
    %reduce_sum3A_125 = vector.multi_reduction <add>, %convert_element_type3A_123, %reduce_sum3A_124 [1] : vector<16x2048xf32> to vector<16xf32>
    %broadcast_in_dim3A_126 = vector.shape_cast %reduce_sum3A_125 : vector<16xf32> to vector<16x1xf32>
    %max3A_127 = arith.constant 1.000000e+00 : f32
    %max3A_128 = vector.broadcast %max3A_127 : f32 to vector<16x1xf32>
    %max3A_129 = arith.maximumf %broadcast_in_dim3A_126, %max3A_128 : vector<16x1xf32>
    %get3A_130 = arith.constant 2 : index
    %get3A_131 = arith.constant 0 : index
    %get3A_132 = arith.constant 0 : index
    %get3A_133 = vector.load %arg4[%get3A_130, %get3A_131, %get3A_132] : memref<4x16x16xi32, #tpu.memory_space<vmem>>, vector<1x16x16xi32>
    %get3A_134 = vector.shape_cast %get3A_133 : vector<1x16x16xi32> to vector<16x16xi32>
    %gt3A_135 = arith.constant 0 : i32
    %gt3A_136 = vector.broadcast %gt3A_135 : i32 to vector<16x16xi32>
    %gt3A_137 = arith.cmpi sgt, %get3A_134, %gt3A_136 : vector<16x16xi32>
    %convert_element_type3A_138 = arith.extui %gt3A_137 : vector<16x16xi1> to vector<16x16xi32>
    %convert_element_type3A_139 = arith.sitofp %convert_element_type3A_138 : vector<16x16xi32> to vector<16x16xf32>
    %get3A_140 = arith.constant 2 : index
    %get3A_141 = arith.constant 0 : index
    %get3A_142 = arith.constant 0 : index
    %get3A_143 = vector.load %arg2[%get3A_140, %get3A_141, %get3A_142] : memref<4x16x256xf32, #tpu.memory_space<vmem>>, vector<1x16x256xf32>
    %get3A_144 = vector.shape_cast %get3A_143 : vector<1x16x256xf32> to vector<16x256xf32>
    %dot_general3A_145 = arith.constant dense<0.000000e+00> : vector<16x256xf32>
    %dot_general3A_146 = tpu.matmul %convert_element_type3A_139, %get3A_144, %dot_general3A_145 {dimension_numbers = #tpu.dot_dimension_numbers<[1], [0], [0], [1], [0, 0, 1, 1], [], []>, transpose_lhs_hint = false} : vector<16x16xf32>, vector<16x256xf32>, vector<16x256xf32> -> vector<16x256xf32>
    %reduce_sum3A_147 = arith.constant dense<0.000000e+00> : vector<16xf32>
    %reduce_sum3A_148 = vector.multi_reduction <add>, %convert_element_type3A_139, %reduce_sum3A_147 [1] : vector<16x16xf32> to vector<16xf32>
    %broadcast_in_dim3A_149 = vector.shape_cast %reduce_sum3A_148 : vector<16xf32> to vector<16x1xf32>
    %max3A_150 = arith.constant 1.000000e+00 : f32
    %max3A_151 = vector.broadcast %max3A_150 : f32 to vector<16x1xf32>
    %max3A_152 = arith.maximumf %broadcast_in_dim3A_149, %max3A_151 : vector<16x1xf32>
    %div3A_153 = vector.broadcast %max3A_129 : vector<16x1xf32> to vector<16x256xf32>
    %div3A_154 = arith.divf %dot_general3A_122, %div3A_153 : vector<16x256xf32>
    %div3A_155 = vector.broadcast %max3A_152 : vector<16x1xf32> to vector<16x256xf32>
    %div3A_156 = arith.divf %dot_general3A_146, %div3A_155 : vector<16x256xf32>
    %add3A_157 = arith.addf %div3A_154, %div3A_156 : vector<16x256xf32>
    %swap3A_158 = arith.constant 32 : index
    %swap3A_159 = arith.constant 0 : index
    %swap3A_160 = vector.load %arg5[%swap3A_158, %swap3A_159] : memref<64x256xf32, #tpu.memory_space<vmem>>, vector<16x256xf32>
    tpu.vector_store %arg5[%swap3A_158, %swap3A_159], %add3A_157 {strides = array<i32>} : memref<64x256xf32, #tpu.memory_space<vmem>>, vector<16x256xf32>,
    %get3A_161 = arith.constant 3 : index
    %get3A_162 = arith.constant 0 : index
    %get3A_163 = arith.constant 0 : index
    %get3A_164 = vector.load %arg3[%get3A_161, %get3A_162, %get3A_163] : memref<4x16x2048xi32, #tpu.memory_space<vmem>>, vector<1x16x2048xi32>
    %get3A_165 = vector.shape_cast %get3A_164 : vector<1x16x2048xi32> to vector<16x2048xi32>
    %gt3A_166 = arith.constant 0 : i32
    %gt3A_167 = vector.broadcast %gt3A_166 : i32 to vector<16x2048xi32>
    %gt3A_168 = arith.cmpi sgt, %get3A_165, %gt3A_167 : vector<16x2048xi32>
    %convert_element_type3A_169 = arith.extui %gt3A_168 : vector<16x2048xi1> to vector<16x2048xi32>
    %convert_element_type3A_170 = arith.sitofp %convert_element_type3A_169 : vector<16x2048xi32> to vector<16x2048xf32>
    %convert_element_type3A_171 = arith.truncf %convert_element_type3A_170 : vector<16x2048xf32> to vector<16x2048xbf16>
    %get3A_172 = arith.constant 3 : index
    %get3A_173 = arith.constant 0 : index
    %get3A_174 = arith.constant 0 : index
    %get3A_175 = vector.load %arg1[%get3A_172, %get3A_173, %get3A_174] : memref<4x2048x256xf32, #tpu.memory_space<vmem>>, vector<1x2048x256xf32>
    %get3A_176 = vector.shape_cast %get3A_175 : vector<1x2048x256xf32> to vector<2048x256xf32>
    %convert_element_type3A_177 = arith.truncf %get3A_176 : vector<2048x256xf32> to vector<2048x256xbf16>
    %dot_general3A_178 = arith.constant dense<0.000000e+00> : vector<16x256xf32>
    %dot_general3A_179 = tpu.matmul %convert_element_type3A_171, %convert_element_type3A_177, %dot_general3A_178 {dimension_numbers = #tpu.dot_dimension_numbers<[1], [0], [0], [1], [0, 0, 1, 1], [], []>, transpose_lhs_hint = false} : vector<16x2048xbf16>, vector<2048x256xbf16>, vector<16x256xf32> -> vector<16x256xf32>
    %convert_element_type3A_180 = arith.extf %convert_element_type3A_171 : vector<16x2048xbf16> to vector<16x2048xf32>
    %reduce_sum3A_181 = arith.constant dense<0.000000e+00> : vector<16xf32>
    %reduce_sum3A_182 = vector.multi_reduction <add>, %convert_element_type3A_180, %reduce_sum3A_181 [1] : vector<16x2048xf32> to vector<16xf32>
    %broadcast_in_dim3A_183 = vector.shape_cast %reduce_sum3A_182 : vector<16xf32> to vector<16x1xf32>
    %max3A_184 = arith.constant 1.000000e+00 : f32
    %max3A_185 = vector.broadcast %max3A_184 : f32 to vector<16x1xf32>
    %max3A_186 = arith.maximumf %broadcast_in_dim3A_183, %max3A_185 : vector<16x1xf32>
    %get3A_187 = arith.constant 3 : index
    %get3A_188 = arith.constant 0 : index
    %get3A_189 = arith.constant 0 : index
    %get3A_190 = vector.load %arg4[%get3A_187, %get3A_188, %get3A_189] : memref<4x16x16xi32, #tpu.memory_space<vmem>>, vector<1x16x16xi32>
    %get3A_191 = vector.shape_cast %get3A_190 : vector<1x16x16xi32> to vector<16x16xi32>
    %gt3A_192 = arith.constant 0 : i32
    %gt3A_193 = vector.broadcast %gt3A_192 : i32 to vector<16x16xi32>
    %gt3A_194 = arith.cmpi sgt, %get3A_191, %gt3A_193 : vector<16x16xi32>
    %convert_element_type3A_195 = arith.extui %gt3A_194 : vector<16x16xi1> to vector<16x16xi32>
    %convert_element_type3A_196 = arith.sitofp %convert_element_type3A_195 : vector<16x16xi32> to vector<16x16xf32>
    %get3A_197 = arith.constant 3 : index
    %get3A_198 = arith.constant 0 : index
    %get3A_199 = arith.constant 0 : index
    %get3A_200 = vector.load %arg2[%get3A_197, %get3A_198, %get3A_199] : memref<4x16x256xf32, #tpu.memory_space<vmem>>, vector<1x16x256xf32>
    %get3A_201 = vector.shape_cast %get3A_200 : vector<1x16x256xf32> to vector<16x256xf32>
    %dot_general3A_202 = arith.constant dense<0.000000e+00> : vector<16x256xf32>
    %dot_general3A_203 = tpu.matmul %convert_element_type3A_196, %get3A_201, %dot_general3A_202 {dimension_numbers = #tpu.dot_dimension_numbers<[1], [0], [0], [1], [0, 0, 1, 1], [], []>, transpose_lhs_hint = false} : vector<16x16xf32>, vector<16x256xf32>, vector<16x256xf32> -> vector<16x256xf32>
    %reduce_sum3A_204 = arith.constant dense<0.000000e+00> : vector<16xf32>
    %reduce_sum3A_205 = vector.multi_reduction <add>, %convert_element_type3A_196, %reduce_sum3A_204 [1] : vector<16x16xf32> to vector<16xf32>
    %broadcast_in_dim3A_206 = vector.shape_cast %reduce_sum3A_205 : vector<16xf32> to vector<16x1xf32>
    %max3A_207 = arith.constant 1.000000e+00 : f32
    %max3A_208 = vector.broadcast %max3A_207 : f32 to vector<16x1xf32>
    %max3A_209 = arith.maximumf %broadcast_in_dim3A_206, %max3A_208 : vector<16x1xf32>
    %div3A_210 = vector.broadcast %max3A_186 : vector<16x1xf32> to vector<16x256xf32>
    %div3A_211 = arith.divf %dot_general3A_179, %div3A_210 : vector<16x256xf32>
    %div3A_212 = vector.broadcast %max3A_209 : vector<16x1xf32> to vector<16x256xf32>
    %div3A_213 = arith.divf %dot_general3A_203, %div3A_212 : vector<16x256xf32>
    %add3A_214 = arith.addf %div3A_211, %div3A_213 : vector<16x256xf32>
    %swap3A_215 = arith.constant 48 : index
    %swap3A_216 = arith.constant 0 : index
    %swap3A_217 = vector.load %arg5[%swap3A_215, %swap3A_216] : memref<64x256xf32, #tpu.memory_space<vmem>>, vector<16x256xf32>
    tpu.vector_store %arg5[%swap3A_215, %swap3A_216], %add3A_214 {strides = array<i32>} : memref<64x256xf32, #tpu.memory_space<vmem>>, vector<16x256xf32>,
    return
  }
  func.func @transform_0(%arg0: i32) -> (i32, i32, i32) {
    %c0_i32 = arith.constant 0 : i32
    %c0_i32_0 = arith.constant 0 : i32
    %c0_i32_1 = arith.constant 0 : i32
    return %arg0, %c0_i32, %c0_i32_0 : i32, i32, i32
  }
  func.func @transform_1(%arg0: i32) -> (i32, i32, i32) {
    %c0_i32 = arith.constant 0 : i32
    %c0_i32_0 = arith.constant 0 : i32
    %c0_i32_1 = arith.constant 0 : i32
    return %arg0, %c0_i32, %c0_i32_0 : i32, i32, i32
  }
  func.func @transform_2(%arg0: i32) -> (i32, i32, i32) {
    %c0_i32 = arith.constant 0 : i32
    %c0_i32_0 = arith.constant 0 : i32
    %c0_i32_1 = arith.constant 0 : i32
    return %arg0, %c0_i32, %c0_i32_0 : i32, i32, i32
  }
  func.func @transform_3(%arg0: i32) -> (i32, i32, i32) {
    %c0_i32 = arith.constant 0 : i32
    %c0_i32_0 = arith.constant 0 : i32
    %c0_i32_1 = arith.constant 0 : i32
    return %arg0, %c0_i32, %c0_i32_0 : i32, i32, i32
  }
  func.func @transform_4(%arg0: i32) -> (i32, i32) {
    %c0_i32 = arith.constant 0 : i32
    %c0_i32_0 = arith.constant 0 : i32
    return %arg0, %c0_i32 : i32, i32
  }
}

</mosaic_0001>

<sc_bundles>
// kernel: kernel.4.cloned.1.call-start
scs
__scs_entry_jumppad:
0x0: {  	(pc) =	sbr.rel $0x88, $3  }
0x1: {  	(tag) =	ssettag $0x0;
	lr =	simm.s32 $0x1  }
0x2: {  	[smem:$0x3F9C] =	sst lr;
	_ =	strace $0xD0000000  }
0x3: {  	_ = 	snop  }
0x4: {  	_ = 	snop  }
0x5: {  	_ = 	snop  }
0x6: {  	_ = 	snop  }
0x7: {  	_ = 	snop  }
__scs_overlays_trampoline_lowered:
0x8: {  	[smem:$0x3FAB] =	sst s0  }
0x9: {  	[smem:$0x3FAC] =	sst s1  }
0xa: {  	[smem:$0x3FAD] =	sst s2  }
0xb: {  	[smem:$0x3FAE] =	sst s3  }
0xc: {  	[smem:$0x3FAF] =	sst s4  }
0xd: {  	[smem:$0x3FB0] =	sst s5  }
0xe: {  	[smem:$0x3FB1] =	sst s6  }
0xf: {  	[smem:$0x3FB2] =	sst s7  }
0x10: {  	[smem:$0x3FB3] =	sst s8  }
0x11: {  	[smem:$0x3FB4] =	sst s9;
	s0 =	simm.s32 @!p0 $0x0  }
0x12: {  	s1 =	sld [smem:$0x3F9A];
	s0 =	simm.s32 @p0 $0x1  }
0x13: {  	[smem:$0x3FB5] =	sst s0;
	s0 =	simm.s32 @!p1 $0x0  }
0x14: {  	s2 =	sld [smem:$0x3F99];
	s0 =	simm.s32 @p1 $0x1  }
0x15: {  	[smem:$0x3FB6] =	sst s0;
	s0 =	simm.s32 @!p2 $0x0  }
0x16: {  	s3 =	sld [smem:$0x3FDB];
	s0 =	simm.s32 @p2 $0x1  }
0x17: {  	s4 =	simm.s32 $0x1BF5;
	[smem:$0x3FB8] =	sst s0  }
0x18: {  	s0 =	sld [smem:$0x3F9B];
	_ =	swait.ge [sflag:s4], $0x0  }
0x19: {  	s7 =	sld [smem:$0x3F9C]  }
0x1a: {  	s8 =	sadd.s32 $0xFFFFE003, lr  }
0x1b: {  	s9 =	sadd.s32 $0xFFFFFEF7, lr;
	s5 =	simm.s32 $0xFFFFFFFF;
	p2 =	slt.u32 s8, $0xFFFFF086  }
0x1c: {  	p1 =	slt.u32 s9, $0xF7A;
	s5 =	simm.s32 @!p2 $0x0  }
0x1d: {  	s5 =	simm.s32 @p1 $0x1;
	p0 =	seq.s32 s7, s2  }
0x1e: {  	s7 =	smul.u32 @!p0 $0xF7A, s2;
	p2 =	seq.s32 @!p0 s5, $0x0  }
0x1f: {  	s9 =	smul.u32 $0xF7A, s1;
	s8 =	simm.s32 @!p0 $0x1BF5;
	p2 =	por !p2, p0  }
0x20: {  	[sflag:s8] =	ssyncset.s32 @!p0 $0xFFFFF086;
	s6 =	sadd.s32 @!p0 s3, s7;
	s7 =	simm.s32 @!p0 $0x108  }
0x21: {  	s3 =	sadd.s32 s3, s9;
	s6 =	sadd.s32 @!p0 $0x88, s6;
	s7 =	simm.s32 @p2 $0x1082  }
0x22: {  	[simem:s7], [sflag:s8] =	dma.local @!p0 [hbm:s6], $0xF7A  }
0x23: {  	s9 =	sor.u32 $0xD0000000, s2;
	s6 =	simm.s32 $0x108;
	_ =	swait.ge @!p0 [sflag:s8], $0x0  }
0x24: {  	s3 =	sadd.s32 $0x88, s3;
	s6 =	simm.s32 @!p1 $0x1082;
	[sflag:s4] =	ssyncset.s32 $0xFFFFF086  }
0x25: {  	[simem:s6], [sflag:s4] =	dma.local [hbm:s3], $0xF7A  }
0x26: {  	[smem:$0x3F9C] =	sst s1;
	(tag) =	ssettag s2;
	_ =	strace s9  }
0x27: {  	s1 =	sld [smem:$0x3FAC]  }
0x28: {  	s2 =	sld [smem:$0x3FAD]  }
0x29: {  	s4 =	sld [smem:$0x3FAF]  }
0x2a: {  	p0 =	seq.s32 s5, $0x0;
	s5 =	sld [smem:$0x3FB0]  }
0x2b: {  	s6 =	sld [smem:$0x3FB1]  }
0x2c: {  	s7 =	sld [smem:$0x3FB2]  }
0x2d: {  	s3 =	simm.s32 $0x108;
	s8 =	sld [smem:$0x3FB3]  }
0x2e: {  	s3 =	simm.s32 @!p0 $0x1082;
	s9 =	sld [smem:$0x3FB4]  }
0x2f: {  	lr =	sadd.s32 s0, s3;
	s0 =	sld [smem:$0x3FAB]  }
0x30: {  	s3 =	sld [smem:$0x3FAE]  }
0x31: {  	[smem:$0x3FB7] =	sst s10  }
0x32: {  	s10 =	sld [smem:$0x3FB5];
	_ =	sdelay $0x3  }
0x33: {  	p0 =	seq.s32 s10, $0x1;
	s10 =	sld [smem:$0x3FB7];
	_ =	sdelay $0x3  }
0x34: {  	[smem:$0x3FB7] =	sst s10  }
0x35: {  	s10 =	sld [smem:$0x3FB6];
	_ =	sdelay $0x3  }
0x36: {  	p1 =	seq.s32 s10, $0x1;
	s10 =	sld [smem:$0x3FB7];
	_ =	sdelay $0x3  }
0x37: {  	[smem:$0x3FB7] =	sst s10  }
0x38: {  	s10 =	sld [smem:$0x3FB8]  }
0x39: {  	_ = 	snop;
	(pc) =	sbr.ind lr, $3  }
0x3a: {  	_ = 	snop  }
0x3b: {  	_ = 	snop  }
0x3c: {  	p2 =	seq.s32 s10, $0x1;
	s10 =	sld [smem:$0x3FB7]  }
0x3d: {  	_ =	shalt  }
0x3e: {  	_ =	shalt  }
0x3f: {  	_ =	shalt  }
0x40: {  	_ =	shalt  }
0x41: {  	_ =	shalt  }
0x42: {  	_ =	shalt  }
0x43: {  	_ =	shalt  }
0x44: {  	_ =	shalt  }
0x45: {  	_ =	shalt  }
0x46: {  	_ =	shalt  }
0x47: {  	_ =	shalt  }
0x48: {  	_ =	shalt  }
0x49: {  	_ =	shalt  }
0x4a: {  	_ =	shalt  }
0x4b: {  	_ =	shalt  }
0x4c: {  	_ =	shalt  }
0x4d: {  	_ =	shalt  }
0x4e: {  	_ =	shalt  }
0x4f: {  	_ =	shalt  }
0x50: {  	_ =	shalt  }
0x51: {  	_ =	shalt  }
0x52: {  	_ =	shalt  }
0x53: {  	_ =	shalt  }
0x54: {  	_ =	shalt  }
0x55: {  	_ =	shalt  }
0x56: {  	_ =	shalt  }
0x57: {  	_ =	shalt  }
0x58: {  	_ =	shalt  }
0x59: {  	_ =	shalt  }
0x5a: {  	_ =	shalt  }
0x5b: {  	_ =	shalt  }
0x5c: {  	_ =	shalt  }
0x5d: {  	_ =	shalt  }
0x5e: {  	_ =	shalt  }
0x5f: {  	_ =	shalt  }
0x60: {  	_ =	shalt  }
0x61: {  	_ =	shalt  }
0x62: {  	_ =	shalt  }
0x63: {  	_ =	shalt  }
0x64: {  	_ =	shalt  }
0x65: {  	_ =	shalt  }
0x66: {  	_ =	shalt  }
0x67: {  	_ =	shalt  }
0x68: {  	_ =	shalt  }
0x69: {  	_ =	shalt  }
0x6a: {  	_ =	shalt  }
0x6b: {  	_ =	shalt  }
0x6c: {  	_ =	shalt  }
0x6d: {  	_ =	shalt  }
0x6e: {  	_ =	shalt  }
0x6f: {  	_ =	shalt  }
0x70: {  	_ =	shalt  }
0x71: {  	_ =	shalt  }
0x72: {  	_ =	shalt  }
0x73: {  	_ =	shalt  }
0x74: {  	_ =	shalt  }
0x75: {  	_ =	shalt  }
0x76: {  	_ =	shalt  }
0x77: {  	_ =	shalt  }
0x78: {  	_ =	shalt  }
0x79: {  	_ =	shalt  }
0x7a: {  	_ =	shalt  }
0x7b: {  	_ =	shalt  }
0x7c: {  	_ =	shalt  }
0x7d: {  	_ =	shalt  }
0x7e: {  	_ =	shalt  }
0x7f: {  	_ =	shalt  }
0x80: {  	_ =	shalt  }
0x81: {  	_ =	shalt  }
0x82: {  	_ =	shalt  }
0x83: {  	_ =	shalt  }
0x84: {  	_ =	shalt  }
0x85: {  	_ =	shalt  }
0x86: {  	_ =	shalt  }
0x87: {  	_ =	shalt  }
.Lfunc_end0:
.L_simem_size_0:
called_computation_lowered:
.L_overlay_start_0:
0x88: {  	s2 =	sld [smem:$0x3FD9]  }
0x89: {  	s3 =	sld [smem:$0x3FFE];
	_ =	sdelay $0x1  }
0x8a: {  	s1 =	srdreg.scid  }
0x8b: {  	s0 =	sand.u32 $0x1, s1  }
0x8c: {  	s17 =	sshll.u32 s0, $0xA;
	s2 =	sadd.s32 s3, s2  }
0x8d: {  	s2 =	sadd.s32 s2, s17  }
0x8e: {  	[smem:$0x3FC3] =	sst s2  }
0x8f: {  	_ = 	snop  }
0x90: {  	s2 =	sld [smem:$0x3FC5];
	(tm) =	ssettm $0x1  }
0x91: {  	s18 =	sld [smem:$0x3FFB];
	_ =	sdelay $0x3  }
0x92: {  	_ =	strace s18  }
0x93: {  	s3 =	sld [smem:$0x3FFC];
	_ =	sdelay $0x3  }
0x94: {  	_ =	strace s3  }
0x95: {  	s3 =	sld [smem:$0x3FFD];
	_ =	sdelay $0x3  }
0x96: {  	_ =	strace s3  }
0x97: {  	_ =	strace $0x8FFFFFFF  }
0x98: {  	s19 =	sld [smem:$0x3FDB];
	_ =	sdelay $0x1  }
0x99: {  	s4 =	simm.s32 $_scs_section_size  }
0x9a: {  	s5 =	simm.s32 $_size__tile_overlayer_lowered;
	s6 =	simm.s32 $_tile_overlayer_lowered  }
0x9b: {  	s22 =	simm.s32 $0x1BFF;
	s21 =	sshll.u32 s6, $0x1;
	s3 =	sadd.s32 s4, s19  }
0x9c: {  	s7 =	simm.s32 $0x0;
	s20 =	sshll.u32 s5, $0x1;
	s5 =	sadd.s32 s21, s3  }
0x9d: {  	[timem:s7], [sflag:s22] =	dma.local [hbm:s5], s20  }
0x9e: {  	_ =	swait.ge [sflag:s22], s20  }
0x9f: {  	s4 =	ssub.s32 $0x0, s20;
	[sflag:s22] =	ssyncset.done $0x0  }
0xa0: {  	[sflag:s22] =	ssyncadd.s32 s4;
	_ =	sdelay $0x1  }
0xa1: {  	s23 =	simm.s32 $0x1B8B  }
0xa2: {  	_ =	swait.ge [sflag:s23], $0x1  }
0xa3: {  	[sflag:s23] =	ssyncset.done $0x0  }
0xa4: {  	s25 =	simm.s32 $0x1B8E;
	s24 =	sld [smem:$0x3FFE];
	[sflag:s23] =	ssyncadd.s32 $0xFFFFFFFF  }
0xa5: {  	s26 =	simm.s32 $execute0_lowered;
	[smem:$0x3FD2] =	sst s25  }
0xa6: {  	s5 =	sshll.u32 s26, $0x1;
	_ =	strace $0x80000046;
	[dreg:$0x1] =	wrdreg $0xFFFFFFFF  }
0xa7: {  	s28 =	simm.s32 $_size_execute0_lowered;
	s3 =	sadd.s32 s3, s5;
	[dreg:$0x0] =	wrdreg $0x0  }
0xa8: {  	s5 =	sshll.u32 s28, $0x1;
	[dreg:$0x2] =	wrdreg s3  }
0xa9: {  	[dreg:$0x3] =	wrdreg s5  }
0xaa: {  	[dreg:$0x4] =	wrdreg $0xC0  }
0xab: {  	_ =	task [dreg:s7], $0x5FFFF  }
0xac: {  	[dreg:$0x1] =	wrdreg $0xFFFFFFFF  }
0xad: {  	[dreg:$0x0] =	wrdreg $0x60  }
0xae: {  	[dreg:$0x2] =	wrdreg s2  }
0xaf: {  	[dreg:$0x3] =	wrdreg s24  }
0xb0: {  	[dreg:$0x4] =	wrdreg $0x9  }
0xb1: {  	_ =	task.clear_ibuf [dreg:s7], $0x5FFFF;
	_ =	strace $0x90000046  }
0xb2: {  	s29 =	simm.s32 $0x9;
	_ =	strace $0x80000048  }
0xb3: {  	_ =	swait.ge [sflag:s29], $0x1  }
0xb4: {  	[sflag:s29] =	ssyncadd.s32 $0xFFFFFFFF  }
0xb5: {  	_ =	strace $0x90000048  }
0xb6: {  	_ =	sfence  }
0xb7: {  	s30 =	sld [smem:$0x0];
	_ =	sdelay $0x2  }
0xb8: {  	s31 =	sshll.u32 s1, $0xD;
	s1 =	sshrl.u32 s1, $0x2  }
0xb9: {  	s3 =	sand.u32 $0x4000, s31;
	s1 =	sadd.s32 s1, s30  }
0xba: {  	s0 =	sor.u32 s3, s0;
	s1 =	sshll.u32 s1, $0x11  }
0xbb: {  	s0 =	sor.u32 s1, s0  }
0xbc: {  	s0 =	sadd.s32 $0x8F2B, s0  }
0xbd: {  	[sflag:s0] =	ssyncadd.remote.s32 $0x1  }
0xbe: {  	_ =	sfence.sel $0xFFFF  }
0xbf: {  	[dreg:$0x0] =	wrdreg $0xFFFFFFFF;
	(pc) =	sbr.abs _section_cstart, $3  }
0xc0: {  	[dreg:$0x1] =	wrdreg $0xFFFFFFFF  }
0xc1: {  	_ =	task.clear_ibuf [dreg:s7], $0x2FFFF;
	_ =	strace $0x9FFFFFFF  }
0xc2: {  	(tm) =	ssettm $0x7FFFFFFF  }
0xc3: {  	_ =	shalt  }
tec
execute0_lowered:
.L_overlay_start_1:
0x0: {  	(tag) =	ssettag $0x1  }
0x1: {  	v0 =	vimm.s32 $0x0;
	v1 =	vimm.s32 $0x2;
	v2 =	vimm.s32 $0xBA98FEDC  }
0x2: {  	v3 =	vimm.s32 $0x76543210;
	v4 =	vimm.s32 $0xFEDCBA98;
	v5 =	vunpack.c.l.s4.s8 v2  }
0x3: {  	s5 =	rddreg [dreg:$0x0];
	v7 =	vimm.s32 $0xDCFE98BA;
	v8 =	vimm.s32 $0x54761032;
	v6 =	vunpack.c.l.s4.s8 v3  }
0x4: {  	s3 =	rddreg [dreg:$0x1];
	v3 =	vunpack.c.l.s4.s8 v4;
	v4 =	vunpack.c.0.s8.s32 v5;
	v5 =	vimm.s32 $0x32107654  }
0x5: {  	s0 =	rddreg [dreg:$0x2];
	s1 =	simm.s32 $0x0;
	s4 =	srdreg.scid;
	v9 =	vimm.s32 $0xEFCDAB89;
	v10 =	vimm.s32 $0x67452301;
	v5 =	vunpack.c.l.s4.s8 v5  }
0x6: {  	s2 =	stileid.u32;
	s10 =	simm.s32 $0x0;
	v7 =	vunpack.c.l.s4.s8 v7;
	s4 =	sand.u32 $0x1, s4;
	v8 =	vunpack.c.l.s4.s8 v8;
	v9 =	vunpack.c.l.s4.s8 v9  }
0x7: {  	[smem:$0x7FF] =	sst s1;
	s7 =	sshll.u32 s2, $0x2;
	v10 =	vunpack.c.l.s4.s8 v10;
	s6 =	ssub.s32 $0x2, s4;
	v11 =	vunpack.c.0.s8.s32 v3;
	v5 =	vunpack.c.0.s8.s32 v5  }
0x8: {  	s28 =	sadd.s32 $0xA00, s3;
	s4 =	sshll.u32 s4, $0x1;
	s8 =	sshrl.u32 s6, $0x1;
	v7 =	vunpack.c.0.s8.s32 v7;
	v8 =	vunpack.c.0.s8.s32 v8;
	v6 =	vunpack.c.0.s8.s32 v6  }
0x9: {  	_ =	strace $0x80000047;
	s4 =	sor.u32 s4, s7;
	s8 =	ssub.s32 s6, s8;
	v12 =	vcombine.low v5, v4;
	v5 =	vunpack.c.0.s8.s32 v9;
	v9 =	vunpack.c.0.s8.s32 v10  }
0xa: {  	v2 =	vimm.s32 $0x4;
	s29 =	sshll.u32 s4, $0xC;
	s30 =	sshll.u32 s4, $0x8;
	s9 =	sor.u32 $0x1, s4;
	v8 =	vcombine.low v8, v7;
	v7 =	vand.u32 $0xF, v11  }
0xb: {  	v3 =	vimm.s32 $0x8;
	s3 =	sadd.s32 s5, s29;
	s4 =	sadd.s32 s28, s30;
	s31 =	sshll.u32 s9, $0xC;
	v6 =	vcombine.low v7, v6;
	v9 =	vcombine.low v9, v5  }
0xc: {  	s9 =	sshll.u32 s9, $0x8;
	s7 =	smax.u32 s8, $0x1;
	s8 =	simm.s32 $0x1;
	v8 =	vand.u32 $0xF, v8;
	v4 =	vimm.s32 $0x10;
	v10 =	vlaneseq.u32  }
0xd: {  	s5 =	sadd.s32 s5, s31;
	s6 =	sadd.s32 s28, s9;
	s9 =	simm.s32 $0x8000;
	v5 =	vimm.s32 $0x20;
	v7 =	vand.u32 $0xF, v12;
	v9 =	vand.u32 $0xF, v9  }
.LBB2_1:
0xe: {  	[tilespmem:s1], [sflag:$0x1] =	stream.linear.gather [hbm4b:s3+s1], $0x8000, $0x38;
	[tilespmem:$0x8800] =	vst v63  }
0xf: {  	_ =	swait.ge [sflag:s8], $0x8000  }
0x10: {  	s11 =	sand.u32 $0x70, s1;
	s12 =	sand.u32 $0x3C00, s1;
	[sflag:s8] =	ssyncset.done $0x0  }
0x11: {  	s11 =	sor.u32 s11, s12;
	[sflag:s8] =	ssyncadd.s32 $0xFFFF8000  }
0x12: {  	v11 =	vld [tilespmem:s11+$0x4300]  }
0x13: {  	v12 =	vld [tilespmem:s11+$0x4380]  }
0x14: {  	v13 =	vld [tilespmem:s11+$0x4200]  }
0x15: {  	v14 =	vld [tilespmem:s11+$0x4280]  }
0x16: {  	v15 =	vld [tilespmem:s11+$0x4100]  }
0x17: {  	v16 =	vld [tilespmem:s11+$0x4180]  }
0x18: {  	v17 =	vld [tilespmem:s11+$0x4000]  }
0x19: {  	v18 =	vld [tilespmem:s11+$0x4080]  }
0x1a: {  	v19 =	vld [tilespmem:s11+$0x300]  }
0x1b: {  	v20 =	vld [tilespmem:s11+$0x280]  }
0x1c: {  	v21 =	vld [tilespmem:s11+$0x200]  }
0x1d: {  	v22 =	vld [tilespmem:s11+$0x180]  }
0x1e: {  	v23 =	vld [tilespmem:s11+$0x0]  }
0x1f: {  	v24 =	vld [tilespmem:s11+$0x80]  }
0x20: {  	v26 =	vimm.s32 $0x0;
	v25 =	vld [tilespmem:s11+$0x100];
	vm9 =	vgt.s32 v11, $0x0;
	vm6 =	vgt.s32 v12, $0x0  }
0x21: {  	vm10 =	vgt.s32 v15, $0x0;
	vm11 =	vgt.s32 v13, $0x0;
	vm7 =	vgt.s32 v14, $0x0  }
0x22: {  	s30 =	sand.u32 $0x7, s1;
	vm12 =	vgt.s32 v17, $0x0;
	vm13 =	vgt.s32 v18, $0x0;
	vm8 =	vgt.s32 v16, $0x0  }
0x23: {  	s11 =	sshll.u32 s30, $0x4;
	vm0 =	vlt.s32 v21, $0x1;
	vm1 =	vlt.s32 v20, $0x1;
	vm14 =	vgt.s32 v19, $0x0  }
0x24: {  	s11 =	sadd.s32 $0x0, s11;
	vm4 =	vgt.s32 v23, $0x0;
	vm3 =	vlt.s32 v24, $0x1;
	vm2 =	vlt.s32 v22, $0x1  }
0x25: {  	s11 =	sor.u32 $0x380, s11;
	vm5 =	vlt.s32 v25, $0x1;
	v23 =	vimm.s32 $0x0;
	v24 =	vimm.s32 $0x0  }
0x26: {  	v13 =	vld [tilespmem:s11+$0x0];
	v25 =	vimm.s32 $0x0;
	v11 =	vsel vm4, $0x1, v0;
	v12 =	vsel vm3, $0x0, v1  }
0x27: {  	v14 =	vsel vm5, $0x0, v2;
	v15 =	vsel vm2, $0x0, v3;
	v11 =	vor.u32 v11, v12  }
0x28: {  	v16 =	vsel vm0, $0x0, v4;
	v17 =	vsel vm1, $0x0, v5;
	v11 =	vor.u32 v14, v11  }
0x29: {  	v18 =	vsel vm14, $0x40, v0;
	v12 =	vsel vm9, $0x4000, v0;
	v11 =	vor.u32 v15, v11  }
0x2a: {  	v14 =	vsel vm11, $0x1000, v0;
	v15 =	vsel vm10, $0x400, v0;
	v11 =	vor.u32 v16, v11  }
0x2b: {  	v16 =	vsel vm12, $0x100, v0;
	vm14 =	vgt.s32 v13, $0x0;
	v11 =	vor.u32 v17, v11  }
0x2c: {  	v13 =	vsel vm14, $0x80, v0;
	v17 =	vsel vm13, $0x200, v0;
	v11 =	vor.u32 v18, v11  }
0x2d: {  	v16 =	vor.u32 v17, v16;
	v17 =	vsel vm8, $0x800, v0;
	v13 =	vor.u32 v13, v11  }
0x2e: {  	v15 =	vor.u32 v15, v17;
	v17 =	vsel vm7, $0x2000, v0;
	v16 =	vor.u32 v13, v16  }
0x2f: {  	v14 =	vor.u32 v14, v17;
	v17 =	vsel vm6, $0x8000, v0;
	v13 =	vand.u32 $0x80, v13  }
0x30: {  	v15 =	vor.u32 v16, v15;
	v12 =	vor.u32 v12, v17;
	v21 =	vand.u32 $0x100, v16  }
0x31: {  	v16 =	vand.u32 $0x200, v16;
	vm11 =	veq.s32 v13, $0x0;
	v14 =	vor.u32 v15, v14  }
0x32: {  	s31 =	simm.s32 $0x10;
	s11 =	simm.s32 $0x80;
	v17 =	vand.u32 $0x400, v15;
	v15 =	vand.u32 $0x800, v15;
	vm12 =	veq.s32 v21, $0x0  }
0x33: {  	s12 =	sand.u32 $0x70, s31;
	s13 =	sand.u32 $0x3C00, s11;
	vm13 =	veq.s32 v16, $0x0;
	v12 =	vor.u32 v14, v12;
	v18 =	vand.u32 $0x1000, v14  }
0x34: {  	s14 =	sor.u32 s12, s13;
	v14 =	vand.u32 $0x2000, v14;
	vm8 =	veq.s32 v17, $0x0;
	vm9 =	veq.s32 v15, $0x0  }
0x35: {  	v27 =	vld [tilespmem:s14+$0x4300];
	v19 =	vand.u32 $0x4000, v12;
	v20 =	vand.u32 $0x8000, v12;
	vm6 =	veq.s32 v18, $0x0  }
0x36: {  	v29 =	vld [tilespmem:s14+$0x4380];
	vm10 =	veq.s32 v14, $0x0;
	v15 =	vnsel vm4, $0x0, v12;
	v16 =	vsel vm3, $0x0, v12  }
0x37: {  	v28 =	vld [tilespmem:s14+$0x4200];
	v21 =	vsel vm2, $0x0, v12;
	v22 =	vsel vm0, $0x0, v12;
	v40 =	vsel vm1, $0x0, v12  }
0x38: {  	v30 =	vld [tilespmem:s14+$0x4280];
	v43 =	vsel vm11, $0x0, v12;
	v41 =	vsel vm12, $0x0, v12;
	v44 =	vsel vm13, $0x0, v12  }
0x39: {  	v32 =	vld [tilespmem:s14+$0x4100];
	v45 =	vsel vm8, $0x0, v12;
	v39 =	vsel vm9, $0x0, v12;
	vm15 =	veq.s32 v20, $0x0  }
0x3a: {  	v31 =	vld [tilespmem:s14+$0x4180];
	v20 =	vand.u32 $0x40, v11;
	vm7 =	veq.s32 v19, $0x0;
	v13 =	vsel vm6, $0x0, v12  }
0x3b: {  	v33 =	vld [tilespmem:s14+$0x4000];
	v18 =	vsel vm10, $0x0, v12;
	v19 =	vor.u32 v0, v15;
	v17 =	vor.u32 v0, v16  }
0x3c: {  	v35 =	vld [tilespmem:s14+$0x4080];
	v16 =	vor.u32 v0, v21;
	v15 =	vor.u32 v0, v22;
	v21 =	vimm.s32 $0x0  }
0x3d: {  	v34 =	vld [tilespmem:s14+$0x300];
	v22 =	vimm.s32 $0x0;
	v11 =	vsel vm15, $0x0, v12;
	vm14 =	veq.s32 v20, $0x0  }
0x3e: {  	v36 =	vld [tilespmem:s14+$0x280];
	v14 =	vsel vm7, $0x0, v12;
	v20 =	vsel vm5, $0x0, v12;
	v18 =	vor.u32 v0, v18  }
0x3f: {  	v38 =	vld [tilespmem:s14+$0x200];
	v11 =	vor.u32 v0, v11;
	v42 =	vsel vm14, $0x0, v12;
	v12 =	vor.u32 v0, v13  }
0x40: {  	s13 =	simm.s32 $0x20;
	s12 =	simm.s32 $0x0;
	v37 =	vld [tilespmem:s14+$0x180];
	v13 =	vor.u32 v0, v14;
	v14 =	vor.u32 v0, v20;
	v20 =	vimm.s32 $0x0  }
.LBB2_2:
0x41: {  	p0 =	sne.s32 s13, $0x7F0;
	v46 =	vld [tilespmem:s14+$0x0];
	v21 =	vor.u32 v21, v40;
	v23 =	vor.u32 v23, v42;
	v24 =	vor.u32 v24, v43  }
0x42: {  	v22 =	vor.u32 v22, v41;
	v25 =	vor.u32 v25, v44;
	v26 =	vor.u32 v26, v45;
	v40 =	vld [tilespmem:s14+$0x80]  }
0x43: {  	vm12 =	vgt.s32 v27, $0x0;
	vm6 =	vgt.s32 v29, $0x0;
	v20 =	vor.u32 v20, v39;
	s12 =	sadd.s32 $0x1, s12;
	v41 =	vld [tilespmem:s14+$0x100]  }
0x44: {  	vm10 =	vgt.s32 v32, $0x0;
	vm13 =	vgt.s32 v28, $0x0;
	vm7 =	vgt.s32 v30, $0x0;
	s14 =	sand.u32 $0x7, s12  }
0x45: {  	vm11 =	vgt.s32 v33, $0x0;
	vm9 =	vgt.s32 v35, $0x0;
	vm8 =	vgt.s32 v31, $0x0;
	s14 =	sshll.u32 s14, $0x4  }
0x46: {  	vm14 =	vgt.s32 v34, $0x0;
	vm0 =	vlt.s32 v36, $0x1;
	vm1 =	vlt.s32 v38, $0x1;
	s14 =	sadd.s32 s14, s11  }
0x47: {  	vm2 =	vlt.s32 v37, $0x1;
	vm3 =	vgt.s32 v46, $0x0;
	s14 =	sor.u32 $0x380, s14;
	vm4 =	vlt.s32 v40, $0x1  }
0x48: {  	v27 =	vsel vm3, $0x1, v0;
	v28 =	vsel vm4, $0x0, v1;
	vm5 =	vlt.s32 v41, $0x1;
	v29 =	vld [tilespmem:s14+$0x0]  }
0x49: {  	v30 =	vsel vm5, $0x0, v2;
	v27 =	vor.u32 v27, v28;
	v28 =	vsel vm12, $0x4000, v0  }
0x4a: {  	v31 =	vsel vm2, $0x0, v3;
	v27 =	vor.u32 v30, v27;
	v30 =	vsel vm13, $0x1000, v0  }
0x4b: {  	v32 =	vsel vm1, $0x0, v4;
	v27 =	vor.u32 v31, v27;
	v31 =	vsel vm10, $0x400, v0  }
0x4c: {  	v33 =	vsel vm0, $0x0, v5;
	v27 =	vor.u32 v32, v27;
	v32 =	vsel vm11, $0x100, v0  }
0x4d: {  	v34 =	vsel vm14, $0x40, v0;
	vm10 =	vgt.s32 v29, $0x0;
	v27 =	vor.u32 v33, v27  }
0x4e: {  	v29 =	vsel vm10, $0x80, v0;
	v33 =	vor.u32 v34, v27;
	v27 =	vsel vm9, $0x200, v0  }
0x4f: {  	v29 =	vor.u32 v29, v33;
	v27 =	vor.u32 v27, v32;
	v32 =	vsel vm8, $0x800, v0  }
0x50: {  	v27 =	vor.u32 v29, v27;
	v31 =	vor.u32 v31, v32;
	v32 =	vsel vm7, $0x2000, v0  }
0x51: {  	v31 =	vor.u32 v27, v31;
	v30 =	vor.u32 v30, v32;
	v32 =	vsel vm6, $0x8000, v0  }
0x52: {  	v30 =	vor.u32 v31, v30;
	v28 =	vor.u32 v28, v32;
	v32 =	vand.u32 $0x400, v31  }
0x53: {  	s11 =	sadd.s32 $0x80, s11;
	v37 =	vor.u32 v30, v28;
	v28 =	vand.u32 $0x1000, v30;
	v30 =	vand.u32 $0x2000, v30  }
0x54: {  	s15 =	sand.u32 $0x3C00, s11;
	s14 =	sand.u32 $0x70, s13;
	v31 =	vand.u32 $0x800, v31;
	v34 =	vand.u32 $0x4000, v37;
	v35 =	vand.u32 $0x8000, v37  }
0x55: {  	s14 =	sor.u32 s14, s15;
	v36 =	vand.u32 $0x100, v27;
	v38 =	vand.u32 $0x200, v27;
	vm6 =	veq.s32 v35, $0x0  }
0x56: {  	v33 =	vand.u32 $0x40, v33;
	v35 =	vand.u32 $0x80, v29;
	v27 =	vld [tilespmem:s14+$0x4300];
	v39 =	vsel vm6, $0x0, v37  }
0x57: {  	vm7 =	veq.s32 v28, $0x0;
	vm8 =	veq.s32 v34, $0x0;
	v29 =	vld [tilespmem:s14+$0x4380];
	v11 =	vor.u32 v11, v39  }
0x58: {  	vm9 =	veq.s32 v32, $0x0;
	vm10 =	veq.s32 v30, $0x0;
	vm6 =	veq.s32 v31, $0x0;
	v28 =	vld [tilespmem:s14+$0x4200]  }
0x59: {  	vm12 =	veq.s32 v36, $0x0;
	vm13 =	veq.s32 v38, $0x0;
	vm11 =	veq.s32 v35, $0x0;
	v30 =	vld [tilespmem:s14+$0x4280]  }
0x5a: {  	vm14 =	veq.s32 v33, $0x0;
	v38 =	vsel vm7, $0x0, v37;
	v46 =	vsel vm8, $0x0, v37;
	v32 =	vld [tilespmem:s14+$0x4100]  }
0x5b: {  	v47 =	vnsel vm3, $0x0, v37;
	v48 =	vsel vm4, $0x0, v37;
	v49 =	vsel vm10, $0x0, v37;
	v31 =	vld [tilespmem:s14+$0x4180]  }
0x5c: {  	v50 =	vsel vm5, $0x0, v37;
	v51 =	vsel vm2, $0x0, v37;
	v52 =	vsel vm1, $0x0, v37;
	v33 =	vld [tilespmem:s14+$0x4000]  }
.Ltmp0:
0x5d: {  	v40 =	vsel vm0, $0x0, v37;
	v42 =	vsel vm14, $0x0, v37;
	v43 =	vsel vm11, $0x0, v37;
	v35 =	vld [tilespmem:s14+$0x4080];
	(pc) =	sbr.rel @p0 .LBB2_2-.Ltmp0, $4  }
0x5e: {  	v41 =	vsel vm12, $0x0, v37;
	v44 =	vsel vm13, $0x0, v37;
	v45 =	vsel vm9, $0x0, v37;
	v34 =	vld [tilespmem:s14+$0x300]  }
0x5f: {  	v12 =	vor.u32 v12, v38;
	v39 =	vsel vm6, $0x0, v37;
	v13 =	vor.u32 v13, v46;
	v36 =	vld [tilespmem:s14+$0x280]  }
0x60: {  	v19 =	vor.u32 v19, v47;
	v17 =	vor.u32 v17, v48;
	v18 =	vor.u32 v18, v49;
	v38 =	vld [tilespmem:s14+$0x200]  }
0x61: {  	s13 =	sadd.s32 $0x10, s13;
	v14 =	vor.u32 v14, v50;
	v16 =	vor.u32 v16, v51;
	v15 =	vor.u32 v15, v52;
	v37 =	vld [tilespmem:s14+$0x180]  }
0x62: {  	v21 =	vor.u32 v21, v40;
	v23 =	vor.u32 v23, v42;
	v24 =	vor.u32 v24, v43  }
0x63: {  	v22 =	vor.u32 v22, v41;
	v25 =	vor.u32 v25, v44;
	v26 =	vor.u32 v26, v45  }
0x64: {  	v46 =	vld [tilespmem:s14+$0x0];
	vm9 =	vgt.s32 v27, $0x0;
	vm6 =	vgt.s32 v29, $0x0;
	v20 =	vor.u32 v20, v39  }
0x65: {  	v62 =	vld [tilespmem:s14+$0x80];
	vm10 =	vgt.s32 v32, $0x0;
	vm11 =	vgt.s32 v28, $0x0;
	vm7 =	vgt.s32 v30, $0x0  }
0x66: {  	v63 =	vld [tilespmem:s14+$0x100];
	s12 =	sadd.s32 $0x1, s12;
	vm12 =	vgt.s32 v33, $0x0;
	vm13 =	vgt.s32 v35, $0x0;
	vm8 =	vgt.s32 v31, $0x0  }
0x67: {  	s12 =	sand.u32 $0x7, s12;
	vm14 =	vgt.s32 v34, $0x0;
	v43 =	vsel vm12, $0x100, v0;
	v44 =	vsel vm13, $0x200, v0  }
0x68: {  	v45 =	vsel vm8, $0x800, v0;
	v47 =	vsel vm6, $0x8000, v0;
	s12 =	sshll.u32 s12, $0x4;
	vm1 =	vlt.s32 v36, $0x1  }
0x69: {  	v34 =	vsel vm14, $0x40, v0;
	v32 =	vor.u32 v44, v43;
	s11 =	sadd.s32 s12, s11;
	vm0 =	vlt.s32 v38, $0x1  }
0x6a: {  	v42 =	vsel vm1, $0x0, v5;
	s11 =	sor.u32 $0x380, s11;
	vm3 =	vgt.s32 v46, $0x0;
	vm4 =	vlt.s32 v62, $0x1  }
0x6b: {  	vm5 =	vlt.s32 v63, $0x1;
	v29 =	vld [tilespmem:s11+$0x0];
	v27 =	vsel vm3, $0x1, v0;
	v28 =	vsel vm4, $0x0, v1  }
0x6c: {  	vm2 =	vlt.s32 v37, $0x1;
	v30 =	vsel vm5, $0x0, v2;
	v27 =	vor.u32 v27, v28  }
0x6d: {  	v41 =	vsel vm0, $0x0, v4;
	v31 =	vsel vm2, $0x0, v3;
	v27 =	vor.u32 v30, v27  }
0x6e: {  	v46 =	vsel vm7, $0x2000, v0;
	v28 =	vsel vm9, $0x4000, v0;
	v27 =	vor.u32 v31, v27  }
0x6f: {  	v30 =	vsel vm11, $0x1000, v0;
	v28 =	vor.u32 v28, v47;
	v27 =	vor.u32 v41, v27  }
0x70: {  	v31 =	vsel vm10, $0x400, v0;
	vm15 =	vgt.s32 v29, $0x0;
	v27 =	vor.u32 v42, v27  }
0x71: {  	v30 =	vor.u32 v30, v46;
	v29 =	vsel vm15, $0x80, v0;
	v27 =	vor.u32 v34, v27  }
0x72: {  	v31 =	vor.u32 v31, v45;
	vm15 =	veq.s32 v10, $0x5;
	v29 =	vor.u32 v29, v27  }
0x73: {  	v27 =	vand.u32 $0x40, v27;
	v32 =	vor.u32 v29, v32;
	v29 =	vand.u32 $0x80, v29  }
0x74: {  	vm14 =	veq.s32 v27, $0x0;
	v31 =	vor.u32 v32, v31;
	v52 =	vand.u32 $0x100, v32  }
0x75: {  	v32 =	vand.u32 $0x200, v32;
	vm11 =	veq.s32 v29, $0x0;
	v30 =	vor.u32 v31, v30  }
0x76: {  	v48 =	vand.u32 $0x400, v31;
	v31 =	vand.u32 $0x800, v31;
	vm12 =	veq.s32 v52, $0x0  }
0x77: {  	vm13 =	veq.s32 v32, $0x0;
	v28 =	vor.u32 v30, v28;
	v49 =	vand.u32 $0x1000, v30  }
0x78: {  	v30 =	vand.u32 $0x2000, v30;
	vm8 =	veq.s32 v48, $0x0;
	v50 =	vand.u32 $0x4000, v28  }
0x79: {  	v51 =	vand.u32 $0x8000, v28;
	vm6 =	veq.s32 v49, $0x0;
	vm10 =	veq.s32 v30, $0x0  }
0x7a: {  	v30 =	vnsel vm3, $0x0, v28;
	v54 =	vsel vm5, $0x0, v28;
	v55 =	vsel vm2, $0x0, v28  }
0x7b: {  	v56 =	vsel vm0, $0x0, v28;
	v57 =	vsel vm1, $0x0, v28;
	v58 =	vsel vm14, $0x0, v28  }
0x7c: {  	v59 =	vsel vm11, $0x0, v28;
	v60 =	vsel vm12, $0x0, v28;
	v61 =	vsel vm13, $0x0, v28  }
0x7d: {  	v62 =	vsel vm8, $0x0, v28;
	vm11 =	veq.s32 v10, $0x1;
	vm12 =	veq.s32 v10, $0x2  }
0x7e: {  	vm13 =	veq.s32 v10, $0x3;
	vm14 =	veq.s32 v10, $0x4;
	vm5 =	veq.s32 v10, $0x7  }
0x7f: {  	vm8 =	veq.s32 v10, $0xA;
	vm9 =	veq.s32 v51, $0x0;
	vm7 =	veq.s32 v50, $0x0  }
0x80: {  	v27 =	vsel vm6, $0x0, v28;
	v53 =	vsel vm10, $0x0, v28;
	v30 =	vor.u32 v19, v30  }
0x81: {  	v14 =	vor.u32 v14, v54;
	v16 =	vor.u32 v16, v55;
	v15 =	vor.u32 v15, v56  }
0x82: {  	v21 =	vor.u32 v21, v57;
	v23 =	vor.u32 v23, v58;
	v24 =	vor.u32 v24, v59  }
0x83: {  	v22 =	vor.u32 v22, v60;
	v25 =	vor.u32 v25, v61;
	v26 =	vor.u32 v26, v62  }
0x84: {  	v36 =	vsel vm9, $0x0, v28;
	vm9 =	veq.s32 v31, $0x0;
	v29 =	vsel vm7, $0x0, v28  }
0x85: {  	v31 =	vsel vm4, $0x0, v28;
	v63 =	vperm.xlane v30, v6;
	v19 =	vor.u32 v12, v27  }
0x86: {  	v12 =	vor.u32 v13, v29;
	v17 =	vor.u32 v17, v31;
	v13 =	vor.u32 v18, v53  }
0x87: {  	v18 =	vor.u32 v30, v63;
	v27 =	vperm.xlane v17, v6;
	v30 =	vperm.xlane v14, v6  }
0x88: {  	vm10 =	veq.s32 v10, $0x0;
	vm6 =	veq.s32 v10, $0x8;
	v29 =	vperm.xlane v18, v7  }
0x89: {  	vm4 =	veq.s32 v10, $0x6;
	v17 =	vor.u32 v17, v27;
	v14 =	vor.u32 v14, v30  }
0x8a: {  	v18 =	vor.u32 v29, v18;
	v27 =	vperm.xlane v17, v7;
	v30 =	vperm.xlane v14, v7  }
0x8b: {  	vm7 =	veq.s32 v10, $0x9;
	v11 =	vor.u32 v11, v36;
	v29 =	vperm.xlane v18, v8  }
0x8c: {  	v17 =	vor.u32 v27, v17;
	v14 =	vor.u32 v30, v14;
	v30 =	vperm.xlane v21, v6  }
0x8d: {  	v28 =	vsel vm9, $0x0, v28;
	v18 =	vor.u32 v29, v18;
	v27 =	vperm.xlane v17, v8  }
0x8e: {  	vm9 =	veq.s32 v10, $0xB;
	v29 =	vperm.xlane v18, v9;
	v21 =	vor.u32 v21, v30  }
0x8f: {  	v30 =	vperm.xlane v23, v6;
	v17 =	vor.u32 v27, v17;
	v27 =	vperm.xlane v16, v6  }
0x90: {  	v20 =	vor.u32 v20, v28;
	v18 =	vor.u32 v29, v18;
	v28 =	vperm.xlane v17, v9  }
0x91: {  	v29 =	vperm.xlane v14, v8;
	v23 =	vor.u32 v23, v30;
	v16 =	vor.u32 v16, v27  }
0x92: {  	v18 =	vshrl.u32 v18, v10;
	v17 =	vor.u32 v28, v17;
	v27 =	vperm.xlane v16, v7  }
0x93: {  	v28 =	vperm.xlane v15, v6;
	v18 =	vand.u32 $0x1, v18;
	v14 =	vor.u32 v29, v14  }
0x94: {  	v17 =	vshrl.u32 v17, v10;
	v29 =	vperm.xlane v14, v9;
	v18 =	vsel vm10, $0x0, v18  }
0x95: {  	vm10 =	veq.s32 v10, $0xC;
	v16 =	vor.u32 v27, v16;
	v15 =	vor.u32 v15, v28  }
0x96: {  	v17 =	vand.u32 $0x1, v17;
	v27 =	vperm.xlane v16, v8;
	v28 =	vperm.xlane v15, v7  }
0x97: {  	v17 =	vsel vm11, $0x0, v17;
	v14 =	vor.u32 v29, v14;
	v29 =	vperm.xlane v21, v7  }
0x98: {  	v14 =	vshrl.u32 v14, v10;
	v16 =	vor.u32 v27, v16;
	v15 =	vor.u32 v28, v15  }
0x99: {  	v21 =	vor.u32 v29, v21;
	v29 =	vperm.xlane v23, v7;
	v28 =	vperm.xlane v15, v8  }
0x9a: {  	vm11 =	veq.s32 v10, $0xD;
	v14 =	vand.u32 $0x1, v14;
	v27 =	vperm.xlane v16, v9  }
0x9b: {  	v14 =	vsel vm12, $0x0, v14;
	v23 =	vor.u32 v29, v23;
	v15 =	vor.u32 v28, v15  }
0x9c: {  	v16 =	vor.u32 v27, v16;
	v28 =	vperm.xlane v21, v8;
	v27 =	vperm.xlane v15, v9  }
0x9d: {  	vm12 =	veq.s32 v10, $0xE;
	v29 =	vperm.xlane v23, v8;
	v16 =	vshrl.u32 v16, v10  }
0x9e: {  	v21 =	vor.u32 v28, v21;
	v15 =	vor.u32 v27, v15;
	v27 =	vperm.xlane v24, v6  }
0x9f: {  	v16 =	vand.u32 $0x1, v16;
	v23 =	vor.u32 v29, v23;
	v28 =	vperm.xlane v21, v9  }
0xa0: {  	v16 =	vsel vm13, $0x0, v16;
	v15 =	vshrl.u32 v15, v10;
	v24 =	vor.u32 v24, v27  }
0xa1: {  	v15 =	vand.u32 $0x1, v15;
	v21 =	vor.u32 v28, v21;
	v27 =	vperm.xlane v24, v7  }
0xa2: {  	v28 =	vperm.xlane v23, v9;
	v15 =	vsel vm14, $0x0, v15;
	v21 =	vshrl.u32 v21, v10  }
0xa3: {  	v21 =	vand.u32 $0x1, v21;
	v24 =	vor.u32 v27, v24;
	v27 =	vperm.xlane v22, v6  }
0xa4: {  	v23 =	vor.u32 v28, v23;
	v21 =	vsel vm15, $0x0, v21;
	v28 =	vperm.xlane v24, v8  }
0xa5: {  	v23 =	vshrl.u32 v23, v10;
	v22 =	vor.u32 v22, v27;
	v27 =	vperm.xlane v25, v6  }
0xa6: {  	v23 =	vand.u32 $0x1, v23;
	v24 =	vor.u32 v28, v24;
	v28 =	vperm.xlane v22, v7  }
0xa7: {  	v29 =	vperm.xlane v24, v9;
	v25 =	vor.u32 v25, v27;
	v27 =	vperm.xlane v26, v6  }
0xa8: {  	v23 =	vsel vm4, $0x0, v23;
	v22 =	vor.u32 v28, v22;
	v28 =	vperm.xlane v25, v7  }
0xa9: {  	v24 =	vor.u32 v29, v24;
	v29 =	vperm.xlane v22, v8;
	v26 =	vor.u32 v26, v27  }
0xaa: {  	v24 =	vshrl.u32 v24, v10;
	v25 =	vor.u32 v28, v25;
	v27 =	vperm.xlane v26, v7  }
0xab: {  	v22 =	vor.u32 v29, v22;
	v28 =	vperm.xlane v25, v8;
	v29 =	vperm.xlane v20, v6  }
0xac: {  	v24 =	vand.u32 $0x1, v24;
	v30 =	vperm.xlane v22, v9;
	v26 =	vor.u32 v27, v26  }
0xad: {  	v25 =	vor.u32 v28, v25;
	v27 =	vperm.xlane v26, v8;
	v20 =	vor.u32 v20, v29  }
0xae: {  	v22 =	vor.u32 v30, v22;
	v28 =	vperm.xlane v25, v9;
	v29 =	vperm.xlane v20, v7  }
0xaf: {  	v24 =	vsel vm5, $0x0, v24;
	v22 =	vshrl.u32 v22, v10;
	v26 =	vor.u32 v27, v26  }
0xb0: {  	v25 =	vor.u32 v28, v25;
	v27 =	vperm.xlane v26, v9;
	v20 =	vor.u32 v29, v20  }
0xb1: {  	v22 =	vand.u32 $0x1, v22;
	v25 =	vshrl.u32 v25, v10;
	v28 =	vperm.xlane v20, v8  }
0xb2: {  	v29 =	vperm.xlane v12, v6;
	v22 =	vsel vm6, $0x0, v22;
	v25 =	vand.u32 $0x1, v25  }
0xb3: {  	v26 =	vor.u32 v27, v26;
	v27 =	vperm.xlane v19, v6;
	v20 =	vor.u32 v28, v20  }
0xb4: {  	v12 =	vor.u32 v12, v29;
	v26 =	vshrl.u32 v26, v10;
	v28 =	vperm.xlane v20, v9  }
0xb5: {  	v25 =	vsel vm7, $0x0, v25;
	v19 =	vor.u32 v19, v27;
	v27 =	vperm.xlane v13, v6  }
0xb6: {  	[tilespmem:$0x8000] =	vst v18;
	v26 =	vand.u32 $0x1, v26;
	v20 =	vor.u32 v28, v20;
	v28 =	vperm.xlane v19, v7  }
0xb7: {  	[tilespmem:$0x8080] =	vst v17;
	v13 =	vor.u32 v13, v27;
	v18 =	vshrl.u32 v20, v10;
	v20 =	vperm.xlane v11, v6  }
0xb8: {  	[tilespmem:$0x8100] =	vst v14;
	v27 =	vperm.xlane v12, v7;
	v17 =	vor.u32 v28, v19;
	v19 =	vperm.xlane v13, v7  }
0xb9: {  	[tilespmem:$0x8180] =	vst v16;
	v16 =	vand.u32 $0x1, v18;
	v14 =	vperm.xlane v17, v8;
	v11 =	vor.u32 v11, v20  }
0xba: {  	v12 =	vor.u32 v27, v12;
	v13 =	vor.u32 v19, v13;
	v18 =	vperm.xlane v11, v7  }
0xbb: {  	[tilespmem:$0x8200] =	vst v15;
	v19 =	vperm.xlane v12, v8;
	v14 =	vor.u32 v14, v17;
	v15 =	vperm.xlane v13, v8  }
0xbc: {  	[tilespmem:$0x8280] =	vst v21;
	v26 =	vsel vm8, $0x0, v26;
	v17 =	vperm.xlane v14, v9;
	v11 =	vor.u32 v18, v11  }
0xbd: {  	[tilespmem:$0x8300] =	vst v23;
	v12 =	vor.u32 v19, v12;
	v13 =	vor.u32 v15, v13;
	v15 =	vperm.xlane v11, v8  }
0xbe: {  	[tilespmem:$0x8380] =	vst v24;
	v16 =	vsel vm9, $0x0, v16;
	v18 =	vperm.xlane v12, v9;
	v14 =	vor.u32 v17, v14  }
0xbf: {  	[tilespmem:$0x8400] =	vst v22;
	v17 =	vperm.xlane v13, v9;
	v14 =	vshrl.u32 v14, v10;
	v11 =	vor.u32 v15, v11  }
0xc0: {  	[tilespmem:$0x8480] =	vst v25;
	v12 =	vor.u32 v18, v12;
	v14 =	vand.u32 $0x1, v14;
	v15 =	vperm.xlane v11, v9  }
0xc1: {  	[tilespmem:$0x8500] =	vst v26;
	v13 =	vor.u32 v17, v13;
	v12 =	vshrl.u32 v12, v10;
	v14 =	vsel vm10, $0x0, v14  }
0xc2: {  	[tilespmem:$0x8580] =	vst v16;
	v13 =	vshrl.u32 v13, v10;
	v12 =	vand.u32 $0x1, v12;
	v11 =	vor.u32 v15, v11  }
0xc3: {  	v13 =	vand.u32 $0x1, v13;
	[tilespmem:$0x8600] =	vst v14;
	v12 =	vsel vm12, $0x0, v12;
	v11 =	vshrl.u32 v11, v10  }
0xc4: {  	vm13 =	veq.s32 v10, $0xF;
	v13 =	vsel vm11, $0x0, v13;
	[tilespmem:$0x8700] =	vst v12;
	v11 =	vand.u32 $0x1, v11  }
0xc5: {  	[tilespmem:$0x8680] =	vst v13;
	v11 =	vsel vm13, $0x0, v11  }
0xc6: {  	s11 =	simm.s32 $0x0;
	[tilespmem:$0x8780] =	vst v11  }
0xc7: {  	[hbm4b:s4+s11] =	stream.linear.scatter [tilespmem:s9], [sflag:$0x1], $0x800, $0x38;
	[tilespmem:$0x8800] =	vst v63  }
0xc8: {  	_ =	swait.ge [sflag:s8], $0x800  }
0xc9: {  	[sflag:s8] =	ssyncset.done $0x0  }
0xca: {  	[sflag:s8] =	ssyncadd.s32 $0xFFFFF800  }
0xcb: {  	[tilespmem:s11], [sflag:$0x1] =	stream.linear.gather [hbm4b:s5+s11], $0x8000, $0x38;
	[tilespmem:$0x8800] =	vst v63  }
0xcc: {  	_ =	swait.ge [sflag:s8], $0x8000  }
0xcd: {  	s28 =	sand.u32 $0x70, s11;
	s13 =	sand.u32 $0x3C00, s11;
	[sflag:s8] =	ssyncset.done $0x0  }
0xce: {  	s12 =	sor.u32 s28, s13;
	[sflag:s8] =	ssyncadd.s32 $0xFFFF8000  }
0xcf: {  	v11 =	vld [tilespmem:s12+$0x4300]  }
0xd0: {  	v13 =	vld [tilespmem:s12+$0x4380]  }
0xd1: {  	v14 =	vld [tilespmem:s12+$0x4200]  }
0xd2: {  	v15 =	vld [tilespmem:s12+$0x4280]  }
0xd3: {  	v16 =	vld [tilespmem:s12+$0x4100]  }
0xd4: {  	v17 =	vld [tilespmem:s12+$0x4180]  }
0xd5: {  	v18 =	vld [tilespmem:s12+$0x4000]  }
0xd6: {  	v19 =	vld [tilespmem:s12+$0x4080]  }
0xd7: {  	v20 =	vld [tilespmem:s12+$0x300]  }
0xd8: {  	v21 =	vld [tilespmem:s12+$0x280]  }
0xd9: {  	v22 =	vld [tilespmem:s12+$0x200]  }
0xda: {  	v23 =	vld [tilespmem:s12+$0x180]  }
0xdb: {  	v24 =	vld [tilespmem:s12+$0x0]  }
0xdc: {  	v25 =	vld [tilespmem:s12+$0x80]  }
0xdd: {  	v12 =	vimm.s32 $0x0;
	v26 =	vld [tilespmem:s12+$0x100];
	vm9 =	vgt.s32 v11, $0x0;
	vm6 =	vgt.s32 v13, $0x0  }
0xde: {  	vm10 =	vgt.s32 v16, $0x0;
	vm11 =	vgt.s32 v14, $0x0;
	vm7 =	vgt.s32 v15, $0x0  }
0xdf: {  	s29 =	sand.u32 $0x7, s11;
	vm12 =	vgt.s32 v18, $0x0;
	vm13 =	vgt.s32 v19, $0x0;
	vm8 =	vgt.s32 v17, $0x0  }
0xe0: {  	s12 =	sshll.u32 s29, $0x4;
	vm1 =	vlt.s32 v22, $0x1;
	vm0 =	vlt.s32 v21, $0x1;
	vm14 =	vgt.s32 v20, $0x0  }
0xe1: {  	s12 =	sadd.s32 $0x0, s12;
	vm3 =	vgt.s32 v24, $0x0;
	vm4 =	vlt.s32 v25, $0x1;
	vm2 =	vlt.s32 v23, $0x1  }
0xe2: {  	s12 =	sor.u32 $0x380, s12;
	vm5 =	vlt.s32 v26, $0x1;
	v24 =	vimm.s32 $0x0;
	v25 =	vimm.s32 $0x0  }
0xe3: {  	v14 =	vld [tilespmem:s12+$0x0];
	v26 =	vimm.s32 $0x0;
	v11 =	vsel vm3, $0x1, v0;
	v13 =	vsel vm4, $0x0, v1  }
0xe4: {  	v15 =	vsel vm5, $0x0, v2;
	v16 =	vsel vm2, $0x0, v3;
	v11 =	vor.u32 v11, v13  }
0xe5: {  	v17 =	vsel vm1, $0x0, v4;
	v18 =	vsel vm0, $0x0, v5;
	v11 =	vor.u32 v15, v11  }
0xe6: {  	v19 =	vsel vm14, $0x40, v0;
	v13 =	vsel vm9, $0x4000, v0;
	v11 =	vor.u32 v16, v11  }
0xe7: {  	v15 =	vsel vm11, $0x1000, v0;
	v16 =	vsel vm10, $0x400, v0;
	v11 =	vor.u32 v17, v11  }
0xe8: {  	v17 =	vsel vm12, $0x100, v0;
	vm14 =	vgt.s32 v14, $0x0;
	v11 =	vor.u32 v18, v11  }
0xe9: {  	v14 =	vsel vm14, $0x80, v0;
	v18 =	vsel vm13, $0x200, v0;
	v11 =	vor.u32 v19, v11  }
0xea: {  	v17 =	vor.u32 v18, v17;
	v18 =	vsel vm8, $0x800, v0;
	v14 =	vor.u32 v14, v11  }
0xeb: {  	v16 =	vor.u32 v16, v18;
	v18 =	vsel vm7, $0x2000, v0;
	v17 =	vor.u32 v14, v17  }
0xec: {  	v15 =	vor.u32 v15, v18;
	v18 =	vsel vm6, $0x8000, v0;
	v14 =	vand.u32 $0x80, v14  }
0xed: {  	v16 =	vor.u32 v17, v16;
	v13 =	vor.u32 v13, v18;
	v22 =	vand.u32 $0x100, v17  }
0xee: {  	v17 =	vand.u32 $0x200, v17;
	vm11 =	veq.s32 v14, $0x0;
	v15 =	vor.u32 v16, v15  }
0xef: {  	s30 =	simm.s32 $0x10;
	s12 =	simm.s32 $0x80;
	v18 =	vand.u32 $0x400, v16;
	v16 =	vand.u32 $0x800, v16;
	vm12 =	veq.s32 v22, $0x0  }
0xf0: {  	s13 =	sand.u32 $0x70, s30;
	s31 =	sand.u32 $0x3C00, s12;
	vm13 =	veq.s32 v17, $0x0;
	v13 =	vor.u32 v15, v13;
	v19 =	vand.u32 $0x1000, v15  }
0xf1: {  	s14 =	sor.u32 s13, s31;
	v15 =	vand.u32 $0x2000, v15;
	vm8 =	veq.s32 v18, $0x0;
	vm9 =	veq.s32 v16, $0x0  }
0xf2: {  	v27 =	vld [tilespmem:s14+$0x4300];
	v20 =	vand.u32 $0x4000, v13;
	v21 =	vand.u32 $0x8000, v13;
	vm6 =	veq.s32 v19, $0x0  }
0xf3: {  	v29 =	vld [tilespmem:s14+$0x4380];
	vm10 =	veq.s32 v15, $0x0;
	v16 =	vnsel vm3, $0x0, v13;
	v17 =	vsel vm4, $0x0, v13  }
0xf4: {  	v28 =	vld [tilespmem:s14+$0x4200];
	v22 =	vsel vm2, $0x0, v13;
	v23 =	vsel vm1, $0x0, v13;
	v40 =	vsel vm0, $0x0, v13  }
0xf5: {  	v30 =	vld [tilespmem:s14+$0x4280];
	v42 =	vsel vm11, $0x0, v13;
	v43 =	vsel vm12, $0x0, v13;
	v44 =	vsel vm13, $0x0, v13  }
0xf6: {  	v32 =	vld [tilespmem:s14+$0x4100];
	v45 =	vsel vm8, $0x0, v13;
	v39 =	vsel vm9, $0x0, v13;
	vm15 =	veq.s32 v21, $0x0  }
0xf7: {  	v31 =	vld [tilespmem:s14+$0x4180];
	v21 =	vand.u32 $0x40, v11;
	vm7 =	veq.s32 v20, $0x0;
	v14 =	vsel vm6, $0x0, v13  }
0xf8: {  	v33 =	vld [tilespmem:s14+$0x4000];
	v19 =	vsel vm10, $0x0, v13;
	v20 =	vor.u32 v12, v16;
	v18 =	vor.u32 v12, v17  }
0xf9: {  	v35 =	vld [tilespmem:s14+$0x4080];
	v17 =	vor.u32 v12, v22;
	v22 =	vimm.s32 $0x0;
	v11 =	vsel vm15, $0x0, v13  }
0xfa: {  	v34 =	vld [tilespmem:s14+$0x300];
	vm14 =	veq.s32 v21, $0x0;
	v15 =	vsel vm7, $0x0, v13;
	v21 =	vsel vm5, $0x0, v13  }
0xfb: {  	v36 =	vld [tilespmem:s14+$0x280];
	v19 =	vor.u32 v12, v19;
	v11 =	vor.u32 v12, v11;
	v41 =	vsel vm14, $0x0, v13  }
0xfc: {  	v38 =	vld [tilespmem:s14+$0x200];
	v13 =	vor.u32 v12, v14;
	v14 =	vor.u32 v12, v15;
	v16 =	vor.u32 v12, v21  }
0xfd: {  	s13 =	simm.s32 $0x20;
	v37 =	vld [tilespmem:s14+$0x180];
	v15 =	vor.u32 v12, v23;
	v23 =	vimm.s32 $0x0;
	v21 =	vimm.s32 $0x0  }
.LBB2_4:
0xfe: {  	p0 =	sne.s32 s13, $0x7F0;
	v46 =	vld [tilespmem:s14+$0x0];
	v12 =	vor.u32 v12, v40;
	v23 =	vor.u32 v23, v41;
	v24 =	vor.u32 v24, v42  }
0xff: {  	v22 =	vor.u32 v22, v43;
	v25 =	vor.u32 v25, v44;
	v26 =	vor.u32 v26, v45;
	v40 =	vld [tilespmem:s14+$0x80]  }
0x100: {  	vm12 =	vgt.s32 v27, $0x0;
	vm6 =	vgt.s32 v29, $0x0;
	v21 =	vor.u32 v21, v39;
	s11 =	sadd.s32 $0x1, s11;
	v41 =	vld [tilespmem:s14+$0x100]  }
0x101: {  	vm10 =	vgt.s32 v32, $0x0;
	vm13 =	vgt.s32 v28, $0x0;
	vm7 =	vgt.s32 v30, $0x0;
	s14 =	sand.u32 $0x7, s11  }
0x102: {  	vm11 =	vgt.s32 v33, $0x0;
	vm9 =	vgt.s32 v35, $0x0;
	vm8 =	vgt.s32 v31, $0x0;
	s14 =	sshll.u32 s14, $0x4  }
0x103: {  	vm14 =	vgt.s32 v34, $0x0;
	vm0 =	vlt.s32 v36, $0x1;
	vm1 =	vlt.s32 v38, $0x1;
	s14 =	sadd.s32 s14, s12  }
0x104: {  	vm2 =	vlt.s32 v37, $0x1;
	vm3 =	vgt.s32 v46, $0x0;
	s14 =	sor.u32 $0x380, s14;
	vm4 =	vlt.s32 v40, $0x1  }
0x105: {  	v27 =	vsel vm3, $0x1, v0;
	v28 =	vsel vm4, $0x0, v1;
	vm5 =	vlt.s32 v41, $0x1;
	v29 =	vld [tilespmem:s14+$0x0]  }
0x106: {  	v30 =	vsel vm5, $0x0, v2;
	v27 =	vor.u32 v27, v28;
	v28 =	vsel vm12, $0x4000, v0  }
0x107: {  	v31 =	vsel vm2, $0x0, v3;
	v27 =	vor.u32 v30, v27;
	v30 =	vsel vm13, $0x1000, v0  }
0x108: {  	v32 =	vsel vm1, $0x0, v4;
	v27 =	vor.u32 v31, v27;
	v31 =	vsel vm10, $0x400, v0  }
0x109: {  	v33 =	vsel vm0, $0x0, v5;
	v27 =	vor.u32 v32, v27;
	v32 =	vsel vm11, $0x100, v0  }
0x10a: {  	v34 =	vsel vm14, $0x40, v0;
	vm10 =	vgt.s32 v29, $0x0;
	v27 =	vor.u32 v33, v27  }
0x10b: {  	v29 =	vsel vm10, $0x80, v0;
	v33 =	vor.u32 v34, v27;
	v27 =	vsel vm9, $0x200, v0  }
0x10c: {  	v29 =	vor.u32 v29, v33;
	v27 =	vor.u32 v27, v32;
	v32 =	vsel vm8, $0x800, v0  }
0x10d: {  	v27 =	vor.u32 v29, v27;
	v31 =	vor.u32 v31, v32;
	v32 =	vsel vm7, $0x2000, v0  }
0x10e: {  	v31 =	vor.u32 v27, v31;
	v30 =	vor.u32 v30, v32;
	v32 =	vsel vm6, $0x8000, v0  }
0x10f: {  	v30 =	vor.u32 v31, v30;
	v28 =	vor.u32 v28, v32;
	v32 =	vand.u32 $0x400, v31  }
0x110: {  	s12 =	sadd.s32 $0x80, s12;
	v37 =	vor.u32 v30, v28;
	v28 =	vand.u32 $0x1000, v30;
	v30 =	vand.u32 $0x2000, v30  }
0x111: {  	s15 =	sand.u32 $0x3C00, s12;
	s14 =	sand.u32 $0x70, s13;
	v31 =	vand.u32 $0x800, v31;
	v34 =	vand.u32 $0x4000, v37;
	v35 =	vand.u32 $0x8000, v37  }
0x112: {  	s14 =	sor.u32 s14, s15;
	v36 =	vand.u32 $0x100, v27;
	v38 =	vand.u32 $0x200, v27;
	vm6 =	veq.s32 v35, $0x0  }
0x113: {  	v33 =	vand.u32 $0x40, v33;
	v35 =	vand.u32 $0x80, v29;
	v27 =	vld [tilespmem:s14+$0x4300];
	v39 =	vsel vm6, $0x0, v37  }
0x114: {  	vm7 =	veq.s32 v28, $0x0;
	vm8 =	veq.s32 v34, $0x0;
	v29 =	vld [tilespmem:s14+$0x4380];
	v11 =	vor.u32 v11, v39  }
0x115: {  	vm9 =	veq.s32 v32, $0x0;
	vm10 =	veq.s32 v30, $0x0;
	vm6 =	veq.s32 v31, $0x0;
	v28 =	vld [tilespmem:s14+$0x4200]  }
0x116: {  	vm12 =	veq.s32 v36, $0x0;
	vm13 =	veq.s32 v38, $0x0;
	vm11 =	veq.s32 v35, $0x0;
	v30 =	vld [tilespmem:s14+$0x4280]  }
0x117: {  	vm14 =	veq.s32 v33, $0x0;
	v38 =	vsel vm7, $0x0, v37;
	v46 =	vsel vm8, $0x0, v37;
	v32 =	vld [tilespmem:s14+$0x4100]  }
0x118: {  	v47 =	vnsel vm3, $0x0, v37;
	v48 =	vsel vm4, $0x0, v37;
	v49 =	vsel vm10, $0x0, v37;
	v31 =	vld [tilespmem:s14+$0x4180]  }
0x119: {  	v50 =	vsel vm5, $0x0, v37;
	v51 =	vsel vm2, $0x0, v37;
	v52 =	vsel vm1, $0x0, v37;
	v33 =	vld [tilespmem:s14+$0x4000]  }
.Ltmp1:
0x11a: {  	v40 =	vsel vm0, $0x0, v37;
	v41 =	vsel vm14, $0x0, v37;
	v42 =	vsel vm11, $0x0, v37;
	v35 =	vld [tilespmem:s14+$0x4080];
	(pc) =	sbr.rel @p0 .LBB2_4-.Ltmp1, $4  }
0x11b: {  	v43 =	vsel vm12, $0x0, v37;
	v44 =	vsel vm13, $0x0, v37;
	v45 =	vsel vm9, $0x0, v37;
	v34 =	vld [tilespmem:s14+$0x300]  }
0x11c: {  	v13 =	vor.u32 v13, v38;
	v39 =	vsel vm6, $0x0, v37;
	v14 =	vor.u32 v14, v46;
	v36 =	vld [tilespmem:s14+$0x280]  }
0x11d: {  	v20 =	vor.u32 v20, v47;
	v18 =	vor.u32 v18, v48;
	v19 =	vor.u32 v19, v49;
	v38 =	vld [tilespmem:s14+$0x200]  }
0x11e: {  	s13 =	sadd.s32 $0x10, s13;
	v16 =	vor.u32 v16, v50;
	v17 =	vor.u32 v17, v51;
	v15 =	vor.u32 v15, v52;
	v37 =	vld [tilespmem:s14+$0x180]  }
0x11f: {  	v40 =	vor.u32 v12, v40;
	v23 =	vor.u32 v23, v41;
	v24 =	vor.u32 v24, v42  }
0x120: {  	v22 =	vor.u32 v22, v43;
	v25 =	vor.u32 v25, v44;
	v26 =	vor.u32 v26, v45  }
0x121: {  	v46 =	vld [tilespmem:s14+$0x0];
	vm9 =	vgt.s32 v27, $0x0;
	vm6 =	vgt.s32 v29, $0x0;
	v21 =	vor.u32 v21, v39  }
0x122: {  	v55 =	vld [tilespmem:s14+$0x80];
	vm10 =	vgt.s32 v32, $0x0;
	vm11 =	vgt.s32 v28, $0x0;
	vm7 =	vgt.s32 v30, $0x0  }
0x123: {  	v56 =	vld [tilespmem:s14+$0x100];
	s11 =	sadd.s32 $0x1, s11;
	vm12 =	vgt.s32 v33, $0x0;
	vm13 =	vgt.s32 v35, $0x0;
	vm8 =	vgt.s32 v31, $0x0  }
0x124: {  	s11 =	sand.u32 $0x7, s11;
	vm14 =	vgt.s32 v34, $0x0;
	v61 =	vsel vm9, $0x4000, v0;
	v63 =	vsel vm11, $0x1000, v0  }
0x125: {  	v39 =	vsel vm12, $0x100, v0;
	v42 =	vsel vm13, $0x200, v0;
	v43 =	vsel vm8, $0x800, v0;
	s11 =	sshll.u32 s11, $0x4  }
0x126: {  	v44 =	vsel vm7, $0x2000, v0;
	v45 =	vsel vm6, $0x8000, v0;
	vm1 =	vlt.s32 v36, $0x1;
	s11 =	sadd.s32 s11, s12  }
0x127: {  	v41 =	vsel vm14, $0x40, v0;
	s11 =	sor.u32 $0x380, s11;
	vm3 =	vgt.s32 v46, $0x0;
	vm4 =	vlt.s32 v55, $0x1  }
0x128: {  	vm5 =	vlt.s32 v56, $0x1;
	v59 =	vld [tilespmem:s11+$0x0];
	v57 =	vsel vm3, $0x1, v0;
	v58 =	vsel vm4, $0x0, v1  }
0x129: {  	vm2 =	vlt.s32 v37, $0x1;
	v60 =	vsel vm5, $0x0, v2;
	v12 =	vor.u32 v57, v58  }
0x12a: {  	vm0 =	vlt.s32 v38, $0x1;
	v62 =	vsel vm2, $0x0, v3;
	v12 =	vor.u32 v60, v12  }
0x12b: {  	v31 =	vor.u32 v42, v39;
	v36 =	vsel vm0, $0x0, v4;
	v12 =	vor.u32 v62, v12  }
0x12c: {  	v29 =	vor.u32 v63, v44;
	v38 =	vsel vm1, $0x0, v5;
	v12 =	vor.u32 v36, v12  }
0x12d: {  	v27 =	vor.u32 v61, v45;
	vm15 =	vgt.s32 v59, $0x0;
	v12 =	vor.u32 v38, v12  }
0x12e: {  	v37 =	vsel vm10, $0x400, v0;
	v28 =	vsel vm15, $0x80, v0;
	v12 =	vor.u32 v41, v12  }
0x12f: {  	v30 =	vor.u32 v37, v43;
	vm15 =	veq.s32 v10, $0x3;
	v28 =	vor.u32 v28, v12  }
0x130: {  	v12 =	vand.u32 $0x40, v12;
	v31 =	vor.u32 v28, v31;
	v28 =	vand.u32 $0x80, v28  }
0x131: {  	vm14 =	veq.s32 v12, $0x0;
	v30 =	vor.u32 v31, v30;
	v50 =	vand.u32 $0x100, v31  }
0x132: {  	v31 =	vand.u32 $0x200, v31;
	v29 =	vor.u32 v30, v29;
	v46 =	vand.u32 $0x400, v30  }
0x133: {  	v30 =	vand.u32 $0x800, v30;
	vm12 =	veq.s32 v50, $0x0;
	vm13 =	veq.s32 v31, $0x0  }
0x134: {  	v27 =	vor.u32 v29, v27;
	v47 =	vand.u32 $0x1000, v29;
	v29 =	vand.u32 $0x2000, v29  }
0x135: {  	vm8 =	veq.s32 v46, $0x0;
	vm9 =	veq.s32 v30, $0x0;
	v48 =	vand.u32 $0x4000, v27  }
0x136: {  	v49 =	vand.u32 $0x8000, v27;
	vm6 =	veq.s32 v47, $0x0;
	vm10 =	veq.s32 v29, $0x0  }
0x137: {  	v53 =	vnsel vm3, $0x0, v27;
	v54 =	vsel vm4, $0x0, v27;
	v56 =	vsel vm5, $0x0, v27  }
0x138: {  	v57 =	vsel vm2, $0x0, v27;
	v58 =	vsel vm0, $0x0, v27;
	v59 =	vsel vm1, $0x0, v27  }
0x139: {  	v60 =	vsel vm14, $0x0, v27;
	v62 =	vsel vm12, $0x0, v27;
	v63 =	vsel vm13, $0x0, v27  }
0x13a: {  	v45 =	vsel vm8, $0x0, v27;
	vm12 =	veq.s32 v10, $0x0;
	vm13 =	veq.s32 v10, $0x1  }
0x13b: {  	vm14 =	veq.s32 v10, $0x2;
	vm4 =	veq.s32 v10, $0x4;
	vm5 =	veq.s32 v10, $0x5  }
0x13c: {  	vm8 =	veq.s32 v10, $0x8;
	vm11 =	veq.s32 v49, $0x0;
	vm7 =	veq.s32 v48, $0x0  }
0x13d: {  	v51 =	vsel vm6, $0x0, v27;
	v55 =	vsel vm10, $0x0, v27;
	v29 =	vor.u32 v20, v53  }
0x13e: {  	v47 =	vor.u32 v18, v54;
	v16 =	vor.u32 v16, v56;
	v17 =	vor.u32 v17, v57  }
0x13f: {  	v15 =	vor.u32 v15, v58;
	v22 =	vor.u32 v22, v62;
	v25 =	vor.u32 v25, v63  }
0x140: {  	v26 =	vor.u32 v26, v45;
	vm6 =	veq.s32 v10, $0x6;
	vm10 =	veq.s32 v10, $0xA  }
0x141: {  	v35 =	vsel vm11, $0x0, v27;
	vm11 =	veq.s32 v28, $0x0;
	v52 =	vsel vm7, $0x0, v27  }
0x142: {  	v46 =	vperm.xlane v29, v6;
	v20 =	vor.u32 v13, v51;
	v49 =	vperm.xlane v47, v6  }
0x143: {  	v13 =	vor.u32 v19, v55;
	v54 =	vperm.xlane v16, v6;
	v55 =	vperm.xlane v17, v6  }
0x144: {  	v51 =	vor.u32 v40, v59;
	v58 =	vperm.xlane v15, v6;
	v36 =	vperm.xlane v22, v6  }
0x145: {  	v38 =	vperm.xlane v25, v6;
	v41 =	vperm.xlane v26, v6;
	vm7 =	veq.s32 v10, $0x7  }
0x146: {  	v11 =	vor.u32 v11, v35;
	v61 =	vsel vm11, $0x0, v27;
	v27 =	vsel vm9, $0x0, v27  }
0x147: {  	v12 =	vor.u32 v14, v52;
	v52 =	vor.u32 v23, v60;
	v59 =	vperm.xlane v51, v6  }
0x148: {  	vm9 =	veq.s32 v10, $0x9;
	v48 =	vor.u32 v29, v46;
	v14 =	vor.u32 v47, v49  }
0x149: {  	v24 =	vor.u32 v24, v61;
	v16 =	vor.u32 v16, v54;
	v21 =	vor.u32 v21, v27  }
0x14a: {  	v17 =	vor.u32 v17, v55;
	v15 =	vor.u32 v15, v58;
	v61 =	vperm.xlane v52, v6  }
0x14b: {  	v22 =	vor.u32 v22, v36;
	v47 =	vperm.xlane v20, v6;
	v50 =	vperm.xlane v48, v7  }
0x14c: {  	v25 =	vor.u32 v25, v38;
	v53 =	vperm.xlane v14, v7;
	v30 =	vperm.xlane v16, v7  }
0x14d: {  	v26 =	vor.u32 v26, v41;
	v27 =	vperm.xlane v15, v7;
	v34 =	vperm.xlane v24, v6  }
0x14e: {  	v60 =	vor.u32 v51, v59;
	v39 =	vperm.xlane v22, v7;
	v42 =	vperm.xlane v25, v7  }
0x14f: {  	v44 =	vperm.xlane v21, v6;
	v29 =	vperm.xlane v60, v7;
	v19 =	vor.u32 v52, v61  }
0x150: {  	v20 =	vor.u32 v20, v47;
	v52 =	vperm.xlane v11, v6;
	v18 =	vor.u32 v50, v48  }
0x151: {  	v14 =	vor.u32 v53, v14;
	v16 =	vor.u32 v30, v16;
	v15 =	vor.u32 v27, v15  }
0x152: {  	v32 =	vperm.xlane v19, v7;
	v24 =	vor.u32 v24, v34;
	v48 =	vperm.xlane v13, v6  }
0x153: {  	v22 =	vor.u32 v39, v22;
	v49 =	vperm.xlane v20, v7;
	v50 =	vperm.xlane v12, v6  }
0x154: {  	v25 =	vor.u32 v42, v25;
	v28 =	vperm.xlane v18, v8;
	v23 =	vperm.xlane v14, v8  }
0x155: {  	v21 =	vor.u32 v21, v44;
	v57 =	vperm.xlane v16, v8;
	v27 =	vperm.xlane v15, v8  }
0x156: {  	v63 =	vor.u32 v29, v60;
	v43 =	vperm.xlane v22, v8;
	v11 =	vor.u32 v11, v52  }
0x157: {  	v19 =	vor.u32 v32, v19;
	v13 =	vor.u32 v13, v48;
	v53 =	vor.u32 v49, v20  }
0x158: {  	v12 =	vor.u32 v12, v50;
	v58 =	vperm.xlane v11, v7;
	v18 =	vor.u32 v28, v18  }
0x159: {  	v14 =	vor.u32 v23, v14;
	v23 =	vperm.xlane v17, v7;
	v29 =	vperm.xlane v19, v8  }
0x15a: {  	v15 =	vor.u32 v27, v15;
	v27 =	vperm.xlane v24, v7;
	v54 =	vperm.xlane v13, v7  }
0x15b: {  	v16 =	vor.u32 v57, v16;
	v55 =	vperm.xlane v53, v8;
	v28 =	vperm.xlane v18, v9  }
0x15c: {  	v22 =	vor.u32 v43, v22;
	v56 =	vperm.xlane v14, v9;
	v62 =	vperm.xlane v15, v9  }
0x15d: {  	v45 =	vperm.xlane v22, v9;
	v11 =	vor.u32 v58, v11;
	v17 =	vor.u32 v23, v17  }
0x15e: {  	v19 =	vor.u32 v29, v19;
	v24 =	vor.u32 v27, v24;
	v27 =	vperm.xlane v26, v7  }
0x15f: {  	v29 =	vperm.xlane v21, v7;
	v13 =	vor.u32 v54, v13;
	v61 =	vperm.xlane v11, v8  }
0x160: {  	v18 =	vor.u32 v28, v18;
	v14 =	vor.u32 v56, v14;
	v28 =	vperm.xlane v16, v9  }
0x161: {  	v23 =	vperm.xlane v17, v8;
	v15 =	vor.u32 v62, v15;
	v35 =	vperm.xlane v19, v9  }
0x162: {  	v37 =	vperm.xlane v24, v8;
	v22 =	vor.u32 v45, v22;
	v56 =	vperm.xlane v12, v7  }
0x163: {  	v59 =	vperm.xlane v13, v8;
	v18 =	vshrl.u32 v18, v10;
	v14 =	vshrl.u32 v14, v10  }
0x164: {  	v15 =	vshrl.u32 v15, v10;
	v26 =	vor.u32 v27, v26;
	v22 =	vshrl.u32 v22, v10  }
0x165: {  	v21 =	vor.u32 v29, v21;
	v11 =	vor.u32 v61, v11;
	v18 =	vand.u32 $0x1, v18  }
0x166: {  	v14 =	vand.u32 $0x1, v14;
	v16 =	vor.u32 v28, v16;
	v17 =	vor.u32 v23, v17  }
0x167: {  	v28 =	vperm.xlane v63, v8;
	v15 =	vand.u32 $0x1, v15;
	v19 =	vor.u32 v35, v19  }
0x168: {  	v24 =	vor.u32 v37, v24;
	v27 =	vperm.xlane v26, v8;
	v22 =	vand.u32 $0x1, v22  }
0x169: {  	v46 =	vperm.xlane v21, v8;
	v12 =	vor.u32 v56, v12;
	v13 =	vor.u32 v59, v13  }
0x16a: {  	v18 =	vsel vm12, $0x0, v18;
	v14 =	vsel vm13, $0x0, v14;
	v23 =	vperm.xlane v17, v9  }
0x16b: {  	v16 =	vshrl.u32 v16, v10;
	v15 =	vsel vm4, $0x0, v15;
	v19 =	vshrl.u32 v19, v10  }
0x16c: {  	v40 =	vperm.xlane v24, v9;
	v22 =	vsel vm8, $0x0, v22;
	v60 =	vperm.xlane v12, v8  }
0x16d: {  	v62 =	vperm.xlane v13, v9;
	vm12 =	veq.s32 v10, $0xC;
	vm13 =	veq.s32 v10, $0xD  }
0x16e: {  	v16 =	vand.u32 $0x1, v16;
	v33 =	vor.u32 v28, v63;
	v19 =	vand.u32 $0x1, v19  }
0x16f: {  	v26 =	vor.u32 v27, v26;
	v21 =	vor.u32 v46, v21;
	[tilespmem:$0x8080] =	vst v14;
	v14 =	vor.u32 v55, v53  }
0x170: {  	[tilespmem:$0x8200] =	vst v15;
	v15 =	vperm.xlane v11, v9;
	v17 =	vor.u32 v23, v17;
	v16 =	vsel vm14, $0x0, v16  }
0x171: {  	v28 =	vperm.xlane v33, v9;
	v19 =	vsel vm6, $0x0, v19;
	v24 =	vor.u32 v40, v24  }
0x172: {  	v27 =	vperm.xlane v26, v9;
	v12 =	vor.u32 v60, v12;
	v13 =	vor.u32 v62, v13  }
0x173: {  	vm14 =	veq.s32 v10, $0xE;
	v17 =	vshrl.u32 v17, v10;
	v24 =	vshrl.u32 v24, v10  }
0x174: {  	[tilespmem:$0x8100] =	vst v16;
	v16 =	vperm.xlane v14, v9;
	v63 =	vperm.xlane v12, v9;
	v13 =	vshrl.u32 v13, v10  }
0x175: {  	v11 =	vor.u32 v15, v11;
	v17 =	vand.u32 $0x1, v17;
	v23 =	vor.u32 v28, v33  }
0x176: {  	v28 =	vperm.xlane v25, v8;
	v24 =	vand.u32 $0x1, v24;
	v26 =	vor.u32 v27, v26  }
0x177: {  	[tilespmem:$0x8000] =	vst v18;
	v13 =	vand.u32 $0x1, v13;
	v11 =	vshrl.u32 v11, v10;
	v17 =	vsel vm15, $0x0, v17  }
0x178: {  	[tilespmem:$0x8400] =	vst v22;
	v23 =	vshrl.u32 v23, v10;
	v24 =	vsel vm7, $0x0, v24;
	v26 =	vshrl.u32 v26, v10  }
0x179: {  	[tilespmem:$0x8300] =	vst v19;
	v14 =	vor.u32 v16, v14;
	v12 =	vor.u32 v63, v12;
	v13 =	vsel vm13, $0x0, v13  }
0x17a: {  	v11 =	vand.u32 $0x1, v11;
	vm15 =	veq.s32 v10, $0xF;
	v25 =	vor.u32 v28, v25;
	[tilespmem:$0x8180] =	vst v17  }
0x17b: {  	v23 =	vand.u32 $0x1, v23;
	v26 =	vand.u32 $0x1, v26;
	[tilespmem:$0x8380] =	vst v24;
	v28 =	vperm.xlane v25, v9  }
0x17c: {  	v14 =	vshrl.u32 v14, v10;
	v12 =	vshrl.u32 v12, v10;
	[tilespmem:$0x8680] =	vst v13;
	v11 =	vsel vm15, $0x0, v11  }
0x17d: {  	v23 =	vsel vm5, $0x0, v23;
	[tilespmem:$0x8780] =	vst v11;
	v25 =	vor.u32 v28, v25;
	v28 =	vperm.xlane v21, v9  }
0x17e: {  	v26 =	vsel vm10, $0x0, v26;
	v14 =	vand.u32 $0x1, v14;
	v12 =	vand.u32 $0x1, v12;
	[tilespmem:$0x8280] =	vst v23  }
0x17f: {  	[tilespmem:$0x8500] =	vst v26;
	v14 =	vsel vm12, $0x0, v14;
	v25 =	vshrl.u32 v25, v10;
	v21 =	vor.u32 v28, v21  }
0x180: {  	v12 =	vsel vm14, $0x0, v12;
	[tilespmem:$0x8600] =	vst v14;
	v25 =	vand.u32 $0x1, v25;
	v51 =	vshrl.u32 v21, v10  }
0x181: {  	s10 =	sadd.s32 $0x1, s10;
	vm11 =	veq.s32 v10, $0xB;
	[tilespmem:$0x8700] =	vst v12;
	v25 =	vsel vm9, $0x0, v25;
	v57 =	vand.u32 $0x1, v51  }
0x182: {  	p0 =	sne.s32 s10, s7;
	[tilespmem:$0x8480] =	vst v25;
	v17 =	vsel vm11, $0x0, v57  }
.Ltmp2:
0x183: {  	[tilespmem:$0x8580] =	vst v17;
	(pc) =	sbr.rel @p0 .LBB2_1-.Ltmp2, $4  }
0x184: {  	[hbm4b:s6+s1] =	stream.linear.scatter [tilespmem:s9], [sflag:$0x1], $0x800, $0x38;
	[tilespmem:$0x8800] =	vst v63  }
0x185: {  	_ =	swait.ge [sflag:s8], $0x800  }
0x186: {  	[sflag:s8] =	ssyncset.done $0x0  }
0x187: {  	[sflag:s8] =	ssyncadd.s32 $0xFFFFF800  }
0x188: {  	_ =	sfence.sel $0x180000  }
0x189: {  	[bflag:$0x0] =	sbarrier.arrive $0xFFFF  }
0x18a: {  	p0 =	sne.s32 s2, $0x0;
	_ =	strace $0x90000047  }
0x18b: {  	s0 =	sadd.s32 @!p0 $0x100000, s0;
	[bflag:$0x2] =	sbarrier.arrive $0xFFFF  }
0x18c: {  	[sflag:s0] =	ssyncadd.tile.s32 @!p0 $0x1;
	_ =	shalt  }
.Lfunc_end2:
_tile_overlayer_lowered:
.L_overlay_start_2:
0x18d: {  	(tag) =	ssettag $0x2  }
0x18e: {  	s0 =	rddreg [dreg:$0x0];
	s2 =	stileid.u32  }
0x18f: {  	s1 =	rddreg [dreg:$0x1];
	p0 =	sne.s32 s2, $0x0  }
0x190: {  	s3 =	rddreg [dreg:$0x2];
	[bflag:$0x3] =	sbarrier.arrive $0xFFFF;
	s2 =	simm.s32 @!p0 $0x1C01  }
0x191: {  	[timem:s3], [sflag:s2] =	dma.local @!p0 [hbm:s0], s1  }
0x192: {  	s0 =	simm.s32 @!p0 $0x1  }
0x193: {  	_ =	swait.ge @!p0 [sflag:s0], s1  }
0x194: {  	s1 =	ssub.s32 @!p0 $0x0, s1;
	[sflag:s0] =	ssyncset.done @!p0 $0x0  }
0x195: {  	[sflag:s0] =	ssyncadd.s32 @!p0 s1  }
0x196: {  	[bflag:$0x3] =	sbarrier.arrive $0xFFFF  }
0x197: {  	_ =	shalt  }

</sc_bundles>
